<compile_context>
chip_gen: v7x
topology: tpu7x:2x2x1
jax: 0.10.2.dev20260603
libtpu: 0.0.44.dev20260713+nightly
codegen_flags: <defaults>
</compile_context>

<pallas_src>
import jax
import jax.numpy as jnp
from jax import lax
from jax.experimental import pallas as pl
from jax.experimental.pallas import tpu as pltpu
from jax.experimental.pallas import tpu_sc as plsc

N_ROWS = 10000
D = 128
E = 320000

NUM_CORES = 2
NUM_SUBCORES = 16
CHUNK = 128
NCH = 158
E_PAD = NUM_SUBCORES * CHUNK * NCH
ROWS_PER_TILE = N_ROWS // NUM_SUBCORES
COL, ROW, VAL = 0, 1, 2


def _spmm_body(emb_hbm, recs_hbm, zeros_hbm, out_hbm,
               ibuf0, ibuf1, gbuf0, gbuf1, sbuf, accum,
               isem0, isem1, gsem0, gsem1):
    c = lax.axis_index("c")
    s = lax.axis_index("s")
    ibufs = (ibuf0, ibuf1)
    gbufs = (gbuf0, gbuf1)
    isems = (isem0, isem1)
    gsems = (gsem0, gsem1)

    pltpu.sync_copy(zeros_hbm, accum.at[pl.ds(s * ROWS_PER_TILE, ROWS_PER_TILE)])

    for b in range(2):
        pltpu.async_copy(recs_hbm.at[c, s, b], ibufs[b], isems[b])
    plsc.subcore_barrier()
    pltpu.make_async_copy(recs_hbm.at[c, s, 0], ibuf0, isem0).wait()
    pltpu.async_copy(emb_hbm.at[ibuf0.at[COL]], gbuf0, gsem0)

    npair = NCH // 2

    def pair_body(jj, carry):
        for b in range(2):
            j = jj * 2 + b
            o = 1 - b

            @pl.when(jj * 2 + b + 1 < NCH)
            def _(_b=b, _o=o, _j=j):
                pltpu.make_async_copy(
                    recs_hbm.at[c, s, 0], ibufs[_o], isems[_o]).wait()
                pltpu.async_copy(
                    emb_hbm.at[ibufs[_o].at[COL]], gbufs[_o], gsems[_o])

            pltpu.make_async_copy(
                emb_hbm.at[ibufs[b].at[COL]], gbufs[b], gsems[b]).wait()

            @plsc.parallel_loop(0, CHUNK // 16, unroll=1)
            def group_body(g, _b=b):
                vvec = lax.bitcast_convert_type(
                    ibufs[_b][VAL, pl.ds(g * 16, 16)], jnp.float32)
                for lane in range(16):
                    vv = jnp.full((16,), vvec[lane], dtype=jnp.float32)
                    e = g * 16 + lane
                    for d in range(D // 16):
                        sl = pl.ds(d * 16, 16)
                        sbuf[e, sl] = gbufs[_b][e, sl] * vv

            pltpu.sync_copy(sbuf, accum.at[ibufs[b].at[ROW]], add=True)

            @pl.when(jj * 2 + b + 2 < NCH)
            def _(_b=b, _j=j):
                pltpu.async_copy(recs_hbm.at[c, s, _j + 2], ibufs[_b], isems[_b])
        return carry

    lax.fori_loop(0, npair, pair_body, 0, unroll=False)

    plsc.subcore_barrier()

    pltpu.sync_copy(
        accum.at[pl.ds(s * ROWS_PER_TILE, ROWS_PER_TILE)],
        out_hbm.at[c, s],
    )


@jax.jit
def kernel(users_emb, items_emb, user_indices, user_values, item_indices, item_values):
    emb = jnp.concatenate([users_emb, items_emb], axis=0)

    def prep(a):
        a = a.astype(jnp.int32)
        a = jnp.concatenate([a, jnp.zeros((E_PAD - E,), jnp.int32)])
        return a.reshape(NUM_SUBCORES, NCH, 1, CHUNK)

    recs = jnp.stack([
        jnp.concatenate([
            prep(user_indices[1]),
            prep(user_indices[0]),
            prep(lax.bitcast_convert_type(user_values, jnp.int32)),
        ], axis=2),
        jnp.concatenate([
            prep(item_indices[1] + N_ROWS),
            prep(item_indices[0]),
            prep(lax.bitcast_convert_type(item_values, jnp.int32)),
        ], axis=2),
    ])
    zeros = jnp.zeros((ROWS_PER_TILE, D), jnp.float32)

    mesh = plsc.VectorSubcoreMesh(
        core_axis_name="c", subcore_axis_name="s",
        num_cores=NUM_CORES, num_subcores=NUM_SUBCORES,
    )
    out = pl.kernel(
        _spmm_body,
        out_type=jax.ShapeDtypeStruct(
            (NUM_CORES, NUM_SUBCORES, ROWS_PER_TILE, D), jnp.float32),
        mesh=mesh,
        compiler_params=pltpu.CompilerParams(use_tc_tiling_on_sc=False),
        scratch_types=[
            pltpu.VMEM((3, CHUNK), jnp.int32),
            pltpu.VMEM((3, CHUNK), jnp.int32),
            pltpu.VMEM((CHUNK, D), jnp.float32),
            pltpu.VMEM((CHUNK, D), jnp.float32),
            pltpu.VMEM((CHUNK, D), jnp.float32),
            pltpu.VMEM_SHARED((N_ROWS, D), jnp.float32),
            pltpu.SemaphoreType.DMA,
            pltpu.SemaphoreType.DMA,
            pltpu.SemaphoreType.DMA,
            pltpu.SemaphoreType.DMA,
        ],
    )(emb, recs, zeros)

    out = out.reshape(NUM_CORES, N_ROWS, D)
    return (out[0], out[1])

# --- scband reference (transcript-rebuilt; emitter-appended) ---
"""Pipeline reference for scband-light-user-layer-23493471109151 (READ-ONLY COPY).

The authoritative reference and input builder live on the scoring server;
editing this copy changes nothing except your own understanding.
"""

import jax, jax.numpy as jnp
import numpy as np

N_USER = 10000
N_ITEM = 10000
D = 128
E = 320000

def setup_inputs(seed: int = 0) -> dict:
    key = jax.random.key(seed)
    ks = jax.random.split(key, 6)
    users_emb = jax.random.normal(ks[0], (N_USER, D), dtype=jnp.float32)
    items_emb = jax.random.normal(ks[1], (N_ITEM, D), dtype=jnp.float32)
    user_indices = jax.random.randint(ks[2], (2, E), 0, N_USER)
    user_values = jax.random.uniform(ks[3], (E,), dtype=jnp.float32)
    item_indices = jax.random.randint(ks[4], (2, E), 0, N_ITEM)
    item_values = jax.random.uniform(ks[5], (E,), dtype=jnp.float32)
    return {
        "users_emb": users_emb,
        "items_emb": items_emb,
        "user_indices": user_indices,
        "user_values": user_values,
        "item_indices": item_indices,
        "item_values": item_values,
    }

def _spmm(indices, values, dense, num_rows):
    # sparse COO matmul: out[r] += values[e] * dense[c] for each edge e=(r,c)
    rows = indices[0]
    cols = indices[1]
    gathered = jnp.take(dense, cols, axis=0)  # [E, D] gather
    contrib = values[:, None] * gathered
    return jax.ops.segment_sum(contrib, rows, num_segments=num_rows)

def reference(users_emb, items_emb, user_indices, user_values, item_indices, item_values):
    # Light_user_layer.forward with activation=False, non_linear=False:
    # h_u1 = sparse.mm(user_mat, users_emb); h_i1 = sparse.mm(item_mat, items_emb)
    h_u1 = _spmm(user_indices, user_values, users_emb, N_USER)
    h_i1 = _spmm(item_indices, item_values, items_emb, N_ITEM)
    return (h_u1, h_i1)

if __name__ == "__main__":
    import jax
    _d = setup_inputs()
    print(jax.jit(kernel)(*tuple(_d.values())))

</pallas_src>

<mosaic_0001>
#map = affine_map<(d0, d1) -> (0, 0)>
#map1 = affine_map<(d0, d1) -> (0, 0, 0, 0, 0)>
#map2 = affine_map<(d0, d1) -> (0, 0, 0, 0)>
module attributes {stable_mosaic.version = 14 : i64} {
  func.func @_spmm_body(%arg0: i32, %arg1: i32, %arg2: memref<20000x128xf32, #tpu.memory_space<hbm>>, %arg3: memref<2x16x158x3x128xi32, #tpu.memory_space<hbm>>, %arg4: memref<625x128xf32, #tpu.memory_space<hbm>>, %arg5: memref<2x16x625x128xf32, #tpu.memory_space<hbm>>, %arg6: memref<3x128xi32, #tpu.memory_space<vmem>>, %arg7: memref<3x128xi32, #tpu.memory_space<vmem>>, %arg8: memref<128x128xf32, #tpu.memory_space<vmem>>, %arg9: memref<128x128xf32, #tpu.memory_space<vmem>>, %arg10: memref<128x128xf32, #tpu.memory_space<vmem>>, %arg11: memref<10000x128xf32, #tpu.memory_space<vmem_shared>>, %arg12: memref<!tpu.dma_semaphore, #tpu.memory_space<semaphore_mem>>, %arg13: memref<!tpu.dma_semaphore, #tpu.memory_space<semaphore_mem>>, %arg14: memref<!tpu.dma_semaphore, #tpu.memory_space<semaphore_mem>>, %arg15: memref<!tpu.dma_semaphore, #tpu.memory_space<semaphore_mem>>) attributes {dimension_semantics = [#tpu.dimension_semantics<core_parallel>, #tpu.dimension_semantics<subcore_parallel>], iteration_bounds = array<i64: 2, 16>, scalar_prefetch = 0 : i64, scratch_operands = 10 : i64, tpu.core_type = #tpu.core_type<sc_vector_subcore>, window_params = [{transform_indices = #map}, {transform_indices = #map1}, {transform_indices = #map}, {transform_indices = #map2}]} {
    %mul3A = arith.constant 625 : i32
    %mul3A_0 = arith.muli %arg1, %mul3A : i32
    "tpu.region"() ({
      %run_scoped3A = tpu.sem_alloc : memref<!tpu.dma_semaphore, #tpu.memory_space<semaphore_mem>>
      %dma_start3A_41 = arith.constant 0 : i32
      %dma_start3A_42 = tpu.memref_slice %arg11[%mul3A_0, %dma_start3A_41] : memref<10000x128xf32, #tpu.memory_space<vmem_shared>> -> memref<625x128xf32, #tpu.memory_space<vmem_shared>>
      tpu.enqueue_dma source(%arg4 : memref<625x128xf32, #tpu.memory_space<hbm>>) target(%dma_start3A_42 : memref<625x128xf32, #tpu.memory_space<vmem_shared>>) target_semaphore(%run_scoped3A : memref<!tpu.dma_semaphore, #tpu.memory_space<semaphore_mem>>)
      %dma_wait3A_43 = arith.constant 0 : i32
      %dma_wait3A_44 = tpu.memref_slice %arg11[%mul3A_0, %dma_wait3A_43] : memref<10000x128xf32, #tpu.memory_space<vmem_shared>> -> memref<625x128xf32, #tpu.memory_space<vmem_shared>>
      tpu.wait_dma2 semaphore(%run_scoped3A : memref<!tpu.dma_semaphore, #tpu.memory_space<semaphore_mem>>) src(%arg4 : memref<625x128xf32, #tpu.memory_space<hbm>>) dst(%dma_wait3A_44 : memref<625x128xf32, #tpu.memory_space<vmem_shared>>)
      tpu.yield
    }) : () -> ()
    %dma_start3A = arith.constant 0 : i32
    %dma_start3A_1 = arith.constant 0 : i32
    %dma_start3A_2 = arith.constant 0 : i32
    %dma_start3A_3 = tpu.memref_slice %arg3[%arg0, %arg1, %dma_start3A, %dma_start3A_1, %dma_start3A_2] : memref<2x16x158x3x128xi32, #tpu.memory_space<hbm>> -> memref<1x1x1x3x128xi32, #tpu.memory_space<hbm>>
    %dma_start3A_4 = tpu.memref_squeeze %dma_start3A_3 : memref<1x1x1x3x128xi32, #tpu.memory_space<hbm>> -> memref<3x128xi32, #tpu.memory_space<hbm>>
    %dma_start3A_5 = arith.constant 0 : i32
    %dma_start3A_6 = arith.constant 0 : i32
    %dma_start3A_7 = tpu.memref_slice %arg3[%arg0, %arg1, %dma_start3A, %dma_start3A_5, %dma_start3A_6] : memref<2x16x158x3x128xi32, #tpu.memory_space<hbm>> -> memref<1x1x1x3x128xi32, #tpu.memory_space<hbm>>
    %dma_start3A_8 = tpu.memref_squeeze %dma_start3A_7 : memref<1x1x1x3x128xi32, #tpu.memory_space<hbm>> -> memref<3x128xi32, #tpu.memory_space<hbm>>
    tpu.enqueue_dma source(%dma_start3A_8 : memref<3x128xi32, #tpu.memory_space<hbm>>) target(%arg6 : memref<3x128xi32, #tpu.memory_space<vmem>>) target_semaphore(%arg12 : memref<!tpu.dma_semaphore, #tpu.memory_space<semaphore_mem>>)
    %dma_start3A_9 = arith.constant 1 : i32
    %dma_start3A_10 = arith.constant 0 : i32
    %dma_start3A_11 = arith.constant 0 : i32
    %dma_start3A_12 = tpu.memref_slice %arg3[%arg0, %arg1, %dma_start3A_9, %dma_start3A_10, %dma_start3A_11] : memref<2x16x158x3x128xi32, #tpu.memory_space<hbm>> -> memref<1x1x1x3x128xi32, #tpu.memory_space<hbm>>
    %dma_start3A_13 = tpu.memref_squeeze %dma_start3A_12 : memref<1x1x1x3x128xi32, #tpu.memory_space<hbm>> -> memref<3x128xi32, #tpu.memory_space<hbm>>
    %dma_start3A_14 = arith.constant 0 : i32
    %dma_start3A_15 = arith.constant 0 : i32
    %dma_start3A_16 = tpu.memref_slice %arg3[%arg0, %arg1, %dma_start3A_9, %dma_start3A_14, %dma_start3A_15] : memref<2x16x158x3x128xi32, #tpu.memory_space<hbm>> -> memref<1x1x1x3x128xi32, #tpu.memory_space<hbm>>
    %dma_start3A_17 = tpu.memref_squeeze %dma_start3A_16 : memref<1x1x1x3x128xi32, #tpu.memory_space<hbm>> -> memref<3x128xi32, #tpu.memory_space<hbm>>
    tpu.enqueue_dma source(%dma_start3A_17 : memref<3x128xi32, #tpu.memory_space<hbm>>) target(%arg7 : memref<3x128xi32, #tpu.memory_space<vmem>>) target_semaphore(%arg13 : memref<!tpu.dma_semaphore, #tpu.memory_space<semaphore_mem>>)
    %barrier3A = arith.constant 0 : index
    tpu.barrier barrier_id(%barrier3A)
    %dma_wait3A = arith.constant 0 : i32
    %dma_wait3A_18 = arith.constant 0 : i32
    %dma_wait3A_19 = arith.constant 0 : i32
    %dma_wait3A_20 = tpu.memref_slice %arg3[%arg0, %arg1, %dma_wait3A, %dma_wait3A_18, %dma_wait3A_19] : memref<2x16x158x3x128xi32, #tpu.memory_space<hbm>> -> memref<1x1x1x3x128xi32, #tpu.memory_space<hbm>>
    %dma_wait3A_21 = tpu.memref_squeeze %dma_wait3A_20 : memref<1x1x1x3x128xi32, #tpu.memory_space<hbm>> -> memref<3x128xi32, #tpu.memory_space<hbm>>
    %dma_wait3A_22 = arith.constant 0 : i32
    %dma_wait3A_23 = arith.constant 0 : i32
    %dma_wait3A_24 = tpu.memref_slice %arg3[%arg0, %arg1, %dma_wait3A, %dma_wait3A_22, %dma_wait3A_23] : memref<2x16x158x3x128xi32, #tpu.memory_space<hbm>> -> memref<1x1x1x3x128xi32, #tpu.memory_space<hbm>>
    %dma_wait3A_25 = tpu.memref_squeeze %dma_wait3A_24 : memref<1x1x1x3x128xi32, #tpu.memory_space<hbm>> -> memref<3x128xi32, #tpu.memory_space<hbm>>
    tpu.wait_dma2 semaphore(%arg12 : memref<!tpu.dma_semaphore, #tpu.memory_space<semaphore_mem>>) src(%dma_wait3A_25 : memref<3x128xi32, #tpu.memory_space<hbm>>) dst(%arg6 : memref<3x128xi32, #tpu.memory_space<vmem>>)
    %dma_start3A_26 = arith.constant 0 : i32
    %dma_start3A_27 = arith.constant 0 : i32
    %dma_start3A_28 = tpu.memref_slice %arg6[%dma_start3A_26, %dma_start3A_27] : memref<3x128xi32, #tpu.memory_space<vmem>> -> memref<1x128xi32, #tpu.memory_space<vmem>>
    %dma_start3A_29 = tpu.memref_squeeze %dma_start3A_28 : memref<1x128xi32, #tpu.memory_space<vmem>> -> memref<128xi32, #tpu.memory_space<vmem>>
    %dma_start3A_30 = arith.constant 0 : i32
    %dma_start3A_31 = arith.constant 0 : i32
    %dma_start3A_32 = tpu.memref_slice %arg2[%dma_start3A_30, %dma_start3A_31] : memref<20000x128xf32, #tpu.memory_space<hbm>> -> memref<20000x128xf32, #tpu.memory_space<hbm>>
    tpu.enqueue_indirect_dma source(%dma_start3A_32 : memref<20000x128xf32, #tpu.memory_space<hbm>>) target(%arg8 : memref<128x128xf32, #tpu.memory_space<vmem>>) offsets(%dma_start3A_29 : memref<128xi32, #tpu.memory_space<vmem>>) semaphore(%arg14 : memref<!tpu.dma_semaphore, #tpu.memory_space<semaphore_mem>>)
    %scan3A = arith.constant 0 : i32
    %scan3A_33 = arith.constant 0 : i32
    %scan3A_34 = arith.constant 79 : i32
    %scan3A_35 = arith.addi %scan3A_33, %scan3A_34 : i32
    %scan3A_36 = arith.constant 1 : i32
    scf.for %scan3A_41 = %scan3A_33 to %scan3A_35 step %scan3A_36  : i32 {
      %mul3A_42 = arith.constant 2 : i32
      %mul3A_43 = arith.muli %scan3A_41, %mul3A_42 : i32
      %add3A = arith.constant 0 : i32
      %add3A_44 = arith.addi %mul3A_43, %add3A : i32
      %mul3A_45 = arith.constant 2 : i32
      %mul3A_46 = arith.muli %scan3A_41, %mul3A_45 : i32
      %add3A_47 = arith.constant 0 : i32
      %add3A_48 = arith.addi %mul3A_46, %add3A_47 : i32
      %add3A_49 = arith.constant 1 : i32
      %add3A_50 = arith.addi %add3A_48, %add3A_49 : i32
      %lt3A = arith.constant 158 : i32
      %lt3A_51 = arith.cmpi slt, %add3A_50, %lt3A : i32
      %convert_element_type3A = arith.extui %lt3A_51 : i1 to i32
      %cond3A = arith.constant 0 : i32
      %cond3A_52 = arith.cmpi ne, %convert_element_type3A, %cond3A : i32
      scf.if %cond3A_52 {
        %dma_wait3A_110 = arith.constant 0 : i32
        %dma_wait3A_111 = arith.constant 0 : i32
        %dma_wait3A_112 = arith.constant 0 : i32
        %dma_wait3A_113 = tpu.memref_slice %arg3[%arg0, %arg1, %dma_wait3A_110, %dma_wait3A_111, %dma_wait3A_112] : memref<2x16x158x3x128xi32, #tpu.memory_space<hbm>> -> memref<1x1x1x3x128xi32, #tpu.memory_space<hbm>>
        %dma_wait3A_114 = tpu.memref_squeeze %dma_wait3A_113 : memref<1x1x1x3x128xi32, #tpu.memory_space<hbm>> -> memref<3x128xi32, #tpu.memory_space<hbm>>
        %dma_wait3A_115 = arith.constant 0 : i32
        %dma_wait3A_116 = arith.constant 0 : i32
        %dma_wait3A_117 = tpu.memref_slice %arg3[%arg0, %arg1, %dma_wait3A_110, %dma_wait3A_115, %dma_wait3A_116] : memref<2x16x158x3x128xi32, #tpu.memory_space<hbm>> -> memref<1x1x1x3x128xi32, #tpu.memory_space<hbm>>
        %dma_wait3A_118 = tpu.memref_squeeze %dma_wait3A_117 : memref<1x1x1x3x128xi32, #tpu.memory_space<hbm>> -> memref<3x128xi32, #tpu.memory_space<hbm>>
        tpu.wait_dma2 semaphore(%arg13 : memref<!tpu.dma_semaphore, #tpu.memory_space<semaphore_mem>>) src(%dma_wait3A_118 : memref<3x128xi32, #tpu.memory_space<hbm>>) dst(%arg7 : memref<3x128xi32, #tpu.memory_space<vmem>>)
        %dma_start3A_119 = arith.constant 0 : i32
        %dma_start3A_120 = arith.constant 0 : i32
        %dma_start3A_121 = tpu.memref_slice %arg7[%dma_start3A_119, %dma_start3A_120] : memref<3x128xi32, #tpu.memory_space<vmem>> -> memref<1x128xi32, #tpu.memory_space<vmem>>
        %dma_start3A_122 = tpu.memref_squeeze %dma_start3A_121 : memref<1x128xi32, #tpu.memory_space<vmem>> -> memref<128xi32, #tpu.memory_space<vmem>>
        %dma_start3A_123 = arith.constant 0 : i32
        %dma_start3A_124 = arith.constant 0 : i32
        %dma_start3A_125 = tpu.memref_slice %arg2[%dma_start3A_123, %dma_start3A_124] : memref<20000x128xf32, #tpu.memory_space<hbm>> -> memref<20000x128xf32, #tpu.memory_space<hbm>>
        tpu.enqueue_indirect_dma source(%dma_start3A_125 : memref<20000x128xf32, #tpu.memory_space<hbm>>) target(%arg9 : memref<128x128xf32, #tpu.memory_space<vmem>>) offsets(%dma_start3A_122 : memref<128xi32, #tpu.memory_space<vmem>>) semaphore(%arg15 : memref<!tpu.dma_semaphore, #tpu.memory_space<semaphore_mem>>)
      } else {
      }
      %dma_wait3A_53 = arith.constant 0 : i32
      %dma_wait3A_54 = arith.constant 0 : i32
      %dma_wait3A_55 = tpu.memref_slice %arg6[%dma_wait3A_53, %dma_wait3A_54] : memref<3x128xi32, #tpu.memory_space<vmem>> -> memref<1x128xi32, #tpu.memory_space<vmem>>
      %dma_wait3A_56 = tpu.memref_squeeze %dma_wait3A_55 : memref<1x128xi32, #tpu.memory_space<vmem>> -> memref<128xi32, #tpu.memory_space<vmem>>
      %dma_wait3A_57 = arith.constant 0 : i32
      %dma_wait3A_58 = arith.constant 0 : i32
      %dma_wait3A_59 = tpu.memref_slice %arg2[%dma_wait3A_57, %dma_wait3A_58] : memref<20000x128xf32, #tpu.memory_space<hbm>> -> memref<20000x128xf32, #tpu.memory_space<hbm>>
      tpu.wait_indirect_dma semaphore(%arg14 : memref<!tpu.dma_semaphore, #tpu.memory_space<semaphore_mem>>) src(%dma_wait3A_59 : memref<20000x128xf32, #tpu.memory_space<hbm>>) dst(%arg8 : memref<128x128xf32, #tpu.memory_space<vmem>>)
      %parallel_loop3A = arith.constant 0 : i32
      %parallel_loop3A_60 = arith.constant 8 : i32
      %parallel_loop3A_61 = arith.constant 1 : i32
      scf.for %parallel_loop3A_110 = %parallel_loop3A to %parallel_loop3A_60 step %parallel_loop3A_61  : i32 {
        %parallel_loop3A_111 = arith.constant 16 : i32
        %parallel_loop3A_112 = arith.muli %parallel_loop3A_110, %parallel_loop3A_111 : i32
        %parallel_loop3A_113 = arith.constant 2 : i32
        %parallel_loop3A_114 = arith.index_cast %parallel_loop3A_113 : i32 to index
        %parallel_loop3A_115 = arith.index_cast %parallel_loop3A_112 : i32 to index
        %parallel_loop3A_116 = tpu.vector_load %arg6[%parallel_loop3A_114, %parallel_loop3A_115] {strides = array<i32>} : memref<3x128xi32, #tpu.memory_space<vmem>>, vector<1x16xi32>,
        %parallel_loop3A_117 = vector.shape_cast %parallel_loop3A_116 : vector<1x16xi32> to vector<16xi32>
        %parallel_loop3A_118 = tpu.bitcast %parallel_loop3A_117 : vector<16xi32> -> vector<16xf32>
        %parallel_loop3A_119 = vector.extract_strided_slice %parallel_loop3A_118 {offsets = [0], sizes = [1], strides = [1]} : vector<16xf32> to vector<1xf32>
        %parallel_loop3A_120 = vector.extract %parallel_loop3A_119[0] : f32 from vector<1xf32>
        %parallel_loop3A_121 = vector.broadcast %parallel_loop3A_120 : f32 to vector<16xf32>
        %parallel_loop3A_122 = arith.constant 16 : i32
        %parallel_loop3A_123 = arith.muli %parallel_loop3A_110, %parallel_loop3A_122 : i32
        %parallel_loop3A_124 = arith.constant 0 : i32
        %parallel_loop3A_125 = arith.addi %parallel_loop3A_123, %parallel_loop3A_124 : i32
        %parallel_loop3A_126 = arith.index_cast %parallel_loop3A_125 : i32 to index
        %parallel_loop3A_127 = arith.constant 0 : index
        %parallel_loop3A_128 = tpu.vector_load %arg8[%parallel_loop3A_126, %parallel_loop3A_127] {strides = array<i32>} : memref<128x128xf32, #tpu.memory_space<vmem>>, vector<1x16xf32>,
        %parallel_loop3A_129 = vector.shape_cast %parallel_loop3A_128 : vector<1x16xf32> to vector<16xf32>
        %parallel_loop3A_130 = arith.mulf %parallel_loop3A_129, %parallel_loop3A_121 : vector<16xf32>
        %parallel_loop3A_131 = arith.index_cast %parallel_loop3A_125 : i32 to index
        %parallel_loop3A_132 = arith.constant 0 : index
        %parallel_loop3A_133 = tpu.vector_load %arg10[%parallel_loop3A_131, %parallel_loop3A_132] {strides = array<i32>} : memref<128x128xf32, #tpu.memory_space<vmem>>, vector<1x16xf32>,
        %parallel_loop3A_134 = vector.shape_cast %parallel_loop3A_133 : vector<1x16xf32> to vector<16xf32>
        %parallel_loop3A_135 = vector.shape_cast %parallel_loop3A_130 : vector<16xf32> to vector<1x16xf32>
        tpu.vector_store %arg10[%parallel_loop3A_131, %parallel_loop3A_132], %parallel_loop3A_135 {strides = array<i32>} : memref<128x128xf32, #tpu.memory_space<vmem>>, vector<1x16xf32>,
        %parallel_loop3A_136 = arith.index_cast %parallel_loop3A_125 : i32 to index
        %parallel_loop3A_137 = arith.constant 16 : index
        %parallel_loop3A_138 = tpu.vector_load %arg8[%parallel_loop3A_136, %parallel_loop3A_137] {strides = array<i32>} : memref<128x128xf32, #tpu.memory_space<vmem>>, vector<1x16xf32>,
        %parallel_loop3A_139 = vector.shape_cast %parallel_loop3A_138 : vector<1x16xf32> to vector<16xf32>
        %parallel_loop3A_140 = arith.mulf %parallel_loop3A_139, %parallel_loop3A_121 : vector<16xf32>
        %parallel_loop3A_141 = arith.index_cast %parallel_loop3A_125 : i32 to index
        %parallel_loop3A_142 = arith.constant 16 : index
        %parallel_loop3A_143 = tpu.vector_load %arg10[%parallel_loop3A_141, %parallel_loop3A_142] {strides = array<i32>} : memref<128x128xf32, #tpu.memory_space<vmem>>, vector<1x16xf32>,
        %parallel_loop3A_144 = vector.shape_cast %parallel_loop3A_143 : vector<1x16xf32> to vector<16xf32>
        %parallel_loop3A_145 = vector.shape_cast %parallel_loop3A_140 : vector<16xf32> to vector<1x16xf32>
        tpu.vector_store %arg10[%parallel_loop3A_141, %parallel_loop3A_142], %parallel_loop3A_145 {strides = array<i32>} : memref<128x128xf32, #tpu.memory_space<vmem>>, vector<1x16xf32>,
        %parallel_loop3A_146 = arith.index_cast %parallel_loop3A_125 : i32 to index
        %parallel_loop3A_147 = arith.constant 32 : index
        %parallel_loop3A_148 = tpu.vector_load %arg8[%parallel_loop3A_146, %parallel_loop3A_147] {strides = array<i32>} : memref<128x128xf32, #tpu.memory_space<vmem>>, vector<1x16xf32>,
        %parallel_loop3A_149 = vector.shape_cast %parallel_loop3A_148 : vector<1x16xf32> to vector<16xf32>
        %parallel_loop3A_150 = arith.mulf %parallel_loop3A_149, %parallel_loop3A_121 : vector<16xf32>
        %parallel_loop3A_151 = arith.index_cast %parallel_loop3A_125 : i32 to index
        %parallel_loop3A_152 = arith.constant 32 : index
        %parallel_loop3A_153 = tpu.vector_load %arg10[%parallel_loop3A_151, %parallel_loop3A_152] {strides = array<i32>} : memref<128x128xf32, #tpu.memory_space<vmem>>, vector<1x16xf32>,
        %parallel_loop3A_154 = vector.shape_cast %parallel_loop3A_153 : vector<1x16xf32> to vector<16xf32>
        %parallel_loop3A_155 = vector.shape_cast %parallel_loop3A_150 : vector<16xf32> to vector<1x16xf32>
        tpu.vector_store %arg10[%parallel_loop3A_151, %parallel_loop3A_152], %parallel_loop3A_155 {strides = array<i32>} : memref<128x128xf32, #tpu.memory_space<vmem>>, vector<1x16xf32>,
        %parallel_loop3A_156 = arith.index_cast %parallel_loop3A_125 : i32 to index
        %parallel_loop3A_157 = arith.constant 48 : index
        %parallel_loop3A_158 = tpu.vector_load %arg8[%parallel_loop3A_156, %parallel_loop3A_157] {strides = array<i32>} : memref<128x128xf32, #tpu.memory_space<vmem>>, vector<1x16xf32>,
        %parallel_loop3A_159 = vector.shape_cast %parallel_loop3A_158 : vector<1x16xf32> to vector<16xf32>
        %parallel_loop3A_160 = arith.mulf %parallel_loop3A_159, %parallel_loop3A_121 : vector<16xf32>
        %parallel_loop3A_161 = arith.index_cast %parallel_loop3A_125 : i32 to index
        %parallel_loop3A_162 = arith.constant 48 : index
        %parallel_loop3A_163 = tpu.vector_load %arg10[%parallel_loop3A_161, %parallel_loop3A_162] {strides = array<i32>} : memref<128x128xf32, #tpu.memory_space<vmem>>, vector<1x16xf32>,
        %parallel_loop3A_164 = vector.shape_cast %parallel_loop3A_163 : vector<1x16xf32> to vector<16xf32>
        %parallel_loop3A_165 = vector.shape_cast %parallel_loop3A_160 : vector<16xf32> to vector<1x16xf32>
        tpu.vector_store %arg10[%parallel_loop3A_161, %parallel_loop3A_162], %parallel_loop3A_165 {strides = array<i32>} : memref<128x128xf32, #tpu.memory_space<vmem>>, vector<1x16xf32>,
        %parallel_loop3A_166 = arith.index_cast %parallel_loop3A_125 : i32 to index
        %parallel_loop3A_167 = arith.constant 64 : index
        %parallel_loop3A_168 = tpu.vector_load %arg8[%parallel_loop3A_166, %parallel_loop3A_167] {strides = array<i32>} : memref<128x128xf32, #tpu.memory_space<vmem>>, vector<1x16xf32>,
        %parallel_loop3A_169 = vector.shape_cast %parallel_loop3A_168 : vector<1x16xf32> to vector<16xf32>
        %parallel_loop3A_170 = arith.mulf %parallel_loop3A_169, %parallel_loop3A_121 : vector<16xf32>
        %parallel_loop3A_171 = arith.index_cast %parallel_loop3A_125 : i32 to index
        %parallel_loop3A_172 = arith.constant 64 : index
        %parallel_loop3A_173 = tpu.vector_load %arg10[%parallel_loop3A_171, %parallel_loop3A_172] {strides = array<i32>} : memref<128x128xf32, #tpu.memory_space<vmem>>, vector<1x16xf32>,
        %parallel_loop3A_174 = vector.shape_cast %parallel_loop3A_173 : vector<1x16xf32> to vector<16xf32>
        %parallel_loop3A_175 = vector.shape_cast %parallel_loop3A_170 : vector<16xf32> to vector<1x16xf32>
        tpu.vector_store %arg10[%parallel_loop3A_171, %parallel_loop3A_172], %parallel_loop3A_175 {strides = array<i32>} : memref<128x128xf32, #tpu.memory_space<vmem>>, vector<1x16xf32>,
        %parallel_loop3A_176 = arith.index_cast %parallel_loop3A_125 : i32 to index
        %parallel_loop3A_177 = arith.constant 80 : index
        %parallel_loop3A_178 = tpu.vector_load %arg8[%parallel_loop3A_176, %parallel_loop3A_177] {strides = array<i32>} : memref<128x128xf32, #tpu.memory_space<vmem>>, vector<1x16xf32>,
        %parallel_loop3A_179 = vector.shape_cast %parallel_loop3A_178 : vector<1x16xf32> to vector<16xf32>
        %parallel_loop3A_180 = arith.mulf %parallel_loop3A_179, %parallel_loop3A_121 : vector<16xf32>
        %parallel_loop3A_181 = arith.index_cast %parallel_loop3A_125 : i32 to index
        %parallel_loop3A_182 = arith.constant 80 : index
        %parallel_loop3A_183 = tpu.vector_load %arg10[%parallel_loop3A_181, %parallel_loop3A_182] {strides = array<i32>} : memref<128x128xf32, #tpu.memory_space<vmem>>, vector<1x16xf32>,
        %parallel_loop3A_184 = vector.shape_cast %parallel_loop3A_183 : vector<1x16xf32> to vector<16xf32>
        %parallel_loop3A_185 = vector.shape_cast %parallel_loop3A_180 : vector<16xf32> to vector<1x16xf32>
        tpu.vector_store %arg10[%parallel_loop3A_181, %parallel_loop3A_182], %parallel_loop3A_185 {strides = array<i32>} : memref<128x128xf32, #tpu.memory_space<vmem>>, vector<1x16xf32>,
        %parallel_loop3A_186 = arith.index_cast %parallel_loop3A_125 : i32 to index
        %parallel_loop3A_187 = arith.constant 96 : index
        %parallel_loop3A_188 = tpu.vector_load %arg8[%parallel_loop3A_186, %parallel_loop3A_187] {strides = array<i32>} : memref<128x128xf32, #tpu.memory_space<vmem>>, vector<1x16xf32>,
        %parallel_loop3A_189 = vector.shape_cast %parallel_loop3A_188 : vector<1x16xf32> to vector<16xf32>
        %parallel_loop3A_190 = arith.mulf %parallel_loop3A_189, %parallel_loop3A_121 : vector<16xf32>
        %parallel_loop3A_191 = arith.index_cast %parallel_loop3A_125 : i32 to index
        %parallel_loop3A_192 = arith.constant 96 : index
        %parallel_loop3A_193 = tpu.vector_load %arg10[%parallel_loop3A_191, %parallel_loop3A_192] {strides = array<i32>} : memref<128x128xf32, #tpu.memory_space<vmem>>, vector<1x16xf32>,
        %parallel_loop3A_194 = vector.shape_cast %parallel_loop3A_193 : vector<1x16xf32> to vector<16xf32>
        %parallel_loop3A_195 = vector.shape_cast %parallel_loop3A_190 : vector<16xf32> to vector<1x16xf32>
        tpu.vector_store %arg10[%parallel_loop3A_191, %parallel_loop3A_192], %parallel_loop3A_195 {strides = array<i32>} : memref<128x128xf32, #tpu.memory_space<vmem>>, vector<1x16xf32>,
        %parallel_loop3A_196 = arith.index_cast %parallel_loop3A_125 : i32 to index
        %parallel_loop3A_197 = arith.constant 112 : index
        %parallel_loop3A_198 = tpu.vector_load %arg8[%parallel_loop3A_196, %parallel_loop3A_197] {strides = array<i32>} : memref<128x128xf32, #tpu.memory_space<vmem>>, vector<1x16xf32>,
        %parallel_loop3A_199 = vector.shape_cast %parallel_loop3A_198 : vector<1x16xf32> to vector<16xf32>
        %parallel_loop3A_200 = arith.mulf %parallel_loop3A_199, %parallel_loop3A_121 : vector<16xf32>
        %parallel_loop3A_201 = arith.index_cast %parallel_loop3A_125 : i32 to index
        %parallel_loop3A_202 = arith.constant 112 : index
        %parallel_loop3A_203 = tpu.vector_load %arg10[%parallel_loop3A_201, %parallel_loop3A_202] {strides = array<i32>} : memref<128x128xf32, #tpu.memory_space<vmem>>, vector<1x16xf32>,
        %parallel_loop3A_204 = vector.shape_cast %parallel_loop3A_203 : vector<1x16xf32> to vector<16xf32>
        %parallel_loop3A_205 = vector.shape_cast %parallel_loop3A_200 : vector<16xf32> to vector<1x16xf32>
        tpu.vector_store %arg10[%parallel_loop3A_201, %parallel_loop3A_202], %parallel_loop3A_205 {strides = array<i32>} : memref<128x128xf32, #tpu.memory_space<vmem>>, vector<1x16xf32>,
        %parallel_loop3A_206 = vector.extract_strided_slice %parallel_loop3A_118 {offsets = [1], sizes = [1], strides = [1]} : vector<16xf32> to vector<1xf32>
        %parallel_loop3A_207 = vector.extract %parallel_loop3A_206[0] : f32 from vector<1xf32>
        %parallel_loop3A_208 = vector.broadcast %parallel_loop3A_207 : f32 to vector<16xf32>
        %parallel_loop3A_209 = arith.constant 16 : i32
        %parallel_loop3A_210 = arith.muli %parallel_loop3A_110, %parallel_loop3A_209 : i32
        %parallel_loop3A_211 = arith.constant 1 : i32
        %parallel_loop3A_212 = arith.addi %parallel_loop3A_210, %parallel_loop3A_211 : i32
        %parallel_loop3A_213 = arith.index_cast %parallel_loop3A_212 : i32 to index
        %parallel_loop3A_214 = arith.constant 0 : index
        %parallel_loop3A_215 = tpu.vector_load %arg8[%parallel_loop3A_213, %parallel_loop3A_214] {strides = array<i32>} : memref<128x128xf32, #tpu.memory_space<vmem>>, vector<1x16xf32>,
        %parallel_loop3A_216 = vector.shape_cast %parallel_loop3A_215 : vector<1x16xf32> to vector<16xf32>
        %parallel_loop3A_217 = arith.mulf %parallel_loop3A_216, %parallel_loop3A_208 : vector<16xf32>
        %parallel_loop3A_218 = arith.index_cast %parallel_loop3A_212 : i32 to index
        %parallel_loop3A_219 = arith.constant 0 : index
        %parallel_loop3A_220 = tpu.vector_load %arg10[%parallel_loop3A_218, %parallel_loop3A_219] {strides = array<i32>} : memref<128x128xf32, #tpu.memory_space<vmem>>, vector<1x16xf32>,
        %parallel_loop3A_221 = vector.shape_cast %parallel_loop3A_220 : vector<1x16xf32> to vector<16xf32>
        %parallel_loop3A_222 = vector.shape_cast %parallel_loop3A_217 : vector<16xf32> to vector<1x16xf32>
        tpu.vector_store %arg10[%parallel_loop3A_218, %parallel_loop3A_219], %parallel_loop3A_222 {strides = array<i32>} : memref<128x128xf32, #tpu.memory_space<vmem>>, vector<1x16xf32>,
        %parallel_loop3A_223 = arith.index_cast %parallel_loop3A_212 : i32 to index
        %parallel_loop3A_224 = arith.constant 16 : index
        %parallel_loop3A_225 = tpu.vector_load %arg8[%parallel_loop3A_223, %parallel_loop3A_224] {strides = array<i32>} : memref<128x128xf32, #tpu.memory_space<vmem>>, vector<1x16xf32>,
        %parallel_loop3A_226 = vector.shape_cast %parallel_loop3A_225 : vector<1x16xf32> to vector<16xf32>
        %parallel_loop3A_227 = arith.mulf %parallel_loop3A_226, %parallel_loop3A_208 : vector<16xf32>
        %parallel_loop3A_228 = arith.index_cast %parallel_loop3A_212 : i32 to index
        %parallel_loop3A_229 = arith.constant 16 : index
        %parallel_loop3A_230 = tpu.vector_load %arg10[%parallel_loop3A_228, %parallel_loop3A_229] {strides = array<i32>} : memref<128x128xf32, #tpu.memory_space<vmem>>, vector<1x16xf32>,
        %parallel_loop3A_231 = vector.shape_cast %parallel_loop3A_230 : vector<1x16xf32> to vector<16xf32>
        %parallel_loop3A_232 = vector.shape_cast %parallel_loop3A_227 : vector<16xf32> to vector<1x16xf32>
        tpu.vector_store %arg10[%parallel_loop3A_228, %parallel_loop3A_229], %parallel_loop3A_232 {strides = array<i32>} : memref<128x128xf32, #tpu.memory_space<vmem>>, vector<1x16xf32>,
        %parallel_loop3A_233 = arith.index_cast %parallel_loop3A_212 : i32 to index
        %parallel_loop3A_234 = arith.constant 32 : index
        %parallel_loop3A_235 = tpu.vector_load %arg8[%parallel_loop3A_233, %parallel_loop3A_234] {strides = array<i32>} : memref<128x128xf32, #tpu.memory_space<vmem>>, vector<1x16xf32>,
        %parallel_loop3A_236 = vector.shape_cast %parallel_loop3A_235 : vector<1x16xf32> to vector<16xf32>
        %parallel_loop3A_237 = arith.mulf %parallel_loop3A_236, %parallel_loop3A_208 : vector<16xf32>
        %parallel_loop3A_238 = arith.index_cast %parallel_loop3A_212 : i32 to index
        %parallel_loop3A_239 = arith.constant 32 : index
        %parallel_loop3A_240 = tpu.vector_load %arg10[%parallel_loop3A_238, %parallel_loop3A_239] {strides = array<i32>} : memref<128x128xf32, #tpu.memory_space<vmem>>, vector<1x16xf32>,
        %parallel_loop3A_241 = vector.shape_cast %parallel_loop3A_240 : vector<1x16xf32> to vector<16xf32>
        %parallel_loop3A_242 = vector.shape_cast %parallel_loop3A_237 : vector<16xf32> to vector<1x16xf32>
        tpu.vector_store %arg10[%parallel_loop3A_238, %parallel_loop3A_239], %parallel_loop3A_242 {strides = array<i32>} : memref<128x128xf32, #tpu.memory_space<vmem>>, vector<1x16xf32>,
        %parallel_loop3A_243 = arith.index_cast %parallel_loop3A_212 : i32 to index
        %parallel_loop3A_244 = arith.constant 48 : index
        %parallel_loop3A_245 = tpu.vector_load %arg8[%parallel_loop3A_243, %parallel_loop3A_244] {strides = array<i32>} : memref<128x128xf32, #tpu.memory_space<vmem>>, vector<1x16xf32>,
        %parallel_loop3A_246 = vector.shape_cast %parallel_loop3A_245 : vector<1x16xf32> to vector<16xf32>
        %parallel_loop3A_247 = arith.mulf %parallel_loop3A_246, %parallel_loop3A_208 : vector<16xf32>
        %parallel_loop3A_248 = arith.index_cast %parallel_loop3A_212 : i32 to index
        %parallel_loop3A_249 = arith.constant 48 : index
        %parallel_loop3A_250 = tpu.vector_load %arg10[%parallel_loop3A_248, %parallel_loop3A_249] {strides = array<i32>} : memref<128x128xf32, #tpu.memory_space<vmem>>, vector<1x16xf32>,
        %parallel_loop3A_251 = vector.shape_cast %parallel_loop3A_250 : vector<1x16xf32> to vector<16xf32>
        %parallel_loop3A_252 = vector.shape_cast %parallel_loop3A_247 : vector<16xf32> to vector<1x16xf32>
        tpu.vector_store %arg10[%parallel_loop3A_248, %parallel_loop3A_249], %parallel_loop3A_252 {strides = array<i32>} : memref<128x128xf32, #tpu.memory_space<vmem>>, vector<1x16xf32>,
        %parallel_loop3A_253 = arith.index_cast %parallel_loop3A_212 : i32 to index
        %parallel_loop3A_254 = arith.constant 64 : index
        %parallel_loop3A_255 = tpu.vector_load %arg8[%parallel_loop3A_253, %parallel_loop3A_254] {strides = array<i32>} : memref<128x128xf32, #tpu.memory_space<vmem>>, vector<1x16xf32>,
        %parallel_loop3A_256 = vector.shape_cast %parallel_loop3A_255 : vector<1x16xf32> to vector<16xf32>
        %parallel_loop3A_257 = arith.mulf %parallel_loop3A_256, %parallel_loop3A_208 : vector<16xf32>
        %parallel_loop3A_258 = arith.index_cast %parallel_loop3A_212 : i32 to index
        %parallel_loop3A_259 = arith.constant 64 : index
        %parallel_loop3A_260 = tpu.vector_load %arg10[%parallel_loop3A_258, %parallel_loop3A_259] {strides = array<i32>} : memref<128x128xf32, #tpu.memory_space<vmem>>, vector<1x16xf32>,
        %parallel_loop3A_261 = vector.shape_cast %parallel_loop3A_260 : vector<1x16xf32> to vector<16xf32>
        %parallel_loop3A_262 = vector.shape_cast %parallel_loop3A_257 : vector<16xf32> to vector<1x16xf32>
        tpu.vector_store %arg10[%parallel_loop3A_258, %parallel_loop3A_259], %parallel_loop3A_262 {strides = array<i32>} : memref<128x128xf32, #tpu.memory_space<vmem>>, vector<1x16xf32>,
        %parallel_loop3A_263 = arith.index_cast %parallel_loop3A_212 : i32 to index
        %parallel_loop3A_264 = arith.constant 80 : index
        %parallel_loop3A_265 = tpu.vector_load %arg8[%parallel_loop3A_263, %parallel_loop3A_264] {strides = array<i32>} : memref<128x128xf32, #tpu.memory_space<vmem>>, vector<1x16xf32>,
        %parallel_loop3A_266 = vector.shape_cast %parallel_loop3A_265 : vector<1x16xf32> to vector<16xf32>
        %parallel_loop3A_267 = arith.mulf %parallel_loop3A_266, %parallel_loop3A_208 : vector<16xf32>
        %parallel_loop3A_268 = arith.index_cast %parallel_loop3A_212 : i32 to index
        %parallel_loop3A_269 = arith.constant 80 : index
        %parallel_loop3A_270 = tpu.vector_load %arg10[%parallel_loop3A_268, %parallel_loop3A_269] {strides = array<i32>} : memref<128x128xf32, #tpu.memory_space<vmem>>, vector<1x16xf32>,
        %parallel_loop3A_271 = vector.shape_cast %parallel_loop3A_270 : vector<1x16xf32> to vector<16xf32>
        %parallel_loop3A_272 = vector.shape_cast %parallel_loop3A_267 : vector<16xf32> to vector<1x16xf32>
        tpu.vector_store %arg10[%parallel_loop3A_268, %parallel_loop3A_269], %parallel_loop3A_272 {strides = array<i32>} : memref<128x128xf32, #tpu.memory_space<vmem>>, vector<1x16xf32>,
        %parallel_loop3A_273 = arith.index_cast %parallel_loop3A_212 : i32 to index
        %parallel_loop3A_274 = arith.constant 96 : index
        %parallel_loop3A_275 = tpu.vector_load %arg8[%parallel_loop3A_273, %parallel_loop3A_274] {strides = array<i32>} : memref<128x128xf32, #tpu.memory_space<vmem>>, vector<1x16xf32>,
        %parallel_loop3A_276 = vector.shape_cast %parallel_loop3A_275 : vector<1x16xf32> to vector<16xf32>
        %parallel_loop3A_277 = arith.mulf %parallel_loop3A_276, %parallel_loop3A_208 : vector<16xf32>
        %parallel_loop3A_278 = arith.index_cast %parallel_loop3A_212 : i32 to index
        %parallel_loop3A_279 = arith.constant 96 : index
        %parallel_loop3A_280 = tpu.vector_load %arg10[%parallel_loop3A_278, %parallel_loop3A_279] {strides = array<i32>} : memref<128x128xf32, #tpu.memory_space<vmem>>, vector<1x16xf32>,
        %parallel_loop3A_281 = vector.shape_cast %parallel_loop3A_280 : vector<1x16xf32> to vector<16xf32>
        %parallel_loop3A_282 = vector.shape_cast %parallel_loop3A_277 : vector<16xf32> to vector<1x16xf32>
        tpu.vector_store %arg10[%parallel_loop3A_278, %parallel_loop3A_279], %parallel_loop3A_282 {strides = array<i32>} : memref<128x128xf32, #tpu.memory_space<vmem>>, vector<1x16xf32>,
        %parallel_loop3A_283 = arith.index_cast %parallel_loop3A_212 : i32 to index
        %parallel_loop3A_284 = arith.constant 112 : index
        %parallel_loop3A_285 = tpu.vector_load %arg8[%parallel_loop3A_283, %parallel_loop3A_284] {strides = array<i32>} : memref<128x128xf32, #tpu.memory_space<vmem>>, vector<1x16xf32>,
        %parallel_loop3A_286 = vector.shape_cast %parallel_loop3A_285 : vector<1x16xf32> to vector<16xf32>
        %parallel_loop3A_287 = arith.mulf %parallel_loop3A_286, %parallel_loop3A_208 : vector<16xf32>
        %parallel_loop3A_288 = arith.index_cast %parallel_loop3A_212 : i32 to index
        %parallel_loop3A_289 = arith.constant 112 : index
        %parallel_loop3A_290 = tpu.vector_load %arg10[%parallel_loop3A_288, %parallel_loop3A_289] {strides = array<i32>} : memref<128x128xf32, #tpu.memory_space<vmem>>, vector<1x16xf32>,
        %parallel_loop3A_291 = vector.shape_cast %parallel_loop3A_290 : vector<1x16xf32> to vector<16xf32>
        %parallel_loop3A_292 = vector.shape_cast %parallel_loop3A_287 : vector<16xf32> to vector<1x16xf32>
        tpu.vector_store %arg10[%parallel_loop3A_288, %parallel_loop3A_289], %parallel_loop3A_292 {strides = array<i32>} : memref<128x128xf32, #tpu.memory_space<vmem>>, vector<1x16xf32>,
        %parallel_loop3A_293 = vector.extract_strided_slice %parallel_loop3A_118 {offsets = [2], sizes = [1], strides = [1]} : vector<16xf32> to vector<1xf32>
        %parallel_loop3A_294 = vector.extract %parallel_loop3A_293[0] : f32 from vector<1xf32>
        %parallel_loop3A_295 = vector.broadcast %parallel_loop3A_294 : f32 to vector<16xf32>
        %parallel_loop3A_296 = arith.constant 16 : i32
        %parallel_loop3A_297 = arith.muli %parallel_loop3A_110, %parallel_loop3A_296 : i32
        %parallel_loop3A_298 = arith.constant 2 : i32
        %parallel_loop3A_299 = arith.addi %parallel_loop3A_297, %parallel_loop3A_298 : i32
        %parallel_loop3A_300 = arith.index_cast %parallel_loop3A_299 : i32 to index
        %parallel_loop3A_301 = arith.constant 0 : index
        %parallel_loop3A_302 = tpu.vector_load %arg8[%parallel_loop3A_300, %parallel_loop3A_301] {strides = array<i32>} : memref<128x128xf32, #tpu.memory_space<vmem>>, vector<1x16xf32>,
        %parallel_loop3A_303 = vector.shape_cast %parallel_loop3A_302 : vector<1x16xf32> to vector<16xf32>
        %parallel_loop3A_304 = arith.mulf %parallel_loop3A_303, %parallel_loop3A_295 : vector<16xf32>
        %parallel_loop3A_305 = arith.index_cast %parallel_loop3A_299 : i32 to index
        %parallel_loop3A_306 = arith.constant 0 : index
        %parallel_loop3A_307 = tpu.vector_load %arg10[%parallel_loop3A_305, %parallel_loop3A_306] {strides = array<i32>} : memref<128x128xf32, #tpu.memory_space<vmem>>, vector<1x16xf32>,
        %parallel_loop3A_308 = vector.shape_cast %parallel_loop3A_307 : vector<1x16xf32> to vector<16xf32>
        %parallel_loop3A_309 = vector.shape_cast %parallel_loop3A_304 : vector<16xf32> to vector<1x16xf32>
        tpu.vector_store %arg10[%parallel_loop3A_305, %parallel_loop3A_306], %parallel_loop3A_309 {strides = array<i32>} : memref<128x128xf32, #tpu.memory_space<vmem>>, vector<1x16xf32>,
        %parallel_loop3A_310 = arith.index_cast %parallel_loop3A_299 : i32 to index
        %parallel_loop3A_311 = arith.constant 16 : index
        %parallel_loop3A_312 = tpu.vector_load %arg8[%parallel_loop3A_310, %parallel_loop3A_311] {strides = array<i32>} : memref<128x128xf32, #tpu.memory_space<vmem>>, vector<1x16xf32>,
        %parallel_loop3A_313 = vector.shape_cast %parallel_loop3A_312 : vector<1x16xf32> to vector<16xf32>
        %parallel_loop3A_314 = arith.mulf %parallel_loop3A_313, %parallel_loop3A_295 : vector<16xf32>
        %parallel_loop3A_315 = arith.index_cast %parallel_loop3A_299 : i32 to index
        %parallel_loop3A_316 = arith.constant 16 : index
        %parallel_loop3A_317 = tpu.vector_load %arg10[%parallel_loop3A_315, %parallel_loop3A_316] {strides = array<i32>} : memref<128x128xf32, #tpu.memory_space<vmem>>, vector<1x16xf32>,
        %parallel_loop3A_318 = vector.shape_cast %parallel_loop3A_317 : vector<1x16xf32> to vector<16xf32>
        %parallel_loop3A_319 = vector.shape_cast %parallel_loop3A_314 : vector<16xf32> to vector<1x16xf32>
        tpu.vector_store %arg10[%parallel_loop3A_315, %parallel_loop3A_316], %parallel_loop3A_319 {strides = array<i32>} : memref<128x128xf32, #tpu.memory_space<vmem>>, vector<1x16xf32>,
        %parallel_loop3A_320 = arith.index_cast %parallel_loop3A_299 : i32 to index
        %parallel_loop3A_321 = arith.constant 32 : index
        %parallel_loop3A_322 = tpu.vector_load %arg8[%parallel_loop3A_320, %parallel_loop3A_321] {strides = array<i32>} : memref<128x128xf32, #tpu.memory_space<vmem>>, vector<1x16xf32>,
        %parallel_loop3A_323 = vector.shape_cast %parallel_loop3A_322 : vector<1x16xf32> to vector<16xf32>
        %parallel_loop3A_324 = arith.mulf %parallel_loop3A_323, %parallel_loop3A_295 : vector<16xf32>
        %parallel_loop3A_325 = arith.index_cast %parallel_loop3A_299 : i32 to index
        %parallel_loop3A_326 = arith.constant 32 : index
        %parallel_loop3A_327 = tpu.vector_load %arg10[%parallel_loop3A_325, %parallel_loop3A_326] {strides = array<i32>} : memref<128x128xf32, #tpu.memory_space<vmem>>, vector<1x16xf32>,
        %parallel_loop3A_328 = vector.shape_cast %parallel_loop3A_327 : vector<1x16xf32> to vector<16xf32>
        %parallel_loop3A_329 = vector.shape_cast %parallel_loop3A_324 : vector<16xf32> to vector<1x16xf32>
        tpu.vector_store %arg10[%parallel_loop3A_325, %parallel_loop3A_326], %parallel_loop3A_329 {strides = array<i32>} : memref<128x128xf32, #tpu.memory_space<vmem>>, vector<1x16xf32>,
        %parallel_loop3A_330 = arith.index_cast %parallel_loop3A_299 : i32 to index
        %parallel_loop3A_331 = arith.constant 48 : index
        %parallel_loop3A_332 = tpu.vector_load %arg8[%parallel_loop3A_330, %parallel_loop3A_331] {strides = array<i32>} : memref<128x128xf32, #tpu.memory_space<vmem>>, vector<1x16xf32>,
        %parallel_loop3A_333 = vector.shape_cast %parallel_loop3A_332 : vector<1x16xf32> to vector<16xf32>
        %parallel_loop3A_334 = arith.mulf %parallel_loop3A_333, %parallel_loop3A_295 : vector<16xf32>
        %parallel_loop3A_335 = arith.index_cast %parallel_loop3A_299 : i32 to index
        %parallel_loop3A_336 = arith.constant 48 : index
        %parallel_loop3A_337 = tpu.vector_load %arg10[%parallel_loop3A_335, %parallel_loop3A_336] {strides = array<i32>} : memref<128x128xf32, #tpu.memory_space<vmem>>, vector<1x16xf32>,
        %parallel_loop3A_338 = vector.shape_cast %parallel_loop3A_337 : vector<1x16xf32> to vector<16xf32>
        %parallel_loop3A_339 = vector.shape_cast %parallel_loop3A_334 : vector<16xf32> to vector<1x16xf32>
        tpu.vector_store %arg10[%parallel_loop3A_335, %parallel_loop3A_336], %parallel_loop3A_339 {strides = array<i32>} : memref<128x128xf32, #tpu.memory_space<vmem>>, vector<1x16xf32>,
        %parallel_loop3A_340 = arith.index_cast %parallel_loop3A_299 : i32 to index
        %parallel_loop3A_341 = arith.constant 64 : index
        %parallel_loop3A_342 = tpu.vector_load %arg8[%parallel_loop3A_340, %parallel_loop3A_341] {strides = array<i32>} : memref<128x128xf32, #tpu.memory_space<vmem>>, vector<1x16xf32>,
        %parallel_loop3A_343 = vector.shape_cast %parallel_loop3A_342 : vector<1x16xf32> to vector<16xf32>
        %parallel_loop3A_344 = arith.mulf %parallel_loop3A_343, %parallel_loop3A_295 : vector<16xf32>
        %parallel_loop3A_345 = arith.index_cast %parallel_loop3A_299 : i32 to index
        %parallel_loop3A_346 = arith.constant 64 : index
        %parallel_loop3A_347 = tpu.vector_load %arg10[%parallel_loop3A_345, %parallel_loop3A_346] {strides = array<i32>} : memref<128x128xf32, #tpu.memory_space<vmem>>, vector<1x16xf32>,
        %parallel_loop3A_348 = vector.shape_cast %parallel_loop3A_347 : vector<1x16xf32> to vector<16xf32>
        %parallel_loop3A_349 = vector.shape_cast %parallel_loop3A_344 : vector<16xf32> to vector<1x16xf32>
        tpu.vector_store %arg10[%parallel_loop3A_345, %parallel_loop3A_346], %parallel_loop3A_349 {strides = array<i32>} : memref<128x128xf32, #tpu.memory_space<vmem>>, vector<1x16xf32>,
        %parallel_loop3A_350 = arith.index_cast %parallel_loop3A_299 : i32 to index
        %parallel_loop3A_351 = arith.constant 80 : index
        %parallel_loop3A_352 = tpu.vector_load %arg8[%parallel_loop3A_350, %parallel_loop3A_351] {strides = array<i32>} : memref<128x128xf32, #tpu.memory_space<vmem>>, vector<1x16xf32>,
        %parallel_loop3A_353 = vector.shape_cast %parallel_loop3A_352 : vector<1x16xf32> to vector<16xf32>
        %parallel_loop3A_354 = arith.mulf %parallel_loop3A_353, %parallel_loop3A_295 : vector<16xf32>
        %parallel_loop3A_355 = arith.index_cast %parallel_loop3A_299 : i32 to index
        %parallel_loop3A_356 = arith.constant 80 : index
        %parallel_loop3A_357 = tpu.vector_load %arg10[%parallel_loop3A_355, %parallel_loop3A_356] {strides = array<i32>} : memref<128x128xf32, #tpu.memory_space<vmem>>, vector<1x16xf32>,
        %parallel_loop3A_358 = vector.shape_cast %parallel_loop3A_357 : vector<1x16xf32> to vector<16xf32>
        %parallel_loop3A_359 = vector.shape_cast %parallel_loop3A_354 : vector<16xf32> to vector<1x16xf32>
        tpu.vector_store %arg10[%parallel_loop3A_355, %parallel_loop3A_356], %parallel_loop3A_359 {strides = array<i32>} : memref<128x128xf32, #tpu.memory_space<vmem>>, vector<1x16xf32>,
        %parallel_loop3A_360 = arith.index_cast %parallel_loop3A_299 : i32 to index
        %parallel_loop3A_361 = arith.constant 96 : index
        %parallel_loop3A_362 = tpu.vector_load %arg8[%parallel_loop3A_360, %parallel_loop3A_361] {strides = array<i32>} : memref<128x128xf32, #tpu.memory_space<vmem>>, vector<1x16xf32>,
        %parallel_loop3A_363 = vector.shape_cast %parallel_loop3A_362 : vector<1x16xf32> to vector<16xf32>
        %parallel_loop3A_364 = arith.mulf %parallel_loop3A_363, %parallel_loop3A_295 : vector<16xf32>
        %parallel_loop3A_365 = arith.index_cast %parallel_loop3A_299 : i32 to index
        %parallel_loop3A_366 = arith.constant 96 : index
        %parallel_loop3A_367 = tpu.vector_load %arg10[%parallel_loop3A_365, %parallel_loop3A_366] {strides = array<i32>} : memref<128x128xf32, #tpu.memory_space<vmem>>, vector<1x16xf32>,
        %parallel_loop3A_368 = vector.shape_cast %parallel_loop3A_367 : vector<1x16xf32> to vector<16xf32>
        %parallel_loop3A_369 = vector.shape_cast %parallel_loop3A_364 : vector<16xf32> to vector<1x16xf32>
        tpu.vector_store %arg10[%parallel_loop3A_365, %parallel_loop3A_366], %parallel_loop3A_369 {strides = array<i32>} : memref<128x128xf32, #tpu.memory_space<vmem>>, vector<1x16xf32>,
        %parallel_loop3A_370 = arith.index_cast %parallel_loop3A_299 : i32 to index
        %parallel_loop3A_371 = arith.constant 112 : index
        %parallel_loop3A_372 = tpu.vector_load %arg8[%parallel_loop3A_370, %parallel_loop3A_371] {strides = array<i32>} : memref<128x128xf32, #tpu.memory_space<vmem>>, vector<1x16xf32>,
        %parallel_loop3A_373 = vector.shape_cast %parallel_loop3A_372 : vector<1x16xf32> to vector<16xf32>
        %parallel_loop3A_374 = arith.mulf %parallel_loop3A_373, %parallel_loop3A_295 : vector<16xf32>
        %parallel_loop3A_375 = arith.index_cast %parallel_loop3A_299 : i32 to index
        %parallel_loop3A_376 = arith.constant 112 : index
        %parallel_loop3A_377 = tpu.vector_load %arg10[%parallel_loop3A_375, %parallel_loop3A_376] {strides = array<i32>} : memref<128x128xf32, #tpu.memory_space<vmem>>, vector<1x16xf32>,
        %parallel_loop3A_378 = vector.shape_cast %parallel_loop3A_377 : vector<1x16xf32> to vector<16xf32>
        %parallel_loop3A_379 = vector.shape_cast %parallel_loop3A_374 : vector<16xf32> to vector<1x16xf32>
        tpu.vector_store %arg10[%parallel_loop3A_375, %parallel_loop3A_376], %parallel_loop3A_379 {strides = array<i32>} : memref<128x128xf32, #tpu.memory_space<vmem>>, vector<1x16xf32>,
        %parallel_loop3A_380 = vector.extract_strided_slice %parallel_loop3A_118 {offsets = [3], sizes = [1], strides = [1]} : vector<16xf32> to vector<1xf32>
        %parallel_loop3A_381 = vector.extract %parallel_loop3A_380[0] : f32 from vector<1xf32>
        %parallel_loop3A_382 = vector.broadcast %parallel_loop3A_381 : f32 to vector<16xf32>
        %parallel_loop3A_383 = arith.constant 16 : i32
        %parallel_loop3A_384 = arith.muli %parallel_loop3A_110, %parallel_loop3A_383 : i32
        %parallel_loop3A_385 = arith.constant 3 : i32
        %parallel_loop3A_386 = arith.addi %parallel_loop3A_384, %parallel_loop3A_385 : i32
        %parallel_loop3A_387 = arith.index_cast %parallel_loop3A_386 : i32 to index
        %parallel_loop3A_388 = arith.constant 0 : index
        %parallel_loop3A_389 = tpu.vector_load %arg8[%parallel_loop3A_387, %parallel_loop3A_388] {strides = array<i32>} : memref<128x128xf32, #tpu.memory_space<vmem>>, vector<1x16xf32>,
        %parallel_loop3A_390 = vector.shape_cast %parallel_loop3A_389 : vector<1x16xf32> to vector<16xf32>
        %parallel_loop3A_391 = arith.mulf %parallel_loop3A_390, %parallel_loop3A_382 : vector<16xf32>
        %parallel_loop3A_392 = arith.index_cast %parallel_loop3A_386 : i32 to index
        %parallel_loop3A_393 = arith.constant 0 : index
        %parallel_loop3A_394 = tpu.vector_load %arg10[%parallel_loop3A_392, %parallel_loop3A_393] {strides = array<i32>} : memref<128x128xf32, #tpu.memory_space<vmem>>, vector<1x16xf32>,
        %parallel_loop3A_395 = vector.shape_cast %parallel_loop3A_394 : vector<1x16xf32> to vector<16xf32>
        %parallel_loop3A_396 = vector.shape_cast %parallel_loop3A_391 : vector<16xf32> to vector<1x16xf32>
        tpu.vector_store %arg10[%parallel_loop3A_392, %parallel_loop3A_393], %parallel_loop3A_396 {strides = array<i32>} : memref<128x128xf32, #tpu.memory_space<vmem>>, vector<1x16xf32>,
        %parallel_loop3A_397 = arith.index_cast %parallel_loop3A_386 : i32 to index
        %parallel_loop3A_398 = arith.constant 16 : index
        %parallel_loop3A_399 = tpu.vector_load %arg8[%parallel_loop3A_397, %parallel_loop3A_398] {strides = array<i32>} : memref<128x128xf32, #tpu.memory_space<vmem>>, vector<1x16xf32>,
        %parallel_loop3A_400 = vector.shape_cast %parallel_loop3A_399 : vector<1x16xf32> to vector<16xf32>
        %parallel_loop3A_401 = arith.mulf %parallel_loop3A_400, %parallel_loop3A_382 : vector<16xf32>
        %parallel_loop3A_402 = arith.index_cast %parallel_loop3A_386 : i32 to index
        %parallel_loop3A_403 = arith.constant 16 : index
        %parallel_loop3A_404 = tpu.vector_load %arg10[%parallel_loop3A_402, %parallel_loop3A_403] {strides = array<i32>} : memref<128x128xf32, #tpu.memory_space<vmem>>, vector<1x16xf32>,
        %parallel_loop3A_405 = vector.shape_cast %parallel_loop3A_404 : vector<1x16xf32> to vector<16xf32>
        %parallel_loop3A_406 = vector.shape_cast %parallel_loop3A_401 : vector<16xf32> to vector<1x16xf32>
        tpu.vector_store %arg10[%parallel_loop3A_402, %parallel_loop3A_403], %parallel_loop3A_406 {strides = array<i32>} : memref<128x128xf32, #tpu.memory_space<vmem>>, vector<1x16xf32>,
        %parallel_loop3A_407 = arith.index_cast %parallel_loop3A_386 : i32 to index
        %parallel_loop3A_408 = arith.constant 32 : index
        %parallel_loop3A_409 = tpu.vector_load %arg8[%parallel_loop3A_407, %parallel_loop3A_408] {strides = array<i32>} : memref<128x128xf32, #tpu.memory_space<vmem>>, vector<1x16xf32>,
        %parallel_loop3A_410 = vector.shape_cast %parallel_loop3A_409 : vector<1x16xf32> to vector<16xf32>
        %parallel_loop3A_411 = arith.mulf %parallel_loop3A_410, %parallel_loop3A_382 : vector<16xf32>
        %parallel_loop3A_412 = arith.index_cast %parallel_loop3A_386 : i32 to index
        %parallel_loop3A_413 = arith.constant 32 : index
        %parallel_loop3A_414 = tpu.vector_load %arg10[%parallel_loop3A_412, %parallel_loop3A_413] {strides = array<i32>} : memref<128x128xf32, #tpu.memory_space<vmem>>, vector<1x16xf32>,
        %parallel_loop3A_415 = vector.shape_cast %parallel_loop3A_414 : vector<1x16xf32> to vector<16xf32>
        %parallel_loop3A_416 = vector.shape_cast %parallel_loop3A_411 : vector<16xf32> to vector<1x16xf32>
        tpu.vector_store %arg10[%parallel_loop3A_412, %parallel_loop3A_413], %parallel_loop3A_416 {strides = array<i32>} : memref<128x128xf32, #tpu.memory_space<vmem>>, vector<1x16xf32>,
        %parallel_loop3A_417 = arith.index_cast %parallel_loop3A_386 : i32 to index
        %parallel_loop3A_418 = arith.constant 48 : index
        %parallel_loop3A_419 = tpu.vector_load %arg8[%parallel_loop3A_417, %parallel_loop3A_418] {strides = array<i32>} : memref<128x128xf32, #tpu.memory_space<vmem>>, vector<1x16xf32>,
        %parallel_loop3A_420 = vector.shape_cast %parallel_loop3A_419 : vector<1x16xf32> to vector<16xf32>
        %parallel_loop3A_421 = arith.mulf %parallel_loop3A_420, %parallel_loop3A_382 : vector<16xf32>
        %parallel_loop3A_422 = arith.index_cast %parallel_loop3A_386 : i32 to index
        %parallel_loop3A_423 = arith.constant 48 : index
        %parallel_loop3A_424 = tpu.vector_load %arg10[%parallel_loop3A_422, %parallel_loop3A_423] {strides = array<i32>} : memref<128x128xf32, #tpu.memory_space<vmem>>, vector<1x16xf32>,
        %parallel_loop3A_425 = vector.shape_cast %parallel_loop3A_424 : vector<1x16xf32> to vector<16xf32>
        %parallel_loop3A_426 = vector.shape_cast %parallel_loop3A_421 : vector<16xf32> to vector<1x16xf32>
        tpu.vector_store %arg10[%parallel_loop3A_422, %parallel_loop3A_423], %parallel_loop3A_426 {strides = array<i32>} : memref<128x128xf32, #tpu.memory_space<vmem>>, vector<1x16xf32>,
        %parallel_loop3A_427 = arith.index_cast %parallel_loop3A_386 : i32 to index
        %parallel_loop3A_428 = arith.constant 64 : index
        %parallel_loop3A_429 = tpu.vector_load %arg8[%parallel_loop3A_427, %parallel_loop3A_428] {strides = array<i32>} : memref<128x128xf32, #tpu.memory_space<vmem>>, vector<1x16xf32>,
        %parallel_loop3A_430 = vector.shape_cast %parallel_loop3A_429 : vector<1x16xf32> to vector<16xf32>
        %parallel_loop3A_431 = arith.mulf %parallel_loop3A_430, %parallel_loop3A_382 : vector<16xf32>
        %parallel_loop3A_432 = arith.index_cast %parallel_loop3A_386 : i32 to index
        %parallel_loop3A_433 = arith.constant 64 : index
        %parallel_loop3A_434 = tpu.vector_load %arg10[%parallel_loop3A_432, %parallel_loop3A_433] {strides = array<i32>} : memref<128x128xf32, #tpu.memory_space<vmem>>, vector<1x16xf32>,
        %parallel_loop3A_435 = vector.shape_cast %parallel_loop3A_434 : vector<1x16xf32> to vector<16xf32>
        %parallel_loop3A_436 = vector.shape_cast %parallel_loop3A_431 : vector<16xf32> to vector<1x16xf32>
        tpu.vector_store %arg10[%parallel_loop3A_432, %parallel_loop3A_433], %parallel_loop3A_436 {strides = array<i32>} : memref<128x128xf32, #tpu.memory_space<vmem>>, vector<1x16xf32>,
        %parallel_loop3A_437 = arith.index_cast %parallel_loop3A_386 : i32 to index
        %parallel_loop3A_438 = arith.constant 80 : index
        %parallel_loop3A_439 = tpu.vector_load %arg8[%parallel_loop3A_437, %parallel_loop3A_438] {strides = array<i32>} : memref<128x128xf32, #tpu.memory_space<vmem>>, vector<1x16xf32>,
        %parallel_loop3A_440 = vector.shape_cast %parallel_loop3A_439 : vector<1x16xf32> to vector<16xf32>
        %parallel_loop3A_441 = arith.mulf %parallel_loop3A_440, %parallel_loop3A_382 : vector<16xf32>
        %parallel_loop3A_442 = arith.index_cast %parallel_loop3A_386 : i32 to index
        %parallel_loop3A_443 = arith.constant 80 : index
        %parallel_loop3A_444 = tpu.vector_load %arg10[%parallel_loop3A_442, %parallel_loop3A_443] {strides = array<i32>} : memref<128x128xf32, #tpu.memory_space<vmem>>, vector<1x16xf32>,
        %parallel_loop3A_445 = vector.shape_cast %parallel_loop3A_444 : vector<1x16xf32> to vector<16xf32>
        %parallel_loop3A_446 = vector.shape_cast %parallel_loop3A_441 : vector<16xf32> to vector<1x16xf32>
        tpu.vector_store %arg10[%parallel_loop3A_442, %parallel_loop3A_443], %parallel_loop3A_446 {strides = array<i32>} : memref<128x128xf32, #tpu.memory_space<vmem>>, vector<1x16xf32>,
        %parallel_loop3A_447 = arith.index_cast %parallel_loop3A_386 : i32 to index
        %parallel_loop3A_448 = arith.constant 96 : index
        %parallel_loop3A_449 = tpu.vector_load %arg8[%parallel_loop3A_447, %parallel_loop3A_448] {strides = array<i32>} : memref<128x128xf32, #tpu.memory_space<vmem>>, vector<1x16xf32>,
        %parallel_loop3A_450 = vector.shape_cast %parallel_loop3A_449 : vector<1x16xf32> to vector<16xf32>
        %parallel_loop3A_451 = arith.mulf %parallel_loop3A_450, %parallel_loop3A_382 : vector<16xf32>
        %parallel_loop3A_452 = arith.index_cast %parallel_loop3A_386 : i32 to index
        %parallel_loop3A_453 = arith.constant 96 : index
        %parallel_loop3A_454 = tpu.vector_load %arg10[%parallel_loop3A_452, %parallel_loop3A_453] {strides = array<i32>} : memref<128x128xf32, #tpu.memory_space<vmem>>, vector<1x16xf32>,
        %parallel_loop3A_455 = vector.shape_cast %parallel_loop3A_454 : vector<1x16xf32> to vector<16xf32>
        %parallel_loop3A_456 = vector.shape_cast %parallel_loop3A_451 : vector<16xf32> to vector<1x16xf32>
        tpu.vector_store %arg10[%parallel_loop3A_452, %parallel_loop3A_453], %parallel_loop3A_456 {strides = array<i32>} : memref<128x128xf32, #tpu.memory_space<vmem>>, vector<1x16xf32>,
        %parallel_loop3A_457 = arith.index_cast %parallel_loop3A_386 : i32 to index
        %parallel_loop3A_458 = arith.constant 112 : index
        %parallel_loop3A_459 = tpu.vector_load %arg8[%parallel_loop3A_457, %parallel_loop3A_458] {strides = array<i32>} : memref<128x128xf32, #tpu.memory_space<vmem>>, vector<1x16xf32>,
        %parallel_loop3A_460 = vector.shape_cast %parallel_loop3A_459 : vector<1x16xf32> to vector<16xf32>
        %parallel_loop3A_461 = arith.mulf %parallel_loop3A_460, %parallel_loop3A_382 : vector<16xf32>
        %parallel_loop3A_462 = arith.index_cast %parallel_loop3A_386 : i32 to index
        %parallel_loop3A_463 = arith.constant 112 : index
        %parallel_loop3A_464 = tpu.vector_load %arg10[%parallel_loop3A_462, %parallel_loop3A_463] {strides = array<i32>} : memref<128x128xf32, #tpu.memory_space<vmem>>, vector<1x16xf32>,
        %parallel_loop3A_465 = vector.shape_cast %parallel_loop3A_464 : vector<1x16xf32> to vector<16xf32>
        %parallel_loop3A_466 = vector.shape_cast %parallel_loop3A_461 : vector<16xf32> to vector<1x16xf32>
        tpu.vector_store %arg10[%parallel_loop3A_462, %parallel_loop3A_463], %parallel_loop3A_466 {strides = array<i32>} : memref<128x128xf32, #tpu.memory_space<vmem>>, vector<1x16xf32>,
        %parallel_loop3A_467 = vector.extract_strided_slice %parallel_loop3A_118 {offsets = [4], sizes = [1], strides = [1]} : vector<16xf32> to vector<1xf32>
        %parallel_loop3A_468 = vector.extract %parallel_loop3A_467[0] : f32 from vector<1xf32>
        %parallel_loop3A_469 = vector.broadcast %parallel_loop3A_468 : f32 to vector<16xf32>
        %parallel_loop3A_470 = arith.constant 16 : i32
        %parallel_loop3A_471 = arith.muli %parallel_loop3A_110, %parallel_loop3A_470 : i32
        %parallel_loop3A_472 = arith.constant 4 : i32
        %parallel_loop3A_473 = arith.addi %parallel_loop3A_471, %parallel_loop3A_472 : i32
        %parallel_loop3A_474 = arith.index_cast %parallel_loop3A_473 : i32 to index
        %parallel_loop3A_475 = arith.constant 0 : index
        %parallel_loop3A_476 = tpu.vector_load %arg8[%parallel_loop3A_474, %parallel_loop3A_475] {strides = array<i32>} : memref<128x128xf32, #tpu.memory_space<vmem>>, vector<1x16xf32>,
        %parallel_loop3A_477 = vector.shape_cast %parallel_loop3A_476 : vector<1x16xf32> to vector<16xf32>
        %parallel_loop3A_478 = arith.mulf %parallel_loop3A_477, %parallel_loop3A_469 : vector<16xf32>
        %parallel_loop3A_479 = arith.index_cast %parallel_loop3A_473 : i32 to index
        %parallel_loop3A_480 = arith.constant 0 : index
        %parallel_loop3A_481 = tpu.vector_load %arg10[%parallel_loop3A_479, %parallel_loop3A_480] {strides = array<i32>} : memref<128x128xf32, #tpu.memory_space<vmem>>, vector<1x16xf32>,
        %parallel_loop3A_482 = vector.shape_cast %parallel_loop3A_481 : vector<1x16xf32> to vector<16xf32>
        %parallel_loop3A_483 = vector.shape_cast %parallel_loop3A_478 : vector<16xf32> to vector<1x16xf32>
        tpu.vector_store %arg10[%parallel_loop3A_479, %parallel_loop3A_480], %parallel_loop3A_483 {strides = array<i32>} : memref<128x128xf32, #tpu.memory_space<vmem>>, vector<1x16xf32>,
        %parallel_loop3A_484 = arith.index_cast %parallel_loop3A_473 : i32 to index
        %parallel_loop3A_485 = arith.constant 16 : index
        %parallel_loop3A_486 = tpu.vector_load %arg8[%parallel_loop3A_484, %parallel_loop3A_485] {strides = array<i32>} : memref<128x128xf32, #tpu.memory_space<vmem>>, vector<1x16xf32>,
        %parallel_loop3A_487 = vector.shape_cast %parallel_loop3A_486 : vector<1x16xf32> to vector<16xf32>
        %parallel_loop3A_488 = arith.mulf %parallel_loop3A_487, %parallel_loop3A_469 : vector<16xf32>
        %parallel_loop3A_489 = arith.index_cast %parallel_loop3A_473 : i32 to index
        %parallel_loop3A_490 = arith.constant 16 : index
        %parallel_loop3A_491 = tpu.vector_load %arg10[%parallel_loop3A_489, %parallel_loop3A_490] {strides = array<i32>} : memref<128x128xf32, #tpu.memory_space<vmem>>, vector<1x16xf32>,
        %parallel_loop3A_492 = vector.shape_cast %parallel_loop3A_491 : vector<1x16xf32> to vector<16xf32>
        %parallel_loop3A_493 = vector.shape_cast %parallel_loop3A_488 : vector<16xf32> to vector<1x16xf32>
        tpu.vector_store %arg10[%parallel_loop3A_489, %parallel_loop3A_490], %parallel_loop3A_493 {strides = array<i32>} : memref<128x128xf32, #tpu.memory_space<vmem>>, vector<1x16xf32>,
        %parallel_loop3A_494 = arith.index_cast %parallel_loop3A_473 : i32 to index
        %parallel_loop3A_495 = arith.constant 32 : index
        %parallel_loop3A_496 = tpu.vector_load %arg8[%parallel_loop3A_494, %parallel_loop3A_495] {strides = array<i32>} : memref<128x128xf32, #tpu.memory_space<vmem>>, vector<1x16xf32>,
        %parallel_loop3A_497 = vector.shape_cast %parallel_loop3A_496 : vector<1x16xf32> to vector<16xf32>
        %parallel_loop3A_498 = arith.mulf %parallel_loop3A_497, %parallel_loop3A_469 : vector<16xf32>
        %parallel_loop3A_499 = arith.index_cast %parallel_loop3A_473 : i32 to index
        %parallel_loop3A_500 = arith.constant 32 : index
        %parallel_loop3A_501 = tpu.vector_load %arg10[%parallel_loop3A_499, %parallel_loop3A_500] {strides = array<i32>} : memref<128x128xf32, #tpu.memory_space<vmem>>, vector<1x16xf32>,
        %parallel_loop3A_502 = vector.shape_cast %parallel_loop3A_501 : vector<1x16xf32> to vector<16xf32>
        %parallel_loop3A_503 = vector.shape_cast %parallel_loop3A_498 : vector<16xf32> to vector<1x16xf32>
        tpu.vector_store %arg10[%parallel_loop3A_499, %parallel_loop3A_500], %parallel_loop3A_503 {strides = array<i32>} : memref<128x128xf32, #tpu.memory_space<vmem>>, vector<1x16xf32>,
        %parallel_loop3A_504 = arith.index_cast %parallel_loop3A_473 : i32 to index
        %parallel_loop3A_505 = arith.constant 48 : index
        %parallel_loop3A_506 = tpu.vector_load %arg8[%parallel_loop3A_504, %parallel_loop3A_505] {strides = array<i32>} : memref<128x128xf32, #tpu.memory_space<vmem>>, vector<1x16xf32>,
        %parallel_loop3A_507 = vector.shape_cast %parallel_loop3A_506 : vector<1x16xf32> to vector<16xf32>
        %parallel_loop3A_508 = arith.mulf %parallel_loop3A_507, %parallel_loop3A_469 : vector<16xf32>
        %parallel_loop3A_509 = arith.index_cast %parallel_loop3A_473 : i32 to index
        %parallel_loop3A_510 = arith.constant 48 : index
        %parallel_loop3A_511 = tpu.vector_load %arg10[%parallel_loop3A_509, %parallel_loop3A_510] {strides = array<i32>} : memref<128x128xf32, #tpu.memory_space<vmem>>, vector<1x16xf32>,
        %parallel_loop3A_512 = vector.shape_cast %parallel_loop3A_511 : vector<1x16xf32> to vector<16xf32>
        %parallel_loop3A_513 = vector.shape_cast %parallel_loop3A_508 : vector<16xf32> to vector<1x16xf32>
        tpu.vector_store %arg10[%parallel_loop3A_509, %parallel_loop3A_510], %parallel_loop3A_513 {strides = array<i32>} : memref<128x128xf32, #tpu.memory_space<vmem>>, vector<1x16xf32>,
        %parallel_loop3A_514 = arith.index_cast %parallel_loop3A_473 : i32 to index
        %parallel_loop3A_515 = arith.constant 64 : index
        %parallel_loop3A_516 = tpu.vector_load %arg8[%parallel_loop3A_514, %parallel_loop3A_515] {strides = array<i32>} : memref<128x128xf32, #tpu.memory_space<vmem>>, vector<1x16xf32>,
        %parallel_loop3A_517 = vector.shape_cast %parallel_loop3A_516 : vector<1x16xf32> to vector<16xf32>
        %parallel_loop3A_518 = arith.mulf %parallel_loop3A_517, %parallel_loop3A_469 : vector<16xf32>
        %parallel_loop3A_519 = arith.index_cast %parallel_loop3A_473 : i32 to index
        %parallel_loop3A_520 = arith.constant 64 : index
        %parallel_loop3A_521 = tpu.vector_load %arg10[%parallel_loop3A_519, %parallel_loop3A_520] {strides = array<i32>} : memref<128x128xf32, #tpu.memory_space<vmem>>, vector<1x16xf32>,
        %parallel_loop3A_522 = vector.shape_cast %parallel_loop3A_521 : vector<1x16xf32> to vector<16xf32>
        %parallel_loop3A_523 = vector.shape_cast %parallel_loop3A_518 : vector<16xf32> to vector<1x16xf32>
        tpu.vector_store %arg10[%parallel_loop3A_519, %parallel_loop3A_520], %parallel_loop3A_523 {strides = array<i32>} : memref<128x128xf32, #tpu.memory_space<vmem>>, vector<1x16xf32>,
        %parallel_loop3A_524 = arith.index_cast %parallel_loop3A_473 : i32 to index
        %parallel_loop3A_525 = arith.constant 80 : index
        %parallel_loop3A_526 = tpu.vector_load %arg8[%parallel_loop3A_524, %parallel_loop3A_525] {strides = array<i32>} : memref<128x128xf32, #tpu.memory_space<vmem>>, vector<1x16xf32>,
        %parallel_loop3A_527 = vector.shape_cast %parallel_loop3A_526 : vector<1x16xf32> to vector<16xf32>
        %parallel_loop3A_528 = arith.mulf %parallel_loop3A_527, %parallel_loop3A_469 : vector<16xf32>
        %parallel_loop3A_529 = arith.index_cast %parallel_loop3A_473 : i32 to index
        %parallel_loop3A_530 = arith.constant 80 : index
        %parallel_loop3A_531 = tpu.vector_load %arg10[%parallel_loop3A_529, %parallel_loop3A_530] {strides = array<i32>} : memref<128x128xf32, #tpu.memory_space<vmem>>, vector<1x16xf32>,
        %parallel_loop3A_532 = vector.shape_cast %parallel_loop3A_531 : vector<1x16xf32> to vector<16xf32>
        %parallel_loop3A_533 = vector.shape_cast %parallel_loop3A_528 : vector<16xf32> to vector<1x16xf32>
        tpu.vector_store %arg10[%parallel_loop3A_529, %parallel_loop3A_530], %parallel_loop3A_533 {strides = array<i32>} : memref<128x128xf32, #tpu.memory_space<vmem>>, vector<1x16xf32>,
        %parallel_loop3A_534 = arith.index_cast %parallel_loop3A_473 : i32 to index
        %parallel_loop3A_535 = arith.constant 96 : index
        %parallel_loop3A_536 = tpu.vector_load %arg8[%parallel_loop3A_534, %parallel_loop3A_535] {strides = array<i32>} : memref<128x128xf32, #tpu.memory_space<vmem>>, vector<1x16xf32>,
        %parallel_loop3A_537 = vector.shape_cast %parallel_loop3A_536 : vector<1x16xf32> to vector<16xf32>
        %parallel_loop3A_538 = arith.mulf %parallel_loop3A_537, %parallel_loop3A_469 : vector<16xf32>
        %parallel_loop3A_539 = arith.index_cast %parallel_loop3A_473 : i32 to index
        %parallel_loop3A_540 = arith.constant 96 : index
        %parallel_loop3A_541 = tpu.vector_load %arg10[%parallel_loop3A_539, %parallel_loop3A_540] {strides = array<i32>} : memref<128x128xf32, #tpu.memory_space<vmem>>, vector<1x16xf32>,
        %parallel_loop3A_542 = vector.shape_cast %parallel_loop3A_541 : vector<1x16xf32> to vector<16xf32>
        %parallel_loop3A_543 = vector.shape_cast %parallel_loop3A_538 : vector<16xf32> to vector<1x16xf32>
        tpu.vector_store %arg10[%parallel_loop3A_539, %parallel_loop3A_540], %parallel_loop3A_543 {strides = array<i32>} : memref<128x128xf32, #tpu.memory_space<vmem>>, vector<1x16xf32>,
        %parallel_loop3A_544 = arith.index_cast %parallel_loop3A_473 : i32 to index
        %parallel_loop3A_545 = arith.constant 112 : index
        %parallel_loop3A_546 = tpu.vector_load %arg8[%parallel_loop3A_544, %parallel_loop3A_545] {strides = array<i32>} : memref<128x128xf32, #tpu.memory_space<vmem>>, vector<1x16xf32>,
        %parallel_loop3A_547 = vector.shape_cast %parallel_loop3A_546 : vector<1x16xf32> to vector<16xf32>
        %parallel_loop3A_548 = arith.mulf %parallel_loop3A_547, %parallel_loop3A_469 : vector<16xf32>
        %parallel_loop3A_549 = arith.index_cast %parallel_loop3A_473 : i32 to index
        %parallel_loop3A_550 = arith.constant 112 : index
        %parallel_loop3A_551 = tpu.vector_load %arg10[%parallel_loop3A_549, %parallel_loop3A_550] {strides = array<i32>} : memref<128x128xf32, #tpu.memory_space<vmem>>, vector<1x16xf32>,
        %parallel_loop3A_552 = vector.shape_cast %parallel_loop3A_551 : vector<1x16xf32> to vector<16xf32>
        %parallel_loop3A_553 = vector.shape_cast %parallel_loop3A_548 : vector<16xf32> to vector<1x16xf32>
        tpu.vector_store %arg10[%parallel_loop3A_549, %parallel_loop3A_550], %parallel_loop3A_553 {strides = array<i32>} : memref<128x128xf32, #tpu.memory_space<vmem>>, vector<1x16xf32>,
        %parallel_loop3A_554 = vector.extract_strided_slice %parallel_loop3A_118 {offsets = [5], sizes = [1], strides = [1]} : vector<16xf32> to vector<1xf32>
        %parallel_loop3A_555 = vector.extract %parallel_loop3A_554[0] : f32 from vector<1xf32>
        %parallel_loop3A_556 = vector.broadcast %parallel_loop3A_555 : f32 to vector<16xf32>
        %parallel_loop3A_557 = arith.constant 16 : i32
        %parallel_loop3A_558 = arith.muli %parallel_loop3A_110, %parallel_loop3A_557 : i32
        %parallel_loop3A_559 = arith.constant 5 : i32
        %parallel_loop3A_560 = arith.addi %parallel_loop3A_558, %parallel_loop3A_559 : i32
        %parallel_loop3A_561 = arith.index_cast %parallel_loop3A_560 : i32 to index
        %parallel_loop3A_562 = arith.constant 0 : index
        %parallel_loop3A_563 = tpu.vector_load %arg8[%parallel_loop3A_561, %parallel_loop3A_562] {strides = array<i32>} : memref<128x128xf32, #tpu.memory_space<vmem>>, vector<1x16xf32>,
        %parallel_loop3A_564 = vector.shape_cast %parallel_loop3A_563 : vector<1x16xf32> to vector<16xf32>
        %parallel_loop3A_565 = arith.mulf %parallel_loop3A_564, %parallel_loop3A_556 : vector<16xf32>
        %parallel_loop3A_566 = arith.index_cast %parallel_loop3A_560 : i32 to index
        %parallel_loop3A_567 = arith.constant 0 : index
        %parallel_loop3A_568 = tpu.vector_load %arg10[%parallel_loop3A_566, %parallel_loop3A_567] {strides = array<i32>} : memref<128x128xf32, #tpu.memory_space<vmem>>, vector<1x16xf32>,
        %parallel_loop3A_569 = vector.shape_cast %parallel_loop3A_568 : vector<1x16xf32> to vector<16xf32>
        %parallel_loop3A_570 = vector.shape_cast %parallel_loop3A_565 : vector<16xf32> to vector<1x16xf32>
        tpu.vector_store %arg10[%parallel_loop3A_566, %parallel_loop3A_567], %parallel_loop3A_570 {strides = array<i32>} : memref<128x128xf32, #tpu.memory_space<vmem>>, vector<1x16xf32>,
        %parallel_loop3A_571 = arith.index_cast %parallel_loop3A_560 : i32 to index
        %parallel_loop3A_572 = arith.constant 16 : index
        %parallel_loop3A_573 = tpu.vector_load %arg8[%parallel_loop3A_571, %parallel_loop3A_572] {strides = array<i32>} : memref<128x128xf32, #tpu.memory_space<vmem>>, vector<1x16xf32>,
        %parallel_loop3A_574 = vector.shape_cast %parallel_loop3A_573 : vector<1x16xf32> to vector<16xf32>
        %parallel_loop3A_575 = arith.mulf %parallel_loop3A_574, %parallel_loop3A_556 : vector<16xf32>
        %parallel_loop3A_576 = arith.index_cast %parallel_loop3A_560 : i32 to index
        %parallel_loop3A_577 = arith.constant 16 : index
        %parallel_loop3A_578 = tpu.vector_load %arg10[%parallel_loop3A_576, %parallel_loop3A_577] {strides = array<i32>} : memref<128x128xf32, #tpu.memory_space<vmem>>, vector<1x16xf32>,
        %parallel_loop3A_579 = vector.shape_cast %parallel_loop3A_578 : vector<1x16xf32> to vector<16xf32>
        %parallel_loop3A_580 = vector.shape_cast %parallel_loop3A_575 : vector<16xf32> to vector<1x16xf32>
        tpu.vector_store %arg10[%parallel_loop3A_576, %parallel_loop3A_577], %parallel_loop3A_580 {strides = array<i32>} : memref<128x128xf32, #tpu.memory_space<vmem>>, vector<1x16xf32>,
        %parallel_loop3A_581 = arith.index_cast %parallel_loop3A_560 : i32 to index
        %parallel_loop3A_582 = arith.constant 32 : index
        %parallel_loop3A_583 = tpu.vector_load %arg8[%parallel_loop3A_581, %parallel_loop3A_582] {strides = array<i32>} : memref<128x128xf32, #tpu.memory_space<vmem>>, vector<1x16xf32>,
        %parallel_loop3A_584 = vector.shape_cast %parallel_loop3A_583 : vector<1x16xf32> to vector<16xf32>
        %parallel_loop3A_585 = arith.mulf %parallel_loop3A_584, %parallel_loop3A_556 : vector<16xf32>
        %parallel_loop3A_586 = arith.index_cast %parallel_loop3A_560 : i32 to index
        %parallel_loop3A_587 = arith.constant 32 : index
        %parallel_loop3A_588 = tpu.vector_load %arg10[%parallel_loop3A_586, %parallel_loop3A_587] {strides = array<i32>} : memref<128x128xf32, #tpu.memory_space<vmem>>, vector<1x16xf32>,
        %parallel_loop3A_589 = vector.shape_cast %parallel_loop3A_588 : vector<1x16xf32> to vector<16xf32>
        %parallel_loop3A_590 = vector.shape_cast %parallel_loop3A_585 : vector<16xf32> to vector<1x16xf32>
        tpu.vector_store %arg10[%parallel_loop3A_586, %parallel_loop3A_587], %parallel_loop3A_590 {strides = array<i32>} : memref<128x128xf32, #tpu.memory_space<vmem>>, vector<1x16xf32>,
        %parallel_loop3A_591 = arith.index_cast %parallel_loop3A_560 : i32 to index
        %parallel_loop3A_592 = arith.constant 48 : index
        %parallel_loop3A_593 = tpu.vector_load %arg8[%parallel_loop3A_591, %parallel_loop3A_592] {strides = array<i32>} : memref<128x128xf32, #tpu.memory_space<vmem>>, vector<1x16xf32>,
        %parallel_loop3A_594 = vector.shape_cast %parallel_loop3A_593 : vector<1x16xf32> to vector<16xf32>
        %parallel_loop3A_595 = arith.mulf %parallel_loop3A_594, %parallel_loop3A_556 : vector<16xf32>
        %parallel_loop3A_596 = arith.index_cast %parallel_loop3A_560 : i32 to index
        %parallel_loop3A_597 = arith.constant 48 : index
        %parallel_loop3A_598 = tpu.vector_load %arg10[%parallel_loop3A_596, %parallel_loop3A_597] {strides = array<i32>} : memref<128x128xf32, #tpu.memory_space<vmem>>, vector<1x16xf32>,
        %parallel_loop3A_599 = vector.shape_cast %parallel_loop3A_598 : vector<1x16xf32> to vector<16xf32>
        %parallel_loop3A_600 = vector.shape_cast %parallel_loop3A_595 : vector<16xf32> to vector<1x16xf32>
        tpu.vector_store %arg10[%parallel_loop3A_596, %parallel_loop3A_597], %parallel_loop3A_600 {strides = array<i32>} : memref<128x128xf32, #tpu.memory_space<vmem>>, vector<1x16xf32>,
        %parallel_loop3A_601 = arith.index_cast %parallel_loop3A_560 : i32 to index
        %parallel_loop3A_602 = arith.constant 64 : index
        %parallel_loop3A_603 = tpu.vector_load %arg8[%parallel_loop3A_601, %parallel_loop3A_602] {strides = array<i32>} : memref<128x128xf32, #tpu.memory_space<vmem>>, vector<1x16xf32>,
        %parallel_loop3A_604 = vector.shape_cast %parallel_loop3A_603 : vector<1x16xf32> to vector<16xf32>
        %parallel_loop3A_605 = arith.mulf %parallel_loop3A_604, %parallel_loop3A_556 : vector<16xf32>
        %parallel_loop3A_606 = arith.index_cast %parallel_loop3A_560 : i32 to index
        %parallel_loop3A_607 = arith.constant 64 : index
        %parallel_loop3A_608 = tpu.vector_load %arg10[%parallel_loop3A_606, %parallel_loop3A_607] {strides = array<i32>} : memref<128x128xf32, #tpu.memory_space<vmem>>, vector<1x16xf32>,
        %parallel_loop3A_609 = vector.shape_cast %parallel_loop3A_608 : vector<1x16xf32> to vector<16xf32>
        %parallel_loop3A_610 = vector.shape_cast %parallel_loop3A_605 : vector<16xf32> to vector<1x16xf32>
        tpu.vector_store %arg10[%parallel_loop3A_606, %parallel_loop3A_607], %parallel_loop3A_610 {strides = array<i32>} : memref<128x128xf32, #tpu.memory_space<vmem>>, vector<1x16xf32>,
        %parallel_loop3A_611 = arith.index_cast %parallel_loop3A_560 : i32 to index
        %parallel_loop3A_612 = arith.constant 80 : index
        %parallel_loop3A_613 = tpu.vector_load %arg8[%parallel_loop3A_611, %parallel_loop3A_612] {strides = array<i32>} : memref<128x128xf32, #tpu.memory_space<vmem>>, vector<1x16xf32>,
        %parallel_loop3A_614 = vector.shape_cast %parallel_loop3A_613 : vector<1x16xf32> to vector<16xf32>
        %parallel_loop3A_615 = arith.mulf %parallel_loop3A_614, %parallel_loop3A_556 : vector<16xf32>
        %parallel_loop3A_616 = arith.index_cast %parallel_loop3A_560 : i32 to index
        %parallel_loop3A_617 = arith.constant 80 : index
        %parallel_loop3A_618 = tpu.vector_load %arg10[%parallel_loop3A_616, %parallel_loop3A_617] {strides = array<i32>} : memref<128x128xf32, #tpu.memory_space<vmem>>, vector<1x16xf32>,
        %parallel_loop3A_619 = vector.shape_cast %parallel_loop3A_618 : vector<1x16xf32> to vector<16xf32>
        %parallel_loop3A_620 = vector.shape_cast %parallel_loop3A_615 : vector<16xf32> to vector<1x16xf32>
        tpu.vector_store %arg10[%parallel_loop3A_616, %parallel_loop3A_617], %parallel_loop3A_620 {strides = array<i32>} : memref<128x128xf32, #tpu.memory_space<vmem>>, vector<1x16xf32>,
        %parallel_loop3A_621 = arith.index_cast %parallel_loop3A_560 : i32 to index
        %parallel_loop3A_622 = arith.constant 96 : index
        %parallel_loop3A_623 = tpu.vector_load %arg8[%parallel_loop3A_621, %parallel_loop3A_622] {strides = array<i32>} : memref<128x128xf32, #tpu.memory_space<vmem>>, vector<1x16xf32>,
        %parallel_loop3A_624 = vector.shape_cast %parallel_loop3A_623 : vector<1x16xf32> to vector<16xf32>
        %parallel_loop3A_625 = arith.mulf %parallel_loop3A_624, %parallel_loop3A_556 : vector<16xf32>
        %parallel_loop3A_626 = arith.index_cast %parallel_loop3A_560 : i32 to index
        %parallel_loop3A_627 = arith.constant 96 : index
        %parallel_loop3A_628 = tpu.vector_load %arg10[%parallel_loop3A_626, %parallel_loop3A_627] {strides = array<i32>} : memref<128x128xf32, #tpu.memory_space<vmem>>, vector<1x16xf32>,
        %parallel_loop3A_629 = vector.shape_cast %parallel_loop3A_628 : vector<1x16xf32> to vector<16xf32>
        %parallel_loop3A_630 = vector.shape_cast %parallel_loop3A_625 : vector<16xf32> to vector<1x16xf32>
        tpu.vector_store %arg10[%parallel_loop3A_626, %parallel_loop3A_627], %parallel_loop3A_630 {strides = array<i32>} : memref<128x128xf32, #tpu.memory_space<vmem>>, vector<1x16xf32>,
        %parallel_loop3A_631 = arith.index_cast %parallel_loop3A_560 : i32 to index
        %parallel_loop3A_632 = arith.constant 112 : index
        %parallel_loop3A_633 = tpu.vector_load %arg8[%parallel_loop3A_631, %parallel_loop3A_632] {strides = array<i32>} : memref<128x128xf32, #tpu.memory_space<vmem>>, vector<1x16xf32>,
        %parallel_loop3A_634 = vector.shape_cast %parallel_loop3A_633 : vector<1x16xf32> to vector<16xf32>
        %parallel_loop3A_635 = arith.mulf %parallel_loop3A_634, %parallel_loop3A_556 : vector<16xf32>
        %parallel_loop3A_636 = arith.index_cast %parallel_loop3A_560 : i32 to index
        %parallel_loop3A_637 = arith.constant 112 : index
        %parallel_loop3A_638 = tpu.vector_load %arg10[%parallel_loop3A_636, %parallel_loop3A_637] {strides = array<i32>} : memref<128x128xf32, #tpu.memory_space<vmem>>, vector<1x16xf32>,
        %parallel_loop3A_639 = vector.shape_cast %parallel_loop3A_638 : vector<1x16xf32> to vector<16xf32>
        %parallel_loop3A_640 = vector.shape_cast %parallel_loop3A_635 : vector<16xf32> to vector<1x16xf32>
        tpu.vector_store %arg10[%parallel_loop3A_636, %parallel_loop3A_637], %parallel_loop3A_640 {strides = array<i32>} : memref<128x128xf32, #tpu.memory_space<vmem>>, vector<1x16xf32>,
        %parallel_loop3A_641 = vector.extract_strided_slice %parallel_loop3A_118 {offsets = [6], sizes = [1], strides = [1]} : vector<16xf32> to vector<1xf32>
        %parallel_loop3A_642 = vector.extract %parallel_loop3A_641[0] : f32 from vector<1xf32>
        %parallel_loop3A_643 = vector.broadcast %parallel_loop3A_642 : f32 to vector<16xf32>
        %parallel_loop3A_644 = arith.constant 16 : i32
        %parallel_loop3A_645 = arith.muli %parallel_loop3A_110, %parallel_loop3A_644 : i32
        %parallel_loop3A_646 = arith.constant 6 : i32
        %parallel_loop3A_647 = arith.addi %parallel_loop3A_645, %parallel_loop3A_646 : i32
        %parallel_loop3A_648 = arith.index_cast %parallel_loop3A_647 : i32 to index
        %parallel_loop3A_649 = arith.constant 0 : index
        %parallel_loop3A_650 = tpu.vector_load %arg8[%parallel_loop3A_648, %parallel_loop3A_649] {strides = array<i32>} : memref<128x128xf32, #tpu.memory_space<vmem>>, vector<1x16xf32>,
        %parallel_loop3A_651 = vector.shape_cast %parallel_loop3A_650 : vector<1x16xf32> to vector<16xf32>
        %parallel_loop3A_652 = arith.mulf %parallel_loop3A_651, %parallel_loop3A_643 : vector<16xf32>
        %parallel_loop3A_653 = arith.index_cast %parallel_loop3A_647 : i32 to index
        %parallel_loop3A_654 = arith.constant 0 : index
        %parallel_loop3A_655 = tpu.vector_load %arg10[%parallel_loop3A_653, %parallel_loop3A_654] {strides = array<i32>} : memref<128x128xf32, #tpu.memory_space<vmem>>, vector<1x16xf32>,
        %parallel_loop3A_656 = vector.shape_cast %parallel_loop3A_655 : vector<1x16xf32> to vector<16xf32>
        %parallel_loop3A_657 = vector.shape_cast %parallel_loop3A_652 : vector<16xf32> to vector<1x16xf32>
        tpu.vector_store %arg10[%parallel_loop3A_653, %parallel_loop3A_654], %parallel_loop3A_657 {strides = array<i32>} : memref<128x128xf32, #tpu.memory_space<vmem>>, vector<1x16xf32>,
        %parallel_loop3A_658 = arith.index_cast %parallel_loop3A_647 : i32 to index
        %parallel_loop3A_659 = arith.constant 16 : index
        %parallel_loop3A_660 = tpu.vector_load %arg8[%parallel_loop3A_658, %parallel_loop3A_659] {strides = array<i32>} : memref<128x128xf32, #tpu.memory_space<vmem>>, vector<1x16xf32>,
        %parallel_loop3A_661 = vector.shape_cast %parallel_loop3A_660 : vector<1x16xf32> to vector<16xf32>
        %parallel_loop3A_662 = arith.mulf %parallel_loop3A_661, %parallel_loop3A_643 : vector<16xf32>
        %parallel_loop3A_663 = arith.index_cast %parallel_loop3A_647 : i32 to index
        %parallel_loop3A_664 = arith.constant 16 : index
        %parallel_loop3A_665 = tpu.vector_load %arg10[%parallel_loop3A_663, %parallel_loop3A_664] {strides = array<i32>} : memref<128x128xf32, #tpu.memory_space<vmem>>, vector<1x16xf32>,
        %parallel_loop3A_666 = vector.shape_cast %parallel_loop3A_665 : vector<1x16xf32> to vector<16xf32>
        %parallel_loop3A_667 = vector.shape_cast %parallel_loop3A_662 : vector<16xf32> to vector<1x16xf32>
        tpu.vector_store %arg10[%parallel_loop3A_663, %parallel_loop3A_664], %parallel_loop3A_667 {strides = array<i32>} : memref<128x128xf32, #tpu.memory_space<vmem>>, vector<1x16xf32>,
        %parallel_loop3A_668 = arith.index_cast %parallel_loop3A_647 : i32 to index
        %parallel_loop3A_669 = arith.constant 32 : index
        %parallel_loop3A_670 = tpu.vector_load %arg8[%parallel_loop3A_668, %parallel_loop3A_669] {strides = array<i32>} : memref<128x128xf32, #tpu.memory_space<vmem>>, vector<1x16xf32>,
        %parallel_loop3A_671 = vector.shape_cast %parallel_loop3A_670 : vector<1x16xf32> to vector<16xf32>
        %parallel_loop3A_672 = arith.mulf %parallel_loop3A_671, %parallel_loop3A_643 : vector<16xf32>
        %parallel_loop3A_673 = arith.index_cast %parallel_loop3A_647 : i32 to index
        %parallel_loop3A_674 = arith.constant 32 : index
        %parallel_loop3A_675 = tpu.vector_load %arg10[%parallel_loop3A_673, %parallel_loop3A_674] {strides = array<i32>} : memref<128x128xf32, #tpu.memory_space<vmem>>, vector<1x16xf32>,
        %parallel_loop3A_676 = vector.shape_cast %parallel_loop3A_675 : vector<1x16xf32> to vector<16xf32>
        %parallel_loop3A_677 = vector.shape_cast %parallel_loop3A_672 : vector<16xf32> to vector<1x16xf32>
        tpu.vector_store %arg10[%parallel_loop3A_673, %parallel_loop3A_674], %parallel_loop3A_677 {strides = array<i32>} : memref<128x128xf32, #tpu.memory_space<vmem>>, vector<1x16xf32>,
        %parallel_loop3A_678 = arith.index_cast %parallel_loop3A_647 : i32 to index
        %parallel_loop3A_679 = arith.constant 48 : index
        %parallel_loop3A_680 = tpu.vector_load %arg8[%parallel_loop3A_678, %parallel_loop3A_679] {strides = array<i32>} : memref<128x128xf32, #tpu.memory_space<vmem>>, vector<1x16xf32>,
        %parallel_loop3A_681 = vector.shape_cast %parallel_loop3A_680 : vector<1x16xf32> to vector<16xf32>
        %parallel_loop3A_682 = arith.mulf %parallel_loop3A_681, %parallel_loop3A_643 : vector<16xf32>
        %parallel_loop3A_683 = arith.index_cast %parallel_loop3A_647 : i32 to index
        %parallel_loop3A_684 = arith.constant 48 : index
        %parallel_loop3A_685 = tpu.vector_load %arg10[%parallel_loop3A_683, %parallel_loop3A_684] {strides = array<i32>} : memref<128x128xf32, #tpu.memory_space<vmem>>, vector<1x16xf32>,
        %parallel_loop3A_686 = vector.shape_cast %parallel_loop3A_685 : vector<1x16xf32> to vector<16xf32>
        %parallel_loop3A_687 = vector.shape_cast %parallel_loop3A_682 : vector<16xf32> to vector<1x16xf32>
        tpu.vector_store %arg10[%parallel_loop3A_683, %parallel_loop3A_684], %parallel_loop3A_687 {strides = array<i32>} : memref<128x128xf32, #tpu.memory_space<vmem>>, vector<1x16xf32>,
        %parallel_loop3A_688 = arith.index_cast %parallel_loop3A_647 : i32 to index
        %parallel_loop3A_689 = arith.constant 64 : index
        %parallel_loop3A_690 = tpu.vector_load %arg8[%parallel_loop3A_688, %parallel_loop3A_689] {strides = array<i32>} : memref<128x128xf32, #tpu.memory_space<vmem>>, vector<1x16xf32>,
        %parallel_loop3A_691 = vector.shape_cast %parallel_loop3A_690 : vector<1x16xf32> to vector<16xf32>
        %parallel_loop3A_692 = arith.mulf %parallel_loop3A_691, %parallel_loop3A_643 : vector<16xf32>
        %parallel_loop3A_693 = arith.index_cast %parallel_loop3A_647 : i32 to index
        %parallel_loop3A_694 = arith.constant 64 : index
        %parallel_loop3A_695 = tpu.vector_load %arg10[%parallel_loop3A_693, %parallel_loop3A_694] {strides = array<i32>} : memref<128x128xf32, #tpu.memory_space<vmem>>, vector<1x16xf32>,
        %parallel_loop3A_696 = vector.shape_cast %parallel_loop3A_695 : vector<1x16xf32> to vector<16xf32>
        %parallel_loop3A_697 = vector.shape_cast %parallel_loop3A_692 : vector<16xf32> to vector<1x16xf32>
        tpu.vector_store %arg10[%parallel_loop3A_693, %parallel_loop3A_694], %parallel_loop3A_697 {strides = array<i32>} : memref<128x128xf32, #tpu.memory_space<vmem>>, vector<1x16xf32>,
        %parallel_loop3A_698 = arith.index_cast %parallel_loop3A_647 : i32 to index
        %parallel_loop3A_699 = arith.constant 80 : index
        %parallel_loop3A_700 = tpu.vector_load %arg8[%parallel_loop3A_698, %parallel_loop3A_699] {strides = array<i32>} : memref<128x128xf32, #tpu.memory_space<vmem>>, vector<1x16xf32>,
        %parallel_loop3A_701 = vector.shape_cast %parallel_loop3A_700 : vector<1x16xf32> to vector<16xf32>
        %parallel_loop3A_702 = arith.mulf %parallel_loop3A_701, %parallel_loop3A_643 : vector<16xf32>
        %parallel_loop3A_703 = arith.index_cast %parallel_loop3A_647 : i32 to index
        %parallel_loop3A_704 = arith.constant 80 : index
        %parallel_loop3A_705 = tpu.vector_load %arg10[%parallel_loop3A_703, %parallel_loop3A_704] {strides = array<i32>} : memref<128x128xf32, #tpu.memory_space<vmem>>, vector<1x16xf32>,
        %parallel_loop3A_706 = vector.shape_cast %parallel_loop3A_705 : vector<1x16xf32> to vector<16xf32>
        %parallel_loop3A_707 = vector.shape_cast %parallel_loop3A_702 : vector<16xf32> to vector<1x16xf32>
        tpu.vector_store %arg10[%parallel_loop3A_703, %parallel_loop3A_704], %parallel_loop3A_707 {strides = array<i32>} : memref<128x128xf32, #tpu.memory_space<vmem>>, vector<1x16xf32>,
        %parallel_loop3A_708 = arith.index_cast %parallel_loop3A_647 : i32 to index
        %parallel_loop3A_709 = arith.constant 96 : index
        %parallel_loop3A_710 = tpu.vector_load %arg8[%parallel_loop3A_708, %parallel_loop3A_709] {strides = array<i32>} : memref<128x128xf32, #tpu.memory_space<vmem>>, vector<1x16xf32>,
        %parallel_loop3A_711 = vector.shape_cast %parallel_loop3A_710 : vector<1x16xf32> to vector<16xf32>
        %parallel_loop3A_712 = arith.mulf %parallel_loop3A_711, %parallel_loop3A_643 : vector<16xf32>
        %parallel_loop3A_713 = arith.index_cast %parallel_loop3A_647 : i32 to index
        %parallel_loop3A_714 = arith.constant 96 : index
        %parallel_loop3A_715 = tpu.vector_load %arg10[%parallel_loop3A_713, %parallel_loop3A_714] {strides = array<i32>} : memref<128x128xf32, #tpu.memory_space<vmem>>, vector<1x16xf32>,
        %parallel_loop3A_716 = vector.shape_cast %parallel_loop3A_715 : vector<1x16xf32> to vector<16xf32>
        %parallel_loop3A_717 = vector.shape_cast %parallel_loop3A_712 : vector<16xf32> to vector<1x16xf32>
        tpu.vector_store %arg10[%parallel_loop3A_713, %parallel_loop3A_714], %parallel_loop3A_717 {strides = array<i32>} : memref<128x128xf32, #tpu.memory_space<vmem>>, vector<1x16xf32>,
        %parallel_loop3A_718 = arith.index_cast %parallel_loop3A_647 : i32 to index
        %parallel_loop3A_719 = arith.constant 112 : index
        %parallel_loop3A_720 = tpu.vector_load %arg8[%parallel_loop3A_718, %parallel_loop3A_719] {strides = array<i32>} : memref<128x128xf32, #tpu.memory_space<vmem>>, vector<1x16xf32>,
        %parallel_loop3A_721 = vector.shape_cast %parallel_loop3A_720 : vector<1x16xf32> to vector<16xf32>
        %parallel_loop3A_722 = arith.mulf %parallel_loop3A_721, %parallel_loop3A_643 : vector<16xf32>
        %parallel_loop3A_723 = arith.index_cast %parallel_loop3A_647 : i32 to index
        %parallel_loop3A_724 = arith.constant 112 : index
        %parallel_loop3A_725 = tpu.vector_load %arg10[%parallel_loop3A_723, %parallel_loop3A_724] {strides = array<i32>} : memref<128x128xf32, #tpu.memory_space<vmem>>, vector<1x16xf32>,
        %parallel_loop3A_726 = vector.shape_cast %parallel_loop3A_725 : vector<1x16xf32> to vector<16xf32>
        %parallel_loop3A_727 = vector.shape_cast %parallel_loop3A_722 : vector<16xf32> to vector<1x16xf32>
        tpu.vector_store %arg10[%parallel_loop3A_723, %parallel_loop3A_724], %parallel_loop3A_727 {strides = array<i32>} : memref<128x128xf32, #tpu.memory_space<vmem>>, vector<1x16xf32>,
        %parallel_loop3A_728 = vector.extract_strided_slice %parallel_loop3A_118 {offsets = [7], sizes = [1], strides = [1]} : vector<16xf32> to vector<1xf32>
        %parallel_loop3A_729 = vector.extract %parallel_loop3A_728[0] : f32 from vector<1xf32>
        %parallel_loop3A_730 = vector.broadcast %parallel_loop3A_729 : f32 to vector<16xf32>
        %parallel_loop3A_731 = arith.constant 16 : i32
        %parallel_loop3A_732 = arith.muli %parallel_loop3A_110, %parallel_loop3A_731 : i32
        %parallel_loop3A_733 = arith.constant 7 : i32
        %parallel_loop3A_734 = arith.addi %parallel_loop3A_732, %parallel_loop3A_733 : i32
        %parallel_loop3A_735 = arith.index_cast %parallel_loop3A_734 : i32 to index
        %parallel_loop3A_736 = arith.constant 0 : index
        %parallel_loop3A_737 = tpu.vector_load %arg8[%parallel_loop3A_735, %parallel_loop3A_736] {strides = array<i32>} : memref<128x128xf32, #tpu.memory_space<vmem>>, vector<1x16xf32>,
        %parallel_loop3A_738 = vector.shape_cast %parallel_loop3A_737 : vector<1x16xf32> to vector<16xf32>
        %parallel_loop3A_739 = arith.mulf %parallel_loop3A_738, %parallel_loop3A_730 : vector<16xf32>
        %parallel_loop3A_740 = arith.index_cast %parallel_loop3A_734 : i32 to index
        %parallel_loop3A_741 = arith.constant 0 : index
        %parallel_loop3A_742 = tpu.vector_load %arg10[%parallel_loop3A_740, %parallel_loop3A_741] {strides = array<i32>} : memref<128x128xf32, #tpu.memory_space<vmem>>, vector<1x16xf32>,
        %parallel_loop3A_743 = vector.shape_cast %parallel_loop3A_742 : vector<1x16xf32> to vector<16xf32>
        %parallel_loop3A_744 = vector.shape_cast %parallel_loop3A_739 : vector<16xf32> to vector<1x16xf32>
        tpu.vector_store %arg10[%parallel_loop3A_740, %parallel_loop3A_741], %parallel_loop3A_744 {strides = array<i32>} : memref<128x128xf32, #tpu.memory_space<vmem>>, vector<1x16xf32>,
        %parallel_loop3A_745 = arith.index_cast %parallel_loop3A_734 : i32 to index
        %parallel_loop3A_746 = arith.constant 16 : index
        %parallel_loop3A_747 = tpu.vector_load %arg8[%parallel_loop3A_745, %parallel_loop3A_746] {strides = array<i32>} : memref<128x128xf32, #tpu.memory_space<vmem>>, vector<1x16xf32>,
        %parallel_loop3A_748 = vector.shape_cast %parallel_loop3A_747 : vector<1x16xf32> to vector<16xf32>
        %parallel_loop3A_749 = arith.mulf %parallel_loop3A_748, %parallel_loop3A_730 : vector<16xf32>
        %parallel_loop3A_750 = arith.index_cast %parallel_loop3A_734 : i32 to index
        %parallel_loop3A_751 = arith.constant 16 : index
        %parallel_loop3A_752 = tpu.vector_load %arg10[%parallel_loop3A_750, %parallel_loop3A_751] {strides = array<i32>} : memref<128x128xf32, #tpu.memory_space<vmem>>, vector<1x16xf32>,
        %parallel_loop3A_753 = vector.shape_cast %parallel_loop3A_752 : vector<1x16xf32> to vector<16xf32>
        %parallel_loop3A_754 = vector.shape_cast %parallel_loop3A_749 : vector<16xf32> to vector<1x16xf32>
        tpu.vector_store %arg10[%parallel_loop3A_750, %parallel_loop3A_751], %parallel_loop3A_754 {strides = array<i32>} : memref<128x128xf32, #tpu.memory_space<vmem>>, vector<1x16xf32>,
        %parallel_loop3A_755 = arith.index_cast %parallel_loop3A_734 : i32 to index
        %parallel_loop3A_756 = arith.constant 32 : index
        %parallel_loop3A_757 = tpu.vector_load %arg8[%parallel_loop3A_755, %parallel_loop3A_756] {strides = array<i32>} : memref<128x128xf32, #tpu.memory_space<vmem>>, vector<1x16xf32>,
        %parallel_loop3A_758 = vector.shape_cast %parallel_loop3A_757 : vector<1x16xf32> to vector<16xf32>
        %parallel_loop3A_759 = arith.mulf %parallel_loop3A_758, %parallel_loop3A_730 : vector<16xf32>
        %parallel_loop3A_760 = arith.index_cast %parallel_loop3A_734 : i32 to index
        %parallel_loop3A_761 = arith.constant 32 : index
        %parallel_loop3A_762 = tpu.vector_load %arg10[%parallel_loop3A_760, %parallel_loop3A_761] {strides = array<i32>} : memref<128x128xf32, #tpu.memory_space<vmem>>, vector<1x16xf32>,
        %parallel_loop3A_763 = vector.shape_cast %parallel_loop3A_762 : vector<1x16xf32> to vector<16xf32>
        %parallel_loop3A_764 = vector.shape_cast %parallel_loop3A_759 : vector<16xf32> to vector<1x16xf32>
        tpu.vector_store %arg10[%parallel_loop3A_760, %parallel_loop3A_761], %parallel_loop3A_764 {strides = array<i32>} : memref<128x128xf32, #tpu.memory_space<vmem>>, vector<1x16xf32>,
        %parallel_loop3A_765 = arith.index_cast %parallel_loop3A_734 : i32 to index
        %parallel_loop3A_766 = arith.constant 48 : index
        %parallel_loop3A_767 = tpu.vector_load %arg8[%parallel_loop3A_765, %parallel_loop3A_766] {strides = array<i32>} : memref<128x128xf32, #tpu.memory_space<vmem>>, vector<1x16xf32>,
        %parallel_loop3A_768 = vector.shape_cast %parallel_loop3A_767 : vector<1x16xf32> to vector<16xf32>
        %parallel_loop3A_769 = arith.mulf %parallel_loop3A_768, %parallel_loop3A_730 : vector<16xf32>
        %parallel_loop3A_770 = arith.index_cast %parallel_loop3A_734 : i32 to index
        %parallel_loop3A_771 = arith.constant 48 : index
        %parallel_loop3A_772 = tpu.vector_load %arg10[%parallel_loop3A_770, %parallel_loop3A_771] {strides = array<i32>} : memref<128x128xf32, #tpu.memory_space<vmem>>, vector<1x16xf32>,
        %parallel_loop3A_773 = vector.shape_cast %parallel_loop3A_772 : vector<1x16xf32> to vector<16xf32>
        %parallel_loop3A_774 = vector.shape_cast %parallel_loop3A_769 : vector<16xf32> to vector<1x16xf32>
        tpu.vector_store %arg10[%parallel_loop3A_770, %parallel_loop3A_771], %parallel_loop3A_774 {strides = array<i32>} : memref<128x128xf32, #tpu.memory_space<vmem>>, vector<1x16xf32>,
        %parallel_loop3A_775 = arith.index_cast %parallel_loop3A_734 : i32 to index
        %parallel_loop3A_776 = arith.constant 64 : index
        %parallel_loop3A_777 = tpu.vector_load %arg8[%parallel_loop3A_775, %parallel_loop3A_776] {strides = array<i32>} : memref<128x128xf32, #tpu.memory_space<vmem>>, vector<1x16xf32>,
        %parallel_loop3A_778 = vector.shape_cast %parallel_loop3A_777 : vector<1x16xf32> to vector<16xf32>
        %parallel_loop3A_779 = arith.mulf %parallel_loop3A_778, %parallel_loop3A_730 : vector<16xf32>
        %parallel_loop3A_780 = arith.index_cast %parallel_loop3A_734 : i32 to index
        %parallel_loop3A_781 = arith.constant 64 : index
        %parallel_loop3A_782 = tpu.vector_load %arg10[%parallel_loop3A_780, %parallel_loop3A_781] {strides = array<i32>} : memref<128x128xf32, #tpu.memory_space<vmem>>, vector<1x16xf32>,
        %parallel_loop3A_783 = vector.shape_cast %parallel_loop3A_782 : vector<1x16xf32> to vector<16xf32>
        %parallel_loop3A_784 = vector.shape_cast %parallel_loop3A_779 : vector<16xf32> to vector<1x16xf32>
        tpu.vector_store %arg10[%parallel_loop3A_780, %parallel_loop3A_781], %parallel_loop3A_784 {strides = array<i32>} : memref<128x128xf32, #tpu.memory_space<vmem>>, vector<1x16xf32>,
        %parallel_loop3A_785 = arith.index_cast %parallel_loop3A_734 : i32 to index
        %parallel_loop3A_786 = arith.constant 80 : index
        %parallel_loop3A_787 = tpu.vector_load %arg8[%parallel_loop3A_785, %parallel_loop3A_786] {strides = array<i32>} : memref<128x128xf32, #tpu.memory_space<vmem>>, vector<1x16xf32>,
        %parallel_loop3A_788 = vector.shape_cast %parallel_loop3A_787 : vector<1x16xf32> to vector<16xf32>
        %parallel_loop3A_789 = arith.mulf %parallel_loop3A_788, %parallel_loop3A_730 : vector<16xf32>
        %parallel_loop3A_790 = arith.index_cast %parallel_loop3A_734 : i32 to index
        %parallel_loop3A_791 = arith.constant 80 : index
        %parallel_loop3A_792 = tpu.vector_load %arg10[%parallel_loop3A_790, %parallel_loop3A_791] {strides = array<i32>} : memref<128x128xf32, #tpu.memory_space<vmem>>, vector<1x16xf32>,
        %parallel_loop3A_793 = vector.shape_cast %parallel_loop3A_792 : vector<1x16xf32> to vector<16xf32>
        %parallel_loop3A_794 = vector.shape_cast %parallel_loop3A_789 : vector<16xf32> to vector<1x16xf32>
        tpu.vector_store %arg10[%parallel_loop3A_790, %parallel_loop3A_791], %parallel_loop3A_794 {strides = array<i32>} : memref<128x128xf32, #tpu.memory_space<vmem>>, vector<1x16xf32>,
        %parallel_loop3A_795 = arith.index_cast %parallel_loop3A_734 : i32 to index
        %parallel_loop3A_796 = arith.constant 96 : index
        %parallel_loop3A_797 = tpu.vector_load %arg8[%parallel_loop3A_795, %parallel_loop3A_796] {strides = array<i32>} : memref<128x128xf32, #tpu.memory_space<vmem>>, vector<1x16xf32>,
        %parallel_loop3A_798 = vector.shape_cast %parallel_loop3A_797 : vector<1x16xf32> to vector<16xf32>
        %parallel_loop3A_799 = arith.mulf %parallel_loop3A_798, %parallel_loop3A_730 : vector<16xf32>
        %parallel_loop3A_800 = arith.index_cast %parallel_loop3A_734 : i32 to index
        %parallel_loop3A_801 = arith.constant 96 : index
        %parallel_loop3A_802 = tpu.vector_load %arg10[%parallel_loop3A_800, %parallel_loop3A_801] {strides = array<i32>} : memref<128x128xf32, #tpu.memory_space<vmem>>, vector<1x16xf32>,
        %parallel_loop3A_803 = vector.shape_cast %parallel_loop3A_802 : vector<1x16xf32> to vector<16xf32>
        %parallel_loop3A_804 = vector.shape_cast %parallel_loop3A_799 : vector<16xf32> to vector<1x16xf32>
        tpu.vector_store %arg10[%parallel_loop3A_800, %parallel_loop3A_801], %parallel_loop3A_804 {strides = array<i32>} : memref<128x128xf32, #tpu.memory_space<vmem>>, vector<1x16xf32>,
        %parallel_loop3A_805 = arith.index_cast %parallel_loop3A_734 : i32 to index
        %parallel_loop3A_806 = arith.constant 112 : index
        %parallel_loop3A_807 = tpu.vector_load %arg8[%parallel_loop3A_805, %parallel_loop3A_806] {strides = array<i32>} : memref<128x128xf32, #tpu.memory_space<vmem>>, vector<1x16xf32>,
        %parallel_loop3A_808 = vector.shape_cast %parallel_loop3A_807 : vector<1x16xf32> to vector<16xf32>
        %parallel_loop3A_809 = arith.mulf %parallel_loop3A_808, %parallel_loop3A_730 : vector<16xf32>
        %parallel_loop3A_810 = arith.index_cast %parallel_loop3A_734 : i32 to index
        %parallel_loop3A_811 = arith.constant 112 : index
        %parallel_loop3A_812 = tpu.vector_load %arg10[%parallel_loop3A_810, %parallel_loop3A_811] {strides = array<i32>} : memref<128x128xf32, #tpu.memory_space<vmem>>, vector<1x16xf32>,
        %parallel_loop3A_813 = vector.shape_cast %parallel_loop3A_812 : vector<1x16xf32> to vector<16xf32>
        %parallel_loop3A_814 = vector.shape_cast %parallel_loop3A_809 : vector<16xf32> to vector<1x16xf32>
        tpu.vector_store %arg10[%parallel_loop3A_810, %parallel_loop3A_811], %parallel_loop3A_814 {strides = array<i32>} : memref<128x128xf32, #tpu.memory_space<vmem>>, vector<1x16xf32>,
        %parallel_loop3A_815 = vector.extract_strided_slice %parallel_loop3A_118 {offsets = [8], sizes = [1], strides = [1]} : vector<16xf32> to vector<1xf32>
        %parallel_loop3A_816 = vector.extract %parallel_loop3A_815[0] : f32 from vector<1xf32>
        %parallel_loop3A_817 = vector.broadcast %parallel_loop3A_816 : f32 to vector<16xf32>
        %parallel_loop3A_818 = arith.constant 16 : i32
        %parallel_loop3A_819 = arith.muli %parallel_loop3A_110, %parallel_loop3A_818 : i32
        %parallel_loop3A_820 = arith.constant 8 : i32
        %parallel_loop3A_821 = arith.addi %parallel_loop3A_819, %parallel_loop3A_820 : i32
        %parallel_loop3A_822 = arith.index_cast %parallel_loop3A_821 : i32 to index
        %parallel_loop3A_823 = arith.constant 0 : index
        %parallel_loop3A_824 = tpu.vector_load %arg8[%parallel_loop3A_822, %parallel_loop3A_823] {strides = array<i32>} : memref<128x128xf32, #tpu.memory_space<vmem>>, vector<1x16xf32>,
        %parallel_loop3A_825 = vector.shape_cast %parallel_loop3A_824 : vector<1x16xf32> to vector<16xf32>
        %parallel_loop3A_826 = arith.mulf %parallel_loop3A_825, %parallel_loop3A_817 : vector<16xf32>
        %parallel_loop3A_827 = arith.index_cast %parallel_loop3A_821 : i32 to index
        %parallel_loop3A_828 = arith.constant 0 : index
        %parallel_loop3A_829 = tpu.vector_load %arg10[%parallel_loop3A_827, %parallel_loop3A_828] {strides = array<i32>} : memref<128x128xf32, #tpu.memory_space<vmem>>, vector<1x16xf32>,
        %parallel_loop3A_830 = vector.shape_cast %parallel_loop3A_829 : vector<1x16xf32> to vector<16xf32>
        %parallel_loop3A_831 = vector.shape_cast %parallel_loop3A_826 : vector<16xf32> to vector<1x16xf32>
        tpu.vector_store %arg10[%parallel_loop3A_827, %parallel_loop3A_828], %parallel_loop3A_831 {strides = array<i32>} : memref<128x128xf32, #tpu.memory_space<vmem>>, vector<1x16xf32>,
        %parallel_loop3A_832 = arith.index_cast %parallel_loop3A_821 : i32 to index
        %parallel_loop3A_833 = arith.constant 16 : index
        %parallel_loop3A_834 = tpu.vector_load %arg8[%parallel_loop3A_832, %parallel_loop3A_833] {strides = array<i32>} : memref<128x128xf32, #tpu.memory_space<vmem>>, vector<1x16xf32>,
        %parallel_loop3A_835 = vector.shape_cast %parallel_loop3A_834 : vector<1x16xf32> to vector<16xf32>
        %parallel_loop3A_836 = arith.mulf %parallel_loop3A_835, %parallel_loop3A_817 : vector<16xf32>
        %parallel_loop3A_837 = arith.index_cast %parallel_loop3A_821 : i32 to index
        %parallel_loop3A_838 = arith.constant 16 : index
        %parallel_loop3A_839 = tpu.vector_load %arg10[%parallel_loop3A_837, %parallel_loop3A_838] {strides = array<i32>} : memref<128x128xf32, #tpu.memory_space<vmem>>, vector<1x16xf32>,
        %parallel_loop3A_840 = vector.shape_cast %parallel_loop3A_839 : vector<1x16xf32> to vector<16xf32>
        %parallel_loop3A_841 = vector.shape_cast %parallel_loop3A_836 : vector<16xf32> to vector<1x16xf32>
        tpu.vector_store %arg10[%parallel_loop3A_837, %parallel_loop3A_838], %parallel_loop3A_841 {strides = array<i32>} : memref<128x128xf32, #tpu.memory_space<vmem>>, vector<1x16xf32>,
        %parallel_loop3A_842 = arith.index_cast %parallel_loop3A_821 : i32 to index
        %parallel_loop3A_843 = arith.constant 32 : index
        %parallel_loop3A_844 = tpu.vector_load %arg8[%parallel_loop3A_842, %parallel_loop3A_843] {strides = array<i32>} : memref<128x128xf32, #tpu.memory_space<vmem>>, vector<1x16xf32>,
        %parallel_loop3A_845 = vector.shape_cast %parallel_loop3A_844 : vector<1x16xf32> to vector<16xf32>
        %parallel_loop3A_846 = arith.mulf %parallel_loop3A_845, %parallel_loop3A_817 : vector<16xf32>
        %parallel_loop3A_847 = arith.index_cast %parallel_loop3A_821 : i32 to index
        %parallel_loop3A_848 = arith.constant 32 : index
        %parallel_loop3A_849 = tpu.vector_load %arg10[%parallel_loop3A_847, %parallel_loop3A_848] {strides = array<i32>} : memref<128x128xf32, #tpu.memory_space<vmem>>, vector<1x16xf32>,
        %parallel_loop3A_850 = vector.shape_cast %parallel_loop3A_849 : vector<1x16xf32> to vector<16xf32>
        %parallel_loop3A_851 = vector.shape_cast %parallel_loop3A_846 : vector<16xf32> to vector<1x16xf32>
        tpu.vector_store %arg10[%parallel_loop3A_847, %parallel_loop3A_848], %parallel_loop3A_851 {strides = array<i32>} : memref<128x128xf32, #tpu.memory_space<vmem>>, vector<1x16xf32>,
        %parallel_loop3A_852 = arith.index_cast %parallel_loop3A_821 : i32 to index
        %parallel_loop3A_853 = arith.constant 48 : index
        %parallel_loop3A_854 = tpu.vector_load %arg8[%parallel_loop3A_852, %parallel_loop3A_853] {strides = array<i32>} : memref<128x128xf32, #tpu.memory_space<vmem>>, vector<1x16xf32>,
        %parallel_loop3A_855 = vector.shape_cast %parallel_loop3A_854 : vector<1x16xf32> to vector<16xf32>
        %parallel_loop3A_856 = arith.mulf %parallel_loop3A_855, %parallel_loop3A_817 : vector<16xf32>
        %parallel_loop3A_857 = arith.index_cast %parallel_loop3A_821 : i32 to index
        %parallel_loop3A_858 = arith.constant 48 : index
        %parallel_loop3A_859 = tpu.vector_load %arg10[%parallel_loop3A_857, %parallel_loop3A_858] {strides = array<i32>} : memref<128x128xf32, #tpu.memory_space<vmem>>, vector<1x16xf32>,
        %parallel_loop3A_860 = vector.shape_cast %parallel_loop3A_859 : vector<1x16xf32> to vector<16xf32>
        %parallel_loop3A_861 = vector.shape_cast %parallel_loop3A_856 : vector<16xf32> to vector<1x16xf32>
        tpu.vector_store %arg10[%parallel_loop3A_857, %parallel_loop3A_858], %parallel_loop3A_861 {strides = array<i32>} : memref<128x128xf32, #tpu.memory_space<vmem>>, vector<1x16xf32>,
        %parallel_loop3A_862 = arith.index_cast %parallel_loop3A_821 : i32 to index
        %parallel_loop3A_863 = arith.constant 64 : index
        %parallel_loop3A_864 = tpu.vector_load %arg8[%parallel_loop3A_862, %parallel_loop3A_863] {strides = array<i32>} : memref<128x128xf32, #tpu.memory_space<vmem>>, vector<1x16xf32>,
        %parallel_loop3A_865 = vector.shape_cast %parallel_loop3A_864 : vector<1x16xf32> to vector<16xf32>
        %parallel_loop3A_866 = arith.mulf %parallel_loop3A_865, %parallel_loop3A_817 : vector<16xf32>
        %parallel_loop3A_867 = arith.index_cast %parallel_loop3A_821 : i32 to index
        %parallel_loop3A_868 = arith.constant 64 : index
        %parallel_loop3A_869 = tpu.vector_load %arg10[%parallel_loop3A_867, %parallel_loop3A_868] {strides = array<i32>} : memref<128x128xf32, #tpu.memory_space<vmem>>, vector<1x16xf32>,
        %parallel_loop3A_870 = vector.shape_cast %parallel_loop3A_869 : vector<1x16xf32> to vector<16xf32>
        %parallel_loop3A_871 = vector.shape_cast %parallel_loop3A_866 : vector<16xf32> to vector<1x16xf32>
        tpu.vector_store %arg10[%parallel_loop3A_867, %parallel_loop3A_868], %parallel_loop3A_871 {strides = array<i32>} : memref<128x128xf32, #tpu.memory_space<vmem>>, vector<1x16xf32>,
        %parallel_loop3A_872 = arith.index_cast %parallel_loop3A_821 : i32 to index
        %parallel_loop3A_873 = arith.constant 80 : index
        %parallel_loop3A_874 = tpu.vector_load %arg8[%parallel_loop3A_872, %parallel_loop3A_873] {strides = array<i32>} : memref<128x128xf32, #tpu.memory_space<vmem>>, vector<1x16xf32>,
        %parallel_loop3A_875 = vector.shape_cast %parallel_loop3A_874 : vector<1x16xf32> to vector<16xf32>
        %parallel_loop3A_876 = arith.mulf %parallel_loop3A_875, %parallel_loop3A_817 : vector<16xf32>
        %parallel_loop3A_877 = arith.index_cast %parallel_loop3A_821 : i32 to index
        %parallel_loop3A_878 = arith.constant 80 : index
        %parallel_loop3A_879 = tpu.vector_load %arg10[%parallel_loop3A_877, %parallel_loop3A_878] {strides = array<i32>} : memref<128x128xf32, #tpu.memory_space<vmem>>, vector<1x16xf32>,
        %parallel_loop3A_880 = vector.shape_cast %parallel_loop3A_879 : vector<1x16xf32> to vector<16xf32>
        %parallel_loop3A_881 = vector.shape_cast %parallel_loop3A_876 : vector<16xf32> to vector<1x16xf32>
        tpu.vector_store %arg10[%parallel_loop3A_877, %parallel_loop3A_878], %parallel_loop3A_881 {strides = array<i32>} : memref<128x128xf32, #tpu.memory_space<vmem>>, vector<1x16xf32>,
        %parallel_loop3A_882 = arith.index_cast %parallel_loop3A_821 : i32 to index
        %parallel_loop3A_883 = arith.constant 96 : index
        %parallel_loop3A_884 = tpu.vector_load %arg8[%parallel_loop3A_882, %parallel_loop3A_883] {strides = array<i32>} : memref<128x128xf32, #tpu.memory_space<vmem>>, vector<1x16xf32>,
        %parallel_loop3A_885 = vector.shape_cast %parallel_loop3A_884 : vector<1x16xf32> to vector<16xf32>
        %parallel_loop3A_886 = arith.mulf %parallel_loop3A_885, %parallel_loop3A_817 : vector<16xf32>
        %parallel_loop3A_887 = arith.index_cast %parallel_loop3A_821 : i32 to index
        %parallel_loop3A_888 = arith.constant 96 : index
        %parallel_loop3A_889 = tpu.vector_load %arg10[%parallel_loop3A_887, %parallel_loop3A_888] {strides = array<i32>} : memref<128x128xf32, #tpu.memory_space<vmem>>, vector<1x16xf32>,
        %parallel_loop3A_890 = vector.shape_cast %parallel_loop3A_889 : vector<1x16xf32> to vector<16xf32>
        %parallel_loop3A_891 = vector.shape_cast %parallel_loop3A_886 : vector<16xf32> to vector<1x16xf32>
        tpu.vector_store %arg10[%parallel_loop3A_887, %parallel_loop3A_888], %parallel_loop3A_891 {strides = array<i32>} : memref<128x128xf32, #tpu.memory_space<vmem>>, vector<1x16xf32>,
        %parallel_loop3A_892 = arith.index_cast %parallel_loop3A_821 : i32 to index
        %parallel_loop3A_893 = arith.constant 112 : index
        %parallel_loop3A_894 = tpu.vector_load %arg8[%parallel_loop3A_892, %parallel_loop3A_893] {strides = array<i32>} : memref<128x128xf32, #tpu.memory_space<vmem>>, vector<1x16xf32>,
        %parallel_loop3A_895 = vector.shape_cast %parallel_loop3A_894 : vector<1x16xf32> to vector<16xf32>
        %parallel_loop3A_896 = arith.mulf %parallel_loop3A_895, %parallel_loop3A_817 : vector<16xf32>
        %parallel_loop3A_897 = arith.index_cast %parallel_loop3A_821 : i32 to index
        %parallel_loop3A_898 = arith.constant 112 : index
        %parallel_loop3A_899 = tpu.vector_load %arg10[%parallel_loop3A_897, %parallel_loop3A_898] {strides = array<i32>} : memref<128x128xf32, #tpu.memory_space<vmem>>, vector<1x16xf32>,
        %parallel_loop3A_900 = vector.shape_cast %parallel_loop3A_899 : vector<1x16xf32> to vector<16xf32>
        %parallel_loop3A_901 = vector.shape_cast %parallel_loop3A_896 : vector<16xf32> to vector<1x16xf32>
        tpu.vector_store %arg10[%parallel_loop3A_897, %parallel_loop3A_898], %parallel_loop3A_901 {strides = array<i32>} : memref<128x128xf32, #tpu.memory_space<vmem>>, vector<1x16xf32>,
        %parallel_loop3A_902 = vector.extract_strided_slice %parallel_loop3A_118 {offsets = [9], sizes = [1], strides = [1]} : vector<16xf32> to vector<1xf32>
        %parallel_loop3A_903 = vector.extract %parallel_loop3A_902[0] : f32 from vector<1xf32>
        %parallel_loop3A_904 = vector.broadcast %parallel_loop3A_903 : f32 to vector<16xf32>
        %parallel_loop3A_905 = arith.constant 16 : i32
        %parallel_loop3A_906 = arith.muli %parallel_loop3A_110, %parallel_loop3A_905 : i32
        %parallel_loop3A_907 = arith.constant 9 : i32
        %parallel_loop3A_908 = arith.addi %parallel_loop3A_906, %parallel_loop3A_907 : i32
        %parallel_loop3A_909 = arith.index_cast %parallel_loop3A_908 : i32 to index
        %parallel_loop3A_910 = arith.constant 0 : index
        %parallel_loop3A_911 = tpu.vector_load %arg8[%parallel_loop3A_909, %parallel_loop3A_910] {strides = array<i32>} : memref<128x128xf32, #tpu.memory_space<vmem>>, vector<1x16xf32>,
        %parallel_loop3A_912 = vector.shape_cast %parallel_loop3A_911 : vector<1x16xf32> to vector<16xf32>
        %parallel_loop3A_913 = arith.mulf %parallel_loop3A_912, %parallel_loop3A_904 : vector<16xf32>
        %parallel_loop3A_914 = arith.index_cast %parallel_loop3A_908 : i32 to index
        %parallel_loop3A_915 = arith.constant 0 : index
        %parallel_loop3A_916 = tpu.vector_load %arg10[%parallel_loop3A_914, %parallel_loop3A_915] {strides = array<i32>} : memref<128x128xf32, #tpu.memory_space<vmem>>, vector<1x16xf32>,
        %parallel_loop3A_917 = vector.shape_cast %parallel_loop3A_916 : vector<1x16xf32> to vector<16xf32>
        %parallel_loop3A_918 = vector.shape_cast %parallel_loop3A_913 : vector<16xf32> to vector<1x16xf32>
        tpu.vector_store %arg10[%parallel_loop3A_914, %parallel_loop3A_915], %parallel_loop3A_918 {strides = array<i32>} : memref<128x128xf32, #tpu.memory_space<vmem>>, vector<1x16xf32>,
        %parallel_loop3A_919 = arith.index_cast %parallel_loop3A_908 : i32 to index
        %parallel_loop3A_920 = arith.constant 16 : index
        %parallel_loop3A_921 = tpu.vector_load %arg8[%parallel_loop3A_919, %parallel_loop3A_920] {strides = array<i32>} : memref<128x128xf32, #tpu.memory_space<vmem>>, vector<1x16xf32>,
        %parallel_loop3A_922 = vector.shape_cast %parallel_loop3A_921 : vector<1x16xf32> to vector<16xf32>
        %parallel_loop3A_923 = arith.mulf %parallel_loop3A_922, %parallel_loop3A_904 : vector<16xf32>
        %parallel_loop3A_924 = arith.index_cast %parallel_loop3A_908 : i32 to index
        %parallel_loop3A_925 = arith.constant 16 : index
        %parallel_loop3A_926 = tpu.vector_load %arg10[%parallel_loop3A_924, %parallel_loop3A_925] {strides = array<i32>} : memref<128x128xf32, #tpu.memory_space<vmem>>, vector<1x16xf32>,
        %parallel_loop3A_927 = vector.shape_cast %parallel_loop3A_926 : vector<1x16xf32> to vector<16xf32>
        %parallel_loop3A_928 = vector.shape_cast %parallel_loop3A_923 : vector<16xf32> to vector<1x16xf32>
        tpu.vector_store %arg10[%parallel_loop3A_924, %parallel_loop3A_925], %parallel_loop3A_928 {strides = array<i32>} : memref<128x128xf32, #tpu.memory_space<vmem>>, vector<1x16xf32>,
        %parallel_loop3A_929 = arith.index_cast %parallel_loop3A_908 : i32 to index
        %parallel_loop3A_930 = arith.constant 32 : index
        %parallel_loop3A_931 = tpu.vector_load %arg8[%parallel_loop3A_929, %parallel_loop3A_930] {strides = array<i32>} : memref<128x128xf32, #tpu.memory_space<vmem>>, vector<1x16xf32>,
        %parallel_loop3A_932 = vector.shape_cast %parallel_loop3A_931 : vector<1x16xf32> to vector<16xf32>
        %parallel_loop3A_933 = arith.mulf %parallel_loop3A_932, %parallel_loop3A_904 : vector<16xf32>
        %parallel_loop3A_934 = arith.index_cast %parallel_loop3A_908 : i32 to index
        %parallel_loop3A_935 = arith.constant 32 : index
        %parallel_loop3A_936 = tpu.vector_load %arg10[%parallel_loop3A_934, %parallel_loop3A_935] {strides = array<i32>} : memref<128x128xf32, #tpu.memory_space<vmem>>, vector<1x16xf32>,
        %parallel_loop3A_937 = vector.shape_cast %parallel_loop3A_936 : vector<1x16xf32> to vector<16xf32>
        %parallel_loop3A_938 = vector.shape_cast %parallel_loop3A_933 : vector<16xf32> to vector<1x16xf32>
        tpu.vector_store %arg10[%parallel_loop3A_934, %parallel_loop3A_935], %parallel_loop3A_938 {strides = array<i32>} : memref<128x128xf32, #tpu.memory_space<vmem>>, vector<1x16xf32>,
        %parallel_loop3A_939 = arith.index_cast %parallel_loop3A_908 : i32 to index
        %parallel_loop3A_940 = arith.constant 48 : index
        %parallel_loop3A_941 = tpu.vector_load %arg8[%parallel_loop3A_939, %parallel_loop3A_940] {strides = array<i32>} : memref<128x128xf32, #tpu.memory_space<vmem>>, vector<1x16xf32>,
        %parallel_loop3A_942 = vector.shape_cast %parallel_loop3A_941 : vector<1x16xf32> to vector<16xf32>
        %parallel_loop3A_943 = arith.mulf %parallel_loop3A_942, %parallel_loop3A_904 : vector<16xf32>
        %parallel_loop3A_944 = arith.index_cast %parallel_loop3A_908 : i32 to index
        %parallel_loop3A_945 = arith.constant 48 : index
        %parallel_loop3A_946 = tpu.vector_load %arg10[%parallel_loop3A_944, %parallel_loop3A_945] {strides = array<i32>} : memref<128x128xf32, #tpu.memory_space<vmem>>, vector<1x16xf32>,
        %parallel_loop3A_947 = vector.shape_cast %parallel_loop3A_946 : vector<1x16xf32> to vector<16xf32>
        %parallel_loop3A_948 = vector.shape_cast %parallel_loop3A_943 : vector<16xf32> to vector<1x16xf32>
        tpu.vector_store %arg10[%parallel_loop3A_944, %parallel_loop3A_945], %parallel_loop3A_948 {strides = array<i32>} : memref<128x128xf32, #tpu.memory_space<vmem>>, vector<1x16xf32>,
        %parallel_loop3A_949 = arith.index_cast %parallel_loop3A_908 : i32 to index
        %parallel_loop3A_950 = arith.constant 64 : index
        %parallel_loop3A_951 = tpu.vector_load %arg8[%parallel_loop3A_949, %parallel_loop3A_950] {strides = array<i32>} : memref<128x128xf32, #tpu.memory_space<vmem>>, vector<1x16xf32>,
        %parallel_loop3A_952 = vector.shape_cast %parallel_loop3A_951 : vector<1x16xf32> to vector<16xf32>
        %parallel_loop3A_953 = arith.mulf %parallel_loop3A_952, %parallel_loop3A_904 : vector<16xf32>
        %parallel_loop3A_954 = arith.index_cast %parallel_loop3A_908 : i32 to index
        %parallel_loop3A_955 = arith.constant 64 : index
        %parallel_loop3A_956 = tpu.vector_load %arg10[%parallel_loop3A_954, %parallel_loop3A_955] {strides = array<i32>} : memref<128x128xf32, #tpu.memory_space<vmem>>, vector<1x16xf32>,
        %parallel_loop3A_957 = vector.shape_cast %parallel_loop3A_956 : vector<1x16xf32> to vector<16xf32>
        %parallel_loop3A_958 = vector.shape_cast %parallel_loop3A_953 : vector<16xf32> to vector<1x16xf32>
        tpu.vector_store %arg10[%parallel_loop3A_954, %parallel_loop3A_955], %parallel_loop3A_958 {strides = array<i32>} : memref<128x128xf32, #tpu.memory_space<vmem>>, vector<1x16xf32>,
        %parallel_loop3A_959 = arith.index_cast %parallel_loop3A_908 : i32 to index
        %parallel_loop3A_960 = arith.constant 80 : index
        %parallel_loop3A_961 = tpu.vector_load %arg8[%parallel_loop3A_959, %parallel_loop3A_960] {strides = array<i32>} : memref<128x128xf32, #tpu.memory_space<vmem>>, vector<1x16xf32>,
        %parallel_loop3A_962 = vector.shape_cast %parallel_loop3A_961 : vector<1x16xf32> to vector<16xf32>
        %parallel_loop3A_963 = arith.mulf %parallel_loop3A_962, %parallel_loop3A_904 : vector<16xf32>
        %parallel_loop3A_964 = arith.index_cast %parallel_loop3A_908 : i32 to index
        %parallel_loop3A_965 = arith.constant 80 : index
        %parallel_loop3A_966 = tpu.vector_load %arg10[%parallel_loop3A_964, %parallel_loop3A_965] {strides = array<i32>} : memref<128x128xf32, #tpu.memory_space<vmem>>, vector<1x16xf32>,
        %parallel_loop3A_967 = vector.shape_cast %parallel_loop3A_966 : vector<1x16xf32> to vector<16xf32>
        %parallel_loop3A_968 = vector.shape_cast %parallel_loop3A_963 : vector<16xf32> to vector<1x16xf32>
        tpu.vector_store %arg10[%parallel_loop3A_964, %parallel_loop3A_965], %parallel_loop3A_968 {strides = array<i32>} : memref<128x128xf32, #tpu.memory_space<vmem>>, vector<1x16xf32>,
        %parallel_loop3A_969 = arith.index_cast %parallel_loop3A_908 : i32 to index
        %parallel_loop3A_970 = arith.constant 96 : index
        %parallel_loop3A_971 = tpu.vector_load %arg8[%parallel_loop3A_969, %parallel_loop3A_970] {strides = array<i32>} : memref<128x128xf32, #tpu.memory_space<vmem>>, vector<1x16xf32>,
        %parallel_loop3A_972 = vector.shape_cast %parallel_loop3A_971 : vector<1x16xf32> to vector<16xf32>
        %parallel_loop3A_973 = arith.mulf %parallel_loop3A_972, %parallel_loop3A_904 : vector<16xf32>
        %parallel_loop3A_974 = arith.index_cast %parallel_loop3A_908 : i32 to index
        %parallel_loop3A_975 = arith.constant 96 : index
        %parallel_loop3A_976 = tpu.vector_load %arg10[%parallel_loop3A_974, %parallel_loop3A_975] {strides = array<i32>} : memref<128x128xf32, #tpu.memory_space<vmem>>, vector<1x16xf32>,
        %parallel_loop3A_977 = vector.shape_cast %parallel_loop3A_976 : vector<1x16xf32> to vector<16xf32>
        %parallel_loop3A_978 = vector.shape_cast %parallel_loop3A_973 : vector<16xf32> to vector<1x16xf32>
        tpu.vector_store %arg10[%parallel_loop3A_974, %parallel_loop3A_975], %parallel_loop3A_978 {strides = array<i32>} : memref<128x128xf32, #tpu.memory_space<vmem>>, vector<1x16xf32>,
        %parallel_loop3A_979 = arith.index_cast %parallel_loop3A_908 : i32 to index
        %parallel_loop3A_980 = arith.constant 112 : index
        %parallel_loop3A_981 = tpu.vector_load %arg8[%parallel_loop3A_979, %parallel_loop3A_980] {strides = array<i32>} : memref<128x128xf32, #tpu.memory_space<vmem>>, vector<1x16xf32>,
        %parallel_loop3A_982 = vector.shape_cast %parallel_loop3A_981 : vector<1x16xf32> to vector<16xf32>
        %parallel_loop3A_983 = arith.mulf %parallel_loop3A_982, %parallel_loop3A_904 : vector<16xf32>
        %parallel_loop3A_984 = arith.index_cast %parallel_loop3A_908 : i32 to index
        %parallel_loop3A_985 = arith.constant 112 : index
        %parallel_loop3A_986 = tpu.vector_load %arg10[%parallel_loop3A_984, %parallel_loop3A_985] {strides = array<i32>} : memref<128x128xf32, #tpu.memory_space<vmem>>, vector<1x16xf32>,
        %parallel_loop3A_987 = vector.shape_cast %parallel_loop3A_986 : vector<1x16xf32> to vector<16xf32>
        %parallel_loop3A_988 = vector.shape_cast %parallel_loop3A_983 : vector<16xf32> to vector<1x16xf32>
        tpu.vector_store %arg10[%parallel_loop3A_984, %parallel_loop3A_985], %parallel_loop3A_988 {strides = array<i32>} : memref<128x128xf32, #tpu.memory_space<vmem>>, vector<1x16xf32>,
        %parallel_loop3A_989 = vector.extract_strided_slice %parallel_loop3A_118 {offsets = [10], sizes = [1], strides = [1]} : vector<16xf32> to vector<1xf32>
        %parallel_loop3A_990 = vector.extract %parallel_loop3A_989[0] : f32 from vector<1xf32>
        %parallel_loop3A_991 = vector.broadcast %parallel_loop3A_990 : f32 to vector<16xf32>
        %parallel_loop3A_992 = arith.constant 16 : i32
        %parallel_loop3A_993 = arith.muli %parallel_loop3A_110, %parallel_loop3A_992 : i32
        %parallel_loop3A_994 = arith.constant 10 : i32
        %parallel_loop3A_995 = arith.addi %parallel_loop3A_993, %parallel_loop3A_994 : i32
        %parallel_loop3A_996 = arith.index_cast %parallel_loop3A_995 : i32 to index
        %parallel_loop3A_997 = arith.constant 0 : index
        %parallel_loop3A_998 = tpu.vector_load %arg8[%parallel_loop3A_996, %parallel_loop3A_997] {strides = array<i32>} : memref<128x128xf32, #tpu.memory_space<vmem>>, vector<1x16xf32>,
        %parallel_loop3A_999 = vector.shape_cast %parallel_loop3A_998 : vector<1x16xf32> to vector<16xf32>
        %parallel_loop3A_1000 = arith.mulf %parallel_loop3A_999, %parallel_loop3A_991 : vector<16xf32>
        %parallel_loop3A_1001 = arith.index_cast %parallel_loop3A_995 : i32 to index
        %parallel_loop3A_1002 = arith.constant 0 : index
        %parallel_loop3A_1003 = tpu.vector_load %arg10[%parallel_loop3A_1001, %parallel_loop3A_1002] {strides = array<i32>} : memref<128x128xf32, #tpu.memory_space<vmem>>, vector<1x16xf32>,
        %parallel_loop3A_1004 = vector.shape_cast %parallel_loop3A_1003 : vector<1x16xf32> to vector<16xf32>
        %parallel_loop3A_1005 = vector.shape_cast %parallel_loop3A_1000 : vector<16xf32> to vector<1x16xf32>
        tpu.vector_store %arg10[%parallel_loop3A_1001, %parallel_loop3A_1002], %parallel_loop3A_1005 {strides = array<i32>} : memref<128x128xf32, #tpu.memory_space<vmem>>, vector<1x16xf32>,
        %parallel_loop3A_1006 = arith.index_cast %parallel_loop3A_995 : i32 to index
        %parallel_loop3A_1007 = arith.constant 16 : index
        %parallel_loop3A_1008 = tpu.vector_load %arg8[%parallel_loop3A_1006, %parallel_loop3A_1007] {strides = array<i32>} : memref<128x128xf32, #tpu.memory_space<vmem>>, vector<1x16xf32>,
        %parallel_loop3A_1009 = vector.shape_cast %parallel_loop3A_1008 : vector<1x16xf32> to vector<16xf32>
        %parallel_loop3A_1010 = arith.mulf %parallel_loop3A_1009, %parallel_loop3A_991 : vector<16xf32>
        %parallel_loop3A_1011 = arith.index_cast %parallel_loop3A_995 : i32 to index
        %parallel_loop3A_1012 = arith.constant 16 : index
        %parallel_loop3A_1013 = tpu.vector_load %arg10[%parallel_loop3A_1011, %parallel_loop3A_1012] {strides = array<i32>} : memref<128x128xf32, #tpu.memory_space<vmem>>, vector<1x16xf32>,
        %parallel_loop3A_1014 = vector.shape_cast %parallel_loop3A_1013 : vector<1x16xf32> to vector<16xf32>
        %parallel_loop3A_1015 = vector.shape_cast %parallel_loop3A_1010 : vector<16xf32> to vector<1x16xf32>
        tpu.vector_store %arg10[%parallel_loop3A_1011, %parallel_loop3A_1012], %parallel_loop3A_1015 {strides = array<i32>} : memref<128x128xf32, #tpu.memory_space<vmem>>, vector<1x16xf32>,
        %parallel_loop3A_1016 = arith.index_cast %parallel_loop3A_995 : i32 to index
        %parallel_loop3A_1017 = arith.constant 32 : index
        %parallel_loop3A_1018 = tpu.vector_load %arg8[%parallel_loop3A_1016, %parallel_loop3A_1017] {strides = array<i32>} : memref<128x128xf32, #tpu.memory_space<vmem>>, vector<1x16xf32>,
        %parallel_loop3A_1019 = vector.shape_cast %parallel_loop3A_1018 : vector<1x16xf32> to vector<16xf32>
        %parallel_loop3A_1020 = arith.mulf %parallel_loop3A_1019, %parallel_loop3A_991 : vector<16xf32>
        %parallel_loop3A_1021 = arith.index_cast %parallel_loop3A_995 : i32 to index
        %parallel_loop3A_1022 = arith.constant 32 : index
        %parallel_loop3A_1023 = tpu.vector_load %arg10[%parallel_loop3A_1021, %parallel_loop3A_1022] {strides = array<i32>} : memref<128x128xf32, #tpu.memory_space<vmem>>, vector<1x16xf32>,
        %parallel_loop3A_1024 = vector.shape_cast %parallel_loop3A_1023 : vector<1x16xf32> to vector<16xf32>
        %parallel_loop3A_1025 = vector.shape_cast %parallel_loop3A_1020 : vector<16xf32> to vector<1x16xf32>
        tpu.vector_store %arg10[%parallel_loop3A_1021, %parallel_loop3A_1022], %parallel_loop3A_1025 {strides = array<i32>} : memref<128x128xf32, #tpu.memory_space<vmem>>, vector<1x16xf32>,
        %parallel_loop3A_1026 = arith.index_cast %parallel_loop3A_995 : i32 to index
        %parallel_loop3A_1027 = arith.constant 48 : index
        %parallel_loop3A_1028 = tpu.vector_load %arg8[%parallel_loop3A_1026, %parallel_loop3A_1027] {strides = array<i32>} : memref<128x128xf32, #tpu.memory_space<vmem>>, vector<1x16xf32>,
        %parallel_loop3A_1029 = vector.shape_cast %parallel_loop3A_1028 : vector<1x16xf32> to vector<16xf32>
        %parallel_loop3A_1030 = arith.mulf %parallel_loop3A_1029, %parallel_loop3A_991 : vector<16xf32>
        %parallel_loop3A_1031 = arith.index_cast %parallel_loop3A_995 : i32 to index
        %parallel_loop3A_1032 = arith.constant 48 : index
        %parallel_loop3A_1033 = tpu.vector_load %arg10[%parallel_loop3A_1031, %parallel_loop3A_1032] {strides = array<i32>} : memref<128x128xf32, #tpu.memory_space<vmem>>, vector<1x16xf32>,
        %parallel_loop3A_1034 = vector.shape_cast %parallel_loop3A_1033 : vector<1x16xf32> to vector<16xf32>
        %parallel_loop3A_1035 = vector.shape_cast %parallel_loop3A_1030 : vector<16xf32> to vector<1x16xf32>
        tpu.vector_store %arg10[%parallel_loop3A_1031, %parallel_loop3A_1032], %parallel_loop3A_1035 {strides = array<i32>} : memref<128x128xf32, #tpu.memory_space<vmem>>, vector<1x16xf32>,
        %parallel_loop3A_1036 = arith.index_cast %parallel_loop3A_995 : i32 to index
        %parallel_loop3A_1037 = arith.constant 64 : index
        %parallel_loop3A_1038 = tpu.vector_load %arg8[%parallel_loop3A_1036, %parallel_loop3A_1037] {strides = array<i32>} : memref<128x128xf32, #tpu.memory_space<vmem>>, vector<1x16xf32>,
        %parallel_loop3A_1039 = vector.shape_cast %parallel_loop3A_1038 : vector<1x16xf32> to vector<16xf32>
        %parallel_loop3A_1040 = arith.mulf %parallel_loop3A_1039, %parallel_loop3A_991 : vector<16xf32>
        %parallel_loop3A_1041 = arith.index_cast %parallel_loop3A_995 : i32 to index
        %parallel_loop3A_1042 = arith.constant 64 : index
        %parallel_loop3A_1043 = tpu.vector_load %arg10[%parallel_loop3A_1041, %parallel_loop3A_1042] {strides = array<i32>} : memref<128x128xf32, #tpu.memory_space<vmem>>, vector<1x16xf32>,
        %parallel_loop3A_1044 = vector.shape_cast %parallel_loop3A_1043 : vector<1x16xf32> to vector<16xf32>
        %parallel_loop3A_1045 = vector.shape_cast %parallel_loop3A_1040 : vector<16xf32> to vector<1x16xf32>
        tpu.vector_store %arg10[%parallel_loop3A_1041, %parallel_loop3A_1042], %parallel_loop3A_1045 {strides = array<i32>} : memref<128x128xf32, #tpu.memory_space<vmem>>, vector<1x16xf32>,
        %parallel_loop3A_1046 = arith.index_cast %parallel_loop3A_995 : i32 to index
        %parallel_loop3A_1047 = arith.constant 80 : index
        %parallel_loop3A_1048 = tpu.vector_load %arg8[%parallel_loop3A_1046, %parallel_loop3A_1047] {strides = array<i32>} : memref<128x128xf32, #tpu.memory_space<vmem>>, vector<1x16xf32>,
        %parallel_loop3A_1049 = vector.shape_cast %parallel_loop3A_1048 : vector<1x16xf32> to vector<16xf32>
        %parallel_loop3A_1050 = arith.mulf %parallel_loop3A_1049, %parallel_loop3A_991 : vector<16xf32>
        %parallel_loop3A_1051 = arith.index_cast %parallel_loop3A_995 : i32 to index
        %parallel_loop3A_1052 = arith.constant 80 : index
        %parallel_loop3A_1053 = tpu.vector_load %arg10[%parallel_loop3A_1051, %parallel_loop3A_1052] {strides = array<i32>} : memref<128x128xf32, #tpu.memory_space<vmem>>, vector<1x16xf32>,
        %parallel_loop3A_1054 = vector.shape_cast %parallel_loop3A_1053 : vector<1x16xf32> to vector<16xf32>
        %parallel_loop3A_1055 = vector.shape_cast %parallel_loop3A_1050 : vector<16xf32> to vector<1x16xf32>
        tpu.vector_store %arg10[%parallel_loop3A_1051, %parallel_loop3A_1052], %parallel_loop3A_1055 {strides = array<i32>} : memref<128x128xf32, #tpu.memory_space<vmem>>, vector<1x16xf32>,
        %parallel_loop3A_1056 = arith.index_cast %parallel_loop3A_995 : i32 to index
        %parallel_loop3A_1057 = arith.constant 96 : index
        %parallel_loop3A_1058 = tpu.vector_load %arg8[%parallel_loop3A_1056, %parallel_loop3A_1057] {strides = array<i32>} : memref<128x128xf32, #tpu.memory_space<vmem>>, vector<1x16xf32>,
        %parallel_loop3A_1059 = vector.shape_cast %parallel_loop3A_1058 : vector<1x16xf32> to vector<16xf32>
        %parallel_loop3A_1060 = arith.mulf %parallel_loop3A_1059, %parallel_loop3A_991 : vector<16xf32>
        %parallel_loop3A_1061 = arith.index_cast %parallel_loop3A_995 : i32 to index
        %parallel_loop3A_1062 = arith.constant 96 : index
        %parallel_loop3A_1063 = tpu.vector_load %arg10[%parallel_loop3A_1061, %parallel_loop3A_1062] {strides = array<i32>} : memref<128x128xf32, #tpu.memory_space<vmem>>, vector<1x16xf32>,
        %parallel_loop3A_1064 = vector.shape_cast %parallel_loop3A_1063 : vector<1x16xf32> to vector<16xf32>
        %parallel_loop3A_1065 = vector.shape_cast %parallel_loop3A_1060 : vector<16xf32> to vector<1x16xf32>
        tpu.vector_store %arg10[%parallel_loop3A_1061, %parallel_loop3A_1062], %parallel_loop3A_1065 {strides = array<i32>} : memref<128x128xf32, #tpu.memory_space<vmem>>, vector<1x16xf32>,
        %parallel_loop3A_1066 = arith.index_cast %parallel_loop3A_995 : i32 to index
        %parallel_loop3A_1067 = arith.constant 112 : index
        %parallel_loop3A_1068 = tpu.vector_load %arg8[%parallel_loop3A_1066, %parallel_loop3A_1067] {strides = array<i32>} : memref<128x128xf32, #tpu.memory_space<vmem>>, vector<1x16xf32>,
        %parallel_loop3A_1069 = vector.shape_cast %parallel_loop3A_1068 : vector<1x16xf32> to vector<16xf32>
        %parallel_loop3A_1070 = arith.mulf %parallel_loop3A_1069, %parallel_loop3A_991 : vector<16xf32>
        %parallel_loop3A_1071 = arith.index_cast %parallel_loop3A_995 : i32 to index
        %parallel_loop3A_1072 = arith.constant 112 : index
        %parallel_loop3A_1073 = tpu.vector_load %arg10[%parallel_loop3A_1071, %parallel_loop3A_1072] {strides = array<i32>} : memref<128x128xf32, #tpu.memory_space<vmem>>, vector<1x16xf32>,
        %parallel_loop3A_1074 = vector.shape_cast %parallel_loop3A_1073 : vector<1x16xf32> to vector<16xf32>
        %parallel_loop3A_1075 = vector.shape_cast %parallel_loop3A_1070 : vector<16xf32> to vector<1x16xf32>
        tpu.vector_store %arg10[%parallel_loop3A_1071, %parallel_loop3A_1072], %parallel_loop3A_1075 {strides = array<i32>} : memref<128x128xf32, #tpu.memory_space<vmem>>, vector<1x16xf32>,
        %parallel_loop3A_1076 = vector.extract_strided_slice %parallel_loop3A_118 {offsets = [11], sizes = [1], strides = [1]} : vector<16xf32> to vector<1xf32>
        %parallel_loop3A_1077 = vector.extract %parallel_loop3A_1076[0] : f32 from vector<1xf32>
        %parallel_loop3A_1078 = vector.broadcast %parallel_loop3A_1077 : f32 to vector<16xf32>
        %parallel_loop3A_1079 = arith.constant 16 : i32
        %parallel_loop3A_1080 = arith.muli %parallel_loop3A_110, %parallel_loop3A_1079 : i32
        %parallel_loop3A_1081 = arith.constant 11 : i32
        %parallel_loop3A_1082 = arith.addi %parallel_loop3A_1080, %parallel_loop3A_1081 : i32
        %parallel_loop3A_1083 = arith.index_cast %parallel_loop3A_1082 : i32 to index
        %parallel_loop3A_1084 = arith.constant 0 : index
        %parallel_loop3A_1085 = tpu.vector_load %arg8[%parallel_loop3A_1083, %parallel_loop3A_1084] {strides = array<i32>} : memref<128x128xf32, #tpu.memory_space<vmem>>, vector<1x16xf32>,
        %parallel_loop3A_1086 = vector.shape_cast %parallel_loop3A_1085 : vector<1x16xf32> to vector<16xf32>
        %parallel_loop3A_1087 = arith.mulf %parallel_loop3A_1086, %parallel_loop3A_1078 : vector<16xf32>
        %parallel_loop3A_1088 = arith.index_cast %parallel_loop3A_1082 : i32 to index
        %parallel_loop3A_1089 = arith.constant 0 : index
        %parallel_loop3A_1090 = tpu.vector_load %arg10[%parallel_loop3A_1088, %parallel_loop3A_1089] {strides = array<i32>} : memref<128x128xf32, #tpu.memory_space<vmem>>, vector<1x16xf32>,
        %parallel_loop3A_1091 = vector.shape_cast %parallel_loop3A_1090 : vector<1x16xf32> to vector<16xf32>
        %parallel_loop3A_1092 = vector.shape_cast %parallel_loop3A_1087 : vector<16xf32> to vector<1x16xf32>
        tpu.vector_store %arg10[%parallel_loop3A_1088, %parallel_loop3A_1089], %parallel_loop3A_1092 {strides = array<i32>} : memref<128x128xf32, #tpu.memory_space<vmem>>, vector<1x16xf32>,
        %parallel_loop3A_1093 = arith.index_cast %parallel_loop3A_1082 : i32 to index
        %parallel_loop3A_1094 = arith.constant 16 : index
        %parallel_loop3A_1095 = tpu.vector_load %arg8[%parallel_loop3A_1093, %parallel_loop3A_1094] {strides = array<i32>} : memref<128x128xf32, #tpu.memory_space<vmem>>, vector<1x16xf32>,
        %parallel_loop3A_1096 = vector.shape_cast %parallel_loop3A_1095 : vector<1x16xf32> to vector<16xf32>
        %parallel_loop3A_1097 = arith.mulf %parallel_loop3A_1096, %parallel_loop3A_1078 : vector<16xf32>
        %parallel_loop3A_1098 = arith.index_cast %parallel_loop3A_1082 : i32 to index
        %parallel_loop3A_1099 = arith.constant 16 : index
        %parallel_loop3A_1100 = tpu.vector_load %arg10[%parallel_loop3A_1098, %parallel_loop3A_1099] {strides = array<i32>} : memref<128x128xf32, #tpu.memory_space<vmem>>, vector<1x16xf32>,
        %parallel_loop3A_1101 = vector.shape_cast %parallel_loop3A_1100 : vector<1x16xf32> to vector<16xf32>
        %parallel_loop3A_1102 = vector.shape_cast %parallel_loop3A_1097 : vector<16xf32> to vector<1x16xf32>
        tpu.vector_store %arg10[%parallel_loop3A_1098, %parallel_loop3A_1099], %parallel_loop3A_1102 {strides = array<i32>} : memref<128x128xf32, #tpu.memory_space<vmem>>, vector<1x16xf32>,
        %parallel_loop3A_1103 = arith.index_cast %parallel_loop3A_1082 : i32 to index
        %parallel_loop3A_1104 = arith.constant 32 : index
        %parallel_loop3A_1105 = tpu.vector_load %arg8[%parallel_loop3A_1103, %parallel_loop3A_1104] {strides = array<i32>} : memref<128x128xf32, #tpu.memory_space<vmem>>, vector<1x16xf32>,
        %parallel_loop3A_1106 = vector.shape_cast %parallel_loop3A_1105 : vector<1x16xf32> to vector<16xf32>
        %parallel_loop3A_1107 = arith.mulf %parallel_loop3A_1106, %parallel_loop3A_1078 : vector<16xf32>
        %parallel_loop3A_1108 = arith.index_cast %parallel_loop3A_1082 : i32 to index
        %parallel_loop3A_1109 = arith.constant 32 : index
        %parallel_loop3A_1110 = tpu.vector_load %arg10[%parallel_loop3A_1108, %parallel_loop3A_1109] {strides = array<i32>} : memref<128x128xf32, #tpu.memory_space<vmem>>, vector<1x16xf32>,
        %parallel_loop3A_1111 = vector.shape_cast %parallel_loop3A_1110 : vector<1x16xf32> to vector<16xf32>
        %parallel_loop3A_1112 = vector.shape_cast %parallel_loop3A_1107 : vector<16xf32> to vector<1x16xf32>
        tpu.vector_store %arg10[%parallel_loop3A_1108, %parallel_loop3A_1109], %parallel_loop3A_1112 {strides = array<i32>} : memref<128x128xf32, #tpu.memory_space<vmem>>, vector<1x16xf32>,
        %parallel_loop3A_1113 = arith.index_cast %parallel_loop3A_1082 : i32 to index
        %parallel_loop3A_1114 = arith.constant 48 : index
        %parallel_loop3A_1115 = tpu.vector_load %arg8[%parallel_loop3A_1113, %parallel_loop3A_1114] {strides = array<i32>} : memref<128x128xf32, #tpu.memory_space<vmem>>, vector<1x16xf32>,
        %parallel_loop3A_1116 = vector.shape_cast %parallel_loop3A_1115 : vector<1x16xf32> to vector<16xf32>
        %parallel_loop3A_1117 = arith.mulf %parallel_loop3A_1116, %parallel_loop3A_1078 : vector<16xf32>
        %parallel_loop3A_1118 = arith.index_cast %parallel_loop3A_1082 : i32 to index
        %parallel_loop3A_1119 = arith.constant 48 : index
        %parallel_loop3A_1120 = tpu.vector_load %arg10[%parallel_loop3A_1118, %parallel_loop3A_1119] {strides = array<i32>} : memref<128x128xf32, #tpu.memory_space<vmem>>, vector<1x16xf32>,
        %parallel_loop3A_1121 = vector.shape_cast %parallel_loop3A_1120 : vector<1x16xf32> to vector<16xf32>
        %parallel_loop3A_1122 = vector.shape_cast %parallel_loop3A_1117 : vector<16xf32> to vector<1x16xf32>
        tpu.vector_store %arg10[%parallel_loop3A_1118, %parallel_loop3A_1119], %parallel_loop3A_1122 {strides = array<i32>} : memref<128x128xf32, #tpu.memory_space<vmem>>, vector<1x16xf32>,
        %parallel_loop3A_1123 = arith.index_cast %parallel_loop3A_1082 : i32 to index
        %parallel_loop3A_1124 = arith.constant 64 : index
        %parallel_loop3A_1125 = tpu.vector_load %arg8[%parallel_loop3A_1123, %parallel_loop3A_1124] {strides = array<i32>} : memref<128x128xf32, #tpu.memory_space<vmem>>, vector<1x16xf32>,
        %parallel_loop3A_1126 = vector.shape_cast %parallel_loop3A_1125 : vector<1x16xf32> to vector<16xf32>
        %parallel_loop3A_1127 = arith.mulf %parallel_loop3A_1126, %parallel_loop3A_1078 : vector<16xf32>
        %parallel_loop3A_1128 = arith.index_cast %parallel_loop3A_1082 : i32 to index
        %parallel_loop3A_1129 = arith.constant 64 : index
        %parallel_loop3A_1130 = tpu.vector_load %arg10[%parallel_loop3A_1128, %parallel_loop3A_1129] {strides = array<i32>} : memref<128x128xf32, #tpu.memory_space<vmem>>, vector<1x16xf32>,
        %parallel_loop3A_1131 = vector.shape_cast %parallel_loop3A_1130 : vector<1x16xf32> to vector<16xf32>
        %parallel_loop3A_1132 = vector.shape_cast %parallel_loop3A_1127 : vector<16xf32> to vector<1x16xf32>
        tpu.vector_store %arg10[%parallel_loop3A_1128, %parallel_loop3A_1129], %parallel_loop3A_1132 {strides = array<i32>} : memref<128x128xf32, #tpu.memory_space<vmem>>, vector<1x16xf32>,
        %parallel_loop3A_1133 = arith.index_cast %parallel_loop3A_1082 : i32 to index
        %parallel_loop3A_1134 = arith.constant 80 : index
        %parallel_loop3A_1135 = tpu.vector_load %arg8[%parallel_loop3A_1133, %parallel_loop3A_1134] {strides = array<i32>} : memref<128x128xf32, #tpu.memory_space<vmem>>, vector<1x16xf32>,
        %parallel_loop3A_1136 = vector.shape_cast %parallel_loop3A_1135 : vector<1x16xf32> to vector<16xf32>
        %parallel_loop3A_1137 = arith.mulf %parallel_loop3A_1136, %parallel_loop3A_1078 : vector<16xf32>
        %parallel_loop3A_1138 = arith.index_cast %parallel_loop3A_1082 : i32 to index
        %parallel_loop3A_1139 = arith.constant 80 : index
        %parallel_loop3A_1140 = tpu.vector_load %arg10[%parallel_loop3A_1138, %parallel_loop3A_1139] {strides = array<i32>} : memref<128x128xf32, #tpu.memory_space<vmem>>, vector<1x16xf32>,
        %parallel_loop3A_1141 = vector.shape_cast %parallel_loop3A_1140 : vector<1x16xf32> to vector<16xf32>
        %parallel_loop3A_1142 = vector.shape_cast %parallel_loop3A_1137 : vector<16xf32> to vector<1x16xf32>
        tpu.vector_store %arg10[%parallel_loop3A_1138, %parallel_loop3A_1139], %parallel_loop3A_1142 {strides = array<i32>} : memref<128x128xf32, #tpu.memory_space<vmem>>, vector<1x16xf32>,
        %parallel_loop3A_1143 = arith.index_cast %parallel_loop3A_1082 : i32 to index
        %parallel_loop3A_1144 = arith.constant 96 : index
        %parallel_loop3A_1145 = tpu.vector_load %arg8[%parallel_loop3A_1143, %parallel_loop3A_1144] {strides = array<i32>} : memref<128x128xf32, #tpu.memory_space<vmem>>, vector<1x16xf32>,
        %parallel_loop3A_1146 = vector.shape_cast %parallel_loop3A_1145 : vector<1x16xf32> to vector<16xf32>
        %parallel_loop3A_1147 = arith.mulf %parallel_loop3A_1146, %parallel_loop3A_1078 : vector<16xf32>
        %parallel_loop3A_1148 = arith.index_cast %parallel_loop3A_1082 : i32 to index
        %parallel_loop3A_1149 = arith.constant 96 : index
        %parallel_loop3A_1150 = tpu.vector_load %arg10[%parallel_loop3A_1148, %parallel_loop3A_1149] {strides = array<i32>} : memref<128x128xf32, #tpu.memory_space<vmem>>, vector<1x16xf32>,
        %parallel_loop3A_1151 = vector.shape_cast %parallel_loop3A_1150 : vector<1x16xf32> to vector<16xf32>
        %parallel_loop3A_1152 = vector.shape_cast %parallel_loop3A_1147 : vector<16xf32> to vector<1x16xf32>
        tpu.vector_store %arg10[%parallel_loop3A_1148, %parallel_loop3A_1149], %parallel_loop3A_1152 {strides = array<i32>} : memref<128x128xf32, #tpu.memory_space<vmem>>, vector<1x16xf32>,
        %parallel_loop3A_1153 = arith.index_cast %parallel_loop3A_1082 : i32 to index
        %parallel_loop3A_1154 = arith.constant 112 : index
        %parallel_loop3A_1155 = tpu.vector_load %arg8[%parallel_loop3A_1153, %parallel_loop3A_1154] {strides = array<i32>} : memref<128x128xf32, #tpu.memory_space<vmem>>, vector<1x16xf32>,
        %parallel_loop3A_1156 = vector.shape_cast %parallel_loop3A_1155 : vector<1x16xf32> to vector<16xf32>
        %parallel_loop3A_1157 = arith.mulf %parallel_loop3A_1156, %parallel_loop3A_1078 : vector<16xf32>
        %parallel_loop3A_1158 = arith.index_cast %parallel_loop3A_1082 : i32 to index
        %parallel_loop3A_1159 = arith.constant 112 : index
        %parallel_loop3A_1160 = tpu.vector_load %arg10[%parallel_loop3A_1158, %parallel_loop3A_1159] {strides = array<i32>} : memref<128x128xf32, #tpu.memory_space<vmem>>, vector<1x16xf32>,
        %parallel_loop3A_1161 = vector.shape_cast %parallel_loop3A_1160 : vector<1x16xf32> to vector<16xf32>
        %parallel_loop3A_1162 = vector.shape_cast %parallel_loop3A_1157 : vector<16xf32> to vector<1x16xf32>
        tpu.vector_store %arg10[%parallel_loop3A_1158, %parallel_loop3A_1159], %parallel_loop3A_1162 {strides = array<i32>} : memref<128x128xf32, #tpu.memory_space<vmem>>, vector<1x16xf32>,
        %parallel_loop3A_1163 = vector.extract_strided_slice %parallel_loop3A_118 {offsets = [12], sizes = [1], strides = [1]} : vector<16xf32> to vector<1xf32>
        %parallel_loop3A_1164 = vector.extract %parallel_loop3A_1163[0] : f32 from vector<1xf32>
        %parallel_loop3A_1165 = vector.broadcast %parallel_loop3A_1164 : f32 to vector<16xf32>
        %parallel_loop3A_1166 = arith.constant 16 : i32
        %parallel_loop3A_1167 = arith.muli %parallel_loop3A_110, %parallel_loop3A_1166 : i32
        %parallel_loop3A_1168 = arith.constant 12 : i32
        %parallel_loop3A_1169 = arith.addi %parallel_loop3A_1167, %parallel_loop3A_1168 : i32
        %parallel_loop3A_1170 = arith.index_cast %parallel_loop3A_1169 : i32 to index
        %parallel_loop3A_1171 = arith.constant 0 : index
        %parallel_loop3A_1172 = tpu.vector_load %arg8[%parallel_loop3A_1170, %parallel_loop3A_1171] {strides = array<i32>} : memref<128x128xf32, #tpu.memory_space<vmem>>, vector<1x16xf32>,
        %parallel_loop3A_1173 = vector.shape_cast %parallel_loop3A_1172 : vector<1x16xf32> to vector<16xf32>
        %parallel_loop3A_1174 = arith.mulf %parallel_loop3A_1173, %parallel_loop3A_1165 : vector<16xf32>
        %parallel_loop3A_1175 = arith.index_cast %parallel_loop3A_1169 : i32 to index
        %parallel_loop3A_1176 = arith.constant 0 : index
        %parallel_loop3A_1177 = tpu.vector_load %arg10[%parallel_loop3A_1175, %parallel_loop3A_1176] {strides = array<i32>} : memref<128x128xf32, #tpu.memory_space<vmem>>, vector<1x16xf32>,
        %parallel_loop3A_1178 = vector.shape_cast %parallel_loop3A_1177 : vector<1x16xf32> to vector<16xf32>
        %parallel_loop3A_1179 = vector.shape_cast %parallel_loop3A_1174 : vector<16xf32> to vector<1x16xf32>
        tpu.vector_store %arg10[%parallel_loop3A_1175, %parallel_loop3A_1176], %parallel_loop3A_1179 {strides = array<i32>} : memref<128x128xf32, #tpu.memory_space<vmem>>, vector<1x16xf32>,
        %parallel_loop3A_1180 = arith.index_cast %parallel_loop3A_1169 : i32 to index
        %parallel_loop3A_1181 = arith.constant 16 : index
        %parallel_loop3A_1182 = tpu.vector_load %arg8[%parallel_loop3A_1180, %parallel_loop3A_1181] {strides = array<i32>} : memref<128x128xf32, #tpu.memory_space<vmem>>, vector<1x16xf32>,
        %parallel_loop3A_1183 = vector.shape_cast %parallel_loop3A_1182 : vector<1x16xf32> to vector<16xf32>
        %parallel_loop3A_1184 = arith.mulf %parallel_loop3A_1183, %parallel_loop3A_1165 : vector<16xf32>
        %parallel_loop3A_1185 = arith.index_cast %parallel_loop3A_1169 : i32 to index
        %parallel_loop3A_1186 = arith.constant 16 : index
        %parallel_loop3A_1187 = tpu.vector_load %arg10[%parallel_loop3A_1185, %parallel_loop3A_1186] {strides = array<i32>} : memref<128x128xf32, #tpu.memory_space<vmem>>, vector<1x16xf32>,
        %parallel_loop3A_1188 = vector.shape_cast %parallel_loop3A_1187 : vector<1x16xf32> to vector<16xf32>
        %parallel_loop3A_1189 = vector.shape_cast %parallel_loop3A_1184 : vector<16xf32> to vector<1x16xf32>
        tpu.vector_store %arg10[%parallel_loop3A_1185, %parallel_loop3A_1186], %parallel_loop3A_1189 {strides = array<i32>} : memref<128x128xf32, #tpu.memory_space<vmem>>, vector<1x16xf32>,
        %parallel_loop3A_1190 = arith.index_cast %parallel_loop3A_1169 : i32 to index
        %parallel_loop3A_1191 = arith.constant 32 : index
        %parallel_loop3A_1192 = tpu.vector_load %arg8[%parallel_loop3A_1190, %parallel_loop3A_1191] {strides = array<i32>} : memref<128x128xf32, #tpu.memory_space<vmem>>, vector<1x16xf32>,
        %parallel_loop3A_1193 = vector.shape_cast %parallel_loop3A_1192 : vector<1x16xf32> to vector<16xf32>
        %parallel_loop3A_1194 = arith.mulf %parallel_loop3A_1193, %parallel_loop3A_1165 : vector<16xf32>
        %parallel_loop3A_1195 = arith.index_cast %parallel_loop3A_1169 : i32 to index
        %parallel_loop3A_1196 = arith.constant 32 : index
        %parallel_loop3A_1197 = tpu.vector_load %arg10[%parallel_loop3A_1195, %parallel_loop3A_1196] {strides = array<i32>} : memref<128x128xf32, #tpu.memory_space<vmem>>, vector<1x16xf32>,
        %parallel_loop3A_1198 = vector.shape_cast %parallel_loop3A_1197 : vector<1x16xf32> to vector<16xf32>
        %parallel_loop3A_1199 = vector.shape_cast %parallel_loop3A_1194 : vector<16xf32> to vector<1x16xf32>
        tpu.vector_store %arg10[%parallel_loop3A_1195, %parallel_loop3A_1196], %parallel_loop3A_1199 {strides = array<i32>} : memref<128x128xf32, #tpu.memory_space<vmem>>, vector<1x16xf32>,
        %parallel_loop3A_1200 = arith.index_cast %parallel_loop3A_1169 : i32 to index
        %parallel_loop3A_1201 = arith.constant 48 : index
        %parallel_loop3A_1202 = tpu.vector_load %arg8[%parallel_loop3A_1200, %parallel_loop3A_1201] {strides = array<i32>} : memref<128x128xf32, #tpu.memory_space<vmem>>, vector<1x16xf32>,
        %parallel_loop3A_1203 = vector.shape_cast %parallel_loop3A_1202 : vector<1x16xf32> to vector<16xf32>
        %parallel_loop3A_1204 = arith.mulf %parallel_loop3A_1203, %parallel_loop3A_1165 : vector<16xf32>
        %parallel_loop3A_1205 = arith.index_cast %parallel_loop3A_1169 : i32 to index
        %parallel_loop3A_1206 = arith.constant 48 : index
        %parallel_loop3A_1207 = tpu.vector_load %arg10[%parallel_loop3A_1205, %parallel_loop3A_1206] {strides = array<i32>} : memref<128x128xf32, #tpu.memory_space<vmem>>, vector<1x16xf32>,
        %parallel_loop3A_1208 = vector.shape_cast %parallel_loop3A_1207 : vector<1x16xf32> to vector<16xf32>
        %parallel_loop3A_1209 = vector.shape_cast %parallel_loop3A_1204 : vector<16xf32> to vector<1x16xf32>
        tpu.vector_store %arg10[%parallel_loop3A_1205, %parallel_loop3A_1206], %parallel_loop3A_1209 {strides = array<i32>} : memref<128x128xf32, #tpu.memory_space<vmem>>, vector<1x16xf32>,
        %parallel_loop3A_1210 = arith.index_cast %parallel_loop3A_1169 : i32 to index
        %parallel_loop3A_1211 = arith.constant 64 : index
        %parallel_loop3A_1212 = tpu.vector_load %arg8[%parallel_loop3A_1210, %parallel_loop3A_1211] {strides = array<i32>} : memref<128x128xf32, #tpu.memory_space<vmem>>, vector<1x16xf32>,
        %parallel_loop3A_1213 = vector.shape_cast %parallel_loop3A_1212 : vector<1x16xf32> to vector<16xf32>
        %parallel_loop3A_1214 = arith.mulf %parallel_loop3A_1213, %parallel_loop3A_1165 : vector<16xf32>
        %parallel_loop3A_1215 = arith.index_cast %parallel_loop3A_1169 : i32 to index
        %parallel_loop3A_1216 = arith.constant 64 : index
        %parallel_loop3A_1217 = tpu.vector_load %arg10[%parallel_loop3A_1215, %parallel_loop3A_1216] {strides = array<i32>} : memref<128x128xf32, #tpu.memory_space<vmem>>, vector<1x16xf32>,
        %parallel_loop3A_1218 = vector.shape_cast %parallel_loop3A_1217 : vector<1x16xf32> to vector<16xf32>
        %parallel_loop3A_1219 = vector.shape_cast %parallel_loop3A_1214 : vector<16xf32> to vector<1x16xf32>
        tpu.vector_store %arg10[%parallel_loop3A_1215, %parallel_loop3A_1216], %parallel_loop3A_1219 {strides = array<i32>} : memref<128x128xf32, #tpu.memory_space<vmem>>, vector<1x16xf32>,
        %parallel_loop3A_1220 = arith.index_cast %parallel_loop3A_1169 : i32 to index
        %parallel_loop3A_1221 = arith.constant 80 : index
        %parallel_loop3A_1222 = tpu.vector_load %arg8[%parallel_loop3A_1220, %parallel_loop3A_1221] {strides = array<i32>} : memref<128x128xf32, #tpu.memory_space<vmem>>, vector<1x16xf32>,
        %parallel_loop3A_1223 = vector.shape_cast %parallel_loop3A_1222 : vector<1x16xf32> to vector<16xf32>
        %parallel_loop3A_1224 = arith.mulf %parallel_loop3A_1223, %parallel_loop3A_1165 : vector<16xf32>
        %parallel_loop3A_1225 = arith.index_cast %parallel_loop3A_1169 : i32 to index
        %parallel_loop3A_1226 = arith.constant 80 : index
        %parallel_loop3A_1227 = tpu.vector_load %arg10[%parallel_loop3A_1225, %parallel_loop3A_1226] {strides = array<i32>} : memref<128x128xf32, #tpu.memory_space<vmem>>, vector<1x16xf32>,
        %parallel_loop3A_1228 = vector.shape_cast %parallel_loop3A_1227 : vector<1x16xf32> to vector<16xf32>
        %parallel_loop3A_1229 = vector.shape_cast %parallel_loop3A_1224 : vector<16xf32> to vector<1x16xf32>
        tpu.vector_store %arg10[%parallel_loop3A_1225, %parallel_loop3A_1226], %parallel_loop3A_1229 {strides = array<i32>} : memref<128x128xf32, #tpu.memory_space<vmem>>, vector<1x16xf32>,
        %parallel_loop3A_1230 = arith.index_cast %parallel_loop3A_1169 : i32 to index
        %parallel_loop3A_1231 = arith.constant 96 : index
        %parallel_loop3A_1232 = tpu.vector_load %arg8[%parallel_loop3A_1230, %parallel_loop3A_1231] {strides = array<i32>} : memref<128x128xf32, #tpu.memory_space<vmem>>, vector<1x16xf32>,
        %parallel_loop3A_1233 = vector.shape_cast %parallel_loop3A_1232 : vector<1x16xf32> to vector<16xf32>
        %parallel_loop3A_1234 = arith.mulf %parallel_loop3A_1233, %parallel_loop3A_1165 : vector<16xf32>
        %parallel_loop3A_1235 = arith.index_cast %parallel_loop3A_1169 : i32 to index
        %parallel_loop3A_1236 = arith.constant 96 : index
        %parallel_loop3A_1237 = tpu.vector_load %arg10[%parallel_loop3A_1235, %parallel_loop3A_1236] {strides = array<i32>} : memref<128x128xf32, #tpu.memory_space<vmem>>, vector<1x16xf32>,
        %parallel_loop3A_1238 = vector.shape_cast %parallel_loop3A_1237 : vector<1x16xf32> to vector<16xf32>
        %parallel_loop3A_1239 = vector.shape_cast %parallel_loop3A_1234 : vector<16xf32> to vector<1x16xf32>
        tpu.vector_store %arg10[%parallel_loop3A_1235, %parallel_loop3A_1236], %parallel_loop3A_1239 {strides = array<i32>} : memref<128x128xf32, #tpu.memory_space<vmem>>, vector<1x16xf32>,
        %parallel_loop3A_1240 = arith.index_cast %parallel_loop3A_1169 : i32 to index
        %parallel_loop3A_1241 = arith.constant 112 : index
        %parallel_loop3A_1242 = tpu.vector_load %arg8[%parallel_loop3A_1240, %parallel_loop3A_1241] {strides = array<i32>} : memref<128x128xf32, #tpu.memory_space<vmem>>, vector<1x16xf32>,
        %parallel_loop3A_1243 = vector.shape_cast %parallel_loop3A_1242 : vector<1x16xf32> to vector<16xf32>
        %parallel_loop3A_1244 = arith.mulf %parallel_loop3A_1243, %parallel_loop3A_1165 : vector<16xf32>
        %parallel_loop3A_1245 = arith.index_cast %parallel_loop3A_1169 : i32 to index
        %parallel_loop3A_1246 = arith.constant 112 : index
        %parallel_loop3A_1247 = tpu.vector_load %arg10[%parallel_loop3A_1245, %parallel_loop3A_1246] {strides = array<i32>} : memref<128x128xf32, #tpu.memory_space<vmem>>, vector<1x16xf32>,
        %parallel_loop3A_1248 = vector.shape_cast %parallel_loop3A_1247 : vector<1x16xf32> to vector<16xf32>
        %parallel_loop3A_1249 = vector.shape_cast %parallel_loop3A_1244 : vector<16xf32> to vector<1x16xf32>
        tpu.vector_store %arg10[%parallel_loop3A_1245, %parallel_loop3A_1246], %parallel_loop3A_1249 {strides = array<i32>} : memref<128x128xf32, #tpu.memory_space<vmem>>, vector<1x16xf32>,
        %parallel_loop3A_1250 = vector.extract_strided_slice %parallel_loop3A_118 {offsets = [13], sizes = [1], strides = [1]} : vector<16xf32> to vector<1xf32>
        %parallel_loop3A_1251 = vector.extract %parallel_loop3A_1250[0] : f32 from vector<1xf32>
        %parallel_loop3A_1252 = vector.broadcast %parallel_loop3A_1251 : f32 to vector<16xf32>
        %parallel_loop3A_1253 = arith.constant 16 : i32
        %parallel_loop3A_1254 = arith.muli %parallel_loop3A_110, %parallel_loop3A_1253 : i32
        %parallel_loop3A_1255 = arith.constant 13 : i32
        %parallel_loop3A_1256 = arith.addi %parallel_loop3A_1254, %parallel_loop3A_1255 : i32
        %parallel_loop3A_1257 = arith.index_cast %parallel_loop3A_1256 : i32 to index
        %parallel_loop3A_1258 = arith.constant 0 : index
        %parallel_loop3A_1259 = tpu.vector_load %arg8[%parallel_loop3A_1257, %parallel_loop3A_1258] {strides = array<i32>} : memref<128x128xf32, #tpu.memory_space<vmem>>, vector<1x16xf32>,
        %parallel_loop3A_1260 = vector.shape_cast %parallel_loop3A_1259 : vector<1x16xf32> to vector<16xf32>
        %parallel_loop3A_1261 = arith.mulf %parallel_loop3A_1260, %parallel_loop3A_1252 : vector<16xf32>
        %parallel_loop3A_1262 = arith.index_cast %parallel_loop3A_1256 : i32 to index
        %parallel_loop3A_1263 = arith.constant 0 : index
        %parallel_loop3A_1264 = tpu.vector_load %arg10[%parallel_loop3A_1262, %parallel_loop3A_1263] {strides = array<i32>} : memref<128x128xf32, #tpu.memory_space<vmem>>, vector<1x16xf32>,
        %parallel_loop3A_1265 = vector.shape_cast %parallel_loop3A_1264 : vector<1x16xf32> to vector<16xf32>
        %parallel_loop3A_1266 = vector.shape_cast %parallel_loop3A_1261 : vector<16xf32> to vector<1x16xf32>
        tpu.vector_store %arg10[%parallel_loop3A_1262, %parallel_loop3A_1263], %parallel_loop3A_1266 {strides = array<i32>} : memref<128x128xf32, #tpu.memory_space<vmem>>, vector<1x16xf32>,
        %parallel_loop3A_1267 = arith.index_cast %parallel_loop3A_1256 : i32 to index
        %parallel_loop3A_1268 = arith.constant 16 : index
        %parallel_loop3A_1269 = tpu.vector_load %arg8[%parallel_loop3A_1267, %parallel_loop3A_1268] {strides = array<i32>} : memref<128x128xf32, #tpu.memory_space<vmem>>, vector<1x16xf32>,
        %parallel_loop3A_1270 = vector.shape_cast %parallel_loop3A_1269 : vector<1x16xf32> to vector<16xf32>
        %parallel_loop3A_1271 = arith.mulf %parallel_loop3A_1270, %parallel_loop3A_1252 : vector<16xf32>
        %parallel_loop3A_1272 = arith.index_cast %parallel_loop3A_1256 : i32 to index
        %parallel_loop3A_1273 = arith.constant 16 : index
        %parallel_loop3A_1274 = tpu.vector_load %arg10[%parallel_loop3A_1272, %parallel_loop3A_1273] {strides = array<i32>} : memref<128x128xf32, #tpu.memory_space<vmem>>, vector<1x16xf32>,
        %parallel_loop3A_1275 = vector.shape_cast %parallel_loop3A_1274 : vector<1x16xf32> to vector<16xf32>
        %parallel_loop3A_1276 = vector.shape_cast %parallel_loop3A_1271 : vector<16xf32> to vector<1x16xf32>
        tpu.vector_store %arg10[%parallel_loop3A_1272, %parallel_loop3A_1273], %parallel_loop3A_1276 {strides = array<i32>} : memref<128x128xf32, #tpu.memory_space<vmem>>, vector<1x16xf32>,
        %parallel_loop3A_1277 = arith.index_cast %parallel_loop3A_1256 : i32 to index
        %parallel_loop3A_1278 = arith.constant 32 : index
        %parallel_loop3A_1279 = tpu.vector_load %arg8[%parallel_loop3A_1277, %parallel_loop3A_1278] {strides = array<i32>} : memref<128x128xf32, #tpu.memory_space<vmem>>, vector<1x16xf32>,
        %parallel_loop3A_1280 = vector.shape_cast %parallel_loop3A_1279 : vector<1x16xf32> to vector<16xf32>
        %parallel_loop3A_1281 = arith.mulf %parallel_loop3A_1280, %parallel_loop3A_1252 : vector<16xf32>
        %parallel_loop3A_1282 = arith.index_cast %parallel_loop3A_1256 : i32 to index
        %parallel_loop3A_1283 = arith.constant 32 : index
        %parallel_loop3A_1284 = tpu.vector_load %arg10[%parallel_loop3A_1282, %parallel_loop3A_1283] {strides = array<i32>} : memref<128x128xf32, #tpu.memory_space<vmem>>, vector<1x16xf32>,
        %parallel_loop3A_1285 = vector.shape_cast %parallel_loop3A_1284 : vector<1x16xf32> to vector<16xf32>
        %parallel_loop3A_1286 = vector.shape_cast %parallel_loop3A_1281 : vector<16xf32> to vector<1x16xf32>
        tpu.vector_store %arg10[%parallel_loop3A_1282, %parallel_loop3A_1283], %parallel_loop3A_1286 {strides = array<i32>} : memref<128x128xf32, #tpu.memory_space<vmem>>, vector<1x16xf32>,
        %parallel_loop3A_1287 = arith.index_cast %parallel_loop3A_1256 : i32 to index
        %parallel_loop3A_1288 = arith.constant 48 : index
        %parallel_loop3A_1289 = tpu.vector_load %arg8[%parallel_loop3A_1287, %parallel_loop3A_1288] {strides = array<i32>} : memref<128x128xf32, #tpu.memory_space<vmem>>, vector<1x16xf32>,
        %parallel_loop3A_1290 = vector.shape_cast %parallel_loop3A_1289 : vector<1x16xf32> to vector<16xf32>
        %parallel_loop3A_1291 = arith.mulf %parallel_loop3A_1290, %parallel_loop3A_1252 : vector<16xf32>
        %parallel_loop3A_1292 = arith.index_cast %parallel_loop3A_1256 : i32 to index
        %parallel_loop3A_1293 = arith.constant 48 : index
        %parallel_loop3A_1294 = tpu.vector_load %arg10[%parallel_loop3A_1292, %parallel_loop3A_1293] {strides = array<i32>} : memref<128x128xf32, #tpu.memory_space<vmem>>, vector<1x16xf32>,
        %parallel_loop3A_1295 = vector.shape_cast %parallel_loop3A_1294 : vector<1x16xf32> to vector<16xf32>
        %parallel_loop3A_1296 = vector.shape_cast %parallel_loop3A_1291 : vector<16xf32> to vector<1x16xf32>
        tpu.vector_store %arg10[%parallel_loop3A_1292, %parallel_loop3A_1293], %parallel_loop3A_1296 {strides = array<i32>} : memref<128x128xf32, #tpu.memory_space<vmem>>, vector<1x16xf32>,
        %parallel_loop3A_1297 = arith.index_cast %parallel_loop3A_1256 : i32 to index
        %parallel_loop3A_1298 = arith.constant 64 : index
        %parallel_loop3A_1299 = tpu.vector_load %arg8[%parallel_loop3A_1297, %parallel_loop3A_1298] {strides = array<i32>} : memref<128x128xf32, #tpu.memory_space<vmem>>, vector<1x16xf32>,
        %parallel_loop3A_1300 = vector.shape_cast %parallel_loop3A_1299 : vector<1x16xf32> to vector<16xf32>
        %parallel_loop3A_1301 = arith.mulf %parallel_loop3A_1300, %parallel_loop3A_1252 : vector<16xf32>
        %parallel_loop3A_1302 = arith.index_cast %parallel_loop3A_1256 : i32 to index
        %parallel_loop3A_1303 = arith.constant 64 : index
        %parallel_loop3A_1304 = tpu.vector_load %arg10[%parallel_loop3A_1302, %parallel_loop3A_1303] {strides = array<i32>} : memref<128x128xf32, #tpu.memory_space<vmem>>, vector<1x16xf32>,
        %parallel_loop3A_1305 = vector.shape_cast %parallel_loop3A_1304 : vector<1x16xf32> to vector<16xf32>
        %parallel_loop3A_1306 = vector.shape_cast %parallel_loop3A_1301 : vector<16xf32> to vector<1x16xf32>
        tpu.vector_store %arg10[%parallel_loop3A_1302, %parallel_loop3A_1303], %parallel_loop3A_1306 {strides = array<i32>} : memref<128x128xf32, #tpu.memory_space<vmem>>, vector<1x16xf32>,
        %parallel_loop3A_1307 = arith.index_cast %parallel_loop3A_1256 : i32 to index
        %parallel_loop3A_1308 = arith.constant 80 : index
        %parallel_loop3A_1309 = tpu.vector_load %arg8[%parallel_loop3A_1307, %parallel_loop3A_1308] {strides = array<i32>} : memref<128x128xf32, #tpu.memory_space<vmem>>, vector<1x16xf32>,
        %parallel_loop3A_1310 = vector.shape_cast %parallel_loop3A_1309 : vector<1x16xf32> to vector<16xf32>
        %parallel_loop3A_1311 = arith.mulf %parallel_loop3A_1310, %parallel_loop3A_1252 : vector<16xf32>
        %parallel_loop3A_1312 = arith.index_cast %parallel_loop3A_1256 : i32 to index
        %parallel_loop3A_1313 = arith.constant 80 : index
        %parallel_loop3A_1314 = tpu.vector_load %arg10[%parallel_loop3A_1312, %parallel_loop3A_1313] {strides = array<i32>} : memref<128x128xf32, #tpu.memory_space<vmem>>, vector<1x16xf32>,
        %parallel_loop3A_1315 = vector.shape_cast %parallel_loop3A_1314 : vector<1x16xf32> to vector<16xf32>
        %parallel_loop3A_1316 = vector.shape_cast %parallel_loop3A_1311 : vector<16xf32> to vector<1x16xf32>
        tpu.vector_store %arg10[%parallel_loop3A_1312, %parallel_loop3A_1313], %parallel_loop3A_1316 {strides = array<i32>} : memref<128x128xf32, #tpu.memory_space<vmem>>, vector<1x16xf32>,
        %parallel_loop3A_1317 = arith.index_cast %parallel_loop3A_1256 : i32 to index
        %parallel_loop3A_1318 = arith.constant 96 : index
        %parallel_loop3A_1319 = tpu.vector_load %arg8[%parallel_loop3A_1317, %parallel_loop3A_1318] {strides = array<i32>} : memref<128x128xf32, #tpu.memory_space<vmem>>, vector<1x16xf32>,
        %parallel_loop3A_1320 = vector.shape_cast %parallel_loop3A_1319 : vector<1x16xf32> to vector<16xf32>
        %parallel_loop3A_1321 = arith.mulf %parallel_loop3A_1320, %parallel_loop3A_1252 : vector<16xf32>
        %parallel_loop3A_1322 = arith.index_cast %parallel_loop3A_1256 : i32 to index
        %parallel_loop3A_1323 = arith.constant 96 : index
        %parallel_loop3A_1324 = tpu.vector_load %arg10[%parallel_loop3A_1322, %parallel_loop3A_1323] {strides = array<i32>} : memref<128x128xf32, #tpu.memory_space<vmem>>, vector<1x16xf32>,
        %parallel_loop3A_1325 = vector.shape_cast %parallel_loop3A_1324 : vector<1x16xf32> to vector<16xf32>
        %parallel_loop3A_1326 = vector.shape_cast %parallel_loop3A_1321 : vector<16xf32> to vector<1x16xf32>
        tpu.vector_store %arg10[%parallel_loop3A_1322, %parallel_loop3A_1323], %parallel_loop3A_1326 {strides = array<i32>} : memref<128x128xf32, #tpu.memory_space<vmem>>, vector<1x16xf32>,
        %parallel_loop3A_1327 = arith.index_cast %parallel_loop3A_1256 : i32 to index
        %parallel_loop3A_1328 = arith.constant 112 : index
        %parallel_loop3A_1329 = tpu.vector_load %arg8[%parallel_loop3A_1327, %parallel_loop3A_1328] {strides = array<i32>} : memref<128x128xf32, #tpu.memory_space<vmem>>, vector<1x16xf32>,
        %parallel_loop3A_1330 = vector.shape_cast %parallel_loop3A_1329 : vector<1x16xf32> to vector<16xf32>
        %parallel_loop3A_1331 = arith.mulf %parallel_loop3A_1330, %parallel_loop3A_1252 : vector<16xf32>
        %parallel_loop3A_1332 = arith.index_cast %parallel_loop3A_1256 : i32 to index
        %parallel_loop3A_1333 = arith.constant 112 : index
        %parallel_loop3A_1334 = tpu.vector_load %arg10[%parallel_loop3A_1332, %parallel_loop3A_1333] {strides = array<i32>} : memref<128x128xf32, #tpu.memory_space<vmem>>, vector<1x16xf32>,
        %parallel_loop3A_1335 = vector.shape_cast %parallel_loop3A_1334 : vector<1x16xf32> to vector<16xf32>
        %parallel_loop3A_1336 = vector.shape_cast %parallel_loop3A_1331 : vector<16xf32> to vector<1x16xf32>
        tpu.vector_store %arg10[%parallel_loop3A_1332, %parallel_loop3A_1333], %parallel_loop3A_1336 {strides = array<i32>} : memref<128x128xf32, #tpu.memory_space<vmem>>, vector<1x16xf32>,
        %parallel_loop3A_1337 = vector.extract_strided_slice %parallel_loop3A_118 {offsets = [14], sizes = [1], strides = [1]} : vector<16xf32> to vector<1xf32>
        %parallel_loop3A_1338 = vector.extract %parallel_loop3A_1337[0] : f32 from vector<1xf32>
        %parallel_loop3A_1339 = vector.broadcast %parallel_loop3A_1338 : f32 to vector<16xf32>
        %parallel_loop3A_1340 = arith.constant 16 : i32
        %parallel_loop3A_1341 = arith.muli %parallel_loop3A_110, %parallel_loop3A_1340 : i32
        %parallel_loop3A_1342 = arith.constant 14 : i32
        %parallel_loop3A_1343 = arith.addi %parallel_loop3A_1341, %parallel_loop3A_1342 : i32
        %parallel_loop3A_1344 = arith.index_cast %parallel_loop3A_1343 : i32 to index
        %parallel_loop3A_1345 = arith.constant 0 : index
        %parallel_loop3A_1346 = tpu.vector_load %arg8[%parallel_loop3A_1344, %parallel_loop3A_1345] {strides = array<i32>} : memref<128x128xf32, #tpu.memory_space<vmem>>, vector<1x16xf32>,
        %parallel_loop3A_1347 = vector.shape_cast %parallel_loop3A_1346 : vector<1x16xf32> to vector<16xf32>
        %parallel_loop3A_1348 = arith.mulf %parallel_loop3A_1347, %parallel_loop3A_1339 : vector<16xf32>
        %parallel_loop3A_1349 = arith.index_cast %parallel_loop3A_1343 : i32 to index
        %parallel_loop3A_1350 = arith.constant 0 : index
        %parallel_loop3A_1351 = tpu.vector_load %arg10[%parallel_loop3A_1349, %parallel_loop3A_1350] {strides = array<i32>} : memref<128x128xf32, #tpu.memory_space<vmem>>, vector<1x16xf32>,
        %parallel_loop3A_1352 = vector.shape_cast %parallel_loop3A_1351 : vector<1x16xf32> to vector<16xf32>
        %parallel_loop3A_1353 = vector.shape_cast %parallel_loop3A_1348 : vector<16xf32> to vector<1x16xf32>
        tpu.vector_store %arg10[%parallel_loop3A_1349, %parallel_loop3A_1350], %parallel_loop3A_1353 {strides = array<i32>} : memref<128x128xf32, #tpu.memory_space<vmem>>, vector<1x16xf32>,
        %parallel_loop3A_1354 = arith.index_cast %parallel_loop3A_1343 : i32 to index
        %parallel_loop3A_1355 = arith.constant 16 : index
        %parallel_loop3A_1356 = tpu.vector_load %arg8[%parallel_loop3A_1354, %parallel_loop3A_1355] {strides = array<i32>} : memref<128x128xf32, #tpu.memory_space<vmem>>, vector<1x16xf32>,
        %parallel_loop3A_1357 = vector.shape_cast %parallel_loop3A_1356 : vector<1x16xf32> to vector<16xf32>
        %parallel_loop3A_1358 = arith.mulf %parallel_loop3A_1357, %parallel_loop3A_1339 : vector<16xf32>
        %parallel_loop3A_1359 = arith.index_cast %parallel_loop3A_1343 : i32 to index
        %parallel_loop3A_1360 = arith.constant 16 : index
        %parallel_loop3A_1361 = tpu.vector_load %arg10[%parallel_loop3A_1359, %parallel_loop3A_1360] {strides = array<i32>} : memref<128x128xf32, #tpu.memory_space<vmem>>, vector<1x16xf32>,
        %parallel_loop3A_1362 = vector.shape_cast %parallel_loop3A_1361 : vector<1x16xf32> to vector<16xf32>
        %parallel_loop3A_1363 = vector.shape_cast %parallel_loop3A_1358 : vector<16xf32> to vector<1x16xf32>
        tpu.vector_store %arg10[%parallel_loop3A_1359, %parallel_loop3A_1360], %parallel_loop3A_1363 {strides = array<i32>} : memref<128x128xf32, #tpu.memory_space<vmem>>, vector<1x16xf32>,
        %parallel_loop3A_1364 = arith.index_cast %parallel_loop3A_1343 : i32 to index
        %parallel_loop3A_1365 = arith.constant 32 : index
        %parallel_loop3A_1366 = tpu.vector_load %arg8[%parallel_loop3A_1364, %parallel_loop3A_1365] {strides = array<i32>} : memref<128x128xf32, #tpu.memory_space<vmem>>, vector<1x16xf32>,
        %parallel_loop3A_1367 = vector.shape_cast %parallel_loop3A_1366 : vector<1x16xf32> to vector<16xf32>
        %parallel_loop3A_1368 = arith.mulf %parallel_loop3A_1367, %parallel_loop3A_1339 : vector<16xf32>
        %parallel_loop3A_1369 = arith.index_cast %parallel_loop3A_1343 : i32 to index
        %parallel_loop3A_1370 = arith.constant 32 : index
        %parallel_loop3A_1371 = tpu.vector_load %arg10[%parallel_loop3A_1369, %parallel_loop3A_1370] {strides = array<i32>} : memref<128x128xf32, #tpu.memory_space<vmem>>, vector<1x16xf32>,
        %parallel_loop3A_1372 = vector.shape_cast %parallel_loop3A_1371 : vector<1x16xf32> to vector<16xf32>
        %parallel_loop3A_1373 = vector.shape_cast %parallel_loop3A_1368 : vector<16xf32> to vector<1x16xf32>
        tpu.vector_store %arg10[%parallel_loop3A_1369, %parallel_loop3A_1370], %parallel_loop3A_1373 {strides = array<i32>} : memref<128x128xf32, #tpu.memory_space<vmem>>, vector<1x16xf32>,
        %parallel_loop3A_1374 = arith.index_cast %parallel_loop3A_1343 : i32 to index
        %parallel_loop3A_1375 = arith.constant 48 : index
        %parallel_loop3A_1376 = tpu.vector_load %arg8[%parallel_loop3A_1374, %parallel_loop3A_1375] {strides = array<i32>} : memref<128x128xf32, #tpu.memory_space<vmem>>, vector<1x16xf32>,
        %parallel_loop3A_1377 = vector.shape_cast %parallel_loop3A_1376 : vector<1x16xf32> to vector<16xf32>
        %parallel_loop3A_1378 = arith.mulf %parallel_loop3A_1377, %parallel_loop3A_1339 : vector<16xf32>
        %parallel_loop3A_1379 = arith.index_cast %parallel_loop3A_1343 : i32 to index
        %parallel_loop3A_1380 = arith.constant 48 : index
        %parallel_loop3A_1381 = tpu.vector_load %arg10[%parallel_loop3A_1379, %parallel_loop3A_1380] {strides = array<i32>} : memref<128x128xf32, #tpu.memory_space<vmem>>, vector<1x16xf32>,
        %parallel_loop3A_1382 = vector.shape_cast %parallel_loop3A_1381 : vector<1x16xf32> to vector<16xf32>
        %parallel_loop3A_1383 = vector.shape_cast %parallel_loop3A_1378 : vector<16xf32> to vector<1x16xf32>
        tpu.vector_store %arg10[%parallel_loop3A_1379, %parallel_loop3A_1380], %parallel_loop3A_1383 {strides = array<i32>} : memref<128x128xf32, #tpu.memory_space<vmem>>, vector<1x16xf32>,
        %parallel_loop3A_1384 = arith.index_cast %parallel_loop3A_1343 : i32 to index
        %parallel_loop3A_1385 = arith.constant 64 : index
        %parallel_loop3A_1386 = tpu.vector_load %arg8[%parallel_loop3A_1384, %parallel_loop3A_1385] {strides = array<i32>} : memref<128x128xf32, #tpu.memory_space<vmem>>, vector<1x16xf32>,
        %parallel_loop3A_1387 = vector.shape_cast %parallel_loop3A_1386 : vector<1x16xf32> to vector<16xf32>
        %parallel_loop3A_1388 = arith.mulf %parallel_loop3A_1387, %parallel_loop3A_1339 : vector<16xf32>
        %parallel_loop3A_1389 = arith.index_cast %parallel_loop3A_1343 : i32 to index
        %parallel_loop3A_1390 = arith.constant 64 : index
        %parallel_loop3A_1391 = tpu.vector_load %arg10[%parallel_loop3A_1389, %parallel_loop3A_1390] {strides = array<i32>} : memref<128x128xf32, #tpu.memory_space<vmem>>, vector<1x16xf32>,
        %parallel_loop3A_1392 = vector.shape_cast %parallel_loop3A_1391 : vector<1x16xf32> to vector<16xf32>
        %parallel_loop3A_1393 = vector.shape_cast %parallel_loop3A_1388 : vector<16xf32> to vector<1x16xf32>
        tpu.vector_store %arg10[%parallel_loop3A_1389, %parallel_loop3A_1390], %parallel_loop3A_1393 {strides = array<i32>} : memref<128x128xf32, #tpu.memory_space<vmem>>, vector<1x16xf32>,
        %parallel_loop3A_1394 = arith.index_cast %parallel_loop3A_1343 : i32 to index
        %parallel_loop3A_1395 = arith.constant 80 : index
        %parallel_loop3A_1396 = tpu.vector_load %arg8[%parallel_loop3A_1394, %parallel_loop3A_1395] {strides = array<i32>} : memref<128x128xf32, #tpu.memory_space<vmem>>, vector<1x16xf32>,
        %parallel_loop3A_1397 = vector.shape_cast %parallel_loop3A_1396 : vector<1x16xf32> to vector<16xf32>
        %parallel_loop3A_1398 = arith.mulf %parallel_loop3A_1397, %parallel_loop3A_1339 : vector<16xf32>
        %parallel_loop3A_1399 = arith.index_cast %parallel_loop3A_1343 : i32 to index
        %parallel_loop3A_1400 = arith.constant 80 : index
        %parallel_loop3A_1401 = tpu.vector_load %arg10[%parallel_loop3A_1399, %parallel_loop3A_1400] {strides = array<i32>} : memref<128x128xf32, #tpu.memory_space<vmem>>, vector<1x16xf32>,
        %parallel_loop3A_1402 = vector.shape_cast %parallel_loop3A_1401 : vector<1x16xf32> to vector<16xf32>
        %parallel_loop3A_1403 = vector.shape_cast %parallel_loop3A_1398 : vector<16xf32> to vector<1x16xf32>
        tpu.vector_store %arg10[%parallel_loop3A_1399, %parallel_loop3A_1400], %parallel_loop3A_1403 {strides = array<i32>} : memref<128x128xf32, #tpu.memory_space<vmem>>, vector<1x16xf32>,
        %parallel_loop3A_1404 = arith.index_cast %parallel_loop3A_1343 : i32 to index
        %parallel_loop3A_1405 = arith.constant 96 : index
        %parallel_loop3A_1406 = tpu.vector_load %arg8[%parallel_loop3A_1404, %parallel_loop3A_1405] {strides = array<i32>} : memref<128x128xf32, #tpu.memory_space<vmem>>, vector<1x16xf32>,
        %parallel_loop3A_1407 = vector.shape_cast %parallel_loop3A_1406 : vector<1x16xf32> to vector<16xf32>
        %parallel_loop3A_1408 = arith.mulf %parallel_loop3A_1407, %parallel_loop3A_1339 : vector<16xf32>
        %parallel_loop3A_1409 = arith.index_cast %parallel_loop3A_1343 : i32 to index
        %parallel_loop3A_1410 = arith.constant 96 : index
        %parallel_loop3A_1411 = tpu.vector_load %arg10[%parallel_loop3A_1409, %parallel_loop3A_1410] {strides = array<i32>} : memref<128x128xf32, #tpu.memory_space<vmem>>, vector<1x16xf32>,
        %parallel_loop3A_1412 = vector.shape_cast %parallel_loop3A_1411 : vector<1x16xf32> to vector<16xf32>
        %parallel_loop3A_1413 = vector.shape_cast %parallel_loop3A_1408 : vector<16xf32> to vector<1x16xf32>
        tpu.vector_store %arg10[%parallel_loop3A_1409, %parallel_loop3A_1410], %parallel_loop3A_1413 {strides = array<i32>} : memref<128x128xf32, #tpu.memory_space<vmem>>, vector<1x16xf32>,
        %parallel_loop3A_1414 = arith.index_cast %parallel_loop3A_1343 : i32 to index
        %parallel_loop3A_1415 = arith.constant 112 : index
        %parallel_loop3A_1416 = tpu.vector_load %arg8[%parallel_loop3A_1414, %parallel_loop3A_1415] {strides = array<i32>} : memref<128x128xf32, #tpu.memory_space<vmem>>, vector<1x16xf32>,
        %parallel_loop3A_1417 = vector.shape_cast %parallel_loop3A_1416 : vector<1x16xf32> to vector<16xf32>
        %parallel_loop3A_1418 = arith.mulf %parallel_loop3A_1417, %parallel_loop3A_1339 : vector<16xf32>
        %parallel_loop3A_1419 = arith.index_cast %parallel_loop3A_1343 : i32 to index
        %parallel_loop3A_1420 = arith.constant 112 : index
        %parallel_loop3A_1421 = tpu.vector_load %arg10[%parallel_loop3A_1419, %parallel_loop3A_1420] {strides = array<i32>} : memref<128x128xf32, #tpu.memory_space<vmem>>, vector<1x16xf32>,
        %parallel_loop3A_1422 = vector.shape_cast %parallel_loop3A_1421 : vector<1x16xf32> to vector<16xf32>
        %parallel_loop3A_1423 = vector.shape_cast %parallel_loop3A_1418 : vector<16xf32> to vector<1x16xf32>
        tpu.vector_store %arg10[%parallel_loop3A_1419, %parallel_loop3A_1420], %parallel_loop3A_1423 {strides = array<i32>} : memref<128x128xf32, #tpu.memory_space<vmem>>, vector<1x16xf32>,
        %parallel_loop3A_1424 = vector.extract_strided_slice %parallel_loop3A_118 {offsets = [15], sizes = [1], strides = [1]} : vector<16xf32> to vector<1xf32>
        %parallel_loop3A_1425 = vector.extract %parallel_loop3A_1424[0] : f32 from vector<1xf32>
        %parallel_loop3A_1426 = vector.broadcast %parallel_loop3A_1425 : f32 to vector<16xf32>
        %parallel_loop3A_1427 = arith.constant 16 : i32
        %parallel_loop3A_1428 = arith.muli %parallel_loop3A_110, %parallel_loop3A_1427 : i32
        %parallel_loop3A_1429 = arith.constant 15 : i32
        %parallel_loop3A_1430 = arith.addi %parallel_loop3A_1428, %parallel_loop3A_1429 : i32
        %parallel_loop3A_1431 = arith.index_cast %parallel_loop3A_1430 : i32 to index
        %parallel_loop3A_1432 = arith.constant 0 : index
        %parallel_loop3A_1433 = tpu.vector_load %arg8[%parallel_loop3A_1431, %parallel_loop3A_1432] {strides = array<i32>} : memref<128x128xf32, #tpu.memory_space<vmem>>, vector<1x16xf32>,
        %parallel_loop3A_1434 = vector.shape_cast %parallel_loop3A_1433 : vector<1x16xf32> to vector<16xf32>
        %parallel_loop3A_1435 = arith.mulf %parallel_loop3A_1434, %parallel_loop3A_1426 : vector<16xf32>
        %parallel_loop3A_1436 = arith.index_cast %parallel_loop3A_1430 : i32 to index
        %parallel_loop3A_1437 = arith.constant 0 : index
        %parallel_loop3A_1438 = tpu.vector_load %arg10[%parallel_loop3A_1436, %parallel_loop3A_1437] {strides = array<i32>} : memref<128x128xf32, #tpu.memory_space<vmem>>, vector<1x16xf32>,
        %parallel_loop3A_1439 = vector.shape_cast %parallel_loop3A_1438 : vector<1x16xf32> to vector<16xf32>
        %parallel_loop3A_1440 = vector.shape_cast %parallel_loop3A_1435 : vector<16xf32> to vector<1x16xf32>
        tpu.vector_store %arg10[%parallel_loop3A_1436, %parallel_loop3A_1437], %parallel_loop3A_1440 {strides = array<i32>} : memref<128x128xf32, #tpu.memory_space<vmem>>, vector<1x16xf32>,
        %parallel_loop3A_1441 = arith.index_cast %parallel_loop3A_1430 : i32 to index
        %parallel_loop3A_1442 = arith.constant 16 : index
        %parallel_loop3A_1443 = tpu.vector_load %arg8[%parallel_loop3A_1441, %parallel_loop3A_1442] {strides = array<i32>} : memref<128x128xf32, #tpu.memory_space<vmem>>, vector<1x16xf32>,
        %parallel_loop3A_1444 = vector.shape_cast %parallel_loop3A_1443 : vector<1x16xf32> to vector<16xf32>
        %parallel_loop3A_1445 = arith.mulf %parallel_loop3A_1444, %parallel_loop3A_1426 : vector<16xf32>
        %parallel_loop3A_1446 = arith.index_cast %parallel_loop3A_1430 : i32 to index
        %parallel_loop3A_1447 = arith.constant 16 : index
        %parallel_loop3A_1448 = tpu.vector_load %arg10[%parallel_loop3A_1446, %parallel_loop3A_1447] {strides = array<i32>} : memref<128x128xf32, #tpu.memory_space<vmem>>, vector<1x16xf32>,
        %parallel_loop3A_1449 = vector.shape_cast %parallel_loop3A_1448 : vector<1x16xf32> to vector<16xf32>
        %parallel_loop3A_1450 = vector.shape_cast %parallel_loop3A_1445 : vector<16xf32> to vector<1x16xf32>
        tpu.vector_store %arg10[%parallel_loop3A_1446, %parallel_loop3A_1447], %parallel_loop3A_1450 {strides = array<i32>} : memref<128x128xf32, #tpu.memory_space<vmem>>, vector<1x16xf32>,
        %parallel_loop3A_1451 = arith.index_cast %parallel_loop3A_1430 : i32 to index
        %parallel_loop3A_1452 = arith.constant 32 : index
        %parallel_loop3A_1453 = tpu.vector_load %arg8[%parallel_loop3A_1451, %parallel_loop3A_1452] {strides = array<i32>} : memref<128x128xf32, #tpu.memory_space<vmem>>, vector<1x16xf32>,
        %parallel_loop3A_1454 = vector.shape_cast %parallel_loop3A_1453 : vector<1x16xf32> to vector<16xf32>
        %parallel_loop3A_1455 = arith.mulf %parallel_loop3A_1454, %parallel_loop3A_1426 : vector<16xf32>
        %parallel_loop3A_1456 = arith.index_cast %parallel_loop3A_1430 : i32 to index
        %parallel_loop3A_1457 = arith.constant 32 : index
        %parallel_loop3A_1458 = tpu.vector_load %arg10[%parallel_loop3A_1456, %parallel_loop3A_1457] {strides = array<i32>} : memref<128x128xf32, #tpu.memory_space<vmem>>, vector<1x16xf32>,
        %parallel_loop3A_1459 = vector.shape_cast %parallel_loop3A_1458 : vector<1x16xf32> to vector<16xf32>
        %parallel_loop3A_1460 = vector.shape_cast %parallel_loop3A_1455 : vector<16xf32> to vector<1x16xf32>
        tpu.vector_store %arg10[%parallel_loop3A_1456, %parallel_loop3A_1457], %parallel_loop3A_1460 {strides = array<i32>} : memref<128x128xf32, #tpu.memory_space<vmem>>, vector<1x16xf32>,
        %parallel_loop3A_1461 = arith.index_cast %parallel_loop3A_1430 : i32 to index
        %parallel_loop3A_1462 = arith.constant 48 : index
        %parallel_loop3A_1463 = tpu.vector_load %arg8[%parallel_loop3A_1461, %parallel_loop3A_1462] {strides = array<i32>} : memref<128x128xf32, #tpu.memory_space<vmem>>, vector<1x16xf32>,
        %parallel_loop3A_1464 = vector.shape_cast %parallel_loop3A_1463 : vector<1x16xf32> to vector<16xf32>
        %parallel_loop3A_1465 = arith.mulf %parallel_loop3A_1464, %parallel_loop3A_1426 : vector<16xf32>
        %parallel_loop3A_1466 = arith.index_cast %parallel_loop3A_1430 : i32 to index
        %parallel_loop3A_1467 = arith.constant 48 : index
        %parallel_loop3A_1468 = tpu.vector_load %arg10[%parallel_loop3A_1466, %parallel_loop3A_1467] {strides = array<i32>} : memref<128x128xf32, #tpu.memory_space<vmem>>, vector<1x16xf32>,
        %parallel_loop3A_1469 = vector.shape_cast %parallel_loop3A_1468 : vector<1x16xf32> to vector<16xf32>
        %parallel_loop3A_1470 = vector.shape_cast %parallel_loop3A_1465 : vector<16xf32> to vector<1x16xf32>
        tpu.vector_store %arg10[%parallel_loop3A_1466, %parallel_loop3A_1467], %parallel_loop3A_1470 {strides = array<i32>} : memref<128x128xf32, #tpu.memory_space<vmem>>, vector<1x16xf32>,
        %parallel_loop3A_1471 = arith.index_cast %parallel_loop3A_1430 : i32 to index
        %parallel_loop3A_1472 = arith.constant 64 : index
        %parallel_loop3A_1473 = tpu.vector_load %arg8[%parallel_loop3A_1471, %parallel_loop3A_1472] {strides = array<i32>} : memref<128x128xf32, #tpu.memory_space<vmem>>, vector<1x16xf32>,
        %parallel_loop3A_1474 = vector.shape_cast %parallel_loop3A_1473 : vector<1x16xf32> to vector<16xf32>
        %parallel_loop3A_1475 = arith.mulf %parallel_loop3A_1474, %parallel_loop3A_1426 : vector<16xf32>
        %parallel_loop3A_1476 = arith.index_cast %parallel_loop3A_1430 : i32 to index
        %parallel_loop3A_1477 = arith.constant 64 : index
        %parallel_loop3A_1478 = tpu.vector_load %arg10[%parallel_loop3A_1476, %parallel_loop3A_1477] {strides = array<i32>} : memref<128x128xf32, #tpu.memory_space<vmem>>, vector<1x16xf32>,
        %parallel_loop3A_1479 = vector.shape_cast %parallel_loop3A_1478 : vector<1x16xf32> to vector<16xf32>
        %parallel_loop3A_1480 = vector.shape_cast %parallel_loop3A_1475 : vector<16xf32> to vector<1x16xf32>
        tpu.vector_store %arg10[%parallel_loop3A_1476, %parallel_loop3A_1477], %parallel_loop3A_1480 {strides = array<i32>} : memref<128x128xf32, #tpu.memory_space<vmem>>, vector<1x16xf32>,
        %parallel_loop3A_1481 = arith.index_cast %parallel_loop3A_1430 : i32 to index
        %parallel_loop3A_1482 = arith.constant 80 : index
        %parallel_loop3A_1483 = tpu.vector_load %arg8[%parallel_loop3A_1481, %parallel_loop3A_1482] {strides = array<i32>} : memref<128x128xf32, #tpu.memory_space<vmem>>, vector<1x16xf32>,
        %parallel_loop3A_1484 = vector.shape_cast %parallel_loop3A_1483 : vector<1x16xf32> to vector<16xf32>
        %parallel_loop3A_1485 = arith.mulf %parallel_loop3A_1484, %parallel_loop3A_1426 : vector<16xf32>
        %parallel_loop3A_1486 = arith.index_cast %parallel_loop3A_1430 : i32 to index
        %parallel_loop3A_1487 = arith.constant 80 : index
        %parallel_loop3A_1488 = tpu.vector_load %arg10[%parallel_loop3A_1486, %parallel_loop3A_1487] {strides = array<i32>} : memref<128x128xf32, #tpu.memory_space<vmem>>, vector<1x16xf32>,
        %parallel_loop3A_1489 = vector.shape_cast %parallel_loop3A_1488 : vector<1x16xf32> to vector<16xf32>
        %parallel_loop3A_1490 = vector.shape_cast %parallel_loop3A_1485 : vector<16xf32> to vector<1x16xf32>
        tpu.vector_store %arg10[%parallel_loop3A_1486, %parallel_loop3A_1487], %parallel_loop3A_1490 {strides = array<i32>} : memref<128x128xf32, #tpu.memory_space<vmem>>, vector<1x16xf32>,
        %parallel_loop3A_1491 = arith.index_cast %parallel_loop3A_1430 : i32 to index
        %parallel_loop3A_1492 = arith.constant 96 : index
        %parallel_loop3A_1493 = tpu.vector_load %arg8[%parallel_loop3A_1491, %parallel_loop3A_1492] {strides = array<i32>} : memref<128x128xf32, #tpu.memory_space<vmem>>, vector<1x16xf32>,
        %parallel_loop3A_1494 = vector.shape_cast %parallel_loop3A_1493 : vector<1x16xf32> to vector<16xf32>
        %parallel_loop3A_1495 = arith.mulf %parallel_loop3A_1494, %parallel_loop3A_1426 : vector<16xf32>
        %parallel_loop3A_1496 = arith.index_cast %parallel_loop3A_1430 : i32 to index
        %parallel_loop3A_1497 = arith.constant 96 : index
        %parallel_loop3A_1498 = tpu.vector_load %arg10[%parallel_loop3A_1496, %parallel_loop3A_1497] {strides = array<i32>} : memref<128x128xf32, #tpu.memory_space<vmem>>, vector<1x16xf32>,
        %parallel_loop3A_1499 = vector.shape_cast %parallel_loop3A_1498 : vector<1x16xf32> to vector<16xf32>
        %parallel_loop3A_1500 = vector.shape_cast %parallel_loop3A_1495 : vector<16xf32> to vector<1x16xf32>
        tpu.vector_store %arg10[%parallel_loop3A_1496, %parallel_loop3A_1497], %parallel_loop3A_1500 {strides = array<i32>} : memref<128x128xf32, #tpu.memory_space<vmem>>, vector<1x16xf32>,
        %parallel_loop3A_1501 = arith.index_cast %parallel_loop3A_1430 : i32 to index
        %parallel_loop3A_1502 = arith.constant 112 : index
        %parallel_loop3A_1503 = tpu.vector_load %arg8[%parallel_loop3A_1501, %parallel_loop3A_1502] {strides = array<i32>} : memref<128x128xf32, #tpu.memory_space<vmem>>, vector<1x16xf32>,
        %parallel_loop3A_1504 = vector.shape_cast %parallel_loop3A_1503 : vector<1x16xf32> to vector<16xf32>
        %parallel_loop3A_1505 = arith.mulf %parallel_loop3A_1504, %parallel_loop3A_1426 : vector<16xf32>
        %parallel_loop3A_1506 = arith.index_cast %parallel_loop3A_1430 : i32 to index
        %parallel_loop3A_1507 = arith.constant 112 : index
        %parallel_loop3A_1508 = tpu.vector_load %arg10[%parallel_loop3A_1506, %parallel_loop3A_1507] {strides = array<i32>} : memref<128x128xf32, #tpu.memory_space<vmem>>, vector<1x16xf32>,
        %parallel_loop3A_1509 = vector.shape_cast %parallel_loop3A_1508 : vector<1x16xf32> to vector<16xf32>
        %parallel_loop3A_1510 = vector.shape_cast %parallel_loop3A_1505 : vector<16xf32> to vector<1x16xf32>
        tpu.vector_store %arg10[%parallel_loop3A_1506, %parallel_loop3A_1507], %parallel_loop3A_1510 {strides = array<i32>} : memref<128x128xf32, #tpu.memory_space<vmem>>, vector<1x16xf32>,
      } {sc.loop_unroll_factor = 1 : i64, sc.parallel_access}
      %run_scoped3A = arith.constant 1 : i32
      "tpu.region"() ({
        %run_scoped3A_110 = tpu.sem_alloc : memref<!tpu.dma_semaphore, #tpu.memory_space<semaphore_mem>>
        %dma_start3A_111 = arith.constant 0 : i32
        %dma_start3A_112 = tpu.memref_slice %arg6[%run_scoped3A, %dma_start3A_111] : memref<3x128xi32, #tpu.memory_space<vmem>> -> memref<1x128xi32, #tpu.memory_space<vmem>>
        %dma_start3A_113 = tpu.memref_squeeze %dma_start3A_112 : memref<1x128xi32, #tpu.memory_space<vmem>> -> memref<128xi32, #tpu.memory_space<vmem>>
        %dma_start3A_114 = arith.constant 0 : i32
        %dma_start3A_115 = arith.constant 0 : i32
        %dma_start3A_116 = tpu.memref_slice %arg11[%dma_start3A_114, %dma_start3A_115] : memref<10000x128xf32, #tpu.memory_space<vmem_shared>> -> memref<10000x128xf32, #tpu.memory_space<vmem_shared>>
        tpu.enqueue_indirect_dma source(%arg10 : memref<128x128xf32, #tpu.memory_space<vmem>>) target(%dma_start3A_116 : memref<10000x128xf32, #tpu.memory_space<vmem_shared>>) offsets(%dma_start3A_113 : memref<128xi32, #tpu.memory_space<vmem>>) semaphore(%run_scoped3A_110 : memref<!tpu.dma_semaphore, #tpu.memory_space<semaphore_mem>>) {add = true}
        %dma_wait3A_117 = arith.constant 0 : i32
        %dma_wait3A_118 = tpu.memref_slice %arg6[%run_scoped3A, %dma_wait3A_117] : memref<3x128xi32, #tpu.memory_space<vmem>> -> memref<1x128xi32, #tpu.memory_space<vmem>>
        %dma_wait3A_119 = tpu.memref_squeeze %dma_wait3A_118 : memref<1x128xi32, #tpu.memory_space<vmem>> -> memref<128xi32, #tpu.memory_space<vmem>>
        %dma_wait3A_120 = arith.constant 0 : i32
        %dma_wait3A_121 = arith.constant 0 : i32
        %dma_wait3A_122 = tpu.memref_slice %arg11[%dma_wait3A_120, %dma_wait3A_121] : memref<10000x128xf32, #tpu.memory_space<vmem_shared>> -> memref<10000x128xf32, #tpu.memory_space<vmem_shared>>
        tpu.wait_indirect_dma semaphore(%run_scoped3A_110 : memref<!tpu.dma_semaphore, #tpu.memory_space<semaphore_mem>>) src(%arg10 : memref<128x128xf32, #tpu.memory_space<vmem>>) dst(%dma_wait3A_122 : memref<10000x128xf32, #tpu.memory_space<vmem_shared>>)
        tpu.yield
      }) : () -> ()
      %mul3A_62 = arith.constant 2 : i32
      %mul3A_63 = arith.muli %scan3A_41, %mul3A_62 : i32
      %add3A_64 = arith.constant 0 : i32
      %add3A_65 = arith.addi %mul3A_63, %add3A_64 : i32
      %add3A_66 = arith.constant 2 : i32
      %add3A_67 = arith.addi %add3A_65, %add3A_66 : i32
      %lt3A_68 = arith.constant 158 : i32
      %lt3A_69 = arith.cmpi slt, %add3A_67, %lt3A_68 : i32
      %convert_element_type3A_70 = arith.extui %lt3A_69 : i1 to i32
      %cond3A_71 = arith.constant 0 : i32
      %cond3A_72 = arith.cmpi ne, %convert_element_type3A_70, %cond3A_71 : i32
      scf.if %cond3A_72 {
        %add3A_110 = arith.constant 2 : i32
        %add3A_111 = arith.addi %add3A_44, %add3A_110 : i32
        %dma_start3A_112 = arith.constant 0 : i32
        %dma_start3A_113 = arith.constant 0 : i32
        %dma_start3A_114 = tpu.memref_slice %arg3[%arg0, %arg1, %add3A_111, %dma_start3A_112, %dma_start3A_113] : memref<2x16x158x3x128xi32, #tpu.memory_space<hbm>> -> memref<1x1x1x3x128xi32, #tpu.memory_space<hbm>>
        %dma_start3A_115 = tpu.memref_squeeze %dma_start3A_114 : memref<1x1x1x3x128xi32, #tpu.memory_space<hbm>> -> memref<3x128xi32, #tpu.memory_space<hbm>>
        %dma_start3A_116 = arith.constant 0 : i32
        %dma_start3A_117 = arith.constant 0 : i32
        %dma_start3A_118 = tpu.memref_slice %arg3[%arg0, %arg1, %add3A_111, %dma_start3A_116, %dma_start3A_117] : memref<2x16x158x3x128xi32, #tpu.memory_space<hbm>> -> memref<1x1x1x3x128xi32, #tpu.memory_space<hbm>>
        %dma_start3A_119 = tpu.memref_squeeze %dma_start3A_118 : memref<1x1x1x3x128xi32, #tpu.memory_space<hbm>> -> memref<3x128xi32, #tpu.memory_space<hbm>>
        tpu.enqueue_dma source(%dma_start3A_119 : memref<3x128xi32, #tpu.memory_space<hbm>>) target(%arg6 : memref<3x128xi32, #tpu.memory_space<vmem>>) target_semaphore(%arg12 : memref<!tpu.dma_semaphore, #tpu.memory_space<semaphore_mem>>)
      } else {
      }
      %mul3A_73 = arith.constant 2 : i32
      %mul3A_74 = arith.muli %scan3A_41, %mul3A_73 : i32
      %add3A_75 = arith.constant 1 : i32
      %add3A_76 = arith.addi %mul3A_74, %add3A_75 : i32
      %mul3A_77 = arith.constant 2 : i32
      %mul3A_78 = arith.muli %scan3A_41, %mul3A_77 : i32
      %add3A_79 = arith.constant 1 : i32
      %add3A_80 = arith.addi %mul3A_78, %add3A_79 : i32
      %add3A_81 = arith.constant 1 : i32
      %add3A_82 = arith.addi %add3A_80, %add3A_81 : i32
      %lt3A_83 = arith.constant 158 : i32
      %lt3A_84 = arith.cmpi slt, %add3A_82, %lt3A_83 : i32
      %convert_element_type3A_85 = arith.extui %lt3A_84 : i1 to i32
      %cond3A_86 = arith.constant 0 : i32
      %cond3A_87 = arith.cmpi ne, %convert_element_type3A_85, %cond3A_86 : i32
      scf.if %cond3A_87 {
        %dma_wait3A_110 = arith.constant 0 : i32
        %dma_wait3A_111 = arith.constant 0 : i32
        %dma_wait3A_112 = arith.constant 0 : i32
        %dma_wait3A_113 = tpu.memref_slice %arg3[%arg0, %arg1, %dma_wait3A_110, %dma_wait3A_111, %dma_wait3A_112] : memref<2x16x158x3x128xi32, #tpu.memory_space<hbm>> -> memref<1x1x1x3x128xi32, #tpu.memory_space<hbm>>
        %dma_wait3A_114 = tpu.memref_squeeze %dma_wait3A_113 : memref<1x1x1x3x128xi32, #tpu.memory_space<hbm>> -> memref<3x128xi32, #tpu.memory_space<hbm>>
        %dma_wait3A_115 = arith.constant 0 : i32
        %dma_wait3A_116 = arith.constant 0 : i32
        %dma_wait3A_117 = tpu.memref_slice %arg3[%arg0, %arg1, %dma_wait3A_110, %dma_wait3A_115, %dma_wait3A_116] : memref<2x16x158x3x128xi32, #tpu.memory_space<hbm>> -> memref<1x1x1x3x128xi32, #tpu.memory_space<hbm>>
        %dma_wait3A_118 = tpu.memref_squeeze %dma_wait3A_117 : memref<1x1x1x3x128xi32, #tpu.memory_space<hbm>> -> memref<3x128xi32, #tpu.memory_space<hbm>>
        tpu.wait_dma2 semaphore(%arg12 : memref<!tpu.dma_semaphore, #tpu.memory_space<semaphore_mem>>) src(%dma_wait3A_118 : memref<3x128xi32, #tpu.memory_space<hbm>>) dst(%arg6 : memref<3x128xi32, #tpu.memory_space<vmem>>)
        %dma_start3A_119 = arith.constant 0 : i32
        %dma_start3A_120 = arith.constant 0 : i32
        %dma_start3A_121 = tpu.memref_slice %arg6[%dma_start3A_119, %dma_start3A_120] : memref<3x128xi32, #tpu.memory_space<vmem>> -> memref<1x128xi32, #tpu.memory_space<vmem>>
        %dma_start3A_122 = tpu.memref_squeeze %dma_start3A_121 : memref<1x128xi32, #tpu.memory_space<vmem>> -> memref<128xi32, #tpu.memory_space<vmem>>
        %dma_start3A_123 = arith.constant 0 : i32
        %dma_start3A_124 = arith.constant 0 : i32
        %dma_start3A_125 = tpu.memref_slice %arg2[%dma_start3A_123, %dma_start3A_124] : memref<20000x128xf32, #tpu.memory_space<hbm>> -> memref<20000x128xf32, #tpu.memory_space<hbm>>
        tpu.enqueue_indirect_dma source(%dma_start3A_125 : memref<20000x128xf32, #tpu.memory_space<hbm>>) target(%arg8 : memref<128x128xf32, #tpu.memory_space<vmem>>) offsets(%dma_start3A_122 : memref<128xi32, #tpu.memory_space<vmem>>) semaphore(%arg14 : memref<!tpu.dma_semaphore, #tpu.memory_space<semaphore_mem>>)
      } else {
      }
      %dma_wait3A_88 = arith.constant 0 : i32
      %dma_wait3A_89 = arith.constant 0 : i32
      %dma_wait3A_90 = tpu.memref_slice %arg7[%dma_wait3A_88, %dma_wait3A_89] : memref<3x128xi32, #tpu.memory_space<vmem>> -> memref<1x128xi32, #tpu.memory_space<vmem>>
      %dma_wait3A_91 = tpu.memref_squeeze %dma_wait3A_90 : memref<1x128xi32, #tpu.memory_space<vmem>> -> memref<128xi32, #tpu.memory_space<vmem>>
      %dma_wait3A_92 = arith.constant 0 : i32
      %dma_wait3A_93 = arith.constant 0 : i32
      %dma_wait3A_94 = tpu.memref_slice %arg2[%dma_wait3A_92, %dma_wait3A_93] : memref<20000x128xf32, #tpu.memory_space<hbm>> -> memref<20000x128xf32, #tpu.memory_space<hbm>>
      tpu.wait_indirect_dma semaphore(%arg15 : memref<!tpu.dma_semaphore, #tpu.memory_space<semaphore_mem>>) src(%dma_wait3A_94 : memref<20000x128xf32, #tpu.memory_space<hbm>>) dst(%arg9 : memref<128x128xf32, #tpu.memory_space<vmem>>)
      %parallel_loop3A_95 = arith.constant 0 : i32
      %parallel_loop3A_96 = arith.constant 8 : i32
      %parallel_loop3A_97 = arith.constant 1 : i32
      scf.for %parallel_loop3A_110 = %parallel_loop3A_95 to %parallel_loop3A_96 step %parallel_loop3A_97  : i32 {
        %parallel_loop3A_111 = arith.constant 16 : i32
        %parallel_loop3A_112 = arith.muli %parallel_loop3A_110, %parallel_loop3A_111 : i32
        %parallel_loop3A_113 = arith.constant 2 : i32
        %parallel_loop3A_114 = arith.index_cast %parallel_loop3A_113 : i32 to index
        %parallel_loop3A_115 = arith.index_cast %parallel_loop3A_112 : i32 to index
        %parallel_loop3A_116 = tpu.vector_load %arg7[%parallel_loop3A_114, %parallel_loop3A_115] {strides = array<i32>} : memref<3x128xi32, #tpu.memory_space<vmem>>, vector<1x16xi32>,
        %parallel_loop3A_117 = vector.shape_cast %parallel_loop3A_116 : vector<1x16xi32> to vector<16xi32>
        %parallel_loop3A_118 = tpu.bitcast %parallel_loop3A_117 : vector<16xi32> -> vector<16xf32>
        %parallel_loop3A_119 = vector.extract_strided_slice %parallel_loop3A_118 {offsets = [0], sizes = [1], strides = [1]} : vector<16xf32> to vector<1xf32>
        %parallel_loop3A_120 = vector.extract %parallel_loop3A_119[0] : f32 from vector<1xf32>
        %parallel_loop3A_121 = vector.broadcast %parallel_loop3A_120 : f32 to vector<16xf32>
        %parallel_loop3A_122 = arith.constant 16 : i32
        %parallel_loop3A_123 = arith.muli %parallel_loop3A_110, %parallel_loop3A_122 : i32
        %parallel_loop3A_124 = arith.constant 0 : i32
        %parallel_loop3A_125 = arith.addi %parallel_loop3A_123, %parallel_loop3A_124 : i32
        %parallel_loop3A_126 = arith.index_cast %parallel_loop3A_125 : i32 to index
        %parallel_loop3A_127 = arith.constant 0 : index
        %parallel_loop3A_128 = tpu.vector_load %arg9[%parallel_loop3A_126, %parallel_loop3A_127] {strides = array<i32>} : memref<128x128xf32, #tpu.memory_space<vmem>>, vector<1x16xf32>,
        %parallel_loop3A_129 = vector.shape_cast %parallel_loop3A_128 : vector<1x16xf32> to vector<16xf32>
        %parallel_loop3A_130 = arith.mulf %parallel_loop3A_129, %parallel_loop3A_121 : vector<16xf32>
        %parallel_loop3A_131 = arith.index_cast %parallel_loop3A_125 : i32 to index
        %parallel_loop3A_132 = arith.constant 0 : index
        %parallel_loop3A_133 = tpu.vector_load %arg10[%parallel_loop3A_131, %parallel_loop3A_132] {strides = array<i32>} : memref<128x128xf32, #tpu.memory_space<vmem>>, vector<1x16xf32>,
        %parallel_loop3A_134 = vector.shape_cast %parallel_loop3A_133 : vector<1x16xf32> to vector<16xf32>
        %parallel_loop3A_135 = vector.shape_cast %parallel_loop3A_130 : vector<16xf32> to vector<1x16xf32>
        tpu.vector_store %arg10[%parallel_loop3A_131, %parallel_loop3A_132], %parallel_loop3A_135 {strides = array<i32>} : memref<128x128xf32, #tpu.memory_space<vmem>>, vector<1x16xf32>,
        %parallel_loop3A_136 = arith.index_cast %parallel_loop3A_125 : i32 to index
        %parallel_loop3A_137 = arith.constant 16 : index
        %parallel_loop3A_138 = tpu.vector_load %arg9[%parallel_loop3A_136, %parallel_loop3A_137] {strides = array<i32>} : memref<128x128xf32, #tpu.memory_space<vmem>>, vector<1x16xf32>,
        %parallel_loop3A_139 = vector.shape_cast %parallel_loop3A_138 : vector<1x16xf32> to vector<16xf32>
        %parallel_loop3A_140 = arith.mulf %parallel_loop3A_139, %parallel_loop3A_121 : vector<16xf32>
        %parallel_loop3A_141 = arith.index_cast %parallel_loop3A_125 : i32 to index
        %parallel_loop3A_142 = arith.constant 16 : index
        %parallel_loop3A_143 = tpu.vector_load %arg10[%parallel_loop3A_141, %parallel_loop3A_142] {strides = array<i32>} : memref<128x128xf32, #tpu.memory_space<vmem>>, vector<1x16xf32>,
        %parallel_loop3A_144 = vector.shape_cast %parallel_loop3A_143 : vector<1x16xf32> to vector<16xf32>
        %parallel_loop3A_145 = vector.shape_cast %parallel_loop3A_140 : vector<16xf32> to vector<1x16xf32>
        tpu.vector_store %arg10[%parallel_loop3A_141, %parallel_loop3A_142], %parallel_loop3A_145 {strides = array<i32>} : memref<128x128xf32, #tpu.memory_space<vmem>>, vector<1x16xf32>,
        %parallel_loop3A_146 = arith.index_cast %parallel_loop3A_125 : i32 to index
        %parallel_loop3A_147 = arith.constant 32 : index
        %parallel_loop3A_148 = tpu.vector_load %arg9[%parallel_loop3A_146, %parallel_loop3A_147] {strides = array<i32>} : memref<128x128xf32, #tpu.memory_space<vmem>>, vector<1x16xf32>,
        %parallel_loop3A_149 = vector.shape_cast %parallel_loop3A_148 : vector<1x16xf32> to vector<16xf32>
        %parallel_loop3A_150 = arith.mulf %parallel_loop3A_149, %parallel_loop3A_121 : vector<16xf32>
        %parallel_loop3A_151 = arith.index_cast %parallel_loop3A_125 : i32 to index
        %parallel_loop3A_152 = arith.constant 32 : index
        %parallel_loop3A_153 = tpu.vector_load %arg10[%parallel_loop3A_151, %parallel_loop3A_152] {strides = array<i32>} : memref<128x128xf32, #tpu.memory_space<vmem>>, vector<1x16xf32>,
        %parallel_loop3A_154 = vector.shape_cast %parallel_loop3A_153 : vector<1x16xf32> to vector<16xf32>
        %parallel_loop3A_155 = vector.shape_cast %parallel_loop3A_150 : vector<16xf32> to vector<1x16xf32>
        tpu.vector_store %arg10[%parallel_loop3A_151, %parallel_loop3A_152], %parallel_loop3A_155 {strides = array<i32>} : memref<128x128xf32, #tpu.memory_space<vmem>>, vector<1x16xf32>,
        %parallel_loop3A_156 = arith.index_cast %parallel_loop3A_125 : i32 to index
        %parallel_loop3A_157 = arith.constant 48 : index
        %parallel_loop3A_158 = tpu.vector_load %arg9[%parallel_loop3A_156, %parallel_loop3A_157] {strides = array<i32>} : memref<128x128xf32, #tpu.memory_space<vmem>>, vector<1x16xf32>,
        %parallel_loop3A_159 = vector.shape_cast %parallel_loop3A_158 : vector<1x16xf32> to vector<16xf32>
        %parallel_loop3A_160 = arith.mulf %parallel_loop3A_159, %parallel_loop3A_121 : vector<16xf32>
        %parallel_loop3A_161 = arith.index_cast %parallel_loop3A_125 : i32 to index
        %parallel_loop3A_162 = arith.constant 48 : index
        %parallel_loop3A_163 = tpu.vector_load %arg10[%parallel_loop3A_161, %parallel_loop3A_162] {strides = array<i32>} : memref<128x128xf32, #tpu.memory_space<vmem>>, vector<1x16xf32>,
        %parallel_loop3A_164 = vector.shape_cast %parallel_loop3A_163 : vector<1x16xf32> to vector<16xf32>
        %parallel_loop3A_165 = vector.shape_cast %parallel_loop3A_160 : vector<16xf32> to vector<1x16xf32>
        tpu.vector_store %arg10[%parallel_loop3A_161, %parallel_loop3A_162], %parallel_loop3A_165 {strides = array<i32>} : memref<128x128xf32, #tpu.memory_space<vmem>>, vector<1x16xf32>,
        %parallel_loop3A_166 = arith.index_cast %parallel_loop3A_125 : i32 to index
        %parallel_loop3A_167 = arith.constant 64 : index
        %parallel_loop3A_168 = tpu.vector_load %arg9[%parallel_loop3A_166, %parallel_loop3A_167] {strides = array<i32>} : memref<128x128xf32, #tpu.memory_space<vmem>>, vector<1x16xf32>,
        %parallel_loop3A_169 = vector.shape_cast %parallel_loop3A_168 : vector<1x16xf32> to vector<16xf32>
        %parallel_loop3A_170 = arith.mulf %parallel_loop3A_169, %parallel_loop3A_121 : vector<16xf32>
        %parallel_loop3A_171 = arith.index_cast %parallel_loop3A_125 : i32 to index
        %parallel_loop3A_172 = arith.constant 64 : index
        %parallel_loop3A_173 = tpu.vector_load %arg10[%parallel_loop3A_171, %parallel_loop3A_172] {strides = array<i32>} : memref<128x128xf32, #tpu.memory_space<vmem>>, vector<1x16xf32>,
        %parallel_loop3A_174 = vector.shape_cast %parallel_loop3A_173 : vector<1x16xf32> to vector<16xf32>
        %parallel_loop3A_175 = vector.shape_cast %parallel_loop3A_170 : vector<16xf32> to vector<1x16xf32>
        tpu.vector_store %arg10[%parallel_loop3A_171, %parallel_loop3A_172], %parallel_loop3A_175 {strides = array<i32>} : memref<128x128xf32, #tpu.memory_space<vmem>>, vector<1x16xf32>,
        %parallel_loop3A_176 = arith.index_cast %parallel_loop3A_125 : i32 to index
        %parallel_loop3A_177 = arith.constant 80 : index
        %parallel_loop3A_178 = tpu.vector_load %arg9[%parallel_loop3A_176, %parallel_loop3A_177] {strides = array<i32>} : memref<128x128xf32, #tpu.memory_space<vmem>>, vector<1x16xf32>,
        %parallel_loop3A_179 = vector.shape_cast %parallel_loop3A_178 : vector<1x16xf32> to vector<16xf32>
        %parallel_loop3A_180 = arith.mulf %parallel_loop3A_179, %parallel_loop3A_121 : vector<16xf32>
        %parallel_loop3A_181 = arith.index_cast %parallel_loop3A_125 : i32 to index
        %parallel_loop3A_182 = arith.constant 80 : index
        %parallel_loop3A_183 = tpu.vector_load %arg10[%parallel_loop3A_181, %parallel_loop3A_182] {strides = array<i32>} : memref<128x128xf32, #tpu.memory_space<vmem>>, vector<1x16xf32>,
        %parallel_loop3A_184 = vector.shape_cast %parallel_loop3A_183 : vector<1x16xf32> to vector<16xf32>
        %parallel_loop3A_185 = vector.shape_cast %parallel_loop3A_180 : vector<16xf32> to vector<1x16xf32>
        tpu.vector_store %arg10[%parallel_loop3A_181, %parallel_loop3A_182], %parallel_loop3A_185 {strides = array<i32>} : memref<128x128xf32, #tpu.memory_space<vmem>>, vector<1x16xf32>,
        %parallel_loop3A_186 = arith.index_cast %parallel_loop3A_125 : i32 to index
        %parallel_loop3A_187 = arith.constant 96 : index
        %parallel_loop3A_188 = tpu.vector_load %arg9[%parallel_loop3A_186, %parallel_loop3A_187] {strides = array<i32>} : memref<128x128xf32, #tpu.memory_space<vmem>>, vector<1x16xf32>,
        %parallel_loop3A_189 = vector.shape_cast %parallel_loop3A_188 : vector<1x16xf32> to vector<16xf32>
        %parallel_loop3A_190 = arith.mulf %parallel_loop3A_189, %parallel_loop3A_121 : vector<16xf32>
        %parallel_loop3A_191 = arith.index_cast %parallel_loop3A_125 : i32 to index
        %parallel_loop3A_192 = arith.constant 96 : index
        %parallel_loop3A_193 = tpu.vector_load %arg10[%parallel_loop3A_191, %parallel_loop3A_192] {strides = array<i32>} : memref<128x128xf32, #tpu.memory_space<vmem>>, vector<1x16xf32>,
        %parallel_loop3A_194 = vector.shape_cast %parallel_loop3A_193 : vector<1x16xf32> to vector<16xf32>
        %parallel_loop3A_195 = vector.shape_cast %parallel_loop3A_190 : vector<16xf32> to vector<1x16xf32>
        tpu.vector_store %arg10[%parallel_loop3A_191, %parallel_loop3A_192], %parallel_loop3A_195 {strides = array<i32>} : memref<128x128xf32, #tpu.memory_space<vmem>>, vector<1x16xf32>,
        %parallel_loop3A_196 = arith.index_cast %parallel_loop3A_125 : i32 to index
        %parallel_loop3A_197 = arith.constant 112 : index
        %parallel_loop3A_198 = tpu.vector_load %arg9[%parallel_loop3A_196, %parallel_loop3A_197] {strides = array<i32>} : memref<128x128xf32, #tpu.memory_space<vmem>>, vector<1x16xf32>,
        %parallel_loop3A_199 = vector.shape_cast %parallel_loop3A_198 : vector<1x16xf32> to vector<16xf32>
        %parallel_loop3A_200 = arith.mulf %parallel_loop3A_199, %parallel_loop3A_121 : vector<16xf32>
        %parallel_loop3A_201 = arith.index_cast %parallel_loop3A_125 : i32 to index
        %parallel_loop3A_202 = arith.constant 112 : index
        %parallel_loop3A_203 = tpu.vector_load %arg10[%parallel_loop3A_201, %parallel_loop3A_202] {strides = array<i32>} : memref<128x128xf32, #tpu.memory_space<vmem>>, vector<1x16xf32>,
        %parallel_loop3A_204 = vector.shape_cast %parallel_loop3A_203 : vector<1x16xf32> to vector<16xf32>
        %parallel_loop3A_205 = vector.shape_cast %parallel_loop3A_200 : vector<16xf32> to vector<1x16xf32>
        tpu.vector_store %arg10[%parallel_loop3A_201, %parallel_loop3A_202], %parallel_loop3A_205 {strides = array<i32>} : memref<128x128xf32, #tpu.memory_space<vmem>>, vector<1x16xf32>,
        %parallel_loop3A_206 = vector.extract_strided_slice %parallel_loop3A_118 {offsets = [1], sizes = [1], strides = [1]} : vector<16xf32> to vector<1xf32>
        %parallel_loop3A_207 = vector.extract %parallel_loop3A_206[0] : f32 from vector<1xf32>
        %parallel_loop3A_208 = vector.broadcast %parallel_loop3A_207 : f32 to vector<16xf32>
        %parallel_loop3A_209 = arith.constant 16 : i32
        %parallel_loop3A_210 = arith.muli %parallel_loop3A_110, %parallel_loop3A_209 : i32
        %parallel_loop3A_211 = arith.constant 1 : i32
        %parallel_loop3A_212 = arith.addi %parallel_loop3A_210, %parallel_loop3A_211 : i32
        %parallel_loop3A_213 = arith.index_cast %parallel_loop3A_212 : i32 to index
        %parallel_loop3A_214 = arith.constant 0 : index
        %parallel_loop3A_215 = tpu.vector_load %arg9[%parallel_loop3A_213, %parallel_loop3A_214] {strides = array<i32>} : memref<128x128xf32, #tpu.memory_space<vmem>>, vector<1x16xf32>,
        %parallel_loop3A_216 = vector.shape_cast %parallel_loop3A_215 : vector<1x16xf32> to vector<16xf32>
        %parallel_loop3A_217 = arith.mulf %parallel_loop3A_216, %parallel_loop3A_208 : vector<16xf32>
        %parallel_loop3A_218 = arith.index_cast %parallel_loop3A_212 : i32 to index
        %parallel_loop3A_219 = arith.constant 0 : index
        %parallel_loop3A_220 = tpu.vector_load %arg10[%parallel_loop3A_218, %parallel_loop3A_219] {strides = array<i32>} : memref<128x128xf32, #tpu.memory_space<vmem>>, vector<1x16xf32>,
        %parallel_loop3A_221 = vector.shape_cast %parallel_loop3A_220 : vector<1x16xf32> to vector<16xf32>
        %parallel_loop3A_222 = vector.shape_cast %parallel_loop3A_217 : vector<16xf32> to vector<1x16xf32>
        tpu.vector_store %arg10[%parallel_loop3A_218, %parallel_loop3A_219], %parallel_loop3A_222 {strides = array<i32>} : memref<128x128xf32, #tpu.memory_space<vmem>>, vector<1x16xf32>,
        %parallel_loop3A_223 = arith.index_cast %parallel_loop3A_212 : i32 to index
        %parallel_loop3A_224 = arith.constant 16 : index
        %parallel_loop3A_225 = tpu.vector_load %arg9[%parallel_loop3A_223, %parallel_loop3A_224] {strides = array<i32>} : memref<128x128xf32, #tpu.memory_space<vmem>>, vector<1x16xf32>,
        %parallel_loop3A_226 = vector.shape_cast %parallel_loop3A_225 : vector<1x16xf32> to vector<16xf32>
        %parallel_loop3A_227 = arith.mulf %parallel_loop3A_226, %parallel_loop3A_208 : vector<16xf32>
        %parallel_loop3A_228 = arith.index_cast %parallel_loop3A_212 : i32 to index
        %parallel_loop3A_229 = arith.constant 16 : index
        %parallel_loop3A_230 = tpu.vector_load %arg10[%parallel_loop3A_228, %parallel_loop3A_229] {strides = array<i32>} : memref<128x128xf32, #tpu.memory_space<vmem>>, vector<1x16xf32>,
        %parallel_loop3A_231 = vector.shape_cast %parallel_loop3A_230 : vector<1x16xf32> to vector<16xf32>
        %parallel_loop3A_232 = vector.shape_cast %parallel_loop3A_227 : vector<16xf32> to vector<1x16xf32>
        tpu.vector_store %arg10[%parallel_loop3A_228, %parallel_loop3A_229], %parallel_loop3A_232 {strides = array<i32>} : memref<128x128xf32, #tpu.memory_space<vmem>>, vector<1x16xf32>,
        %parallel_loop3A_233 = arith.index_cast %parallel_loop3A_212 : i32 to index
        %parallel_loop3A_234 = arith.constant 32 : index
        %parallel_loop3A_235 = tpu.vector_load %arg9[%parallel_loop3A_233, %parallel_loop3A_234] {strides = array<i32>} : memref<128x128xf32, #tpu.memory_space<vmem>>, vector<1x16xf32>,
        %parallel_loop3A_236 = vector.shape_cast %parallel_loop3A_235 : vector<1x16xf32> to vector<16xf32>
        %parallel_loop3A_237 = arith.mulf %parallel_loop3A_236, %parallel_loop3A_208 : vector<16xf32>
        %parallel_loop3A_238 = arith.index_cast %parallel_loop3A_212 : i32 to index
        %parallel_loop3A_239 = arith.constant 32 : index
        %parallel_loop3A_240 = tpu.vector_load %arg10[%parallel_loop3A_238, %parallel_loop3A_239] {strides = array<i32>} : memref<128x128xf32, #tpu.memory_space<vmem>>, vector<1x16xf32>,
        %parallel_loop3A_241 = vector.shape_cast %parallel_loop3A_240 : vector<1x16xf32> to vector<16xf32>
        %parallel_loop3A_242 = vector.shape_cast %parallel_loop3A_237 : vector<16xf32> to vector<1x16xf32>
        tpu.vector_store %arg10[%parallel_loop3A_238, %parallel_loop3A_239], %parallel_loop3A_242 {strides = array<i32>} : memref<128x128xf32, #tpu.memory_space<vmem>>, vector<1x16xf32>,
        %parallel_loop3A_243 = arith.index_cast %parallel_loop3A_212 : i32 to index
        %parallel_loop3A_244 = arith.constant 48 : index
        %parallel_loop3A_245 = tpu.vector_load %arg9[%parallel_loop3A_243, %parallel_loop3A_244] {strides = array<i32>} : memref<128x128xf32, #tpu.memory_space<vmem>>, vector<1x16xf32>,
        %parallel_loop3A_246 = vector.shape_cast %parallel_loop3A_245 : vector<1x16xf32> to vector<16xf32>
        %parallel_loop3A_247 = arith.mulf %parallel_loop3A_246, %parallel_loop3A_208 : vector<16xf32>
        %parallel_loop3A_248 = arith.index_cast %parallel_loop3A_212 : i32 to index
        %parallel_loop3A_249 = arith.constant 48 : index
        %parallel_loop3A_250 = tpu.vector_load %arg10[%parallel_loop3A_248, %parallel_loop3A_249] {strides = array<i32>} : memref<128x128xf32, #tpu.memory_space<vmem>>, vector<1x16xf32>,
        %parallel_loop3A_251 = vector.shape_cast %parallel_loop3A_250 : vector<1x16xf32> to vector<16xf32>
        %parallel_loop3A_252 = vector.shape_cast %parallel_loop3A_247 : vector<16xf32> to vector<1x16xf32>
        tpu.vector_store %arg10[%parallel_loop3A_248, %parallel_loop3A_249], %parallel_loop3A_252 {strides = array<i32>} : memref<128x128xf32, #tpu.memory_space<vmem>>, vector<1x16xf32>,
        %parallel_loop3A_253 = arith.index_cast %parallel_loop3A_212 : i32 to index
        %parallel_loop3A_254 = arith.constant 64 : index
        %parallel_loop3A_255 = tpu.vector_load %arg9[%parallel_loop3A_253, %parallel_loop3A_254] {strides = array<i32>} : memref<128x128xf32, #tpu.memory_space<vmem>>, vector<1x16xf32>,
        %parallel_loop3A_256 = vector.shape_cast %parallel_loop3A_255 : vector<1x16xf32> to vector<16xf32>
        %parallel_loop3A_257 = arith.mulf %parallel_loop3A_256, %parallel_loop3A_208 : vector<16xf32>
        %parallel_loop3A_258 = arith.index_cast %parallel_loop3A_212 : i32 to index
        %parallel_loop3A_259 = arith.constant 64 : index
        %parallel_loop3A_260 = tpu.vector_load %arg10[%parallel_loop3A_258, %parallel_loop3A_259] {strides = array<i32>} : memref<128x128xf32, #tpu.memory_space<vmem>>, vector<1x16xf32>,
        %parallel_loop3A_261 = vector.shape_cast %parallel_loop3A_260 : vector<1x16xf32> to vector<16xf32>
        %parallel_loop3A_262 = vector.shape_cast %parallel_loop3A_257 : vector<16xf32> to vector<1x16xf32>
        tpu.vector_store %arg10[%parallel_loop3A_258, %parallel_loop3A_259], %parallel_loop3A_262 {strides = array<i32>} : memref<128x128xf32, #tpu.memory_space<vmem>>, vector<1x16xf32>,
        %parallel_loop3A_263 = arith.index_cast %parallel_loop3A_212 : i32 to index
        %parallel_loop3A_264 = arith.constant 80 : index
        %parallel_loop3A_265 = tpu.vector_load %arg9[%parallel_loop3A_263, %parallel_loop3A_264] {strides = array<i32>} : memref<128x128xf32, #tpu.memory_space<vmem>>, vector<1x16xf32>,
        %parallel_loop3A_266 = vector.shape_cast %parallel_loop3A_265 : vector<1x16xf32> to vector<16xf32>
        %parallel_loop3A_267 = arith.mulf %parallel_loop3A_266, %parallel_loop3A_208 : vector<16xf32>
        %parallel_loop3A_268 = arith.index_cast %parallel_loop3A_212 : i32 to index
        %parallel_loop3A_269 = arith.constant 80 : index
        %parallel_loop3A_270 = tpu.vector_load %arg10[%parallel_loop3A_268, %parallel_loop3A_269] {strides = array<i32>} : memref<128x128xf32, #tpu.memory_space<vmem>>, vector<1x16xf32>,
        %parallel_loop3A_271 = vector.shape_cast %parallel_loop3A_270 : vector<1x16xf32> to vector<16xf32>
        %parallel_loop3A_272 = vector.shape_cast %parallel_loop3A_267 : vector<16xf32> to vector<1x16xf32>
        tpu.vector_store %arg10[%parallel_loop3A_268, %parallel_loop3A_269], %parallel_loop3A_272 {strides = array<i32>} : memref<128x128xf32, #tpu.memory_space<vmem>>, vector<1x16xf32>,
        %parallel_loop3A_273 = arith.index_cast %parallel_loop3A_212 : i32 to index
        %parallel_loop3A_274 = arith.constant 96 : index
        %parallel_loop3A_275 = tpu.vector_load %arg9[%parallel_loop3A_273, %parallel_loop3A_274] {strides = array<i32>} : memref<128x128xf32, #tpu.memory_space<vmem>>, vector<1x16xf32>,
        %parallel_loop3A_276 = vector.shape_cast %parallel_loop3A_275 : vector<1x16xf32> to vector<16xf32>
        %parallel_loop3A_277 = arith.mulf %parallel_loop3A_276, %parallel_loop3A_208 : vector<16xf32>
        %parallel_loop3A_278 = arith.index_cast %parallel_loop3A_212 : i32 to index
        %parallel_loop3A_279 = arith.constant 96 : index
        %parallel_loop3A_280 = tpu.vector_load %arg10[%parallel_loop3A_278, %parallel_loop3A_279] {strides = array<i32>} : memref<128x128xf32, #tpu.memory_space<vmem>>, vector<1x16xf32>,
        %parallel_loop3A_281 = vector.shape_cast %parallel_loop3A_280 : vector<1x16xf32> to vector<16xf32>
        %parallel_loop3A_282 = vector.shape_cast %parallel_loop3A_277 : vector<16xf32> to vector<1x16xf32>
        tpu.vector_store %arg10[%parallel_loop3A_278, %parallel_loop3A_279], %parallel_loop3A_282 {strides = array<i32>} : memref<128x128xf32, #tpu.memory_space<vmem>>, vector<1x16xf32>,
        %parallel_loop3A_283 = arith.index_cast %parallel_loop3A_212 : i32 to index
        %parallel_loop3A_284 = arith.constant 112 : index
        %parallel_loop3A_285 = tpu.vector_load %arg9[%parallel_loop3A_283, %parallel_loop3A_284] {strides = array<i32>} : memref<128x128xf32, #tpu.memory_space<vmem>>, vector<1x16xf32>,
        %parallel_loop3A_286 = vector.shape_cast %parallel_loop3A_285 : vector<1x16xf32> to vector<16xf32>
        %parallel_loop3A_287 = arith.mulf %parallel_loop3A_286, %parallel_loop3A_208 : vector<16xf32>
        %parallel_loop3A_288 = arith.index_cast %parallel_loop3A_212 : i32 to index
        %parallel_loop3A_289 = arith.constant 112 : index
        %parallel_loop3A_290 = tpu.vector_load %arg10[%parallel_loop3A_288, %parallel_loop3A_289] {strides = array<i32>} : memref<128x128xf32, #tpu.memory_space<vmem>>, vector<1x16xf32>,
        %parallel_loop3A_291 = vector.shape_cast %parallel_loop3A_290 : vector<1x16xf32> to vector<16xf32>
        %parallel_loop3A_292 = vector.shape_cast %parallel_loop3A_287 : vector<16xf32> to vector<1x16xf32>
        tpu.vector_store %arg10[%parallel_loop3A_288, %parallel_loop3A_289], %parallel_loop3A_292 {strides = array<i32>} : memref<128x128xf32, #tpu.memory_space<vmem>>, vector<1x16xf32>,
        %parallel_loop3A_293 = vector.extract_strided_slice %parallel_loop3A_118 {offsets = [2], sizes = [1], strides = [1]} : vector<16xf32> to vector<1xf32>
        %parallel_loop3A_294 = vector.extract %parallel_loop3A_293[0] : f32 from vector<1xf32>
        %parallel_loop3A_295 = vector.broadcast %parallel_loop3A_294 : f32 to vector<16xf32>
        %parallel_loop3A_296 = arith.constant 16 : i32
        %parallel_loop3A_297 = arith.muli %parallel_loop3A_110, %parallel_loop3A_296 : i32
        %parallel_loop3A_298 = arith.constant 2 : i32
        %parallel_loop3A_299 = arith.addi %parallel_loop3A_297, %parallel_loop3A_298 : i32
        %parallel_loop3A_300 = arith.index_cast %parallel_loop3A_299 : i32 to index
        %parallel_loop3A_301 = arith.constant 0 : index
        %parallel_loop3A_302 = tpu.vector_load %arg9[%parallel_loop3A_300, %parallel_loop3A_301] {strides = array<i32>} : memref<128x128xf32, #tpu.memory_space<vmem>>, vector<1x16xf32>,
        %parallel_loop3A_303 = vector.shape_cast %parallel_loop3A_302 : vector<1x16xf32> to vector<16xf32>
        %parallel_loop3A_304 = arith.mulf %parallel_loop3A_303, %parallel_loop3A_295 : vector<16xf32>
        %parallel_loop3A_305 = arith.index_cast %parallel_loop3A_299 : i32 to index
        %parallel_loop3A_306 = arith.constant 0 : index
        %parallel_loop3A_307 = tpu.vector_load %arg10[%parallel_loop3A_305, %parallel_loop3A_306] {strides = array<i32>} : memref<128x128xf32, #tpu.memory_space<vmem>>, vector<1x16xf32>,
        %parallel_loop3A_308 = vector.shape_cast %parallel_loop3A_307 : vector<1x16xf32> to vector<16xf32>
        %parallel_loop3A_309 = vector.shape_cast %parallel_loop3A_304 : vector<16xf32> to vector<1x16xf32>
        tpu.vector_store %arg10[%parallel_loop3A_305, %parallel_loop3A_306], %parallel_loop3A_309 {strides = array<i32>} : memref<128x128xf32, #tpu.memory_space<vmem>>, vector<1x16xf32>,
        %parallel_loop3A_310 = arith.index_cast %parallel_loop3A_299 : i32 to index
        %parallel_loop3A_311 = arith.constant 16 : index
        %parallel_loop3A_312 = tpu.vector_load %arg9[%parallel_loop3A_310, %parallel_loop3A_311] {strides = array<i32>} : memref<128x128xf32, #tpu.memory_space<vmem>>, vector<1x16xf32>,
        %parallel_loop3A_313 = vector.shape_cast %parallel_loop3A_312 : vector<1x16xf32> to vector<16xf32>
        %parallel_loop3A_314 = arith.mulf %parallel_loop3A_313, %parallel_loop3A_295 : vector<16xf32>
        %parallel_loop3A_315 = arith.index_cast %parallel_loop3A_299 : i32 to index
        %parallel_loop3A_316 = arith.constant 16 : index
        %parallel_loop3A_317 = tpu.vector_load %arg10[%parallel_loop3A_315, %parallel_loop3A_316] {strides = array<i32>} : memref<128x128xf32, #tpu.memory_space<vmem>>, vector<1x16xf32>,
        %parallel_loop3A_318 = vector.shape_cast %parallel_loop3A_317 : vector<1x16xf32> to vector<16xf32>
        %parallel_loop3A_319 = vector.shape_cast %parallel_loop3A_314 : vector<16xf32> to vector<1x16xf32>
        tpu.vector_store %arg10[%parallel_loop3A_315, %parallel_loop3A_316], %parallel_loop3A_319 {strides = array<i32>} : memref<128x128xf32, #tpu.memory_space<vmem>>, vector<1x16xf32>,
        %parallel_loop3A_320 = arith.index_cast %parallel_loop3A_299 : i32 to index
        %parallel_loop3A_321 = arith.constant 32 : index
        %parallel_loop3A_322 = tpu.vector_load %arg9[%parallel_loop3A_320, %parallel_loop3A_321] {strides = array<i32>} : memref<128x128xf32, #tpu.memory_space<vmem>>, vector<1x16xf32>,
        %parallel_loop3A_323 = vector.shape_cast %parallel_loop3A_322 : vector<1x16xf32> to vector<16xf32>
        %parallel_loop3A_324 = arith.mulf %parallel_loop3A_323, %parallel_loop3A_295 : vector<16xf32>
        %parallel_loop3A_325 = arith.index_cast %parallel_loop3A_299 : i32 to index
        %parallel_loop3A_326 = arith.constant 32 : index
        %parallel_loop3A_327 = tpu.vector_load %arg10[%parallel_loop3A_325, %parallel_loop3A_326] {strides = array<i32>} : memref<128x128xf32, #tpu.memory_space<vmem>>, vector<1x16xf32>,
        %parallel_loop3A_328 = vector.shape_cast %parallel_loop3A_327 : vector<1x16xf32> to vector<16xf32>
        %parallel_loop3A_329 = vector.shape_cast %parallel_loop3A_324 : vector<16xf32> to vector<1x16xf32>
        tpu.vector_store %arg10[%parallel_loop3A_325, %parallel_loop3A_326], %parallel_loop3A_329 {strides = array<i32>} : memref<128x128xf32, #tpu.memory_space<vmem>>, vector<1x16xf32>,
        %parallel_loop3A_330 = arith.index_cast %parallel_loop3A_299 : i32 to index
        %parallel_loop3A_331 = arith.constant 48 : index
        %parallel_loop3A_332 = tpu.vector_load %arg9[%parallel_loop3A_330, %parallel_loop3A_331] {strides = array<i32>} : memref<128x128xf32, #tpu.memory_space<vmem>>, vector<1x16xf32>,
        %parallel_loop3A_333 = vector.shape_cast %parallel_loop3A_332 : vector<1x16xf32> to vector<16xf32>
        %parallel_loop3A_334 = arith.mulf %parallel_loop3A_333, %parallel_loop3A_295 : vector<16xf32>
        %parallel_loop3A_335 = arith.index_cast %parallel_loop3A_299 : i32 to index
        %parallel_loop3A_336 = arith.constant 48 : index
        %parallel_loop3A_337 = tpu.vector_load %arg10[%parallel_loop3A_335, %parallel_loop3A_336] {strides = array<i32>} : memref<128x128xf32, #tpu.memory_space<vmem>>, vector<1x16xf32>,
        %parallel_loop3A_338 = vector.shape_cast %parallel_loop3A_337 : vector<1x16xf32> to vector<16xf32>
        %parallel_loop3A_339 = vector.shape_cast %parallel_loop3A_334 : vector<16xf32> to vector<1x16xf32>
        tpu.vector_store %arg10[%parallel_loop3A_335, %parallel_loop3A_336], %parallel_loop3A_339 {strides = array<i32>} : memref<128x128xf32, #tpu.memory_space<vmem>>, vector<1x16xf32>,
        %parallel_loop3A_340 = arith.index_cast %parallel_loop3A_299 : i32 to index
        %parallel_loop3A_341 = arith.constant 64 : index
        %parallel_loop3A_342 = tpu.vector_load %arg9[%parallel_loop3A_340, %parallel_loop3A_341] {strides = array<i32>} : memref<128x128xf32, #tpu.memory_space<vmem>>, vector<1x16xf32>,
        %parallel_loop3A_343 = vector.shape_cast %parallel_loop3A_342 : vector<1x16xf32> to vector<16xf32>
        %parallel_loop3A_344 = arith.mulf %parallel_loop3A_343, %parallel_loop3A_295 : vector<16xf32>
        %parallel_loop3A_345 = arith.index_cast %parallel_loop3A_299 : i32 to index
        %parallel_loop3A_346 = arith.constant 64 : index
        %parallel_loop3A_347 = tpu.vector_load %arg10[%parallel_loop3A_345, %parallel_loop3A_346] {strides = array<i32>} : memref<128x128xf32, #tpu.memory_space<vmem>>, vector<1x16xf32>,
        %parallel_loop3A_348 = vector.shape_cast %parallel_loop3A_347 : vector<1x16xf32> to vector<16xf32>
        %parallel_loop3A_349 = vector.shape_cast %parallel_loop3A_344 : vector<16xf32> to vector<1x16xf32>
        tpu.vector_store %arg10[%parallel_loop3A_345, %parallel_loop3A_346], %parallel_loop3A_349 {strides = array<i32>} : memref<128x128xf32, #tpu.memory_space<vmem>>, vector<1x16xf32>,
        %parallel_loop3A_350 = arith.index_cast %parallel_loop3A_299 : i32 to index
        %parallel_loop3A_351 = arith.constant 80 : index
        %parallel_loop3A_352 = tpu.vector_load %arg9[%parallel_loop3A_350, %parallel_loop3A_351] {strides = array<i32>} : memref<128x128xf32, #tpu.memory_space<vmem>>, vector<1x16xf32>,
        %parallel_loop3A_353 = vector.shape_cast %parallel_loop3A_352 : vector<1x16xf32> to vector<16xf32>
        %parallel_loop3A_354 = arith.mulf %parallel_loop3A_353, %parallel_loop3A_295 : vector<16xf32>
        %parallel_loop3A_355 = arith.index_cast %parallel_loop3A_299 : i32 to index
        %parallel_loop3A_356 = arith.constant 80 : index
        %parallel_loop3A_357 = tpu.vector_load %arg10[%parallel_loop3A_355, %parallel_loop3A_356] {strides = array<i32>} : memref<128x128xf32, #tpu.memory_space<vmem>>, vector<1x16xf32>,
        %parallel_loop3A_358 = vector.shape_cast %parallel_loop3A_357 : vector<1x16xf32> to vector<16xf32>
        %parallel_loop3A_359 = vector.shape_cast %parallel_loop3A_354 : vector<16xf32> to vector<1x16xf32>
        tpu.vector_store %arg10[%parallel_loop3A_355, %parallel_loop3A_356], %parallel_loop3A_359 {strides = array<i32>} : memref<128x128xf32, #tpu.memory_space<vmem>>, vector<1x16xf32>,
        %parallel_loop3A_360 = arith.index_cast %parallel_loop3A_299 : i32 to index
        %parallel_loop3A_361 = arith.constant 96 : index
        %parallel_loop3A_362 = tpu.vector_load %arg9[%parallel_loop3A_360, %parallel_loop3A_361] {strides = array<i32>} : memref<128x128xf32, #tpu.memory_space<vmem>>, vector<1x16xf32>,
        %parallel_loop3A_363 = vector.shape_cast %parallel_loop3A_362 : vector<1x16xf32> to vector<16xf32>
        %parallel_loop3A_364 = arith.mulf %parallel_loop3A_363, %parallel_loop3A_295 : vector<16xf32>
        %parallel_loop3A_365 = arith.index_cast %parallel_loop3A_299 : i32 to index
        %parallel_loop3A_366 = arith.constant 96 : index
        %parallel_loop3A_367 = tpu.vector_load %arg10[%parallel_loop3A_365, %parallel_loop3A_366] {strides = array<i32>} : memref<128x128xf32, #tpu.memory_space<vmem>>, vector<1x16xf32>,
        %parallel_loop3A_368 = vector.shape_cast %parallel_loop3A_367 : vector<1x16xf32> to vector<16xf32>
        %parallel_loop3A_369 = vector.shape_cast %parallel_loop3A_364 : vector<16xf32> to vector<1x16xf32>
        tpu.vector_store %arg10[%parallel_loop3A_365, %parallel_loop3A_366], %parallel_loop3A_369 {strides = array<i32>} : memref<128x128xf32, #tpu.memory_space<vmem>>, vector<1x16xf32>,
        %parallel_loop3A_370 = arith.index_cast %parallel_loop3A_299 : i32 to index
        %parallel_loop3A_371 = arith.constant 112 : index
        %parallel_loop3A_372 = tpu.vector_load %arg9[%parallel_loop3A_370, %parallel_loop3A_371] {strides = array<i32>} : memref<128x128xf32, #tpu.memory_space<vmem>>, vector<1x16xf32>,
        %parallel_loop3A_373 = vector.shape_cast %parallel_loop3A_372 : vector<1x16xf32> to vector<16xf32>
        %parallel_loop3A_374 = arith.mulf %parallel_loop3A_373, %parallel_loop3A_295 : vector<16xf32>
        %parallel_loop3A_375 = arith.index_cast %parallel_loop3A_299 : i32 to index
        %parallel_loop3A_376 = arith.constant 112 : index
        %parallel_loop3A_377 = tpu.vector_load %arg10[%parallel_loop3A_375, %parallel_loop3A_376] {strides = array<i32>} : memref<128x128xf32, #tpu.memory_space<vmem>>, vector<1x16xf32>,
        %parallel_loop3A_378 = vector.shape_cast %parallel_loop3A_377 : vector<1x16xf32> to vector<16xf32>
        %parallel_loop3A_379 = vector.shape_cast %parallel_loop3A_374 : vector<16xf32> to vector<1x16xf32>
        tpu.vector_store %arg10[%parallel_loop3A_375, %parallel_loop3A_376], %parallel_loop3A_379 {strides = array<i32>} : memref<128x128xf32, #tpu.memory_space<vmem>>, vector<1x16xf32>,
        %parallel_loop3A_380 = vector.extract_strided_slice %parallel_loop3A_118 {offsets = [3], sizes = [1], strides = [1]} : vector<16xf32> to vector<1xf32>
        %parallel_loop3A_381 = vector.extract %parallel_loop3A_380[0] : f32 from vector<1xf32>
        %parallel_loop3A_382 = vector.broadcast %parallel_loop3A_381 : f32 to vector<16xf32>
        %parallel_loop3A_383 = arith.constant 16 : i32
        %parallel_loop3A_384 = arith.muli %parallel_loop3A_110, %parallel_loop3A_383 : i32
        %parallel_loop3A_385 = arith.constant 3 : i32
        %parallel_loop3A_386 = arith.addi %parallel_loop3A_384, %parallel_loop3A_385 : i32
        %parallel_loop3A_387 = arith.index_cast %parallel_loop3A_386 : i32 to index
        %parallel_loop3A_388 = arith.constant 0 : index
        %parallel_loop3A_389 = tpu.vector_load %arg9[%parallel_loop3A_387, %parallel_loop3A_388] {strides = array<i32>} : memref<128x128xf32, #tpu.memory_space<vmem>>, vector<1x16xf32>,
        %parallel_loop3A_390 = vector.shape_cast %parallel_loop3A_389 : vector<1x16xf32> to vector<16xf32>
        %parallel_loop3A_391 = arith.mulf %parallel_loop3A_390, %parallel_loop3A_382 : vector<16xf32>
        %parallel_loop3A_392 = arith.index_cast %parallel_loop3A_386 : i32 to index
        %parallel_loop3A_393 = arith.constant 0 : index
        %parallel_loop3A_394 = tpu.vector_load %arg10[%parallel_loop3A_392, %parallel_loop3A_393] {strides = array<i32>} : memref<128x128xf32, #tpu.memory_space<vmem>>, vector<1x16xf32>,
        %parallel_loop3A_395 = vector.shape_cast %parallel_loop3A_394 : vector<1x16xf32> to vector<16xf32>
        %parallel_loop3A_396 = vector.shape_cast %parallel_loop3A_391 : vector<16xf32> to vector<1x16xf32>
        tpu.vector_store %arg10[%parallel_loop3A_392, %parallel_loop3A_393], %parallel_loop3A_396 {strides = array<i32>} : memref<128x128xf32, #tpu.memory_space<vmem>>, vector<1x16xf32>,
        %parallel_loop3A_397 = arith.index_cast %parallel_loop3A_386 : i32 to index
        %parallel_loop3A_398 = arith.constant 16 : index
        %parallel_loop3A_399 = tpu.vector_load %arg9[%parallel_loop3A_397, %parallel_loop3A_398] {strides = array<i32>} : memref<128x128xf32, #tpu.memory_space<vmem>>, vector<1x16xf32>,
        %parallel_loop3A_400 = vector.shape_cast %parallel_loop3A_399 : vector<1x16xf32> to vector<16xf32>
        %parallel_loop3A_401 = arith.mulf %parallel_loop3A_400, %parallel_loop3A_382 : vector<16xf32>
        %parallel_loop3A_402 = arith.index_cast %parallel_loop3A_386 : i32 to index
        %parallel_loop3A_403 = arith.constant 16 : index
        %parallel_loop3A_404 = tpu.vector_load %arg10[%parallel_loop3A_402, %parallel_loop3A_403] {strides = array<i32>} : memref<128x128xf32, #tpu.memory_space<vmem>>, vector<1x16xf32>,
        %parallel_loop3A_405 = vector.shape_cast %parallel_loop3A_404 : vector<1x16xf32> to vector<16xf32>
        %parallel_loop3A_406 = vector.shape_cast %parallel_loop3A_401 : vector<16xf32> to vector<1x16xf32>
        tpu.vector_store %arg10[%parallel_loop3A_402, %parallel_loop3A_403], %parallel_loop3A_406 {strides = array<i32>} : memref<128x128xf32, #tpu.memory_space<vmem>>, vector<1x16xf32>,
        %parallel_loop3A_407 = arith.index_cast %parallel_loop3A_386 : i32 to index
        %parallel_loop3A_408 = arith.constant 32 : index
        %parallel_loop3A_409 = tpu.vector_load %arg9[%parallel_loop3A_407, %parallel_loop3A_408] {strides = array<i32>} : memref<128x128xf32, #tpu.memory_space<vmem>>, vector<1x16xf32>,
        %parallel_loop3A_410 = vector.shape_cast %parallel_loop3A_409 : vector<1x16xf32> to vector<16xf32>
        %parallel_loop3A_411 = arith.mulf %parallel_loop3A_410, %parallel_loop3A_382 : vector<16xf32>
        %parallel_loop3A_412 = arith.index_cast %parallel_loop3A_386 : i32 to index
        %parallel_loop3A_413 = arith.constant 32 : index
        %parallel_loop3A_414 = tpu.vector_load %arg10[%parallel_loop3A_412, %parallel_loop3A_413] {strides = array<i32>} : memref<128x128xf32, #tpu.memory_space<vmem>>, vector<1x16xf32>,
        %parallel_loop3A_415 = vector.shape_cast %parallel_loop3A_414 : vector<1x16xf32> to vector<16xf32>
        %parallel_loop3A_416 = vector.shape_cast %parallel_loop3A_411 : vector<16xf32> to vector<1x16xf32>
        tpu.vector_store %arg10[%parallel_loop3A_412, %parallel_loop3A_413], %parallel_loop3A_416 {strides = array<i32>} : memref<128x128xf32, #tpu.memory_space<vmem>>, vector<1x16xf32>,
        %parallel_loop3A_417 = arith.index_cast %parallel_loop3A_386 : i32 to index
        %parallel_loop3A_418 = arith.constant 48 : index
        %parallel_loop3A_419 = tpu.vector_load %arg9[%parallel_loop3A_417, %parallel_loop3A_418] {strides = array<i32>} : memref<128x128xf32, #tpu.memory_space<vmem>>, vector<1x16xf32>,
        %parallel_loop3A_420 = vector.shape_cast %parallel_loop3A_419 : vector<1x16xf32> to vector<16xf32>
        %parallel_loop3A_421 = arith.mulf %parallel_loop3A_420, %parallel_loop3A_382 : vector<16xf32>
        %parallel_loop3A_422 = arith.index_cast %parallel_loop3A_386 : i32 to index
        %parallel_loop3A_423 = arith.constant 48 : index
        %parallel_loop3A_424 = tpu.vector_load %arg10[%parallel_loop3A_422, %parallel_loop3A_423] {strides = array<i32>} : memref<128x128xf32, #tpu.memory_space<vmem>>, vector<1x16xf32>,
        %parallel_loop3A_425 = vector.shape_cast %parallel_loop3A_424 : vector<1x16xf32> to vector<16xf32>
        %parallel_loop3A_426 = vector.shape_cast %parallel_loop3A_421 : vector<16xf32> to vector<1x16xf32>
        tpu.vector_store %arg10[%parallel_loop3A_422, %parallel_loop3A_423], %parallel_loop3A_426 {strides = array<i32>} : memref<128x128xf32, #tpu.memory_space<vmem>>, vector<1x16xf32>,
        %parallel_loop3A_427 = arith.index_cast %parallel_loop3A_386 : i32 to index
        %parallel_loop3A_428 = arith.constant 64 : index
        %parallel_loop3A_429 = tpu.vector_load %arg9[%parallel_loop3A_427, %parallel_loop3A_428] {strides = array<i32>} : memref<128x128xf32, #tpu.memory_space<vmem>>, vector<1x16xf32>,
        %parallel_loop3A_430 = vector.shape_cast %parallel_loop3A_429 : vector<1x16xf32> to vector<16xf32>
        %parallel_loop3A_431 = arith.mulf %parallel_loop3A_430, %parallel_loop3A_382 : vector<16xf32>
        %parallel_loop3A_432 = arith.index_cast %parallel_loop3A_386 : i32 to index
        %parallel_loop3A_433 = arith.constant 64 : index
        %parallel_loop3A_434 = tpu.vector_load %arg10[%parallel_loop3A_432, %parallel_loop3A_433] {strides = array<i32>} : memref<128x128xf32, #tpu.memory_space<vmem>>, vector<1x16xf32>,
        %parallel_loop3A_435 = vector.shape_cast %parallel_loop3A_434 : vector<1x16xf32> to vector<16xf32>
        %parallel_loop3A_436 = vector.shape_cast %parallel_loop3A_431 : vector<16xf32> to vector<1x16xf32>
        tpu.vector_store %arg10[%parallel_loop3A_432, %parallel_loop3A_433], %parallel_loop3A_436 {strides = array<i32>} : memref<128x128xf32, #tpu.memory_space<vmem>>, vector<1x16xf32>,
        %parallel_loop3A_437 = arith.index_cast %parallel_loop3A_386 : i32 to index
        %parallel_loop3A_438 = arith.constant 80 : index
        %parallel_loop3A_439 = tpu.vector_load %arg9[%parallel_loop3A_437, %parallel_loop3A_438] {strides = array<i32>} : memref<128x128xf32, #tpu.memory_space<vmem>>, vector<1x16xf32>,
        %parallel_loop3A_440 = vector.shape_cast %parallel_loop3A_439 : vector<1x16xf32> to vector<16xf32>
        %parallel_loop3A_441 = arith.mulf %parallel_loop3A_440, %parallel_loop3A_382 : vector<16xf32>
        %parallel_loop3A_442 = arith.index_cast %parallel_loop3A_386 : i32 to index
        %parallel_loop3A_443 = arith.constant 80 : index
        %parallel_loop3A_444 = tpu.vector_load %arg10[%parallel_loop3A_442, %parallel_loop3A_443] {strides = array<i32>} : memref<128x128xf32, #tpu.memory_space<vmem>>, vector<1x16xf32>,
        %parallel_loop3A_445 = vector.shape_cast %parallel_loop3A_444 : vector<1x16xf32> to vector<16xf32>
        %parallel_loop3A_446 = vector.shape_cast %parallel_loop3A_441 : vector<16xf32> to vector<1x16xf32>
        tpu.vector_store %arg10[%parallel_loop3A_442, %parallel_loop3A_443], %parallel_loop3A_446 {strides = array<i32>} : memref<128x128xf32, #tpu.memory_space<vmem>>, vector<1x16xf32>,
        %parallel_loop3A_447 = arith.index_cast %parallel_loop3A_386 : i32 to index
        %parallel_loop3A_448 = arith.constant 96 : index
        %parallel_loop3A_449 = tpu.vector_load %arg9[%parallel_loop3A_447, %parallel_loop3A_448] {strides = array<i32>} : memref<128x128xf32, #tpu.memory_space<vmem>>, vector<1x16xf32>,
        %parallel_loop3A_450 = vector.shape_cast %parallel_loop3A_449 : vector<1x16xf32> to vector<16xf32>
        %parallel_loop3A_451 = arith.mulf %parallel_loop3A_450, %parallel_loop3A_382 : vector<16xf32>
        %parallel_loop3A_452 = arith.index_cast %parallel_loop3A_386 : i32 to index
        %parallel_loop3A_453 = arith.constant 96 : index
        %parallel_loop3A_454 = tpu.vector_load %arg10[%parallel_loop3A_452, %parallel_loop3A_453] {strides = array<i32>} : memref<128x128xf32, #tpu.memory_space<vmem>>, vector<1x16xf32>,
        %parallel_loop3A_455 = vector.shape_cast %parallel_loop3A_454 : vector<1x16xf32> to vector<16xf32>
        %parallel_loop3A_456 = vector.shape_cast %parallel_loop3A_451 : vector<16xf32> to vector<1x16xf32>
        tpu.vector_store %arg10[%parallel_loop3A_452, %parallel_loop3A_453], %parallel_loop3A_456 {strides = array<i32>} : memref<128x128xf32, #tpu.memory_space<vmem>>, vector<1x16xf32>,
        %parallel_loop3A_457 = arith.index_cast %parallel_loop3A_386 : i32 to index
        %parallel_loop3A_458 = arith.constant 112 : index
        %parallel_loop3A_459 = tpu.vector_load %arg9[%parallel_loop3A_457, %parallel_loop3A_458] {strides = array<i32>} : memref<128x128xf32, #tpu.memory_space<vmem>>, vector<1x16xf32>,
        %parallel_loop3A_460 = vector.shape_cast %parallel_loop3A_459 : vector<1x16xf32> to vector<16xf32>
        %parallel_loop3A_461 = arith.mulf %parallel_loop3A_460, %parallel_loop3A_382 : vector<16xf32>
        %parallel_loop3A_462 = arith.index_cast %parallel_loop3A_386 : i32 to index
        %parallel_loop3A_463 = arith.constant 112 : index
        %parallel_loop3A_464 = tpu.vector_load %arg10[%parallel_loop3A_462, %parallel_loop3A_463] {strides = array<i32>} : memref<128x128xf32, #tpu.memory_space<vmem>>, vector<1x16xf32>,
        %parallel_loop3A_465 = vector.shape_cast %parallel_loop3A_464 : vector<1x16xf32> to vector<16xf32>
        %parallel_loop3A_466 = vector.shape_cast %parallel_loop3A_461 : vector<16xf32> to vector<1x16xf32>
        tpu.vector_store %arg10[%parallel_loop3A_462, %parallel_loop3A_463], %parallel_loop3A_466 {strides = array<i32>} : memref<128x128xf32, #tpu.memory_space<vmem>>, vector<1x16xf32>,
        %parallel_loop3A_467 = vector.extract_strided_slice %parallel_loop3A_118 {offsets = [4], sizes = [1], strides = [1]} : vector<16xf32> to vector<1xf32>
        %parallel_loop3A_468 = vector.extract %parallel_loop3A_467[0] : f32 from vector<1xf32>
        %parallel_loop3A_469 = vector.broadcast %parallel_loop3A_468 : f32 to vector<16xf32>
        %parallel_loop3A_470 = arith.constant 16 : i32
        %parallel_loop3A_471 = arith.muli %parallel_loop3A_110, %parallel_loop3A_470 : i32
        %parallel_loop3A_472 = arith.constant 4 : i32
        %parallel_loop3A_473 = arith.addi %parallel_loop3A_471, %parallel_loop3A_472 : i32
        %parallel_loop3A_474 = arith.index_cast %parallel_loop3A_473 : i32 to index
        %parallel_loop3A_475 = arith.constant 0 : index
        %parallel_loop3A_476 = tpu.vector_load %arg9[%parallel_loop3A_474, %parallel_loop3A_475] {strides = array<i32>} : memref<128x128xf32, #tpu.memory_space<vmem>>, vector<1x16xf32>,
        %parallel_loop3A_477 = vector.shape_cast %parallel_loop3A_476 : vector<1x16xf32> to vector<16xf32>
        %parallel_loop3A_478 = arith.mulf %parallel_loop3A_477, %parallel_loop3A_469 : vector<16xf32>
        %parallel_loop3A_479 = arith.index_cast %parallel_loop3A_473 : i32 to index
        %parallel_loop3A_480 = arith.constant 0 : index
        %parallel_loop3A_481 = tpu.vector_load %arg10[%parallel_loop3A_479, %parallel_loop3A_480] {strides = array<i32>} : memref<128x128xf32, #tpu.memory_space<vmem>>, vector<1x16xf32>,
        %parallel_loop3A_482 = vector.shape_cast %parallel_loop3A_481 : vector<1x16xf32> to vector<16xf32>
        %parallel_loop3A_483 = vector.shape_cast %parallel_loop3A_478 : vector<16xf32> to vector<1x16xf32>
        tpu.vector_store %arg10[%parallel_loop3A_479, %parallel_loop3A_480], %parallel_loop3A_483 {strides = array<i32>} : memref<128x128xf32, #tpu.memory_space<vmem>>, vector<1x16xf32>,
        %parallel_loop3A_484 = arith.index_cast %parallel_loop3A_473 : i32 to index
        %parallel_loop3A_485 = arith.constant 16 : index
        %parallel_loop3A_486 = tpu.vector_load %arg9[%parallel_loop3A_484, %parallel_loop3A_485] {strides = array<i32>} : memref<128x128xf32, #tpu.memory_space<vmem>>, vector<1x16xf32>,
        %parallel_loop3A_487 = vector.shape_cast %parallel_loop3A_486 : vector<1x16xf32> to vector<16xf32>
        %parallel_loop3A_488 = arith.mulf %parallel_loop3A_487, %parallel_loop3A_469 : vector<16xf32>
        %parallel_loop3A_489 = arith.index_cast %parallel_loop3A_473 : i32 to index
        %parallel_loop3A_490 = arith.constant 16 : index
        %parallel_loop3A_491 = tpu.vector_load %arg10[%parallel_loop3A_489, %parallel_loop3A_490] {strides = array<i32>} : memref<128x128xf32, #tpu.memory_space<vmem>>, vector<1x16xf32>,
        %parallel_loop3A_492 = vector.shape_cast %parallel_loop3A_491 : vector<1x16xf32> to vector<16xf32>
        %parallel_loop3A_493 = vector.shape_cast %parallel_loop3A_488 : vector<16xf32> to vector<1x16xf32>
        tpu.vector_store %arg10[%parallel_loop3A_489, %parallel_loop3A_490], %parallel_loop3A_493 {strides = array<i32>} : memref<128x128xf32, #tpu.memory_space<vmem>>, vector<1x16xf32>,
        %parallel_loop3A_494 = arith.index_cast %parallel_loop3A_473 : i32 to index
        %parallel_loop3A_495 = arith.constant 32 : index
        %parallel_loop3A_496 = tpu.vector_load %arg9[%parallel_loop3A_494, %parallel_loop3A_495] {strides = array<i32>} : memref<128x128xf32, #tpu.memory_space<vmem>>, vector<1x16xf32>,
        %parallel_loop3A_497 = vector.shape_cast %parallel_loop3A_496 : vector<1x16xf32> to vector<16xf32>
        %parallel_loop3A_498 = arith.mulf %parallel_loop3A_497, %parallel_loop3A_469 : vector<16xf32>
        %parallel_loop3A_499 = arith.index_cast %parallel_loop3A_473 : i32 to index
        %parallel_loop3A_500 = arith.constant 32 : index
        %parallel_loop3A_501 = tpu.vector_load %arg10[%parallel_loop3A_499, %parallel_loop3A_500] {strides = array<i32>} : memref<128x128xf32, #tpu.memory_space<vmem>>, vector<1x16xf32>,
        %parallel_loop3A_502 = vector.shape_cast %parallel_loop3A_501 : vector<1x16xf32> to vector<16xf32>
        %parallel_loop3A_503 = vector.shape_cast %parallel_loop3A_498 : vector<16xf32> to vector<1x16xf32>
        tpu.vector_store %arg10[%parallel_loop3A_499, %parallel_loop3A_500], %parallel_loop3A_503 {strides = array<i32>} : memref<128x128xf32, #tpu.memory_space<vmem>>, vector<1x16xf32>,
        %parallel_loop3A_504 = arith.index_cast %parallel_loop3A_473 : i32 to index
        %parallel_loop3A_505 = arith.constant 48 : index
        %parallel_loop3A_506 = tpu.vector_load %arg9[%parallel_loop3A_504, %parallel_loop3A_505] {strides = array<i32>} : memref<128x128xf32, #tpu.memory_space<vmem>>, vector<1x16xf32>,
        %parallel_loop3A_507 = vector.shape_cast %parallel_loop3A_506 : vector<1x16xf32> to vector<16xf32>
        %parallel_loop3A_508 = arith.mulf %parallel_loop3A_507, %parallel_loop3A_469 : vector<16xf32>
        %parallel_loop3A_509 = arith.index_cast %parallel_loop3A_473 : i32 to index
        %parallel_loop3A_510 = arith.constant 48 : index
        %parallel_loop3A_511 = tpu.vector_load %arg10[%parallel_loop3A_509, %parallel_loop3A_510] {strides = array<i32>} : memref<128x128xf32, #tpu.memory_space<vmem>>, vector<1x16xf32>,
        %parallel_loop3A_512 = vector.shape_cast %parallel_loop3A_511 : vector<1x16xf32> to vector<16xf32>
        %parallel_loop3A_513 = vector.shape_cast %parallel_loop3A_508 : vector<16xf32> to vector<1x16xf32>
        tpu.vector_store %arg10[%parallel_loop3A_509, %parallel_loop3A_510], %parallel_loop3A_513 {strides = array<i32>} : memref<128x128xf32, #tpu.memory_space<vmem>>, vector<1x16xf32>,
        %parallel_loop3A_514 = arith.index_cast %parallel_loop3A_473 : i32 to index
        %parallel_loop3A_515 = arith.constant 64 : index
        %parallel_loop3A_516 = tpu.vector_load %arg9[%parallel_loop3A_514, %parallel_loop3A_515] {strides = array<i32>} : memref<128x128xf32, #tpu.memory_space<vmem>>, vector<1x16xf32>,
        %parallel_loop3A_517 = vector.shape_cast %parallel_loop3A_516 : vector<1x16xf32> to vector<16xf32>
        %parallel_loop3A_518 = arith.mulf %parallel_loop3A_517, %parallel_loop3A_469 : vector<16xf32>
        %parallel_loop3A_519 = arith.index_cast %parallel_loop3A_473 : i32 to index
        %parallel_loop3A_520 = arith.constant 64 : index
        %parallel_loop3A_521 = tpu.vector_load %arg10[%parallel_loop3A_519, %parallel_loop3A_520] {strides = array<i32>} : memref<128x128xf32, #tpu.memory_space<vmem>>, vector<1x16xf32>,
        %parallel_loop3A_522 = vector.shape_cast %parallel_loop3A_521 : vector<1x16xf32> to vector<16xf32>
        %parallel_loop3A_523 = vector.shape_cast %parallel_loop3A_518 : vector<16xf32> to vector<1x16xf32>
        tpu.vector_store %arg10[%parallel_loop3A_519, %parallel_loop3A_520], %parallel_loop3A_523 {strides = array<i32>} : memref<128x128xf32, #tpu.memory_space<vmem>>, vector<1x16xf32>,
        %parallel_loop3A_524 = arith.index_cast %parallel_loop3A_473 : i32 to index
        %parallel_loop3A_525 = arith.constant 80 : index
        %parallel_loop3A_526 = tpu.vector_load %arg9[%parallel_loop3A_524, %parallel_loop3A_525] {strides = array<i32>} : memref<128x128xf32, #tpu.memory_space<vmem>>, vector<1x16xf32>,
        %parallel_loop3A_527 = vector.shape_cast %parallel_loop3A_526 : vector<1x16xf32> to vector<16xf32>
        %parallel_loop3A_528 = arith.mulf %parallel_loop3A_527, %parallel_loop3A_469 : vector<16xf32>
        %parallel_loop3A_529 = arith.index_cast %parallel_loop3A_473 : i32 to index
        %parallel_loop3A_530 = arith.constant 80 : index
        %parallel_loop3A_531 = tpu.vector_load %arg10[%parallel_loop3A_529, %parallel_loop3A_530] {strides = array<i32>} : memref<128x128xf32, #tpu.memory_space<vmem>>, vector<1x16xf32>,
        %parallel_loop3A_532 = vector.shape_cast %parallel_loop3A_531 : vector<1x16xf32> to vector<16xf32>
        %parallel_loop3A_533 = vector.shape_cast %parallel_loop3A_528 : vector<16xf32> to vector<1x16xf32>
        tpu.vector_store %arg10[%parallel_loop3A_529, %parallel_loop3A_530], %parallel_loop3A_533 {strides = array<i32>} : memref<128x128xf32, #tpu.memory_space<vmem>>, vector<1x16xf32>,
        %parallel_loop3A_534 = arith.index_cast %parallel_loop3A_473 : i32 to index
        %parallel_loop3A_535 = arith.constant 96 : index
        %parallel_loop3A_536 = tpu.vector_load %arg9[%parallel_loop3A_534, %parallel_loop3A_535] {strides = array<i32>} : memref<128x128xf32, #tpu.memory_space<vmem>>, vector<1x16xf32>,
        %parallel_loop3A_537 = vector.shape_cast %parallel_loop3A_536 : vector<1x16xf32> to vector<16xf32>
        %parallel_loop3A_538 = arith.mulf %parallel_loop3A_537, %parallel_loop3A_469 : vector<16xf32>
        %parallel_loop3A_539 = arith.index_cast %parallel_loop3A_473 : i32 to index
        %parallel_loop3A_540 = arith.constant 96 : index
        %parallel_loop3A_541 = tpu.vector_load %arg10[%parallel_loop3A_539, %parallel_loop3A_540] {strides = array<i32>} : memref<128x128xf32, #tpu.memory_space<vmem>>, vector<1x16xf32>,
        %parallel_loop3A_542 = vector.shape_cast %parallel_loop3A_541 : vector<1x16xf32> to vector<16xf32>
        %parallel_loop3A_543 = vector.shape_cast %parallel_loop3A_538 : vector<16xf32> to vector<1x16xf32>
        tpu.vector_store %arg10[%parallel_loop3A_539, %parallel_loop3A_540], %parallel_loop3A_543 {strides = array<i32>} : memref<128x128xf32, #tpu.memory_space<vmem>>, vector<1x16xf32>,
        %parallel_loop3A_544 = arith.index_cast %parallel_loop3A_473 : i32 to index
        %parallel_loop3A_545 = arith.constant 112 : index
        %parallel_loop3A_546 = tpu.vector_load %arg9[%parallel_loop3A_544, %parallel_loop3A_545] {strides = array<i32>} : memref<128x128xf32, #tpu.memory_space<vmem>>, vector<1x16xf32>,
        %parallel_loop3A_547 = vector.shape_cast %parallel_loop3A_546 : vector<1x16xf32> to vector<16xf32>
        %parallel_loop3A_548 = arith.mulf %parallel_loop3A_547, %parallel_loop3A_469 : vector<16xf32>
        %parallel_loop3A_549 = arith.index_cast %parallel_loop3A_473 : i32 to index
        %parallel_loop3A_550 = arith.constant 112 : index
        %parallel_loop3A_551 = tpu.vector_load %arg10[%parallel_loop3A_549, %parallel_loop3A_550] {strides = array<i32>} : memref<128x128xf32, #tpu.memory_space<vmem>>, vector<1x16xf32>,
        %parallel_loop3A_552 = vector.shape_cast %parallel_loop3A_551 : vector<1x16xf32> to vector<16xf32>
        %parallel_loop3A_553 = vector.shape_cast %parallel_loop3A_548 : vector<16xf32> to vector<1x16xf32>
        tpu.vector_store %arg10[%parallel_loop3A_549, %parallel_loop3A_550], %parallel_loop3A_553 {strides = array<i32>} : memref<128x128xf32, #tpu.memory_space<vmem>>, vector<1x16xf32>,
        %parallel_loop3A_554 = vector.extract_strided_slice %parallel_loop3A_118 {offsets = [5], sizes = [1], strides = [1]} : vector<16xf32> to vector<1xf32>
        %parallel_loop3A_555 = vector.extract %parallel_loop3A_554[0] : f32 from vector<1xf32>
        %parallel_loop3A_556 = vector.broadcast %parallel_loop3A_555 : f32 to vector<16xf32>
        %parallel_loop3A_557 = arith.constant 16 : i32
        %parallel_loop3A_558 = arith.muli %parallel_loop3A_110, %parallel_loop3A_557 : i32
        %parallel_loop3A_559 = arith.constant 5 : i32
        %parallel_loop3A_560 = arith.addi %parallel_loop3A_558, %parallel_loop3A_559 : i32
        %parallel_loop3A_561 = arith.index_cast %parallel_loop3A_560 : i32 to index
        %parallel_loop3A_562 = arith.constant 0 : index
        %parallel_loop3A_563 = tpu.vector_load %arg9[%parallel_loop3A_561, %parallel_loop3A_562] {strides = array<i32>} : memref<128x128xf32, #tpu.memory_space<vmem>>, vector<1x16xf32>,
        %parallel_loop3A_564 = vector.shape_cast %parallel_loop3A_563 : vector<1x16xf32> to vector<16xf32>
        %parallel_loop3A_565 = arith.mulf %parallel_loop3A_564, %parallel_loop3A_556 : vector<16xf32>
        %parallel_loop3A_566 = arith.index_cast %parallel_loop3A_560 : i32 to index
        %parallel_loop3A_567 = arith.constant 0 : index
        %parallel_loop3A_568 = tpu.vector_load %arg10[%parallel_loop3A_566, %parallel_loop3A_567] {strides = array<i32>} : memref<128x128xf32, #tpu.memory_space<vmem>>, vector<1x16xf32>,
        %parallel_loop3A_569 = vector.shape_cast %parallel_loop3A_568 : vector<1x16xf32> to vector<16xf32>
        %parallel_loop3A_570 = vector.shape_cast %parallel_loop3A_565 : vector<16xf32> to vector<1x16xf32>
        tpu.vector_store %arg10[%parallel_loop3A_566, %parallel_loop3A_567], %parallel_loop3A_570 {strides = array<i32>} : memref<128x128xf32, #tpu.memory_space<vmem>>, vector<1x16xf32>,
        %parallel_loop3A_571 = arith.index_cast %parallel_loop3A_560 : i32 to index
        %parallel_loop3A_572 = arith.constant 16 : index
        %parallel_loop3A_573 = tpu.vector_load %arg9[%parallel_loop3A_571, %parallel_loop3A_572] {strides = array<i32>} : memref<128x128xf32, #tpu.memory_space<vmem>>, vector<1x16xf32>,
        %parallel_loop3A_574 = vector.shape_cast %parallel_loop3A_573 : vector<1x16xf32> to vector<16xf32>
        %parallel_loop3A_575 = arith.mulf %parallel_loop3A_574, %parallel_loop3A_556 : vector<16xf32>
        %parallel_loop3A_576 = arith.index_cast %parallel_loop3A_560 : i32 to index
        %parallel_loop3A_577 = arith.constant 16 : index
        %parallel_loop3A_578 = tpu.vector_load %arg10[%parallel_loop3A_576, %parallel_loop3A_577] {strides = array<i32>} : memref<128x128xf32, #tpu.memory_space<vmem>>, vector<1x16xf32>,
        %parallel_loop3A_579 = vector.shape_cast %parallel_loop3A_578 : vector<1x16xf32> to vector<16xf32>
        %parallel_loop3A_580 = vector.shape_cast %parallel_loop3A_575 : vector<16xf32> to vector<1x16xf32>
        tpu.vector_store %arg10[%parallel_loop3A_576, %parallel_loop3A_577], %parallel_loop3A_580 {strides = array<i32>} : memref<128x128xf32, #tpu.memory_space<vmem>>, vector<1x16xf32>,
        %parallel_loop3A_581 = arith.index_cast %parallel_loop3A_560 : i32 to index
        %parallel_loop3A_582 = arith.constant 32 : index
        %parallel_loop3A_583 = tpu.vector_load %arg9[%parallel_loop3A_581, %parallel_loop3A_582] {strides = array<i32>} : memref<128x128xf32, #tpu.memory_space<vmem>>, vector<1x16xf32>,
        %parallel_loop3A_584 = vector.shape_cast %parallel_loop3A_583 : vector<1x16xf32> to vector<16xf32>
        %parallel_loop3A_585 = arith.mulf %parallel_loop3A_584, %parallel_loop3A_556 : vector<16xf32>
        %parallel_loop3A_586 = arith.index_cast %parallel_loop3A_560 : i32 to index
        %parallel_loop3A_587 = arith.constant 32 : index
        %parallel_loop3A_588 = tpu.vector_load %arg10[%parallel_loop3A_586, %parallel_loop3A_587] {strides = array<i32>} : memref<128x128xf32, #tpu.memory_space<vmem>>, vector<1x16xf32>,
        %parallel_loop3A_589 = vector.shape_cast %parallel_loop3A_588 : vector<1x16xf32> to vector<16xf32>
        %parallel_loop3A_590 = vector.shape_cast %parallel_loop3A_585 : vector<16xf32> to vector<1x16xf32>
        tpu.vector_store %arg10[%parallel_loop3A_586, %parallel_loop3A_587], %parallel_loop3A_590 {strides = array<i32>} : memref<128x128xf32, #tpu.memory_space<vmem>>, vector<1x16xf32>,
        %parallel_loop3A_591 = arith.index_cast %parallel_loop3A_560 : i32 to index
        %parallel_loop3A_592 = arith.constant 48 : index
        %parallel_loop3A_593 = tpu.vector_load %arg9[%parallel_loop3A_591, %parallel_loop3A_592] {strides = array<i32>} : memref<128x128xf32, #tpu.memory_space<vmem>>, vector<1x16xf32>,
        %parallel_loop3A_594 = vector.shape_cast %parallel_loop3A_593 : vector<1x16xf32> to vector<16xf32>
        %parallel_loop3A_595 = arith.mulf %parallel_loop3A_594, %parallel_loop3A_556 : vector<16xf32>
        %parallel_loop3A_596 = arith.index_cast %parallel_loop3A_560 : i32 to index
        %parallel_loop3A_597 = arith.constant 48 : index
        %parallel_loop3A_598 = tpu.vector_load %arg10[%parallel_loop3A_596, %parallel_loop3A_597] {strides = array<i32>} : memref<128x128xf32, #tpu.memory_space<vmem>>, vector<1x16xf32>,
        %parallel_loop3A_599 = vector.shape_cast %parallel_loop3A_598 : vector<1x16xf32> to vector<16xf32>
        %parallel_loop3A_600 = vector.shape_cast %parallel_loop3A_595 : vector<16xf32> to vector<1x16xf32>
        tpu.vector_store %arg10[%parallel_loop3A_596, %parallel_loop3A_597], %parallel_loop3A_600 {strides = array<i32>} : memref<128x128xf32, #tpu.memory_space<vmem>>, vector<1x16xf32>,
        %parallel_loop3A_601 = arith.index_cast %parallel_loop3A_560 : i32 to index
        %parallel_loop3A_602 = arith.constant 64 : index
        %parallel_loop3A_603 = tpu.vector_load %arg9[%parallel_loop3A_601, %parallel_loop3A_602] {strides = array<i32>} : memref<128x128xf32, #tpu.memory_space<vmem>>, vector<1x16xf32>,
        %parallel_loop3A_604 = vector.shape_cast %parallel_loop3A_603 : vector<1x16xf32> to vector<16xf32>
        %parallel_loop3A_605 = arith.mulf %parallel_loop3A_604, %parallel_loop3A_556 : vector<16xf32>
        %parallel_loop3A_606 = arith.index_cast %parallel_loop3A_560 : i32 to index
        %parallel_loop3A_607 = arith.constant 64 : index
        %parallel_loop3A_608 = tpu.vector_load %arg10[%parallel_loop3A_606, %parallel_loop3A_607] {strides = array<i32>} : memref<128x128xf32, #tpu.memory_space<vmem>>, vector<1x16xf32>,
        %parallel_loop3A_609 = vector.shape_cast %parallel_loop3A_608 : vector<1x16xf32> to vector<16xf32>
        %parallel_loop3A_610 = vector.shape_cast %parallel_loop3A_605 : vector<16xf32> to vector<1x16xf32>
        tpu.vector_store %arg10[%parallel_loop3A_606, %parallel_loop3A_607], %parallel_loop3A_610 {strides = array<i32>} : memref<128x128xf32, #tpu.memory_space<vmem>>, vector<1x16xf32>,
        %parallel_loop3A_611 = arith.index_cast %parallel_loop3A_560 : i32 to index
        %parallel_loop3A_612 = arith.constant 80 : index
        %parallel_loop3A_613 = tpu.vector_load %arg9[%parallel_loop3A_611, %parallel_loop3A_612] {strides = array<i32>} : memref<128x128xf32, #tpu.memory_space<vmem>>, vector<1x16xf32>,
        %parallel_loop3A_614 = vector.shape_cast %parallel_loop3A_613 : vector<1x16xf32> to vector<16xf32>
        %parallel_loop3A_615 = arith.mulf %parallel_loop3A_614, %parallel_loop3A_556 : vector<16xf32>
        %parallel_loop3A_616 = arith.index_cast %parallel_loop3A_560 : i32 to index
        %parallel_loop3A_617 = arith.constant 80 : index
        %parallel_loop3A_618 = tpu.vector_load %arg10[%parallel_loop3A_616, %parallel_loop3A_617] {strides = array<i32>} : memref<128x128xf32, #tpu.memory_space<vmem>>, vector<1x16xf32>,
        %parallel_loop3A_619 = vector.shape_cast %parallel_loop3A_618 : vector<1x16xf32> to vector<16xf32>
        %parallel_loop3A_620 = vector.shape_cast %parallel_loop3A_615 : vector<16xf32> to vector<1x16xf32>
        tpu.vector_store %arg10[%parallel_loop3A_616, %parallel_loop3A_617], %parallel_loop3A_620 {strides = array<i32>} : memref<128x128xf32, #tpu.memory_space<vmem>>, vector<1x16xf32>,
        %parallel_loop3A_621 = arith.index_cast %parallel_loop3A_560 : i32 to index
        %parallel_loop3A_622 = arith.constant 96 : index
        %parallel_loop3A_623 = tpu.vector_load %arg9[%parallel_loop3A_621, %parallel_loop3A_622] {strides = array<i32>} : memref<128x128xf32, #tpu.memory_space<vmem>>, vector<1x16xf32>,
        %parallel_loop3A_624 = vector.shape_cast %parallel_loop3A_623 : vector<1x16xf32> to vector<16xf32>
        %parallel_loop3A_625 = arith.mulf %parallel_loop3A_624, %parallel_loop3A_556 : vector<16xf32>
        %parallel_loop3A_626 = arith.index_cast %parallel_loop3A_560 : i32 to index
        %parallel_loop3A_627 = arith.constant 96 : index
        %parallel_loop3A_628 = tpu.vector_load %arg10[%parallel_loop3A_626, %parallel_loop3A_627] {strides = array<i32>} : memref<128x128xf32, #tpu.memory_space<vmem>>, vector<1x16xf32>,
        %parallel_loop3A_629 = vector.shape_cast %parallel_loop3A_628 : vector<1x16xf32> to vector<16xf32>
        %parallel_loop3A_630 = vector.shape_cast %parallel_loop3A_625 : vector<16xf32> to vector<1x16xf32>
        tpu.vector_store %arg10[%parallel_loop3A_626, %parallel_loop3A_627], %parallel_loop3A_630 {strides = array<i32>} : memref<128x128xf32, #tpu.memory_space<vmem>>, vector<1x16xf32>,
        %parallel_loop3A_631 = arith.index_cast %parallel_loop3A_560 : i32 to index
        %parallel_loop3A_632 = arith.constant 112 : index
        %parallel_loop3A_633 = tpu.vector_load %arg9[%parallel_loop3A_631, %parallel_loop3A_632] {strides = array<i32>} : memref<128x128xf32, #tpu.memory_space<vmem>>, vector<1x16xf32>,
        %parallel_loop3A_634 = vector.shape_cast %parallel_loop3A_633 : vector<1x16xf32> to vector<16xf32>
        %parallel_loop3A_635 = arith.mulf %parallel_loop3A_634, %parallel_loop3A_556 : vector<16xf32>
        %parallel_loop3A_636 = arith.index_cast %parallel_loop3A_560 : i32 to index
        %parallel_loop3A_637 = arith.constant 112 : index
        %parallel_loop3A_638 = tpu.vector_load %arg10[%parallel_loop3A_636, %parallel_loop3A_637] {strides = array<i32>} : memref<128x128xf32, #tpu.memory_space<vmem>>, vector<1x16xf32>,
        %parallel_loop3A_639 = vector.shape_cast %parallel_loop3A_638 : vector<1x16xf32> to vector<16xf32>
        %parallel_loop3A_640 = vector.shape_cast %parallel_loop3A_635 : vector<16xf32> to vector<1x16xf32>
        tpu.vector_store %arg10[%parallel_loop3A_636, %parallel_loop3A_637], %parallel_loop3A_640 {strides = array<i32>} : memref<128x128xf32, #tpu.memory_space<vmem>>, vector<1x16xf32>,
        %parallel_loop3A_641 = vector.extract_strided_slice %parallel_loop3A_118 {offsets = [6], sizes = [1], strides = [1]} : vector<16xf32> to vector<1xf32>
        %parallel_loop3A_642 = vector.extract %parallel_loop3A_641[0] : f32 from vector<1xf32>
        %parallel_loop3A_643 = vector.broadcast %parallel_loop3A_642 : f32 to vector<16xf32>
        %parallel_loop3A_644 = arith.constant 16 : i32
        %parallel_loop3A_645 = arith.muli %parallel_loop3A_110, %parallel_loop3A_644 : i32
        %parallel_loop3A_646 = arith.constant 6 : i32
        %parallel_loop3A_647 = arith.addi %parallel_loop3A_645, %parallel_loop3A_646 : i32
        %parallel_loop3A_648 = arith.index_cast %parallel_loop3A_647 : i32 to index
        %parallel_loop3A_649 = arith.constant 0 : index
        %parallel_loop3A_650 = tpu.vector_load %arg9[%parallel_loop3A_648, %parallel_loop3A_649] {strides = array<i32>} : memref<128x128xf32, #tpu.memory_space<vmem>>, vector<1x16xf32>,
        %parallel_loop3A_651 = vector.shape_cast %parallel_loop3A_650 : vector<1x16xf32> to vector<16xf32>
        %parallel_loop3A_652 = arith.mulf %parallel_loop3A_651, %parallel_loop3A_643 : vector<16xf32>
        %parallel_loop3A_653 = arith.index_cast %parallel_loop3A_647 : i32 to index
        %parallel_loop3A_654 = arith.constant 0 : index
        %parallel_loop3A_655 = tpu.vector_load %arg10[%parallel_loop3A_653, %parallel_loop3A_654] {strides = array<i32>} : memref<128x128xf32, #tpu.memory_space<vmem>>, vector<1x16xf32>,
        %parallel_loop3A_656 = vector.shape_cast %parallel_loop3A_655 : vector<1x16xf32> to vector<16xf32>
        %parallel_loop3A_657 = vector.shape_cast %parallel_loop3A_652 : vector<16xf32> to vector<1x16xf32>
        tpu.vector_store %arg10[%parallel_loop3A_653, %parallel_loop3A_654], %parallel_loop3A_657 {strides = array<i32>} : memref<128x128xf32, #tpu.memory_space<vmem>>, vector<1x16xf32>,
        %parallel_loop3A_658 = arith.index_cast %parallel_loop3A_647 : i32 to index
        %parallel_loop3A_659 = arith.constant 16 : index
        %parallel_loop3A_660 = tpu.vector_load %arg9[%parallel_loop3A_658, %parallel_loop3A_659] {strides = array<i32>} : memref<128x128xf32, #tpu.memory_space<vmem>>, vector<1x16xf32>,
        %parallel_loop3A_661 = vector.shape_cast %parallel_loop3A_660 : vector<1x16xf32> to vector<16xf32>
        %parallel_loop3A_662 = arith.mulf %parallel_loop3A_661, %parallel_loop3A_643 : vector<16xf32>
        %parallel_loop3A_663 = arith.index_cast %parallel_loop3A_647 : i32 to index
        %parallel_loop3A_664 = arith.constant 16 : index
        %parallel_loop3A_665 = tpu.vector_load %arg10[%parallel_loop3A_663, %parallel_loop3A_664] {strides = array<i32>} : memref<128x128xf32, #tpu.memory_space<vmem>>, vector<1x16xf32>,
        %parallel_loop3A_666 = vector.shape_cast %parallel_loop3A_665 : vector<1x16xf32> to vector<16xf32>
        %parallel_loop3A_667 = vector.shape_cast %parallel_loop3A_662 : vector<16xf32> to vector<1x16xf32>
        tpu.vector_store %arg10[%parallel_loop3A_663, %parallel_loop3A_664], %parallel_loop3A_667 {strides = array<i32>} : memref<128x128xf32, #tpu.memory_space<vmem>>, vector<1x16xf32>,
        %parallel_loop3A_668 = arith.index_cast %parallel_loop3A_647 : i32 to index
        %parallel_loop3A_669 = arith.constant 32 : index
        %parallel_loop3A_670 = tpu.vector_load %arg9[%parallel_loop3A_668, %parallel_loop3A_669] {strides = array<i32>} : memref<128x128xf32, #tpu.memory_space<vmem>>, vector<1x16xf32>,
        %parallel_loop3A_671 = vector.shape_cast %parallel_loop3A_670 : vector<1x16xf32> to vector<16xf32>
        %parallel_loop3A_672 = arith.mulf %parallel_loop3A_671, %parallel_loop3A_643 : vector<16xf32>
        %parallel_loop3A_673 = arith.index_cast %parallel_loop3A_647 : i32 to index
        %parallel_loop3A_674 = arith.constant 32 : index
        %parallel_loop3A_675 = tpu.vector_load %arg10[%parallel_loop3A_673, %parallel_loop3A_674] {strides = array<i32>} : memref<128x128xf32, #tpu.memory_space<vmem>>, vector<1x16xf32>,
        %parallel_loop3A_676 = vector.shape_cast %parallel_loop3A_675 : vector<1x16xf32> to vector<16xf32>
        %parallel_loop3A_677 = vector.shape_cast %parallel_loop3A_672 : vector<16xf32> to vector<1x16xf32>
        tpu.vector_store %arg10[%parallel_loop3A_673, %parallel_loop3A_674], %parallel_loop3A_677 {strides = array<i32>} : memref<128x128xf32, #tpu.memory_space<vmem>>, vector<1x16xf32>,
        %parallel_loop3A_678 = arith.index_cast %parallel_loop3A_647 : i32 to index
        %parallel_loop3A_679 = arith.constant 48 : index
        %parallel_loop3A_680 = tpu.vector_load %arg9[%parallel_loop3A_678, %parallel_loop3A_679] {strides = array<i32>} : memref<128x128xf32, #tpu.memory_space<vmem>>, vector<1x16xf32>,
        %parallel_loop3A_681 = vector.shape_cast %parallel_loop3A_680 : vector<1x16xf32> to vector<16xf32>
        %parallel_loop3A_682 = arith.mulf %parallel_loop3A_681, %parallel_loop3A_643 : vector<16xf32>
        %parallel_loop3A_683 = arith.index_cast %parallel_loop3A_647 : i32 to index
        %parallel_loop3A_684 = arith.constant 48 : index
        %parallel_loop3A_685 = tpu.vector_load %arg10[%parallel_loop3A_683, %parallel_loop3A_684] {strides = array<i32>} : memref<128x128xf32, #tpu.memory_space<vmem>>, vector<1x16xf32>,
        %parallel_loop3A_686 = vector.shape_cast %parallel_loop3A_685 : vector<1x16xf32> to vector<16xf32>
        %parallel_loop3A_687 = vector.shape_cast %parallel_loop3A_682 : vector<16xf32> to vector<1x16xf32>
        tpu.vector_store %arg10[%parallel_loop3A_683, %parallel_loop3A_684], %parallel_loop3A_687 {strides = array<i32>} : memref<128x128xf32, #tpu.memory_space<vmem>>, vector<1x16xf32>,
        %parallel_loop3A_688 = arith.index_cast %parallel_loop3A_647 : i32 to index
        %parallel_loop3A_689 = arith.constant 64 : index
        %parallel_loop3A_690 = tpu.vector_load %arg9[%parallel_loop3A_688, %parallel_loop3A_689] {strides = array<i32>} : memref<128x128xf32, #tpu.memory_space<vmem>>, vector<1x16xf32>,
        %parallel_loop3A_691 = vector.shape_cast %parallel_loop3A_690 : vector<1x16xf32> to vector<16xf32>
        %parallel_loop3A_692 = arith.mulf %parallel_loop3A_691, %parallel_loop3A_643 : vector<16xf32>
        %parallel_loop3A_693 = arith.index_cast %parallel_loop3A_647 : i32 to index
        %parallel_loop3A_694 = arith.constant 64 : index
        %parallel_loop3A_695 = tpu.vector_load %arg10[%parallel_loop3A_693, %parallel_loop3A_694] {strides = array<i32>} : memref<128x128xf32, #tpu.memory_space<vmem>>, vector<1x16xf32>,
        %parallel_loop3A_696 = vector.shape_cast %parallel_loop3A_695 : vector<1x16xf32> to vector<16xf32>
        %parallel_loop3A_697 = vector.shape_cast %parallel_loop3A_692 : vector<16xf32> to vector<1x16xf32>
        tpu.vector_store %arg10[%parallel_loop3A_693, %parallel_loop3A_694], %parallel_loop3A_697 {strides = array<i32>} : memref<128x128xf32, #tpu.memory_space<vmem>>, vector<1x16xf32>,
        %parallel_loop3A_698 = arith.index_cast %parallel_loop3A_647 : i32 to index
        %parallel_loop3A_699 = arith.constant 80 : index
        %parallel_loop3A_700 = tpu.vector_load %arg9[%parallel_loop3A_698, %parallel_loop3A_699] {strides = array<i32>} : memref<128x128xf32, #tpu.memory_space<vmem>>, vector<1x16xf32>,
        %parallel_loop3A_701 = vector.shape_cast %parallel_loop3A_700 : vector<1x16xf32> to vector<16xf32>
        %parallel_loop3A_702 = arith.mulf %parallel_loop3A_701, %parallel_loop3A_643 : vector<16xf32>
        %parallel_loop3A_703 = arith.index_cast %parallel_loop3A_647 : i32 to index
        %parallel_loop3A_704 = arith.constant 80 : index
        %parallel_loop3A_705 = tpu.vector_load %arg10[%parallel_loop3A_703, %parallel_loop3A_704] {strides = array<i32>} : memref<128x128xf32, #tpu.memory_space<vmem>>, vector<1x16xf32>,
        %parallel_loop3A_706 = vector.shape_cast %parallel_loop3A_705 : vector<1x16xf32> to vector<16xf32>
        %parallel_loop3A_707 = vector.shape_cast %parallel_loop3A_702 : vector<16xf32> to vector<1x16xf32>
        tpu.vector_store %arg10[%parallel_loop3A_703, %parallel_loop3A_704], %parallel_loop3A_707 {strides = array<i32>} : memref<128x128xf32, #tpu.memory_space<vmem>>, vector<1x16xf32>,
        %parallel_loop3A_708 = arith.index_cast %parallel_loop3A_647 : i32 to index
        %parallel_loop3A_709 = arith.constant 96 : index
        %parallel_loop3A_710 = tpu.vector_load %arg9[%parallel_loop3A_708, %parallel_loop3A_709] {strides = array<i32>} : memref<128x128xf32, #tpu.memory_space<vmem>>, vector<1x16xf32>,
        %parallel_loop3A_711 = vector.shape_cast %parallel_loop3A_710 : vector<1x16xf32> to vector<16xf32>
        %parallel_loop3A_712 = arith.mulf %parallel_loop3A_711, %parallel_loop3A_643 : vector<16xf32>
        %parallel_loop3A_713 = arith.index_cast %parallel_loop3A_647 : i32 to index
        %parallel_loop3A_714 = arith.constant 96 : index
        %parallel_loop3A_715 = tpu.vector_load %arg10[%parallel_loop3A_713, %parallel_loop3A_714] {strides = array<i32>} : memref<128x128xf32, #tpu.memory_space<vmem>>, vector<1x16xf32>,
        %parallel_loop3A_716 = vector.shape_cast %parallel_loop3A_715 : vector<1x16xf32> to vector<16xf32>
        %parallel_loop3A_717 = vector.shape_cast %parallel_loop3A_712 : vector<16xf32> to vector<1x16xf32>
        tpu.vector_store %arg10[%parallel_loop3A_713, %parallel_loop3A_714], %parallel_loop3A_717 {strides = array<i32>} : memref<128x128xf32, #tpu.memory_space<vmem>>, vector<1x16xf32>,
        %parallel_loop3A_718 = arith.index_cast %parallel_loop3A_647 : i32 to index
        %parallel_loop3A_719 = arith.constant 112 : index
        %parallel_loop3A_720 = tpu.vector_load %arg9[%parallel_loop3A_718, %parallel_loop3A_719] {strides = array<i32>} : memref<128x128xf32, #tpu.memory_space<vmem>>, vector<1x16xf32>,
        %parallel_loop3A_721 = vector.shape_cast %parallel_loop3A_720 : vector<1x16xf32> to vector<16xf32>
        %parallel_loop3A_722 = arith.mulf %parallel_loop3A_721, %parallel_loop3A_643 : vector<16xf32>
        %parallel_loop3A_723 = arith.index_cast %parallel_loop3A_647 : i32 to index
        %parallel_loop3A_724 = arith.constant 112 : index
        %parallel_loop3A_725 = tpu.vector_load %arg10[%parallel_loop3A_723, %parallel_loop3A_724] {strides = array<i32>} : memref<128x128xf32, #tpu.memory_space<vmem>>, vector<1x16xf32>,
        %parallel_loop3A_726 = vector.shape_cast %parallel_loop3A_725 : vector<1x16xf32> to vector<16xf32>
        %parallel_loop3A_727 = vector.shape_cast %parallel_loop3A_722 : vector<16xf32> to vector<1x16xf32>
        tpu.vector_store %arg10[%parallel_loop3A_723, %parallel_loop3A_724], %parallel_loop3A_727 {strides = array<i32>} : memref<128x128xf32, #tpu.memory_space<vmem>>, vector<1x16xf32>,
        %parallel_loop3A_728 = vector.extract_strided_slice %parallel_loop3A_118 {offsets = [7], sizes = [1], strides = [1]} : vector<16xf32> to vector<1xf32>
        %parallel_loop3A_729 = vector.extract %parallel_loop3A_728[0] : f32 from vector<1xf32>
        %parallel_loop3A_730 = vector.broadcast %parallel_loop3A_729 : f32 to vector<16xf32>
        %parallel_loop3A_731 = arith.constant 16 : i32
        %parallel_loop3A_732 = arith.muli %parallel_loop3A_110, %parallel_loop3A_731 : i32
        %parallel_loop3A_733 = arith.constant 7 : i32
        %parallel_loop3A_734 = arith.addi %parallel_loop3A_732, %parallel_loop3A_733 : i32
        %parallel_loop3A_735 = arith.index_cast %parallel_loop3A_734 : i32 to index
        %parallel_loop3A_736 = arith.constant 0 : index
        %parallel_loop3A_737 = tpu.vector_load %arg9[%parallel_loop3A_735, %parallel_loop3A_736] {strides = array<i32>} : memref<128x128xf32, #tpu.memory_space<vmem>>, vector<1x16xf32>,
        %parallel_loop3A_738 = vector.shape_cast %parallel_loop3A_737 : vector<1x16xf32> to vector<16xf32>
        %parallel_loop3A_739 = arith.mulf %parallel_loop3A_738, %parallel_loop3A_730 : vector<16xf32>
        %parallel_loop3A_740 = arith.index_cast %parallel_loop3A_734 : i32 to index
        %parallel_loop3A_741 = arith.constant 0 : index
        %parallel_loop3A_742 = tpu.vector_load %arg10[%parallel_loop3A_740, %parallel_loop3A_741] {strides = array<i32>} : memref<128x128xf32, #tpu.memory_space<vmem>>, vector<1x16xf32>,
        %parallel_loop3A_743 = vector.shape_cast %parallel_loop3A_742 : vector<1x16xf32> to vector<16xf32>
        %parallel_loop3A_744 = vector.shape_cast %parallel_loop3A_739 : vector<16xf32> to vector<1x16xf32>
        tpu.vector_store %arg10[%parallel_loop3A_740, %parallel_loop3A_741], %parallel_loop3A_744 {strides = array<i32>} : memref<128x128xf32, #tpu.memory_space<vmem>>, vector<1x16xf32>,
        %parallel_loop3A_745 = arith.index_cast %parallel_loop3A_734 : i32 to index
        %parallel_loop3A_746 = arith.constant 16 : index
        %parallel_loop3A_747 = tpu.vector_load %arg9[%parallel_loop3A_745, %parallel_loop3A_746] {strides = array<i32>} : memref<128x128xf32, #tpu.memory_space<vmem>>, vector<1x16xf32>,
        %parallel_loop3A_748 = vector.shape_cast %parallel_loop3A_747 : vector<1x16xf32> to vector<16xf32>
        %parallel_loop3A_749 = arith.mulf %parallel_loop3A_748, %parallel_loop3A_730 : vector<16xf32>
        %parallel_loop3A_750 = arith.index_cast %parallel_loop3A_734 : i32 to index
        %parallel_loop3A_751 = arith.constant 16 : index
        %parallel_loop3A_752 = tpu.vector_load %arg10[%parallel_loop3A_750, %parallel_loop3A_751] {strides = array<i32>} : memref<128x128xf32, #tpu.memory_space<vmem>>, vector<1x16xf32>,
        %parallel_loop3A_753 = vector.shape_cast %parallel_loop3A_752 : vector<1x16xf32> to vector<16xf32>
        %parallel_loop3A_754 = vector.shape_cast %parallel_loop3A_749 : vector<16xf32> to vector<1x16xf32>
        tpu.vector_store %arg10[%parallel_loop3A_750, %parallel_loop3A_751], %parallel_loop3A_754 {strides = array<i32>} : memref<128x128xf32, #tpu.memory_space<vmem>>, vector<1x16xf32>,
        %parallel_loop3A_755 = arith.index_cast %parallel_loop3A_734 : i32 to index
        %parallel_loop3A_756 = arith.constant 32 : index
        %parallel_loop3A_757 = tpu.vector_load %arg9[%parallel_loop3A_755, %parallel_loop3A_756] {strides = array<i32>} : memref<128x128xf32, #tpu.memory_space<vmem>>, vector<1x16xf32>,
        %parallel_loop3A_758 = vector.shape_cast %parallel_loop3A_757 : vector<1x16xf32> to vector<16xf32>
        %parallel_loop3A_759 = arith.mulf %parallel_loop3A_758, %parallel_loop3A_730 : vector<16xf32>
        %parallel_loop3A_760 = arith.index_cast %parallel_loop3A_734 : i32 to index
        %parallel_loop3A_761 = arith.constant 32 : index
        %parallel_loop3A_762 = tpu.vector_load %arg10[%parallel_loop3A_760, %parallel_loop3A_761] {strides = array<i32>} : memref<128x128xf32, #tpu.memory_space<vmem>>, vector<1x16xf32>,
        %parallel_loop3A_763 = vector.shape_cast %parallel_loop3A_762 : vector<1x16xf32> to vector<16xf32>
        %parallel_loop3A_764 = vector.shape_cast %parallel_loop3A_759 : vector<16xf32> to vector<1x16xf32>
        tpu.vector_store %arg10[%parallel_loop3A_760, %parallel_loop3A_761], %parallel_loop3A_764 {strides = array<i32>} : memref<128x128xf32, #tpu.memory_space<vmem>>, vector<1x16xf32>,
        %parallel_loop3A_765 = arith.index_cast %parallel_loop3A_734 : i32 to index
        %parallel_loop3A_766 = arith.constant 48 : index
        %parallel_loop3A_767 = tpu.vector_load %arg9[%parallel_loop3A_765, %parallel_loop3A_766] {strides = array<i32>} : memref<128x128xf32, #tpu.memory_space<vmem>>, vector<1x16xf32>,
        %parallel_loop3A_768 = vector.shape_cast %parallel_loop3A_767 : vector<1x16xf32> to vector<16xf32>
        %parallel_loop3A_769 = arith.mulf %parallel_loop3A_768, %parallel_loop3A_730 : vector<16xf32>
        %parallel_loop3A_770 = arith.index_cast %parallel_loop3A_734 : i32 to index
        %parallel_loop3A_771 = arith.constant 48 : index
        %parallel_loop3A_772 = tpu.vector_load %arg10[%parallel_loop3A_770, %parallel_loop3A_771] {strides = array<i32>} : memref<128x128xf32, #tpu.memory_space<vmem>>, vector<1x16xf32>,
        %parallel_loop3A_773 = vector.shape_cast %parallel_loop3A_772 : vector<1x16xf32> to vector<16xf32>
        %parallel_loop3A_774 = vector.shape_cast %parallel_loop3A_769 : vector<16xf32> to vector<1x16xf32>
        tpu.vector_store %arg10[%parallel_loop3A_770, %parallel_loop3A_771], %parallel_loop3A_774 {strides = array<i32>} : memref<128x128xf32, #tpu.memory_space<vmem>>, vector<1x16xf32>,
        %parallel_loop3A_775 = arith.index_cast %parallel_loop3A_734 : i32 to index
        %parallel_loop3A_776 = arith.constant 64 : index
        %parallel_loop3A_777 = tpu.vector_load %arg9[%parallel_loop3A_775, %parallel_loop3A_776] {strides = array<i32>} : memref<128x128xf32, #tpu.memory_space<vmem>>, vector<1x16xf32>,
        %parallel_loop3A_778 = vector.shape_cast %parallel_loop3A_777 : vector<1x16xf32> to vector<16xf32>
        %parallel_loop3A_779 = arith.mulf %parallel_loop3A_778, %parallel_loop3A_730 : vector<16xf32>
        %parallel_loop3A_780 = arith.index_cast %parallel_loop3A_734 : i32 to index
        %parallel_loop3A_781 = arith.constant 64 : index
        %parallel_loop3A_782 = tpu.vector_load %arg10[%parallel_loop3A_780, %parallel_loop3A_781] {strides = array<i32>} : memref<128x128xf32, #tpu.memory_space<vmem>>, vector<1x16xf32>,
        %parallel_loop3A_783 = vector.shape_cast %parallel_loop3A_782 : vector<1x16xf32> to vector<16xf32>
        %parallel_loop3A_784 = vector.shape_cast %parallel_loop3A_779 : vector<16xf32> to vector<1x16xf32>
        tpu.vector_store %arg10[%parallel_loop3A_780, %parallel_loop3A_781], %parallel_loop3A_784 {strides = array<i32>} : memref<128x128xf32, #tpu.memory_space<vmem>>, vector<1x16xf32>,
        %parallel_loop3A_785 = arith.index_cast %parallel_loop3A_734 : i32 to index
        %parallel_loop3A_786 = arith.constant 80 : index
        %parallel_loop3A_787 = tpu.vector_load %arg9[%parallel_loop3A_785, %parallel_loop3A_786] {strides = array<i32>} : memref<128x128xf32, #tpu.memory_space<vmem>>, vector<1x16xf32>,
        %parallel_loop3A_788 = vector.shape_cast %parallel_loop3A_787 : vector<1x16xf32> to vector<16xf32>
        %parallel_loop3A_789 = arith.mulf %parallel_loop3A_788, %parallel_loop3A_730 : vector<16xf32>
        %parallel_loop3A_790 = arith.index_cast %parallel_loop3A_734 : i32 to index
        %parallel_loop3A_791 = arith.constant 80 : index
        %parallel_loop3A_792 = tpu.vector_load %arg10[%parallel_loop3A_790, %parallel_loop3A_791] {strides = array<i32>} : memref<128x128xf32, #tpu.memory_space<vmem>>, vector<1x16xf32>,
        %parallel_loop3A_793 = vector.shape_cast %parallel_loop3A_792 : vector<1x16xf32> to vector<16xf32>
        %parallel_loop3A_794 = vector.shape_cast %parallel_loop3A_789 : vector<16xf32> to vector<1x16xf32>
        tpu.vector_store %arg10[%parallel_loop3A_790, %parallel_loop3A_791], %parallel_loop3A_794 {strides = array<i32>} : memref<128x128xf32, #tpu.memory_space<vmem>>, vector<1x16xf32>,
        %parallel_loop3A_795 = arith.index_cast %parallel_loop3A_734 : i32 to index
        %parallel_loop3A_796 = arith.constant 96 : index
        %parallel_loop3A_797 = tpu.vector_load %arg9[%parallel_loop3A_795, %parallel_loop3A_796] {strides = array<i32>} : memref<128x128xf32, #tpu.memory_space<vmem>>, vector<1x16xf32>,
        %parallel_loop3A_798 = vector.shape_cast %parallel_loop3A_797 : vector<1x16xf32> to vector<16xf32>
        %parallel_loop3A_799 = arith.mulf %parallel_loop3A_798, %parallel_loop3A_730 : vector<16xf32>
        %parallel_loop3A_800 = arith.index_cast %parallel_loop3A_734 : i32 to index
        %parallel_loop3A_801 = arith.constant 96 : index
        %parallel_loop3A_802 = tpu.vector_load %arg10[%parallel_loop3A_800, %parallel_loop3A_801] {strides = array<i32>} : memref<128x128xf32, #tpu.memory_space<vmem>>, vector<1x16xf32>,
        %parallel_loop3A_803 = vector.shape_cast %parallel_loop3A_802 : vector<1x16xf32> to vector<16xf32>
        %parallel_loop3A_804 = vector.shape_cast %parallel_loop3A_799 : vector<16xf32> to vector<1x16xf32>
        tpu.vector_store %arg10[%parallel_loop3A_800, %parallel_loop3A_801], %parallel_loop3A_804 {strides = array<i32>} : memref<128x128xf32, #tpu.memory_space<vmem>>, vector<1x16xf32>,
        %parallel_loop3A_805 = arith.index_cast %parallel_loop3A_734 : i32 to index
        %parallel_loop3A_806 = arith.constant 112 : index
        %parallel_loop3A_807 = tpu.vector_load %arg9[%parallel_loop3A_805, %parallel_loop3A_806] {strides = array<i32>} : memref<128x128xf32, #tpu.memory_space<vmem>>, vector<1x16xf32>,
        %parallel_loop3A_808 = vector.shape_cast %parallel_loop3A_807 : vector<1x16xf32> to vector<16xf32>
        %parallel_loop3A_809 = arith.mulf %parallel_loop3A_808, %parallel_loop3A_730 : vector<16xf32>
        %parallel_loop3A_810 = arith.index_cast %parallel_loop3A_734 : i32 to index
        %parallel_loop3A_811 = arith.constant 112 : index
        %parallel_loop3A_812 = tpu.vector_load %arg10[%parallel_loop3A_810, %parallel_loop3A_811] {strides = array<i32>} : memref<128x128xf32, #tpu.memory_space<vmem>>, vector<1x16xf32>,
        %parallel_loop3A_813 = vector.shape_cast %parallel_loop3A_812 : vector<1x16xf32> to vector<16xf32>
        %parallel_loop3A_814 = vector.shape_cast %parallel_loop3A_809 : vector<16xf32> to vector<1x16xf32>
        tpu.vector_store %arg10[%parallel_loop3A_810, %parallel_loop3A_811], %parallel_loop3A_814 {strides = array<i32>} : memref<128x128xf32, #tpu.memory_space<vmem>>, vector<1x16xf32>,
        %parallel_loop3A_815 = vector.extract_strided_slice %parallel_loop3A_118 {offsets = [8], sizes = [1], strides = [1]} : vector<16xf32> to vector<1xf32>
        %parallel_loop3A_816 = vector.extract %parallel_loop3A_815[0] : f32 from vector<1xf32>
        %parallel_loop3A_817 = vector.broadcast %parallel_loop3A_816 : f32 to vector<16xf32>
        %parallel_loop3A_818 = arith.constant 16 : i32
        %parallel_loop3A_819 = arith.muli %parallel_loop3A_110, %parallel_loop3A_818 : i32
        %parallel_loop3A_820 = arith.constant 8 : i32
        %parallel_loop3A_821 = arith.addi %parallel_loop3A_819, %parallel_loop3A_820 : i32
        %parallel_loop3A_822 = arith.index_cast %parallel_loop3A_821 : i32 to index
        %parallel_loop3A_823 = arith.constant 0 : index
        %parallel_loop3A_824 = tpu.vector_load %arg9[%parallel_loop3A_822, %parallel_loop3A_823] {strides = array<i32>} : memref<128x128xf32, #tpu.memory_space<vmem>>, vector<1x16xf32>,
        %parallel_loop3A_825 = vector.shape_cast %parallel_loop3A_824 : vector<1x16xf32> to vector<16xf32>
        %parallel_loop3A_826 = arith.mulf %parallel_loop3A_825, %parallel_loop3A_817 : vector<16xf32>
        %parallel_loop3A_827 = arith.index_cast %parallel_loop3A_821 : i32 to index
        %parallel_loop3A_828 = arith.constant 0 : index
        %parallel_loop3A_829 = tpu.vector_load %arg10[%parallel_loop3A_827, %parallel_loop3A_828] {strides = array<i32>} : memref<128x128xf32, #tpu.memory_space<vmem>>, vector<1x16xf32>,
        %parallel_loop3A_830 = vector.shape_cast %parallel_loop3A_829 : vector<1x16xf32> to vector<16xf32>
        %parallel_loop3A_831 = vector.shape_cast %parallel_loop3A_826 : vector<16xf32> to vector<1x16xf32>
        tpu.vector_store %arg10[%parallel_loop3A_827, %parallel_loop3A_828], %parallel_loop3A_831 {strides = array<i32>} : memref<128x128xf32, #tpu.memory_space<vmem>>, vector<1x16xf32>,
        %parallel_loop3A_832 = arith.index_cast %parallel_loop3A_821 : i32 to index
        %parallel_loop3A_833 = arith.constant 16 : index
        %parallel_loop3A_834 = tpu.vector_load %arg9[%parallel_loop3A_832, %parallel_loop3A_833] {strides = array<i32>} : memref<128x128xf32, #tpu.memory_space<vmem>>, vector<1x16xf32>,
        %parallel_loop3A_835 = vector.shape_cast %parallel_loop3A_834 : vector<1x16xf32> to vector<16xf32>
        %parallel_loop3A_836 = arith.mulf %parallel_loop3A_835, %parallel_loop3A_817 : vector<16xf32>
        %parallel_loop3A_837 = arith.index_cast %parallel_loop3A_821 : i32 to index
        %parallel_loop3A_838 = arith.constant 16 : index
        %parallel_loop3A_839 = tpu.vector_load %arg10[%parallel_loop3A_837, %parallel_loop3A_838] {strides = array<i32>} : memref<128x128xf32, #tpu.memory_space<vmem>>, vector<1x16xf32>,
        %parallel_loop3A_840 = vector.shape_cast %parallel_loop3A_839 : vector<1x16xf32> to vector<16xf32>
        %parallel_loop3A_841 = vector.shape_cast %parallel_loop3A_836 : vector<16xf32> to vector<1x16xf32>
        tpu.vector_store %arg10[%parallel_loop3A_837, %parallel_loop3A_838], %parallel_loop3A_841 {strides = array<i32>} : memref<128x128xf32, #tpu.memory_space<vmem>>, vector<1x16xf32>,
        %parallel_loop3A_842 = arith.index_cast %parallel_loop3A_821 : i32 to index
        %parallel_loop3A_843 = arith.constant 32 : index
        %parallel_loop3A_844 = tpu.vector_load %arg9[%parallel_loop3A_842, %parallel_loop3A_843] {strides = array<i32>} : memref<128x128xf32, #tpu.memory_space<vmem>>, vector<1x16xf32>,
        %parallel_loop3A_845 = vector.shape_cast %parallel_loop3A_844 : vector<1x16xf32> to vector<16xf32>
        %parallel_loop3A_846 = arith.mulf %parallel_loop3A_845, %parallel_loop3A_817 : vector<16xf32>
        %parallel_loop3A_847 = arith.index_cast %parallel_loop3A_821 : i32 to index
        %parallel_loop3A_848 = arith.constant 32 : index
        %parallel_loop3A_849 = tpu.vector_load %arg10[%parallel_loop3A_847, %parallel_loop3A_848] {strides = array<i32>} : memref<128x128xf32, #tpu.memory_space<vmem>>, vector<1x16xf32>,
        %parallel_loop3A_850 = vector.shape_cast %parallel_loop3A_849 : vector<1x16xf32> to vector<16xf32>
        %parallel_loop3A_851 = vector.shape_cast %parallel_loop3A_846 : vector<16xf32> to vector<1x16xf32>
        tpu.vector_store %arg10[%parallel_loop3A_847, %parallel_loop3A_848], %parallel_loop3A_851 {strides = array<i32>} : memref<128x128xf32, #tpu.memory_space<vmem>>, vector<1x16xf32>,
        %parallel_loop3A_852 = arith.index_cast %parallel_loop3A_821 : i32 to index
        %parallel_loop3A_853 = arith.constant 48 : index
        %parallel_loop3A_854 = tpu.vector_load %arg9[%parallel_loop3A_852, %parallel_loop3A_853] {strides = array<i32>} : memref<128x128xf32, #tpu.memory_space<vmem>>, vector<1x16xf32>,
        %parallel_loop3A_855 = vector.shape_cast %parallel_loop3A_854 : vector<1x16xf32> to vector<16xf32>
        %parallel_loop3A_856 = arith.mulf %parallel_loop3A_855, %parallel_loop3A_817 : vector<16xf32>
        %parallel_loop3A_857 = arith.index_cast %parallel_loop3A_821 : i32 to index
        %parallel_loop3A_858 = arith.constant 48 : index
        %parallel_loop3A_859 = tpu.vector_load %arg10[%parallel_loop3A_857, %parallel_loop3A_858] {strides = array<i32>} : memref<128x128xf32, #tpu.memory_space<vmem>>, vector<1x16xf32>,
        %parallel_loop3A_860 = vector.shape_cast %parallel_loop3A_859 : vector<1x16xf32> to vector<16xf32>
        %parallel_loop3A_861 = vector.shape_cast %parallel_loop3A_856 : vector<16xf32> to vector<1x16xf32>
        tpu.vector_store %arg10[%parallel_loop3A_857, %parallel_loop3A_858], %parallel_loop3A_861 {strides = array<i32>} : memref<128x128xf32, #tpu.memory_space<vmem>>, vector<1x16xf32>,
        %parallel_loop3A_862 = arith.index_cast %parallel_loop3A_821 : i32 to index
        %parallel_loop3A_863 = arith.constant 64 : index
        %parallel_loop3A_864 = tpu.vector_load %arg9[%parallel_loop3A_862, %parallel_loop3A_863] {strides = array<i32>} : memref<128x128xf32, #tpu.memory_space<vmem>>, vector<1x16xf32>,
        %parallel_loop3A_865 = vector.shape_cast %parallel_loop3A_864 : vector<1x16xf32> to vector<16xf32>
        %parallel_loop3A_866 = arith.mulf %parallel_loop3A_865, %parallel_loop3A_817 : vector<16xf32>
        %parallel_loop3A_867 = arith.index_cast %parallel_loop3A_821 : i32 to index
        %parallel_loop3A_868 = arith.constant 64 : index
        %parallel_loop3A_869 = tpu.vector_load %arg10[%parallel_loop3A_867, %parallel_loop3A_868] {strides = array<i32>} : memref<128x128xf32, #tpu.memory_space<vmem>>, vector<1x16xf32>,
        %parallel_loop3A_870 = vector.shape_cast %parallel_loop3A_869 : vector<1x16xf32> to vector<16xf32>
        %parallel_loop3A_871 = vector.shape_cast %parallel_loop3A_866 : vector<16xf32> to vector<1x16xf32>
        tpu.vector_store %arg10[%parallel_loop3A_867, %parallel_loop3A_868], %parallel_loop3A_871 {strides = array<i32>} : memref<128x128xf32, #tpu.memory_space<vmem>>, vector<1x16xf32>,
        %parallel_loop3A_872 = arith.index_cast %parallel_loop3A_821 : i32 to index
        %parallel_loop3A_873 = arith.constant 80 : index
        %parallel_loop3A_874 = tpu.vector_load %arg9[%parallel_loop3A_872, %parallel_loop3A_873] {strides = array<i32>} : memref<128x128xf32, #tpu.memory_space<vmem>>, vector<1x16xf32>,
        %parallel_loop3A_875 = vector.shape_cast %parallel_loop3A_874 : vector<1x16xf32> to vector<16xf32>
        %parallel_loop3A_876 = arith.mulf %parallel_loop3A_875, %parallel_loop3A_817 : vector<16xf32>
        %parallel_loop3A_877 = arith.index_cast %parallel_loop3A_821 : i32 to index
        %parallel_loop3A_878 = arith.constant 80 : index
        %parallel_loop3A_879 = tpu.vector_load %arg10[%parallel_loop3A_877, %parallel_loop3A_878] {strides = array<i32>} : memref<128x128xf32, #tpu.memory_space<vmem>>, vector<1x16xf32>,
        %parallel_loop3A_880 = vector.shape_cast %parallel_loop3A_879 : vector<1x16xf32> to vector<16xf32>
        %parallel_loop3A_881 = vector.shape_cast %parallel_loop3A_876 : vector<16xf32> to vector<1x16xf32>
        tpu.vector_store %arg10[%parallel_loop3A_877, %parallel_loop3A_878], %parallel_loop3A_881 {strides = array<i32>} : memref<128x128xf32, #tpu.memory_space<vmem>>, vector<1x16xf32>,
        %parallel_loop3A_882 = arith.index_cast %parallel_loop3A_821 : i32 to index
        %parallel_loop3A_883 = arith.constant 96 : index
        %parallel_loop3A_884 = tpu.vector_load %arg9[%parallel_loop3A_882, %parallel_loop3A_883] {strides = array<i32>} : memref<128x128xf32, #tpu.memory_space<vmem>>, vector<1x16xf32>,
        %parallel_loop3A_885 = vector.shape_cast %parallel_loop3A_884 : vector<1x16xf32> to vector<16xf32>
        %parallel_loop3A_886 = arith.mulf %parallel_loop3A_885, %parallel_loop3A_817 : vector<16xf32>
        %parallel_loop3A_887 = arith.index_cast %parallel_loop3A_821 : i32 to index
        %parallel_loop3A_888 = arith.constant 96 : index
        %parallel_loop3A_889 = tpu.vector_load %arg10[%parallel_loop3A_887, %parallel_loop3A_888] {strides = array<i32>} : memref<128x128xf32, #tpu.memory_space<vmem>>, vector<1x16xf32>,
        %parallel_loop3A_890 = vector.shape_cast %parallel_loop3A_889 : vector<1x16xf32> to vector<16xf32>
        %parallel_loop3A_891 = vector.shape_cast %parallel_loop3A_886 : vector<16xf32> to vector<1x16xf32>
        tpu.vector_store %arg10[%parallel_loop3A_887, %parallel_loop3A_888], %parallel_loop3A_891 {strides = array<i32>} : memref<128x128xf32, #tpu.memory_space<vmem>>, vector<1x16xf32>,
        %parallel_loop3A_892 = arith.index_cast %parallel_loop3A_821 : i32 to index
        %parallel_loop3A_893 = arith.constant 112 : index
        %parallel_loop3A_894 = tpu.vector_load %arg9[%parallel_loop3A_892, %parallel_loop3A_893] {strides = array<i32>} : memref<128x128xf32, #tpu.memory_space<vmem>>, vector<1x16xf32>,
        %parallel_loop3A_895 = vector.shape_cast %parallel_loop3A_894 : vector<1x16xf32> to vector<16xf32>
        %parallel_loop3A_896 = arith.mulf %parallel_loop3A_895, %parallel_loop3A_817 : vector<16xf32>
        %parallel_loop3A_897 = arith.index_cast %parallel_loop3A_821 : i32 to index
        %parallel_loop3A_898 = arith.constant 112 : index
        %parallel_loop3A_899 = tpu.vector_load %arg10[%parallel_loop3A_897, %parallel_loop3A_898] {strides = array<i32>} : memref<128x128xf32, #tpu.memory_space<vmem>>, vector<1x16xf32>,
        %parallel_loop3A_900 = vector.shape_cast %parallel_loop3A_899 : vector<1x16xf32> to vector<16xf32>
        %parallel_loop3A_901 = vector.shape_cast %parallel_loop3A_896 : vector<16xf32> to vector<1x16xf32>
        tpu.vector_store %arg10[%parallel_loop3A_897, %parallel_loop3A_898], %parallel_loop3A_901 {strides = array<i32>} : memref<128x128xf32, #tpu.memory_space<vmem>>, vector<1x16xf32>,
        %parallel_loop3A_902 = vector.extract_strided_slice %parallel_loop3A_118 {offsets = [9], sizes = [1], strides = [1]} : vector<16xf32> to vector<1xf32>
        %parallel_loop3A_903 = vector.extract %parallel_loop3A_902[0] : f32 from vector<1xf32>
        %parallel_loop3A_904 = vector.broadcast %parallel_loop3A_903 : f32 to vector<16xf32>
        %parallel_loop3A_905 = arith.constant 16 : i32
        %parallel_loop3A_906 = arith.muli %parallel_loop3A_110, %parallel_loop3A_905 : i32
        %parallel_loop3A_907 = arith.constant 9 : i32
        %parallel_loop3A_908 = arith.addi %parallel_loop3A_906, %parallel_loop3A_907 : i32
        %parallel_loop3A_909 = arith.index_cast %parallel_loop3A_908 : i32 to index
        %parallel_loop3A_910 = arith.constant 0 : index
        %parallel_loop3A_911 = tpu.vector_load %arg9[%parallel_loop3A_909, %parallel_loop3A_910] {strides = array<i32>} : memref<128x128xf32, #tpu.memory_space<vmem>>, vector<1x16xf32>,
        %parallel_loop3A_912 = vector.shape_cast %parallel_loop3A_911 : vector<1x16xf32> to vector<16xf32>
        %parallel_loop3A_913 = arith.mulf %parallel_loop3A_912, %parallel_loop3A_904 : vector<16xf32>
        %parallel_loop3A_914 = arith.index_cast %parallel_loop3A_908 : i32 to index
        %parallel_loop3A_915 = arith.constant 0 : index
        %parallel_loop3A_916 = tpu.vector_load %arg10[%parallel_loop3A_914, %parallel_loop3A_915] {strides = array<i32>} : memref<128x128xf32, #tpu.memory_space<vmem>>, vector<1x16xf32>,
        %parallel_loop3A_917 = vector.shape_cast %parallel_loop3A_916 : vector<1x16xf32> to vector<16xf32>
        %parallel_loop3A_918 = vector.shape_cast %parallel_loop3A_913 : vector<16xf32> to vector<1x16xf32>
        tpu.vector_store %arg10[%parallel_loop3A_914, %parallel_loop3A_915], %parallel_loop3A_918 {strides = array<i32>} : memref<128x128xf32, #tpu.memory_space<vmem>>, vector<1x16xf32>,
        %parallel_loop3A_919 = arith.index_cast %parallel_loop3A_908 : i32 to index
        %parallel_loop3A_920 = arith.constant 16 : index
        %parallel_loop3A_921 = tpu.vector_load %arg9[%parallel_loop3A_919, %parallel_loop3A_920] {strides = array<i32>} : memref<128x128xf32, #tpu.memory_space<vmem>>, vector<1x16xf32>,
        %parallel_loop3A_922 = vector.shape_cast %parallel_loop3A_921 : vector<1x16xf32> to vector<16xf32>
        %parallel_loop3A_923 = arith.mulf %parallel_loop3A_922, %parallel_loop3A_904 : vector<16xf32>
        %parallel_loop3A_924 = arith.index_cast %parallel_loop3A_908 : i32 to index
        %parallel_loop3A_925 = arith.constant 16 : index
        %parallel_loop3A_926 = tpu.vector_load %arg10[%parallel_loop3A_924, %parallel_loop3A_925] {strides = array<i32>} : memref<128x128xf32, #tpu.memory_space<vmem>>, vector<1x16xf32>,
        %parallel_loop3A_927 = vector.shape_cast %parallel_loop3A_926 : vector<1x16xf32> to vector<16xf32>
        %parallel_loop3A_928 = vector.shape_cast %parallel_loop3A_923 : vector<16xf32> to vector<1x16xf32>
        tpu.vector_store %arg10[%parallel_loop3A_924, %parallel_loop3A_925], %parallel_loop3A_928 {strides = array<i32>} : memref<128x128xf32, #tpu.memory_space<vmem>>, vector<1x16xf32>,
        %parallel_loop3A_929 = arith.index_cast %parallel_loop3A_908 : i32 to index
        %parallel_loop3A_930 = arith.constant 32 : index
        %parallel_loop3A_931 = tpu.vector_load %arg9[%parallel_loop3A_929, %parallel_loop3A_930] {strides = array<i32>} : memref<128x128xf32, #tpu.memory_space<vmem>>, vector<1x16xf32>,
        %parallel_loop3A_932 = vector.shape_cast %parallel_loop3A_931 : vector<1x16xf32> to vector<16xf32>
        %parallel_loop3A_933 = arith.mulf %parallel_loop3A_932, %parallel_loop3A_904 : vector<16xf32>
        %parallel_loop3A_934 = arith.index_cast %parallel_loop3A_908 : i32 to index
        %parallel_loop3A_935 = arith.constant 32 : index
        %parallel_loop3A_936 = tpu.vector_load %arg10[%parallel_loop3A_934, %parallel_loop3A_935] {strides = array<i32>} : memref<128x128xf32, #tpu.memory_space<vmem>>, vector<1x16xf32>,
        %parallel_loop3A_937 = vector.shape_cast %parallel_loop3A_936 : vector<1x16xf32> to vector<16xf32>
        %parallel_loop3A_938 = vector.shape_cast %parallel_loop3A_933 : vector<16xf32> to vector<1x16xf32>
        tpu.vector_store %arg10[%parallel_loop3A_934, %parallel_loop3A_935], %parallel_loop3A_938 {strides = array<i32>} : memref<128x128xf32, #tpu.memory_space<vmem>>, vector<1x16xf32>,
        %parallel_loop3A_939 = arith.index_cast %parallel_loop3A_908 : i32 to index
        %parallel_loop3A_940 = arith.constant 48 : index
        %parallel_loop3A_941 = tpu.vector_load %arg9[%parallel_loop3A_939, %parallel_loop3A_940] {strides = array<i32>} : memref<128x128xf32, #tpu.memory_space<vmem>>, vector<1x16xf32>,
        %parallel_loop3A_942 = vector.shape_cast %parallel_loop3A_941 : vector<1x16xf32> to vector<16xf32>
        %parallel_loop3A_943 = arith.mulf %parallel_loop3A_942, %parallel_loop3A_904 : vector<16xf32>
        %parallel_loop3A_944 = arith.index_cast %parallel_loop3A_908 : i32 to index
        %parallel_loop3A_945 = arith.constant 48 : index
        %parallel_loop3A_946 = tpu.vector_load %arg10[%parallel_loop3A_944, %parallel_loop3A_945] {strides = array<i32>} : memref<128x128xf32, #tpu.memory_space<vmem>>, vector<1x16xf32>,
        %parallel_loop3A_947 = vector.shape_cast %parallel_loop3A_946 : vector<1x16xf32> to vector<16xf32>
        %parallel_loop3A_948 = vector.shape_cast %parallel_loop3A_943 : vector<16xf32> to vector<1x16xf32>
        tpu.vector_store %arg10[%parallel_loop3A_944, %parallel_loop3A_945], %parallel_loop3A_948 {strides = array<i32>} : memref<128x128xf32, #tpu.memory_space<vmem>>, vector<1x16xf32>,
        %parallel_loop3A_949 = arith.index_cast %parallel_loop3A_908 : i32 to index
        %parallel_loop3A_950 = arith.constant 64 : index
        %parallel_loop3A_951 = tpu.vector_load %arg9[%parallel_loop3A_949, %parallel_loop3A_950] {strides = array<i32>} : memref<128x128xf32, #tpu.memory_space<vmem>>, vector<1x16xf32>,
        %parallel_loop3A_952 = vector.shape_cast %parallel_loop3A_951 : vector<1x16xf32> to vector<16xf32>
        %parallel_loop3A_953 = arith.mulf %parallel_loop3A_952, %parallel_loop3A_904 : vector<16xf32>
        %parallel_loop3A_954 = arith.index_cast %parallel_loop3A_908 : i32 to index
        %parallel_loop3A_955 = arith.constant 64 : index
        %parallel_loop3A_956 = tpu.vector_load %arg10[%parallel_loop3A_954, %parallel_loop3A_955] {strides = array<i32>} : memref<128x128xf32, #tpu.memory_space<vmem>>, vector<1x16xf32>,
        %parallel_loop3A_957 = vector.shape_cast %parallel_loop3A_956 : vector<1x16xf32> to vector<16xf32>
        %parallel_loop3A_958 = vector.shape_cast %parallel_loop3A_953 : vector<16xf32> to vector<1x16xf32>
        tpu.vector_store %arg10[%parallel_loop3A_954, %parallel_loop3A_955], %parallel_loop3A_958 {strides = array<i32>} : memref<128x128xf32, #tpu.memory_space<vmem>>, vector<1x16xf32>,
        %parallel_loop3A_959 = arith.index_cast %parallel_loop3A_908 : i32 to index
        %parallel_loop3A_960 = arith.constant 80 : index
        %parallel_loop3A_961 = tpu.vector_load %arg9[%parallel_loop3A_959, %parallel_loop3A_960] {strides = array<i32>} : memref<128x128xf32, #tpu.memory_space<vmem>>, vector<1x16xf32>,
        %parallel_loop3A_962 = vector.shape_cast %parallel_loop3A_961 : vector<1x16xf32> to vector<16xf32>
        %parallel_loop3A_963 = arith.mulf %parallel_loop3A_962, %parallel_loop3A_904 : vector<16xf32>
        %parallel_loop3A_964 = arith.index_cast %parallel_loop3A_908 : i32 to index
        %parallel_loop3A_965 = arith.constant 80 : index
        %parallel_loop3A_966 = tpu.vector_load %arg10[%parallel_loop3A_964, %parallel_loop3A_965] {strides = array<i32>} : memref<128x128xf32, #tpu.memory_space<vmem>>, vector<1x16xf32>,
        %parallel_loop3A_967 = vector.shape_cast %parallel_loop3A_966 : vector<1x16xf32> to vector<16xf32>
        %parallel_loop3A_968 = vector.shape_cast %parallel_loop3A_963 : vector<16xf32> to vector<1x16xf32>
        tpu.vector_store %arg10[%parallel_loop3A_964, %parallel_loop3A_965], %parallel_loop3A_968 {strides = array<i32>} : memref<128x128xf32, #tpu.memory_space<vmem>>, vector<1x16xf32>,
        %parallel_loop3A_969 = arith.index_cast %parallel_loop3A_908 : i32 to index
        %parallel_loop3A_970 = arith.constant 96 : index
        %parallel_loop3A_971 = tpu.vector_load %arg9[%parallel_loop3A_969, %parallel_loop3A_970] {strides = array<i32>} : memref<128x128xf32, #tpu.memory_space<vmem>>, vector<1x16xf32>,
        %parallel_loop3A_972 = vector.shape_cast %parallel_loop3A_971 : vector<1x16xf32> to vector<16xf32>
        %parallel_loop3A_973 = arith.mulf %parallel_loop3A_972, %parallel_loop3A_904 : vector<16xf32>
        %parallel_loop3A_974 = arith.index_cast %parallel_loop3A_908 : i32 to index
        %parallel_loop3A_975 = arith.constant 96 : index
        %parallel_loop3A_976 = tpu.vector_load %arg10[%parallel_loop3A_974, %parallel_loop3A_975] {strides = array<i32>} : memref<128x128xf32, #tpu.memory_space<vmem>>, vector<1x16xf32>,
        %parallel_loop3A_977 = vector.shape_cast %parallel_loop3A_976 : vector<1x16xf32> to vector<16xf32>
        %parallel_loop3A_978 = vector.shape_cast %parallel_loop3A_973 : vector<16xf32> to vector<1x16xf32>
        tpu.vector_store %arg10[%parallel_loop3A_974, %parallel_loop3A_975], %parallel_loop3A_978 {strides = array<i32>} : memref<128x128xf32, #tpu.memory_space<vmem>>, vector<1x16xf32>,
        %parallel_loop3A_979 = arith.index_cast %parallel_loop3A_908 : i32 to index
        %parallel_loop3A_980 = arith.constant 112 : index
        %parallel_loop3A_981 = tpu.vector_load %arg9[%parallel_loop3A_979, %parallel_loop3A_980] {strides = array<i32>} : memref<128x128xf32, #tpu.memory_space<vmem>>, vector<1x16xf32>,
        %parallel_loop3A_982 = vector.shape_cast %parallel_loop3A_981 : vector<1x16xf32> to vector<16xf32>
        %parallel_loop3A_983 = arith.mulf %parallel_loop3A_982, %parallel_loop3A_904 : vector<16xf32>
        %parallel_loop3A_984 = arith.index_cast %parallel_loop3A_908 : i32 to index
        %parallel_loop3A_985 = arith.constant 112 : index
        %parallel_loop3A_986 = tpu.vector_load %arg10[%parallel_loop3A_984, %parallel_loop3A_985] {strides = array<i32>} : memref<128x128xf32, #tpu.memory_space<vmem>>, vector<1x16xf32>,
        %parallel_loop3A_987 = vector.shape_cast %parallel_loop3A_986 : vector<1x16xf32> to vector<16xf32>
        %parallel_loop3A_988 = vector.shape_cast %parallel_loop3A_983 : vector<16xf32> to vector<1x16xf32>
        tpu.vector_store %arg10[%parallel_loop3A_984, %parallel_loop3A_985], %parallel_loop3A_988 {strides = array<i32>} : memref<128x128xf32, #tpu.memory_space<vmem>>, vector<1x16xf32>,
        %parallel_loop3A_989 = vector.extract_strided_slice %parallel_loop3A_118 {offsets = [10], sizes = [1], strides = [1]} : vector<16xf32> to vector<1xf32>
        %parallel_loop3A_990 = vector.extract %parallel_loop3A_989[0] : f32 from vector<1xf32>
        %parallel_loop3A_991 = vector.broadcast %parallel_loop3A_990 : f32 to vector<16xf32>
        %parallel_loop3A_992 = arith.constant 16 : i32
        %parallel_loop3A_993 = arith.muli %parallel_loop3A_110, %parallel_loop3A_992 : i32
        %parallel_loop3A_994 = arith.constant 10 : i32
        %parallel_loop3A_995 = arith.addi %parallel_loop3A_993, %parallel_loop3A_994 : i32
        %parallel_loop3A_996 = arith.index_cast %parallel_loop3A_995 : i32 to index
        %parallel_loop3A_997 = arith.constant 0 : index
        %parallel_loop3A_998 = tpu.vector_load %arg9[%parallel_loop3A_996, %parallel_loop3A_997] {strides = array<i32>} : memref<128x128xf32, #tpu.memory_space<vmem>>, vector<1x16xf32>,
        %parallel_loop3A_999 = vector.shape_cast %parallel_loop3A_998 : vector<1x16xf32> to vector<16xf32>
        %parallel_loop3A_1000 = arith.mulf %parallel_loop3A_999, %parallel_loop3A_991 : vector<16xf32>
        %parallel_loop3A_1001 = arith.index_cast %parallel_loop3A_995 : i32 to index
        %parallel_loop3A_1002 = arith.constant 0 : index
        %parallel_loop3A_1003 = tpu.vector_load %arg10[%parallel_loop3A_1001, %parallel_loop3A_1002] {strides = array<i32>} : memref<128x128xf32, #tpu.memory_space<vmem>>, vector<1x16xf32>,
        %parallel_loop3A_1004 = vector.shape_cast %parallel_loop3A_1003 : vector<1x16xf32> to vector<16xf32>
        %parallel_loop3A_1005 = vector.shape_cast %parallel_loop3A_1000 : vector<16xf32> to vector<1x16xf32>
        tpu.vector_store %arg10[%parallel_loop3A_1001, %parallel_loop3A_1002], %parallel_loop3A_1005 {strides = array<i32>} : memref<128x128xf32, #tpu.memory_space<vmem>>, vector<1x16xf32>,
        %parallel_loop3A_1006 = arith.index_cast %parallel_loop3A_995 : i32 to index
        %parallel_loop3A_1007 = arith.constant 16 : index
        %parallel_loop3A_1008 = tpu.vector_load %arg9[%parallel_loop3A_1006, %parallel_loop3A_1007] {strides = array<i32>} : memref<128x128xf32, #tpu.memory_space<vmem>>, vector<1x16xf32>,
        %parallel_loop3A_1009 = vector.shape_cast %parallel_loop3A_1008 : vector<1x16xf32> to vector<16xf32>
        %parallel_loop3A_1010 = arith.mulf %parallel_loop3A_1009, %parallel_loop3A_991 : vector<16xf32>
        %parallel_loop3A_1011 = arith.index_cast %parallel_loop3A_995 : i32 to index
        %parallel_loop3A_1012 = arith.constant 16 : index
        %parallel_loop3A_1013 = tpu.vector_load %arg10[%parallel_loop3A_1011, %parallel_loop3A_1012] {strides = array<i32>} : memref<128x128xf32, #tpu.memory_space<vmem>>, vector<1x16xf32>,
        %parallel_loop3A_1014 = vector.shape_cast %parallel_loop3A_1013 : vector<1x16xf32> to vector<16xf32>
        %parallel_loop3A_1015 = vector.shape_cast %parallel_loop3A_1010 : vector<16xf32> to vector<1x16xf32>
        tpu.vector_store %arg10[%parallel_loop3A_1011, %parallel_loop3A_1012], %parallel_loop3A_1015 {strides = array<i32>} : memref<128x128xf32, #tpu.memory_space<vmem>>, vector<1x16xf32>,
        %parallel_loop3A_1016 = arith.index_cast %parallel_loop3A_995 : i32 to index
        %parallel_loop3A_1017 = arith.constant 32 : index
        %parallel_loop3A_1018 = tpu.vector_load %arg9[%parallel_loop3A_1016, %parallel_loop3A_1017] {strides = array<i32>} : memref<128x128xf32, #tpu.memory_space<vmem>>, vector<1x16xf32>,
        %parallel_loop3A_1019 = vector.shape_cast %parallel_loop3A_1018 : vector<1x16xf32> to vector<16xf32>
        %parallel_loop3A_1020 = arith.mulf %parallel_loop3A_1019, %parallel_loop3A_991 : vector<16xf32>
        %parallel_loop3A_1021 = arith.index_cast %parallel_loop3A_995 : i32 to index
        %parallel_loop3A_1022 = arith.constant 32 : index
        %parallel_loop3A_1023 = tpu.vector_load %arg10[%parallel_loop3A_1021, %parallel_loop3A_1022] {strides = array<i32>} : memref<128x128xf32, #tpu.memory_space<vmem>>, vector<1x16xf32>,
        %parallel_loop3A_1024 = vector.shape_cast %parallel_loop3A_1023 : vector<1x16xf32> to vector<16xf32>
        %parallel_loop3A_1025 = vector.shape_cast %parallel_loop3A_1020 : vector<16xf32> to vector<1x16xf32>
        tpu.vector_store %arg10[%parallel_loop3A_1021, %parallel_loop3A_1022], %parallel_loop3A_1025 {strides = array<i32>} : memref<128x128xf32, #tpu.memory_space<vmem>>, vector<1x16xf32>,
        %parallel_loop3A_1026 = arith.index_cast %parallel_loop3A_995 : i32 to index
        %parallel_loop3A_1027 = arith.constant 48 : index
        %parallel_loop3A_1028 = tpu.vector_load %arg9[%parallel_loop3A_1026, %parallel_loop3A_1027] {strides = array<i32>} : memref<128x128xf32, #tpu.memory_space<vmem>>, vector<1x16xf32>,
        %parallel_loop3A_1029 = vector.shape_cast %parallel_loop3A_1028 : vector<1x16xf32> to vector<16xf32>
        %parallel_loop3A_1030 = arith.mulf %parallel_loop3A_1029, %parallel_loop3A_991 : vector<16xf32>
        %parallel_loop3A_1031 = arith.index_cast %parallel_loop3A_995 : i32 to index
        %parallel_loop3A_1032 = arith.constant 48 : index
        %parallel_loop3A_1033 = tpu.vector_load %arg10[%parallel_loop3A_1031, %parallel_loop3A_1032] {strides = array<i32>} : memref<128x128xf32, #tpu.memory_space<vmem>>, vector<1x16xf32>,
        %parallel_loop3A_1034 = vector.shape_cast %parallel_loop3A_1033 : vector<1x16xf32> to vector<16xf32>
        %parallel_loop3A_1035 = vector.shape_cast %parallel_loop3A_1030 : vector<16xf32> to vector<1x16xf32>
        tpu.vector_store %arg10[%parallel_loop3A_1031, %parallel_loop3A_1032], %parallel_loop3A_1035 {strides = array<i32>} : memref<128x128xf32, #tpu.memory_space<vmem>>, vector<1x16xf32>,
        %parallel_loop3A_1036 = arith.index_cast %parallel_loop3A_995 : i32 to index
        %parallel_loop3A_1037 = arith.constant 64 : index
        %parallel_loop3A_1038 = tpu.vector_load %arg9[%parallel_loop3A_1036, %parallel_loop3A_1037] {strides = array<i32>} : memref<128x128xf32, #tpu.memory_space<vmem>>, vector<1x16xf32>,
        %parallel_loop3A_1039 = vector.shape_cast %parallel_loop3A_1038 : vector<1x16xf32> to vector<16xf32>
        %parallel_loop3A_1040 = arith.mulf %parallel_loop3A_1039, %parallel_loop3A_991 : vector<16xf32>
        %parallel_loop3A_1041 = arith.index_cast %parallel_loop3A_995 : i32 to index
        %parallel_loop3A_1042 = arith.constant 64 : index
        %parallel_loop3A_1043 = tpu.vector_load %arg10[%parallel_loop3A_1041, %parallel_loop3A_1042] {strides = array<i32>} : memref<128x128xf32, #tpu.memory_space<vmem>>, vector<1x16xf32>,
        %parallel_loop3A_1044 = vector.shape_cast %parallel_loop3A_1043 : vector<1x16xf32> to vector<16xf32>
        %parallel_loop3A_1045 = vector.shape_cast %parallel_loop3A_1040 : vector<16xf32> to vector<1x16xf32>
        tpu.vector_store %arg10[%parallel_loop3A_1041, %parallel_loop3A_1042], %parallel_loop3A_1045 {strides = array<i32>} : memref<128x128xf32, #tpu.memory_space<vmem>>, vector<1x16xf32>,
        %parallel_loop3A_1046 = arith.index_cast %parallel_loop3A_995 : i32 to index
        %parallel_loop3A_1047 = arith.constant 80 : index
        %parallel_loop3A_1048 = tpu.vector_load %arg9[%parallel_loop3A_1046, %parallel_loop3A_1047] {strides = array<i32>} : memref<128x128xf32, #tpu.memory_space<vmem>>, vector<1x16xf32>,
        %parallel_loop3A_1049 = vector.shape_cast %parallel_loop3A_1048 : vector<1x16xf32> to vector<16xf32>
        %parallel_loop3A_1050 = arith.mulf %parallel_loop3A_1049, %parallel_loop3A_991 : vector<16xf32>
        %parallel_loop3A_1051 = arith.index_cast %parallel_loop3A_995 : i32 to index
        %parallel_loop3A_1052 = arith.constant 80 : index
        %parallel_loop3A_1053 = tpu.vector_load %arg10[%parallel_loop3A_1051, %parallel_loop3A_1052] {strides = array<i32>} : memref<128x128xf32, #tpu.memory_space<vmem>>, vector<1x16xf32>,
        %parallel_loop3A_1054 = vector.shape_cast %parallel_loop3A_1053 : vector<1x16xf32> to vector<16xf32>
        %parallel_loop3A_1055 = vector.shape_cast %parallel_loop3A_1050 : vector<16xf32> to vector<1x16xf32>
        tpu.vector_store %arg10[%parallel_loop3A_1051, %parallel_loop3A_1052], %parallel_loop3A_1055 {strides = array<i32>} : memref<128x128xf32, #tpu.memory_space<vmem>>, vector<1x16xf32>,
        %parallel_loop3A_1056 = arith.index_cast %parallel_loop3A_995 : i32 to index
        %parallel_loop3A_1057 = arith.constant 96 : index
        %parallel_loop3A_1058 = tpu.vector_load %arg9[%parallel_loop3A_1056, %parallel_loop3A_1057] {strides = array<i32>} : memref<128x128xf32, #tpu.memory_space<vmem>>, vector<1x16xf32>,
        %parallel_loop3A_1059 = vector.shape_cast %parallel_loop3A_1058 : vector<1x16xf32> to vector<16xf32>
        %parallel_loop3A_1060 = arith.mulf %parallel_loop3A_1059, %parallel_loop3A_991 : vector<16xf32>
        %parallel_loop3A_1061 = arith.index_cast %parallel_loop3A_995 : i32 to index
        %parallel_loop3A_1062 = arith.constant 96 : index
        %parallel_loop3A_1063 = tpu.vector_load %arg10[%parallel_loop3A_1061, %parallel_loop3A_1062] {strides = array<i32>} : memref<128x128xf32, #tpu.memory_space<vmem>>, vector<1x16xf32>,
        %parallel_loop3A_1064 = vector.shape_cast %parallel_loop3A_1063 : vector<1x16xf32> to vector<16xf32>
        %parallel_loop3A_1065 = vector.shape_cast %parallel_loop3A_1060 : vector<16xf32> to vector<1x16xf32>
        tpu.vector_store %arg10[%parallel_loop3A_1061, %parallel_loop3A_1062], %parallel_loop3A_1065 {strides = array<i32>} : memref<128x128xf32, #tpu.memory_space<vmem>>, vector<1x16xf32>,
        %parallel_loop3A_1066 = arith.index_cast %parallel_loop3A_995 : i32 to index
        %parallel_loop3A_1067 = arith.constant 112 : index
        %parallel_loop3A_1068 = tpu.vector_load %arg9[%parallel_loop3A_1066, %parallel_loop3A_1067] {strides = array<i32>} : memref<128x128xf32, #tpu.memory_space<vmem>>, vector<1x16xf32>,
        %parallel_loop3A_1069 = vector.shape_cast %parallel_loop3A_1068 : vector<1x16xf32> to vector<16xf32>
        %parallel_loop3A_1070 = arith.mulf %parallel_loop3A_1069, %parallel_loop3A_991 : vector<16xf32>
        %parallel_loop3A_1071 = arith.index_cast %parallel_loop3A_995 : i32 to index
        %parallel_loop3A_1072 = arith.constant 112 : index
        %parallel_loop3A_1073 = tpu.vector_load %arg10[%parallel_loop3A_1071, %parallel_loop3A_1072] {strides = array<i32>} : memref<128x128xf32, #tpu.memory_space<vmem>>, vector<1x16xf32>,
        %parallel_loop3A_1074 = vector.shape_cast %parallel_loop3A_1073 : vector<1x16xf32> to vector<16xf32>
        %parallel_loop3A_1075 = vector.shape_cast %parallel_loop3A_1070 : vector<16xf32> to vector<1x16xf32>
        tpu.vector_store %arg10[%parallel_loop3A_1071, %parallel_loop3A_1072], %parallel_loop3A_1075 {strides = array<i32>} : memref<128x128xf32, #tpu.memory_space<vmem>>, vector<1x16xf32>,
        %parallel_loop3A_1076 = vector.extract_strided_slice %parallel_loop3A_118 {offsets = [11], sizes = [1], strides = [1]} : vector<16xf32> to vector<1xf32>
        %parallel_loop3A_1077 = vector.extract %parallel_loop3A_1076[0] : f32 from vector<1xf32>
        %parallel_loop3A_1078 = vector.broadcast %parallel_loop3A_1077 : f32 to vector<16xf32>
        %parallel_loop3A_1079 = arith.constant 16 : i32
        %parallel_loop3A_1080 = arith.muli %parallel_loop3A_110, %parallel_loop3A_1079 : i32
        %parallel_loop3A_1081 = arith.constant 11 : i32
        %parallel_loop3A_1082 = arith.addi %parallel_loop3A_1080, %parallel_loop3A_1081 : i32
        %parallel_loop3A_1083 = arith.index_cast %parallel_loop3A_1082 : i32 to index
        %parallel_loop3A_1084 = arith.constant 0 : index
        %parallel_loop3A_1085 = tpu.vector_load %arg9[%parallel_loop3A_1083, %parallel_loop3A_1084] {strides = array<i32>} : memref<128x128xf32, #tpu.memory_space<vmem>>, vector<1x16xf32>,
        %parallel_loop3A_1086 = vector.shape_cast %parallel_loop3A_1085 : vector<1x16xf32> to vector<16xf32>
        %parallel_loop3A_1087 = arith.mulf %parallel_loop3A_1086, %parallel_loop3A_1078 : vector<16xf32>
        %parallel_loop3A_1088 = arith.index_cast %parallel_loop3A_1082 : i32 to index
        %parallel_loop3A_1089 = arith.constant 0 : index
        %parallel_loop3A_1090 = tpu.vector_load %arg10[%parallel_loop3A_1088, %parallel_loop3A_1089] {strides = array<i32>} : memref<128x128xf32, #tpu.memory_space<vmem>>, vector<1x16xf32>,
        %parallel_loop3A_1091 = vector.shape_cast %parallel_loop3A_1090 : vector<1x16xf32> to vector<16xf32>
        %parallel_loop3A_1092 = vector.shape_cast %parallel_loop3A_1087 : vector<16xf32> to vector<1x16xf32>
        tpu.vector_store %arg10[%parallel_loop3A_1088, %parallel_loop3A_1089], %parallel_loop3A_1092 {strides = array<i32>} : memref<128x128xf32, #tpu.memory_space<vmem>>, vector<1x16xf32>,
        %parallel_loop3A_1093 = arith.index_cast %parallel_loop3A_1082 : i32 to index
        %parallel_loop3A_1094 = arith.constant 16 : index
        %parallel_loop3A_1095 = tpu.vector_load %arg9[%parallel_loop3A_1093, %parallel_loop3A_1094] {strides = array<i32>} : memref<128x128xf32, #tpu.memory_space<vmem>>, vector<1x16xf32>,
        %parallel_loop3A_1096 = vector.shape_cast %parallel_loop3A_1095 : vector<1x16xf32> to vector<16xf32>
        %parallel_loop3A_1097 = arith.mulf %parallel_loop3A_1096, %parallel_loop3A_1078 : vector<16xf32>
        %parallel_loop3A_1098 = arith.index_cast %parallel_loop3A_1082 : i32 to index
        %parallel_loop3A_1099 = arith.constant 16 : index
        %parallel_loop3A_1100 = tpu.vector_load %arg10[%parallel_loop3A_1098, %parallel_loop3A_1099] {strides = array<i32>} : memref<128x128xf32, #tpu.memory_space<vmem>>, vector<1x16xf32>,
        %parallel_loop3A_1101 = vector.shape_cast %parallel_loop3A_1100 : vector<1x16xf32> to vector<16xf32>
        %parallel_loop3A_1102 = vector.shape_cast %parallel_loop3A_1097 : vector<16xf32> to vector<1x16xf32>
        tpu.vector_store %arg10[%parallel_loop3A_1098, %parallel_loop3A_1099], %parallel_loop3A_1102 {strides = array<i32>} : memref<128x128xf32, #tpu.memory_space<vmem>>, vector<1x16xf32>,
        %parallel_loop3A_1103 = arith.index_cast %parallel_loop3A_1082 : i32 to index
        %parallel_loop3A_1104 = arith.constant 32 : index
        %parallel_loop3A_1105 = tpu.vector_load %arg9[%parallel_loop3A_1103, %parallel_loop3A_1104] {strides = array<i32>} : memref<128x128xf32, #tpu.memory_space<vmem>>, vector<1x16xf32>,
        %parallel_loop3A_1106 = vector.shape_cast %parallel_loop3A_1105 : vector<1x16xf32> to vector<16xf32>
        %parallel_loop3A_1107 = arith.mulf %parallel_loop3A_1106, %parallel_loop3A_1078 : vector<16xf32>
        %parallel_loop3A_1108 = arith.index_cast %parallel_loop3A_1082 : i32 to index
        %parallel_loop3A_1109 = arith.constant 32 : index
        %parallel_loop3A_1110 = tpu.vector_load %arg10[%parallel_loop3A_1108, %parallel_loop3A_1109] {strides = array<i32>} : memref<128x128xf32, #tpu.memory_space<vmem>>, vector<1x16xf32>,
        %parallel_loop3A_1111 = vector.shape_cast %parallel_loop3A_1110 : vector<1x16xf32> to vector<16xf32>
        %parallel_loop3A_1112 = vector.shape_cast %parallel_loop3A_1107 : vector<16xf32> to vector<1x16xf32>
        tpu.vector_store %arg10[%parallel_loop3A_1108, %parallel_loop3A_1109], %parallel_loop3A_1112 {strides = array<i32>} : memref<128x128xf32, #tpu.memory_space<vmem>>, vector<1x16xf32>,
        %parallel_loop3A_1113 = arith.index_cast %parallel_loop3A_1082 : i32 to index
        %parallel_loop3A_1114 = arith.constant 48 : index
        %parallel_loop3A_1115 = tpu.vector_load %arg9[%parallel_loop3A_1113, %parallel_loop3A_1114] {strides = array<i32>} : memref<128x128xf32, #tpu.memory_space<vmem>>, vector<1x16xf32>,
        %parallel_loop3A_1116 = vector.shape_cast %parallel_loop3A_1115 : vector<1x16xf32> to vector<16xf32>
        %parallel_loop3A_1117 = arith.mulf %parallel_loop3A_1116, %parallel_loop3A_1078 : vector<16xf32>
        %parallel_loop3A_1118 = arith.index_cast %parallel_loop3A_1082 : i32 to index
        %parallel_loop3A_1119 = arith.constant 48 : index
        %parallel_loop3A_1120 = tpu.vector_load %arg10[%parallel_loop3A_1118, %parallel_loop3A_1119] {strides = array<i32>} : memref<128x128xf32, #tpu.memory_space<vmem>>, vector<1x16xf32>,
        %parallel_loop3A_1121 = vector.shape_cast %parallel_loop3A_1120 : vector<1x16xf32> to vector<16xf32>
        %parallel_loop3A_1122 = vector.shape_cast %parallel_loop3A_1117 : vector<16xf32> to vector<1x16xf32>
        tpu.vector_store %arg10[%parallel_loop3A_1118, %parallel_loop3A_1119], %parallel_loop3A_1122 {strides = array<i32>} : memref<128x128xf32, #tpu.memory_space<vmem>>, vector<1x16xf32>,
        %parallel_loop3A_1123 = arith.index_cast %parallel_loop3A_1082 : i32 to index
        %parallel_loop3A_1124 = arith.constant 64 : index
        %parallel_loop3A_1125 = tpu.vector_load %arg9[%parallel_loop3A_1123, %parallel_loop3A_1124] {strides = array<i32>} : memref<128x128xf32, #tpu.memory_space<vmem>>, vector<1x16xf32>,
        %parallel_loop3A_1126 = vector.shape_cast %parallel_loop3A_1125 : vector<1x16xf32> to vector<16xf32>
        %parallel_loop3A_1127 = arith.mulf %parallel_loop3A_1126, %parallel_loop3A_1078 : vector<16xf32>
        %parallel_loop3A_1128 = arith.index_cast %parallel_loop3A_1082 : i32 to index
        %parallel_loop3A_1129 = arith.constant 64 : index
        %parallel_loop3A_1130 = tpu.vector_load %arg10[%parallel_loop3A_1128, %parallel_loop3A_1129] {strides = array<i32>} : memref<128x128xf32, #tpu.memory_space<vmem>>, vector<1x16xf32>,
        %parallel_loop3A_1131 = vector.shape_cast %parallel_loop3A_1130 : vector<1x16xf32> to vector<16xf32>
        %parallel_loop3A_1132 = vector.shape_cast %parallel_loop3A_1127 : vector<16xf32> to vector<1x16xf32>
        tpu.vector_store %arg10[%parallel_loop3A_1128, %parallel_loop3A_1129], %parallel_loop3A_1132 {strides = array<i32>} : memref<128x128xf32, #tpu.memory_space<vmem>>, vector<1x16xf32>,
        %parallel_loop3A_1133 = arith.index_cast %parallel_loop3A_1082 : i32 to index
        %parallel_loop3A_1134 = arith.constant 80 : index
        %parallel_loop3A_1135 = tpu.vector_load %arg9[%parallel_loop3A_1133, %parallel_loop3A_1134] {strides = array<i32>} : memref<128x128xf32, #tpu.memory_space<vmem>>, vector<1x16xf32>,
        %parallel_loop3A_1136 = vector.shape_cast %parallel_loop3A_1135 : vector<1x16xf32> to vector<16xf32>
        %parallel_loop3A_1137 = arith.mulf %parallel_loop3A_1136, %parallel_loop3A_1078 : vector<16xf32>
        %parallel_loop3A_1138 = arith.index_cast %parallel_loop3A_1082 : i32 to index
        %parallel_loop3A_1139 = arith.constant 80 : index
        %parallel_loop3A_1140 = tpu.vector_load %arg10[%parallel_loop3A_1138, %parallel_loop3A_1139] {strides = array<i32>} : memref<128x128xf32, #tpu.memory_space<vmem>>, vector<1x16xf32>,
        %parallel_loop3A_1141 = vector.shape_cast %parallel_loop3A_1140 : vector<1x16xf32> to vector<16xf32>
        %parallel_loop3A_1142 = vector.shape_cast %parallel_loop3A_1137 : vector<16xf32> to vector<1x16xf32>
        tpu.vector_store %arg10[%parallel_loop3A_1138, %parallel_loop3A_1139], %parallel_loop3A_1142 {strides = array<i32>} : memref<128x128xf32, #tpu.memory_space<vmem>>, vector<1x16xf32>,
        %parallel_loop3A_1143 = arith.index_cast %parallel_loop3A_1082 : i32 to index
        %parallel_loop3A_1144 = arith.constant 96 : index
        %parallel_loop3A_1145 = tpu.vector_load %arg9[%parallel_loop3A_1143, %parallel_loop3A_1144] {strides = array<i32>} : memref<128x128xf32, #tpu.memory_space<vmem>>, vector<1x16xf32>,
        %parallel_loop3A_1146 = vector.shape_cast %parallel_loop3A_1145 : vector<1x16xf32> to vector<16xf32>
        %parallel_loop3A_1147 = arith.mulf %parallel_loop3A_1146, %parallel_loop3A_1078 : vector<16xf32>
        %parallel_loop3A_1148 = arith.index_cast %parallel_loop3A_1082 : i32 to index
        %parallel_loop3A_1149 = arith.constant 96 : index
        %parallel_loop3A_1150 = tpu.vector_load %arg10[%parallel_loop3A_1148, %parallel_loop3A_1149] {strides = array<i32>} : memref<128x128xf32, #tpu.memory_space<vmem>>, vector<1x16xf32>,
        %parallel_loop3A_1151 = vector.shape_cast %parallel_loop3A_1150 : vector<1x16xf32> to vector<16xf32>
        %parallel_loop3A_1152 = vector.shape_cast %parallel_loop3A_1147 : vector<16xf32> to vector<1x16xf32>
        tpu.vector_store %arg10[%parallel_loop3A_1148, %parallel_loop3A_1149], %parallel_loop3A_1152 {strides = array<i32>} : memref<128x128xf32, #tpu.memory_space<vmem>>, vector<1x16xf32>,
        %parallel_loop3A_1153 = arith.index_cast %parallel_loop3A_1082 : i32 to index
        %parallel_loop3A_1154 = arith.constant 112 : index
        %parallel_loop3A_1155 = tpu.vector_load %arg9[%parallel_loop3A_1153, %parallel_loop3A_1154] {strides = array<i32>} : memref<128x128xf32, #tpu.memory_space<vmem>>, vector<1x16xf32>,
        %parallel_loop3A_1156 = vector.shape_cast %parallel_loop3A_1155 : vector<1x16xf32> to vector<16xf32>
        %parallel_loop3A_1157 = arith.mulf %parallel_loop3A_1156, %parallel_loop3A_1078 : vector<16xf32>
        %parallel_loop3A_1158 = arith.index_cast %parallel_loop3A_1082 : i32 to index
        %parallel_loop3A_1159 = arith.constant 112 : index
        %parallel_loop3A_1160 = tpu.vector_load %arg10[%parallel_loop3A_1158, %parallel_loop3A_1159] {strides = array<i32>} : memref<128x128xf32, #tpu.memory_space<vmem>>, vector<1x16xf32>,
        %parallel_loop3A_1161 = vector.shape_cast %parallel_loop3A_1160 : vector<1x16xf32> to vector<16xf32>
        %parallel_loop3A_1162 = vector.shape_cast %parallel_loop3A_1157 : vector<16xf32> to vector<1x16xf32>
        tpu.vector_store %arg10[%parallel_loop3A_1158, %parallel_loop3A_1159], %parallel_loop3A_1162 {strides = array<i32>} : memref<128x128xf32, #tpu.memory_space<vmem>>, vector<1x16xf32>,
        %parallel_loop3A_1163 = vector.extract_strided_slice %parallel_loop3A_118 {offsets = [12], sizes = [1], strides = [1]} : vector<16xf32> to vector<1xf32>
        %parallel_loop3A_1164 = vector.extract %parallel_loop3A_1163[0] : f32 from vector<1xf32>
        %parallel_loop3A_1165 = vector.broadcast %parallel_loop3A_1164 : f32 to vector<16xf32>
        %parallel_loop3A_1166 = arith.constant 16 : i32
        %parallel_loop3A_1167 = arith.muli %parallel_loop3A_110, %parallel_loop3A_1166 : i32
        %parallel_loop3A_1168 = arith.constant 12 : i32
        %parallel_loop3A_1169 = arith.addi %parallel_loop3A_1167, %parallel_loop3A_1168 : i32
        %parallel_loop3A_1170 = arith.index_cast %parallel_loop3A_1169 : i32 to index
        %parallel_loop3A_1171 = arith.constant 0 : index
        %parallel_loop3A_1172 = tpu.vector_load %arg9[%parallel_loop3A_1170, %parallel_loop3A_1171] {strides = array<i32>} : memref<128x128xf32, #tpu.memory_space<vmem>>, vector<1x16xf32>,
        %parallel_loop3A_1173 = vector.shape_cast %parallel_loop3A_1172 : vector<1x16xf32> to vector<16xf32>
        %parallel_loop3A_1174 = arith.mulf %parallel_loop3A_1173, %parallel_loop3A_1165 : vector<16xf32>
        %parallel_loop3A_1175 = arith.index_cast %parallel_loop3A_1169 : i32 to index
        %parallel_loop3A_1176 = arith.constant 0 : index
        %parallel_loop3A_1177 = tpu.vector_load %arg10[%parallel_loop3A_1175, %parallel_loop3A_1176] {strides = array<i32>} : memref<128x128xf32, #tpu.memory_space<vmem>>, vector<1x16xf32>,
        %parallel_loop3A_1178 = vector.shape_cast %parallel_loop3A_1177 : vector<1x16xf32> to vector<16xf32>
        %parallel_loop3A_1179 = vector.shape_cast %parallel_loop3A_1174 : vector<16xf32> to vector<1x16xf32>
        tpu.vector_store %arg10[%parallel_loop3A_1175, %parallel_loop3A_1176], %parallel_loop3A_1179 {strides = array<i32>} : memref<128x128xf32, #tpu.memory_space<vmem>>, vector<1x16xf32>,
        %parallel_loop3A_1180 = arith.index_cast %parallel_loop3A_1169 : i32 to index
        %parallel_loop3A_1181 = arith.constant 16 : index
        %parallel_loop3A_1182 = tpu.vector_load %arg9[%parallel_loop3A_1180, %parallel_loop3A_1181] {strides = array<i32>} : memref<128x128xf32, #tpu.memory_space<vmem>>, vector<1x16xf32>,
        %parallel_loop3A_1183 = vector.shape_cast %parallel_loop3A_1182 : vector<1x16xf32> to vector<16xf32>
        %parallel_loop3A_1184 = arith.mulf %parallel_loop3A_1183, %parallel_loop3A_1165 : vector<16xf32>
        %parallel_loop3A_1185 = arith.index_cast %parallel_loop3A_1169 : i32 to index
        %parallel_loop3A_1186 = arith.constant 16 : index
        %parallel_loop3A_1187 = tpu.vector_load %arg10[%parallel_loop3A_1185, %parallel_loop3A_1186] {strides = array<i32>} : memref<128x128xf32, #tpu.memory_space<vmem>>, vector<1x16xf32>,
        %parallel_loop3A_1188 = vector.shape_cast %parallel_loop3A_1187 : vector<1x16xf32> to vector<16xf32>
        %parallel_loop3A_1189 = vector.shape_cast %parallel_loop3A_1184 : vector<16xf32> to vector<1x16xf32>
        tpu.vector_store %arg10[%parallel_loop3A_1185, %parallel_loop3A_1186], %parallel_loop3A_1189 {strides = array<i32>} : memref<128x128xf32, #tpu.memory_space<vmem>>, vector<1x16xf32>,
        %parallel_loop3A_1190 = arith.index_cast %parallel_loop3A_1169 : i32 to index
        %parallel_loop3A_1191 = arith.constant 32 : index
        %parallel_loop3A_1192 = tpu.vector_load %arg9[%parallel_loop3A_1190, %parallel_loop3A_1191] {strides = array<i32>} : memref<128x128xf32, #tpu.memory_space<vmem>>, vector<1x16xf32>,
        %parallel_loop3A_1193 = vector.shape_cast %parallel_loop3A_1192 : vector<1x16xf32> to vector<16xf32>
        %parallel_loop3A_1194 = arith.mulf %parallel_loop3A_1193, %parallel_loop3A_1165 : vector<16xf32>
        %parallel_loop3A_1195 = arith.index_cast %parallel_loop3A_1169 : i32 to index
        %parallel_loop3A_1196 = arith.constant 32 : index
        %parallel_loop3A_1197 = tpu.vector_load %arg10[%parallel_loop3A_1195, %parallel_loop3A_1196] {strides = array<i32>} : memref<128x128xf32, #tpu.memory_space<vmem>>, vector<1x16xf32>,
        %parallel_loop3A_1198 = vector.shape_cast %parallel_loop3A_1197 : vector<1x16xf32> to vector<16xf32>
        %parallel_loop3A_1199 = vector.shape_cast %parallel_loop3A_1194 : vector<16xf32> to vector<1x16xf32>
        tpu.vector_store %arg10[%parallel_loop3A_1195, %parallel_loop3A_1196], %parallel_loop3A_1199 {strides = array<i32>} : memref<128x128xf32, #tpu.memory_space<vmem>>, vector<1x16xf32>,
        %parallel_loop3A_1200 = arith.index_cast %parallel_loop3A_1169 : i32 to index
        %parallel_loop3A_1201 = arith.constant 48 : index
        %parallel_loop3A_1202 = tpu.vector_load %arg9[%parallel_loop3A_1200, %parallel_loop3A_1201] {strides = array<i32>} : memref<128x128xf32, #tpu.memory_space<vmem>>, vector<1x16xf32>,
        %parallel_loop3A_1203 = vector.shape_cast %parallel_loop3A_1202 : vector<1x16xf32> to vector<16xf32>
        %parallel_loop3A_1204 = arith.mulf %parallel_loop3A_1203, %parallel_loop3A_1165 : vector<16xf32>
        %parallel_loop3A_1205 = arith.index_cast %parallel_loop3A_1169 : i32 to index
        %parallel_loop3A_1206 = arith.constant 48 : index
        %parallel_loop3A_1207 = tpu.vector_load %arg10[%parallel_loop3A_1205, %parallel_loop3A_1206] {strides = array<i32>} : memref<128x128xf32, #tpu.memory_space<vmem>>, vector<1x16xf32>,
        %parallel_loop3A_1208 = vector.shape_cast %parallel_loop3A_1207 : vector<1x16xf32> to vector<16xf32>
        %parallel_loop3A_1209 = vector.shape_cast %parallel_loop3A_1204 : vector<16xf32> to vector<1x16xf32>
        tpu.vector_store %arg10[%parallel_loop3A_1205, %parallel_loop3A_1206], %parallel_loop3A_1209 {strides = array<i32>} : memref<128x128xf32, #tpu.memory_space<vmem>>, vector<1x16xf32>,
        %parallel_loop3A_1210 = arith.index_cast %parallel_loop3A_1169 : i32 to index
        %parallel_loop3A_1211 = arith.constant 64 : index
        %parallel_loop3A_1212 = tpu.vector_load %arg9[%parallel_loop3A_1210, %parallel_loop3A_1211] {strides = array<i32>} : memref<128x128xf32, #tpu.memory_space<vmem>>, vector<1x16xf32>,
        %parallel_loop3A_1213 = vector.shape_cast %parallel_loop3A_1212 : vector<1x16xf32> to vector<16xf32>
        %parallel_loop3A_1214 = arith.mulf %parallel_loop3A_1213, %parallel_loop3A_1165 : vector<16xf32>
        %parallel_loop3A_1215 = arith.index_cast %parallel_loop3A_1169 : i32 to index
        %parallel_loop3A_1216 = arith.constant 64 : index
        %parallel_loop3A_1217 = tpu.vector_load %arg10[%parallel_loop3A_1215, %parallel_loop3A_1216] {strides = array<i32>} : memref<128x128xf32, #tpu.memory_space<vmem>>, vector<1x16xf32>,
        %parallel_loop3A_1218 = vector.shape_cast %parallel_loop3A_1217 : vector<1x16xf32> to vector<16xf32>
        %parallel_loop3A_1219 = vector.shape_cast %parallel_loop3A_1214 : vector<16xf32> to vector<1x16xf32>
        tpu.vector_store %arg10[%parallel_loop3A_1215, %parallel_loop3A_1216], %parallel_loop3A_1219 {strides = array<i32>} : memref<128x128xf32, #tpu.memory_space<vmem>>, vector<1x16xf32>,
        %parallel_loop3A_1220 = arith.index_cast %parallel_loop3A_1169 : i32 to index
        %parallel_loop3A_1221 = arith.constant 80 : index
        %parallel_loop3A_1222 = tpu.vector_load %arg9[%parallel_loop3A_1220, %parallel_loop3A_1221] {strides = array<i32>} : memref<128x128xf32, #tpu.memory_space<vmem>>, vector<1x16xf32>,
        %parallel_loop3A_1223 = vector.shape_cast %parallel_loop3A_1222 : vector<1x16xf32> to vector<16xf32>
        %parallel_loop3A_1224 = arith.mulf %parallel_loop3A_1223, %parallel_loop3A_1165 : vector<16xf32>
        %parallel_loop3A_1225 = arith.index_cast %parallel_loop3A_1169 : i32 to index
        %parallel_loop3A_1226 = arith.constant 80 : index
        %parallel_loop3A_1227 = tpu.vector_load %arg10[%parallel_loop3A_1225, %parallel_loop3A_1226] {strides = array<i32>} : memref<128x128xf32, #tpu.memory_space<vmem>>, vector<1x16xf32>,
        %parallel_loop3A_1228 = vector.shape_cast %parallel_loop3A_1227 : vector<1x16xf32> to vector<16xf32>
        %parallel_loop3A_1229 = vector.shape_cast %parallel_loop3A_1224 : vector<16xf32> to vector<1x16xf32>
        tpu.vector_store %arg10[%parallel_loop3A_1225, %parallel_loop3A_1226], %parallel_loop3A_1229 {strides = array<i32>} : memref<128x128xf32, #tpu.memory_space<vmem>>, vector<1x16xf32>,
        %parallel_loop3A_1230 = arith.index_cast %parallel_loop3A_1169 : i32 to index
        %parallel_loop3A_1231 = arith.constant 96 : index
        %parallel_loop3A_1232 = tpu.vector_load %arg9[%parallel_loop3A_1230, %parallel_loop3A_1231] {strides = array<i32>} : memref<128x128xf32, #tpu.memory_space<vmem>>, vector<1x16xf32>,
        %parallel_loop3A_1233 = vector.shape_cast %parallel_loop3A_1232 : vector<1x16xf32> to vector<16xf32>
        %parallel_loop3A_1234 = arith.mulf %parallel_loop3A_1233, %parallel_loop3A_1165 : vector<16xf32>
        %parallel_loop3A_1235 = arith.index_cast %parallel_loop3A_1169 : i32 to index
        %parallel_loop3A_1236 = arith.constant 96 : index
        %parallel_loop3A_1237 = tpu.vector_load %arg10[%parallel_loop3A_1235, %parallel_loop3A_1236] {strides = array<i32>} : memref<128x128xf32, #tpu.memory_space<vmem>>, vector<1x16xf32>,
        %parallel_loop3A_1238 = vector.shape_cast %parallel_loop3A_1237 : vector<1x16xf32> to vector<16xf32>
        %parallel_loop3A_1239 = vector.shape_cast %parallel_loop3A_1234 : vector<16xf32> to vector<1x16xf32>
        tpu.vector_store %arg10[%parallel_loop3A_1235, %parallel_loop3A_1236], %parallel_loop3A_1239 {strides = array<i32>} : memref<128x128xf32, #tpu.memory_space<vmem>>, vector<1x16xf32>,
        %parallel_loop3A_1240 = arith.index_cast %parallel_loop3A_1169 : i32 to index
        %parallel_loop3A_1241 = arith.constant 112 : index
        %parallel_loop3A_1242 = tpu.vector_load %arg9[%parallel_loop3A_1240, %parallel_loop3A_1241] {strides = array<i32>} : memref<128x128xf32, #tpu.memory_space<vmem>>, vector<1x16xf32>,
        %parallel_loop3A_1243 = vector.shape_cast %parallel_loop3A_1242 : vector<1x16xf32> to vector<16xf32>
        %parallel_loop3A_1244 = arith.mulf %parallel_loop3A_1243, %parallel_loop3A_1165 : vector<16xf32>
        %parallel_loop3A_1245 = arith.index_cast %parallel_loop3A_1169 : i32 to index
        %parallel_loop3A_1246 = arith.constant 112 : index
        %parallel_loop3A_1247 = tpu.vector_load %arg10[%parallel_loop3A_1245, %parallel_loop3A_1246] {strides = array<i32>} : memref<128x128xf32, #tpu.memory_space<vmem>>, vector<1x16xf32>,
        %parallel_loop3A_1248 = vector.shape_cast %parallel_loop3A_1247 : vector<1x16xf32> to vector<16xf32>
        %parallel_loop3A_1249 = vector.shape_cast %parallel_loop3A_1244 : vector<16xf32> to vector<1x16xf32>
        tpu.vector_store %arg10[%parallel_loop3A_1245, %parallel_loop3A_1246], %parallel_loop3A_1249 {strides = array<i32>} : memref<128x128xf32, #tpu.memory_space<vmem>>, vector<1x16xf32>,
        %parallel_loop3A_1250 = vector.extract_strided_slice %parallel_loop3A_118 {offsets = [13], sizes = [1], strides = [1]} : vector<16xf32> to vector<1xf32>
        %parallel_loop3A_1251 = vector.extract %parallel_loop3A_1250[0] : f32 from vector<1xf32>
        %parallel_loop3A_1252 = vector.broadcast %parallel_loop3A_1251 : f32 to vector<16xf32>
        %parallel_loop3A_1253 = arith.constant 16 : i32
        %parallel_loop3A_1254 = arith.muli %parallel_loop3A_110, %parallel_loop3A_1253 : i32
        %parallel_loop3A_1255 = arith.constant 13 : i32
        %parallel_loop3A_1256 = arith.addi %parallel_loop3A_1254, %parallel_loop3A_1255 : i32
        %parallel_loop3A_1257 = arith.index_cast %parallel_loop3A_1256 : i32 to index
        %parallel_loop3A_1258 = arith.constant 0 : index
        %parallel_loop3A_1259 = tpu.vector_load %arg9[%parallel_loop3A_1257, %parallel_loop3A_1258] {strides = array<i32>} : memref<128x128xf32, #tpu.memory_space<vmem>>, vector<1x16xf32>,
        %parallel_loop3A_1260 = vector.shape_cast %parallel_loop3A_1259 : vector<1x16xf32> to vector<16xf32>
        %parallel_loop3A_1261 = arith.mulf %parallel_loop3A_1260, %parallel_loop3A_1252 : vector<16xf32>
        %parallel_loop3A_1262 = arith.index_cast %parallel_loop3A_1256 : i32 to index
        %parallel_loop3A_1263 = arith.constant 0 : index
        %parallel_loop3A_1264 = tpu.vector_load %arg10[%parallel_loop3A_1262, %parallel_loop3A_1263] {strides = array<i32>} : memref<128x128xf32, #tpu.memory_space<vmem>>, vector<1x16xf32>,
        %parallel_loop3A_1265 = vector.shape_cast %parallel_loop3A_1264 : vector<1x16xf32> to vector<16xf32>
        %parallel_loop3A_1266 = vector.shape_cast %parallel_loop3A_1261 : vector<16xf32> to vector<1x16xf32>
        tpu.vector_store %arg10[%parallel_loop3A_1262, %parallel_loop3A_1263], %parallel_loop3A_1266 {strides = array<i32>} : memref<128x128xf32, #tpu.memory_space<vmem>>, vector<1x16xf32>,
        %parallel_loop3A_1267 = arith.index_cast %parallel_loop3A_1256 : i32 to index
        %parallel_loop3A_1268 = arith.constant 16 : index
        %parallel_loop3A_1269 = tpu.vector_load %arg9[%parallel_loop3A_1267, %parallel_loop3A_1268] {strides = array<i32>} : memref<128x128xf32, #tpu.memory_space<vmem>>, vector<1x16xf32>,
        %parallel_loop3A_1270 = vector.shape_cast %parallel_loop3A_1269 : vector<1x16xf32> to vector<16xf32>
        %parallel_loop3A_1271 = arith.mulf %parallel_loop3A_1270, %parallel_loop3A_1252 : vector<16xf32>
        %parallel_loop3A_1272 = arith.index_cast %parallel_loop3A_1256 : i32 to index
        %parallel_loop3A_1273 = arith.constant 16 : index
        %parallel_loop3A_1274 = tpu.vector_load %arg10[%parallel_loop3A_1272, %parallel_loop3A_1273] {strides = array<i32>} : memref<128x128xf32, #tpu.memory_space<vmem>>, vector<1x16xf32>,
        %parallel_loop3A_1275 = vector.shape_cast %parallel_loop3A_1274 : vector<1x16xf32> to vector<16xf32>
        %parallel_loop3A_1276 = vector.shape_cast %parallel_loop3A_1271 : vector<16xf32> to vector<1x16xf32>
        tpu.vector_store %arg10[%parallel_loop3A_1272, %parallel_loop3A_1273], %parallel_loop3A_1276 {strides = array<i32>} : memref<128x128xf32, #tpu.memory_space<vmem>>, vector<1x16xf32>,
        %parallel_loop3A_1277 = arith.index_cast %parallel_loop3A_1256 : i32 to index
        %parallel_loop3A_1278 = arith.constant 32 : index
        %parallel_loop3A_1279 = tpu.vector_load %arg9[%parallel_loop3A_1277, %parallel_loop3A_1278] {strides = array<i32>} : memref<128x128xf32, #tpu.memory_space<vmem>>, vector<1x16xf32>,
        %parallel_loop3A_1280 = vector.shape_cast %parallel_loop3A_1279 : vector<1x16xf32> to vector<16xf32>
        %parallel_loop3A_1281 = arith.mulf %parallel_loop3A_1280, %parallel_loop3A_1252 : vector<16xf32>
        %parallel_loop3A_1282 = arith.index_cast %parallel_loop3A_1256 : i32 to index
        %parallel_loop3A_1283 = arith.constant 32 : index
        %parallel_loop3A_1284 = tpu.vector_load %arg10[%parallel_loop3A_1282, %parallel_loop3A_1283] {strides = array<i32>} : memref<128x128xf32, #tpu.memory_space<vmem>>, vector<1x16xf32>,
        %parallel_loop3A_1285 = vector.shape_cast %parallel_loop3A_1284 : vector<1x16xf32> to vector<16xf32>
        %parallel_loop3A_1286 = vector.shape_cast %parallel_loop3A_1281 : vector<16xf32> to vector<1x16xf32>
        tpu.vector_store %arg10[%parallel_loop3A_1282, %parallel_loop3A_1283], %parallel_loop3A_1286 {strides = array<i32>} : memref<128x128xf32, #tpu.memory_space<vmem>>, vector<1x16xf32>,
        %parallel_loop3A_1287 = arith.index_cast %parallel_loop3A_1256 : i32 to index
        %parallel_loop3A_1288 = arith.constant 48 : index
        %parallel_loop3A_1289 = tpu.vector_load %arg9[%parallel_loop3A_1287, %parallel_loop3A_1288] {strides = array<i32>} : memref<128x128xf32, #tpu.memory_space<vmem>>, vector<1x16xf32>,
        %parallel_loop3A_1290 = vector.shape_cast %parallel_loop3A_1289 : vector<1x16xf32> to vector<16xf32>
        %parallel_loop3A_1291 = arith.mulf %parallel_loop3A_1290, %parallel_loop3A_1252 : vector<16xf32>
        %parallel_loop3A_1292 = arith.index_cast %parallel_loop3A_1256 : i32 to index
        %parallel_loop3A_1293 = arith.constant 48 : index
        %parallel_loop3A_1294 = tpu.vector_load %arg10[%parallel_loop3A_1292, %parallel_loop3A_1293] {strides = array<i32>} : memref<128x128xf32, #tpu.memory_space<vmem>>, vector<1x16xf32>,
        %parallel_loop3A_1295 = vector.shape_cast %parallel_loop3A_1294 : vector<1x16xf32> to vector<16xf32>
        %parallel_loop3A_1296 = vector.shape_cast %parallel_loop3A_1291 : vector<16xf32> to vector<1x16xf32>
        tpu.vector_store %arg10[%parallel_loop3A_1292, %parallel_loop3A_1293], %parallel_loop3A_1296 {strides = array<i32>} : memref<128x128xf32, #tpu.memory_space<vmem>>, vector<1x16xf32>,
        %parallel_loop3A_1297 = arith.index_cast %parallel_loop3A_1256 : i32 to index
        %parallel_loop3A_1298 = arith.constant 64 : index
        %parallel_loop3A_1299 = tpu.vector_load %arg9[%parallel_loop3A_1297, %parallel_loop3A_1298] {strides = array<i32>} : memref<128x128xf32, #tpu.memory_space<vmem>>, vector<1x16xf32>,
        %parallel_loop3A_1300 = vector.shape_cast %parallel_loop3A_1299 : vector<1x16xf32> to vector<16xf32>
        %parallel_loop3A_1301 = arith.mulf %parallel_loop3A_1300, %parallel_loop3A_1252 : vector<16xf32>
        %parallel_loop3A_1302 = arith.index_cast %parallel_loop3A_1256 : i32 to index
        %parallel_loop3A_1303 = arith.constant 64 : index
        %parallel_loop3A_1304 = tpu.vector_load %arg10[%parallel_loop3A_1302, %parallel_loop3A_1303] {strides = array<i32>} : memref<128x128xf32, #tpu.memory_space<vmem>>, vector<1x16xf32>,
        %parallel_loop3A_1305 = vector.shape_cast %parallel_loop3A_1304 : vector<1x16xf32> to vector<16xf32>
        %parallel_loop3A_1306 = vector.shape_cast %parallel_loop3A_1301 : vector<16xf32> to vector<1x16xf32>
        tpu.vector_store %arg10[%parallel_loop3A_1302, %parallel_loop3A_1303], %parallel_loop3A_1306 {strides = array<i32>} : memref<128x128xf32, #tpu.memory_space<vmem>>, vector<1x16xf32>,
        %parallel_loop3A_1307 = arith.index_cast %parallel_loop3A_1256 : i32 to index
        %parallel_loop3A_1308 = arith.constant 80 : index
        %parallel_loop3A_1309 = tpu.vector_load %arg9[%parallel_loop3A_1307, %parallel_loop3A_1308] {strides = array<i32>} : memref<128x128xf32, #tpu.memory_space<vmem>>, vector<1x16xf32>,
        %parallel_loop3A_1310 = vector.shape_cast %parallel_loop3A_1309 : vector<1x16xf32> to vector<16xf32>
        %parallel_loop3A_1311 = arith.mulf %parallel_loop3A_1310, %parallel_loop3A_1252 : vector<16xf32>
        %parallel_loop3A_1312 = arith.index_cast %parallel_loop3A_1256 : i32 to index
        %parallel_loop3A_1313 = arith.constant 80 : index
        %parallel_loop3A_1314 = tpu.vector_load %arg10[%parallel_loop3A_1312, %parallel_loop3A_1313] {strides = array<i32>} : memref<128x128xf32, #tpu.memory_space<vmem>>, vector<1x16xf32>,
        %parallel_loop3A_1315 = vector.shape_cast %parallel_loop3A_1314 : vector<1x16xf32> to vector<16xf32>
        %parallel_loop3A_1316 = vector.shape_cast %parallel_loop3A_1311 : vector<16xf32> to vector<1x16xf32>
        tpu.vector_store %arg10[%parallel_loop3A_1312, %parallel_loop3A_1313], %parallel_loop3A_1316 {strides = array<i32>} : memref<128x128xf32, #tpu.memory_space<vmem>>, vector<1x16xf32>,
        %parallel_loop3A_1317 = arith.index_cast %parallel_loop3A_1256 : i32 to index
        %parallel_loop3A_1318 = arith.constant 96 : index
        %parallel_loop3A_1319 = tpu.vector_load %arg9[%parallel_loop3A_1317, %parallel_loop3A_1318] {strides = array<i32>} : memref<128x128xf32, #tpu.memory_space<vmem>>, vector<1x16xf32>,
        %parallel_loop3A_1320 = vector.shape_cast %parallel_loop3A_1319 : vector<1x16xf32> to vector<16xf32>
        %parallel_loop3A_1321 = arith.mulf %parallel_loop3A_1320, %parallel_loop3A_1252 : vector<16xf32>
        %parallel_loop3A_1322 = arith.index_cast %parallel_loop3A_1256 : i32 to index
        %parallel_loop3A_1323 = arith.constant 96 : index
        %parallel_loop3A_1324 = tpu.vector_load %arg10[%parallel_loop3A_1322, %parallel_loop3A_1323] {strides = array<i32>} : memref<128x128xf32, #tpu.memory_space<vmem>>, vector<1x16xf32>,
        %parallel_loop3A_1325 = vector.shape_cast %parallel_loop3A_1324 : vector<1x16xf32> to vector<16xf32>
        %parallel_loop3A_1326 = vector.shape_cast %parallel_loop3A_1321 : vector<16xf32> to vector<1x16xf32>
        tpu.vector_store %arg10[%parallel_loop3A_1322, %parallel_loop3A_1323], %parallel_loop3A_1326 {strides = array<i32>} : memref<128x128xf32, #tpu.memory_space<vmem>>, vector<1x16xf32>,
        %parallel_loop3A_1327 = arith.index_cast %parallel_loop3A_1256 : i32 to index
        %parallel_loop3A_1328 = arith.constant 112 : index
        %parallel_loop3A_1329 = tpu.vector_load %arg9[%parallel_loop3A_1327, %parallel_loop3A_1328] {strides = array<i32>} : memref<128x128xf32, #tpu.memory_space<vmem>>, vector<1x16xf32>,
        %parallel_loop3A_1330 = vector.shape_cast %parallel_loop3A_1329 : vector<1x16xf32> to vector<16xf32>
        %parallel_loop3A_1331 = arith.mulf %parallel_loop3A_1330, %parallel_loop3A_1252 : vector<16xf32>
        %parallel_loop3A_1332 = arith.index_cast %parallel_loop3A_1256 : i32 to index
        %parallel_loop3A_1333 = arith.constant 112 : index
        %parallel_loop3A_1334 = tpu.vector_load %arg10[%parallel_loop3A_1332, %parallel_loop3A_1333] {strides = array<i32>} : memref<128x128xf32, #tpu.memory_space<vmem>>, vector<1x16xf32>,
        %parallel_loop3A_1335 = vector.shape_cast %parallel_loop3A_1334 : vector<1x16xf32> to vector<16xf32>
        %parallel_loop3A_1336 = vector.shape_cast %parallel_loop3A_1331 : vector<16xf32> to vector<1x16xf32>
        tpu.vector_store %arg10[%parallel_loop3A_1332, %parallel_loop3A_1333], %parallel_loop3A_1336 {strides = array<i32>} : memref<128x128xf32, #tpu.memory_space<vmem>>, vector<1x16xf32>,
        %parallel_loop3A_1337 = vector.extract_strided_slice %parallel_loop3A_118 {offsets = [14], sizes = [1], strides = [1]} : vector<16xf32> to vector<1xf32>
        %parallel_loop3A_1338 = vector.extract %parallel_loop3A_1337[0] : f32 from vector<1xf32>
        %parallel_loop3A_1339 = vector.broadcast %parallel_loop3A_1338 : f32 to vector<16xf32>
        %parallel_loop3A_1340 = arith.constant 16 : i32
        %parallel_loop3A_1341 = arith.muli %parallel_loop3A_110, %parallel_loop3A_1340 : i32
        %parallel_loop3A_1342 = arith.constant 14 : i32
        %parallel_loop3A_1343 = arith.addi %parallel_loop3A_1341, %parallel_loop3A_1342 : i32
        %parallel_loop3A_1344 = arith.index_cast %parallel_loop3A_1343 : i32 to index
        %parallel_loop3A_1345 = arith.constant 0 : index
        %parallel_loop3A_1346 = tpu.vector_load %arg9[%parallel_loop3A_1344, %parallel_loop3A_1345] {strides = array<i32>} : memref<128x128xf32, #tpu.memory_space<vmem>>, vector<1x16xf32>,
        %parallel_loop3A_1347 = vector.shape_cast %parallel_loop3A_1346 : vector<1x16xf32> to vector<16xf32>
        %parallel_loop3A_1348 = arith.mulf %parallel_loop3A_1347, %parallel_loop3A_1339 : vector<16xf32>
        %parallel_loop3A_1349 = arith.index_cast %parallel_loop3A_1343 : i32 to index
        %parallel_loop3A_1350 = arith.constant 0 : index
        %parallel_loop3A_1351 = tpu.vector_load %arg10[%parallel_loop3A_1349, %parallel_loop3A_1350] {strides = array<i32>} : memref<128x128xf32, #tpu.memory_space<vmem>>, vector<1x16xf32>,
        %parallel_loop3A_1352 = vector.shape_cast %parallel_loop3A_1351 : vector<1x16xf32> to vector<16xf32>
        %parallel_loop3A_1353 = vector.shape_cast %parallel_loop3A_1348 : vector<16xf32> to vector<1x16xf32>
        tpu.vector_store %arg10[%parallel_loop3A_1349, %parallel_loop3A_1350], %parallel_loop3A_1353 {strides = array<i32>} : memref<128x128xf32, #tpu.memory_space<vmem>>, vector<1x16xf32>,
        %parallel_loop3A_1354 = arith.index_cast %parallel_loop3A_1343 : i32 to index
        %parallel_loop3A_1355 = arith.constant 16 : index
        %parallel_loop3A_1356 = tpu.vector_load %arg9[%parallel_loop3A_1354, %parallel_loop3A_1355] {strides = array<i32>} : memref<128x128xf32, #tpu.memory_space<vmem>>, vector<1x16xf32>,
        %parallel_loop3A_1357 = vector.shape_cast %parallel_loop3A_1356 : vector<1x16xf32> to vector<16xf32>
        %parallel_loop3A_1358 = arith.mulf %parallel_loop3A_1357, %parallel_loop3A_1339 : vector<16xf32>
        %parallel_loop3A_1359 = arith.index_cast %parallel_loop3A_1343 : i32 to index
        %parallel_loop3A_1360 = arith.constant 16 : index
        %parallel_loop3A_1361 = tpu.vector_load %arg10[%parallel_loop3A_1359, %parallel_loop3A_1360] {strides = array<i32>} : memref<128x128xf32, #tpu.memory_space<vmem>>, vector<1x16xf32>,
        %parallel_loop3A_1362 = vector.shape_cast %parallel_loop3A_1361 : vector<1x16xf32> to vector<16xf32>
        %parallel_loop3A_1363 = vector.shape_cast %parallel_loop3A_1358 : vector<16xf32> to vector<1x16xf32>
        tpu.vector_store %arg10[%parallel_loop3A_1359, %parallel_loop3A_1360], %parallel_loop3A_1363 {strides = array<i32>} : memref<128x128xf32, #tpu.memory_space<vmem>>, vector<1x16xf32>,
        %parallel_loop3A_1364 = arith.index_cast %parallel_loop3A_1343 : i32 to index
        %parallel_loop3A_1365 = arith.constant 32 : index
        %parallel_loop3A_1366 = tpu.vector_load %arg9[%parallel_loop3A_1364, %parallel_loop3A_1365] {strides = array<i32>} : memref<128x128xf32, #tpu.memory_space<vmem>>, vector<1x16xf32>,
        %parallel_loop3A_1367 = vector.shape_cast %parallel_loop3A_1366 : vector<1x16xf32> to vector<16xf32>
        %parallel_loop3A_1368 = arith.mulf %parallel_loop3A_1367, %parallel_loop3A_1339 : vector<16xf32>
        %parallel_loop3A_1369 = arith.index_cast %parallel_loop3A_1343 : i32 to index
        %parallel_loop3A_1370 = arith.constant 32 : index
        %parallel_loop3A_1371 = tpu.vector_load %arg10[%parallel_loop3A_1369, %parallel_loop3A_1370] {strides = array<i32>} : memref<128x128xf32, #tpu.memory_space<vmem>>, vector<1x16xf32>,
        %parallel_loop3A_1372 = vector.shape_cast %parallel_loop3A_1371 : vector<1x16xf32> to vector<16xf32>
        %parallel_loop3A_1373 = vector.shape_cast %parallel_loop3A_1368 : vector<16xf32> to vector<1x16xf32>
        tpu.vector_store %arg10[%parallel_loop3A_1369, %parallel_loop3A_1370], %parallel_loop3A_1373 {strides = array<i32>} : memref<128x128xf32, #tpu.memory_space<vmem>>, vector<1x16xf32>,
        %parallel_loop3A_1374 = arith.index_cast %parallel_loop3A_1343 : i32 to index
        %parallel_loop3A_1375 = arith.constant 48 : index
        %parallel_loop3A_1376 = tpu.vector_load %arg9[%parallel_loop3A_1374, %parallel_loop3A_1375] {strides = array<i32>} : memref<128x128xf32, #tpu.memory_space<vmem>>, vector<1x16xf32>,
        %parallel_loop3A_1377 = vector.shape_cast %parallel_loop3A_1376 : vector<1x16xf32> to vector<16xf32>
        %parallel_loop3A_1378 = arith.mulf %parallel_loop3A_1377, %parallel_loop3A_1339 : vector<16xf32>
        %parallel_loop3A_1379 = arith.index_cast %parallel_loop3A_1343 : i32 to index
        %parallel_loop3A_1380 = arith.constant 48 : index
        %parallel_loop3A_1381 = tpu.vector_load %arg10[%parallel_loop3A_1379, %parallel_loop3A_1380] {strides = array<i32>} : memref<128x128xf32, #tpu.memory_space<vmem>>, vector<1x16xf32>,
        %parallel_loop3A_1382 = vector.shape_cast %parallel_loop3A_1381 : vector<1x16xf32> to vector<16xf32>
        %parallel_loop3A_1383 = vector.shape_cast %parallel_loop3A_1378 : vector<16xf32> to vector<1x16xf32>
        tpu.vector_store %arg10[%parallel_loop3A_1379, %parallel_loop3A_1380], %parallel_loop3A_1383 {strides = array<i32>} : memref<128x128xf32, #tpu.memory_space<vmem>>, vector<1x16xf32>,
        %parallel_loop3A_1384 = arith.index_cast %parallel_loop3A_1343 : i32 to index
        %parallel_loop3A_1385 = arith.constant 64 : index
        %parallel_loop3A_1386 = tpu.vector_load %arg9[%parallel_loop3A_1384, %parallel_loop3A_1385] {strides = array<i32>} : memref<128x128xf32, #tpu.memory_space<vmem>>, vector<1x16xf32>,
        %parallel_loop3A_1387 = vector.shape_cast %parallel_loop3A_1386 : vector<1x16xf32> to vector<16xf32>
        %parallel_loop3A_1388 = arith.mulf %parallel_loop3A_1387, %parallel_loop3A_1339 : vector<16xf32>
        %parallel_loop3A_1389 = arith.index_cast %parallel_loop3A_1343 : i32 to index
        %parallel_loop3A_1390 = arith.constant 64 : index
        %parallel_loop3A_1391 = tpu.vector_load %arg10[%parallel_loop3A_1389, %parallel_loop3A_1390] {strides = array<i32>} : memref<128x128xf32, #tpu.memory_space<vmem>>, vector<1x16xf32>,
        %parallel_loop3A_1392 = vector.shape_cast %parallel_loop3A_1391 : vector<1x16xf32> to vector<16xf32>
        %parallel_loop3A_1393 = vector.shape_cast %parallel_loop3A_1388 : vector<16xf32> to vector<1x16xf32>
        tpu.vector_store %arg10[%parallel_loop3A_1389, %parallel_loop3A_1390], %parallel_loop3A_1393 {strides = array<i32>} : memref<128x128xf32, #tpu.memory_space<vmem>>, vector<1x16xf32>,
        %parallel_loop3A_1394 = arith.index_cast %parallel_loop3A_1343 : i32 to index
        %parallel_loop3A_1395 = arith.constant 80 : index
        %parallel_loop3A_1396 = tpu.vector_load %arg9[%parallel_loop3A_1394, %parallel_loop3A_1395] {strides = array<i32>} : memref<128x128xf32, #tpu.memory_space<vmem>>, vector<1x16xf32>,
        %parallel_loop3A_1397 = vector.shape_cast %parallel_loop3A_1396 : vector<1x16xf32> to vector<16xf32>
        %parallel_loop3A_1398 = arith.mulf %parallel_loop3A_1397, %parallel_loop3A_1339 : vector<16xf32>
        %parallel_loop3A_1399 = arith.index_cast %parallel_loop3A_1343 : i32 to index
        %parallel_loop3A_1400 = arith.constant 80 : index
        %parallel_loop3A_1401 = tpu.vector_load %arg10[%parallel_loop3A_1399, %parallel_loop3A_1400] {strides = array<i32>} : memref<128x128xf32, #tpu.memory_space<vmem>>, vector<1x16xf32>,
        %parallel_loop3A_1402 = vector.shape_cast %parallel_loop3A_1401 : vector<1x16xf32> to vector<16xf32>
        %parallel_loop3A_1403 = vector.shape_cast %parallel_loop3A_1398 : vector<16xf32> to vector<1x16xf32>
        tpu.vector_store %arg10[%parallel_loop3A_1399, %parallel_loop3A_1400], %parallel_loop3A_1403 {strides = array<i32>} : memref<128x128xf32, #tpu.memory_space<vmem>>, vector<1x16xf32>,
        %parallel_loop3A_1404 = arith.index_cast %parallel_loop3A_1343 : i32 to index
        %parallel_loop3A_1405 = arith.constant 96 : index
        %parallel_loop3A_1406 = tpu.vector_load %arg9[%parallel_loop3A_1404, %parallel_loop3A_1405] {strides = array<i32>} : memref<128x128xf32, #tpu.memory_space<vmem>>, vector<1x16xf32>,
        %parallel_loop3A_1407 = vector.shape_cast %parallel_loop3A_1406 : vector<1x16xf32> to vector<16xf32>
        %parallel_loop3A_1408 = arith.mulf %parallel_loop3A_1407, %parallel_loop3A_1339 : vector<16xf32>
        %parallel_loop3A_1409 = arith.index_cast %parallel_loop3A_1343 : i32 to index
        %parallel_loop3A_1410 = arith.constant 96 : index
        %parallel_loop3A_1411 = tpu.vector_load %arg10[%parallel_loop3A_1409, %parallel_loop3A_1410] {strides = array<i32>} : memref<128x128xf32, #tpu.memory_space<vmem>>, vector<1x16xf32>,
        %parallel_loop3A_1412 = vector.shape_cast %parallel_loop3A_1411 : vector<1x16xf32> to vector<16xf32>
        %parallel_loop3A_1413 = vector.shape_cast %parallel_loop3A_1408 : vector<16xf32> to vector<1x16xf32>
        tpu.vector_store %arg10[%parallel_loop3A_1409, %parallel_loop3A_1410], %parallel_loop3A_1413 {strides = array<i32>} : memref<128x128xf32, #tpu.memory_space<vmem>>, vector<1x16xf32>,
        %parallel_loop3A_1414 = arith.index_cast %parallel_loop3A_1343 : i32 to index
        %parallel_loop3A_1415 = arith.constant 112 : index
        %parallel_loop3A_1416 = tpu.vector_load %arg9[%parallel_loop3A_1414, %parallel_loop3A_1415] {strides = array<i32>} : memref<128x128xf32, #tpu.memory_space<vmem>>, vector<1x16xf32>,
        %parallel_loop3A_1417 = vector.shape_cast %parallel_loop3A_1416 : vector<1x16xf32> to vector<16xf32>
        %parallel_loop3A_1418 = arith.mulf %parallel_loop3A_1417, %parallel_loop3A_1339 : vector<16xf32>
        %parallel_loop3A_1419 = arith.index_cast %parallel_loop3A_1343 : i32 to index
        %parallel_loop3A_1420 = arith.constant 112 : index
        %parallel_loop3A_1421 = tpu.vector_load %arg10[%parallel_loop3A_1419, %parallel_loop3A_1420] {strides = array<i32>} : memref<128x128xf32, #tpu.memory_space<vmem>>, vector<1x16xf32>,
        %parallel_loop3A_1422 = vector.shape_cast %parallel_loop3A_1421 : vector<1x16xf32> to vector<16xf32>
        %parallel_loop3A_1423 = vector.shape_cast %parallel_loop3A_1418 : vector<16xf32> to vector<1x16xf32>
        tpu.vector_store %arg10[%parallel_loop3A_1419, %parallel_loop3A_1420], %parallel_loop3A_1423 {strides = array<i32>} : memref<128x128xf32, #tpu.memory_space<vmem>>, vector<1x16xf32>,
        %parallel_loop3A_1424 = vector.extract_strided_slice %parallel_loop3A_118 {offsets = [15], sizes = [1], strides = [1]} : vector<16xf32> to vector<1xf32>
        %parallel_loop3A_1425 = vector.extract %parallel_loop3A_1424[0] : f32 from vector<1xf32>
        %parallel_loop3A_1426 = vector.broadcast %parallel_loop3A_1425 : f32 to vector<16xf32>
        %parallel_loop3A_1427 = arith.constant 16 : i32
        %parallel_loop3A_1428 = arith.muli %parallel_loop3A_110, %parallel_loop3A_1427 : i32
        %parallel_loop3A_1429 = arith.constant 15 : i32
        %parallel_loop3A_1430 = arith.addi %parallel_loop3A_1428, %parallel_loop3A_1429 : i32
        %parallel_loop3A_1431 = arith.index_cast %parallel_loop3A_1430 : i32 to index
        %parallel_loop3A_1432 = arith.constant 0 : index
        %parallel_loop3A_1433 = tpu.vector_load %arg9[%parallel_loop3A_1431, %parallel_loop3A_1432] {strides = array<i32>} : memref<128x128xf32, #tpu.memory_space<vmem>>, vector<1x16xf32>,
        %parallel_loop3A_1434 = vector.shape_cast %parallel_loop3A_1433 : vector<1x16xf32> to vector<16xf32>
        %parallel_loop3A_1435 = arith.mulf %parallel_loop3A_1434, %parallel_loop3A_1426 : vector<16xf32>
        %parallel_loop3A_1436 = arith.index_cast %parallel_loop3A_1430 : i32 to index
        %parallel_loop3A_1437 = arith.constant 0 : index
        %parallel_loop3A_1438 = tpu.vector_load %arg10[%parallel_loop3A_1436, %parallel_loop3A_1437] {strides = array<i32>} : memref<128x128xf32, #tpu.memory_space<vmem>>, vector<1x16xf32>,
        %parallel_loop3A_1439 = vector.shape_cast %parallel_loop3A_1438 : vector<1x16xf32> to vector<16xf32>
        %parallel_loop3A_1440 = vector.shape_cast %parallel_loop3A_1435 : vector<16xf32> to vector<1x16xf32>
        tpu.vector_store %arg10[%parallel_loop3A_1436, %parallel_loop3A_1437], %parallel_loop3A_1440 {strides = array<i32>} : memref<128x128xf32, #tpu.memory_space<vmem>>, vector<1x16xf32>,
        %parallel_loop3A_1441 = arith.index_cast %parallel_loop3A_1430 : i32 to index
        %parallel_loop3A_1442 = arith.constant 16 : index
        %parallel_loop3A_1443 = tpu.vector_load %arg9[%parallel_loop3A_1441, %parallel_loop3A_1442] {strides = array<i32>} : memref<128x128xf32, #tpu.memory_space<vmem>>, vector<1x16xf32>,
        %parallel_loop3A_1444 = vector.shape_cast %parallel_loop3A_1443 : vector<1x16xf32> to vector<16xf32>
        %parallel_loop3A_1445 = arith.mulf %parallel_loop3A_1444, %parallel_loop3A_1426 : vector<16xf32>
        %parallel_loop3A_1446 = arith.index_cast %parallel_loop3A_1430 : i32 to index
        %parallel_loop3A_1447 = arith.constant 16 : index
        %parallel_loop3A_1448 = tpu.vector_load %arg10[%parallel_loop3A_1446, %parallel_loop3A_1447] {strides = array<i32>} : memref<128x128xf32, #tpu.memory_space<vmem>>, vector<1x16xf32>,
        %parallel_loop3A_1449 = vector.shape_cast %parallel_loop3A_1448 : vector<1x16xf32> to vector<16xf32>
        %parallel_loop3A_1450 = vector.shape_cast %parallel_loop3A_1445 : vector<16xf32> to vector<1x16xf32>
        tpu.vector_store %arg10[%parallel_loop3A_1446, %parallel_loop3A_1447], %parallel_loop3A_1450 {strides = array<i32>} : memref<128x128xf32, #tpu.memory_space<vmem>>, vector<1x16xf32>,
        %parallel_loop3A_1451 = arith.index_cast %parallel_loop3A_1430 : i32 to index
        %parallel_loop3A_1452 = arith.constant 32 : index
        %parallel_loop3A_1453 = tpu.vector_load %arg9[%parallel_loop3A_1451, %parallel_loop3A_1452] {strides = array<i32>} : memref<128x128xf32, #tpu.memory_space<vmem>>, vector<1x16xf32>,
        %parallel_loop3A_1454 = vector.shape_cast %parallel_loop3A_1453 : vector<1x16xf32> to vector<16xf32>
        %parallel_loop3A_1455 = arith.mulf %parallel_loop3A_1454, %parallel_loop3A_1426 : vector<16xf32>
        %parallel_loop3A_1456 = arith.index_cast %parallel_loop3A_1430 : i32 to index
        %parallel_loop3A_1457 = arith.constant 32 : index
        %parallel_loop3A_1458 = tpu.vector_load %arg10[%parallel_loop3A_1456, %parallel_loop3A_1457] {strides = array<i32>} : memref<128x128xf32, #tpu.memory_space<vmem>>, vector<1x16xf32>,
        %parallel_loop3A_1459 = vector.shape_cast %parallel_loop3A_1458 : vector<1x16xf32> to vector<16xf32>
        %parallel_loop3A_1460 = vector.shape_cast %parallel_loop3A_1455 : vector<16xf32> to vector<1x16xf32>
        tpu.vector_store %arg10[%parallel_loop3A_1456, %parallel_loop3A_1457], %parallel_loop3A_1460 {strides = array<i32>} : memref<128x128xf32, #tpu.memory_space<vmem>>, vector<1x16xf32>,
        %parallel_loop3A_1461 = arith.index_cast %parallel_loop3A_1430 : i32 to index
        %parallel_loop3A_1462 = arith.constant 48 : index
        %parallel_loop3A_1463 = tpu.vector_load %arg9[%parallel_loop3A_1461, %parallel_loop3A_1462] {strides = array<i32>} : memref<128x128xf32, #tpu.memory_space<vmem>>, vector<1x16xf32>,
        %parallel_loop3A_1464 = vector.shape_cast %parallel_loop3A_1463 : vector<1x16xf32> to vector<16xf32>
        %parallel_loop3A_1465 = arith.mulf %parallel_loop3A_1464, %parallel_loop3A_1426 : vector<16xf32>
        %parallel_loop3A_1466 = arith.index_cast %parallel_loop3A_1430 : i32 to index
        %parallel_loop3A_1467 = arith.constant 48 : index
        %parallel_loop3A_1468 = tpu.vector_load %arg10[%parallel_loop3A_1466, %parallel_loop3A_1467] {strides = array<i32>} : memref<128x128xf32, #tpu.memory_space<vmem>>, vector<1x16xf32>,
        %parallel_loop3A_1469 = vector.shape_cast %parallel_loop3A_1468 : vector<1x16xf32> to vector<16xf32>
        %parallel_loop3A_1470 = vector.shape_cast %parallel_loop3A_1465 : vector<16xf32> to vector<1x16xf32>
        tpu.vector_store %arg10[%parallel_loop3A_1466, %parallel_loop3A_1467], %parallel_loop3A_1470 {strides = array<i32>} : memref<128x128xf32, #tpu.memory_space<vmem>>, vector<1x16xf32>,
        %parallel_loop3A_1471 = arith.index_cast %parallel_loop3A_1430 : i32 to index
        %parallel_loop3A_1472 = arith.constant 64 : index
        %parallel_loop3A_1473 = tpu.vector_load %arg9[%parallel_loop3A_1471, %parallel_loop3A_1472] {strides = array<i32>} : memref<128x128xf32, #tpu.memory_space<vmem>>, vector<1x16xf32>,
        %parallel_loop3A_1474 = vector.shape_cast %parallel_loop3A_1473 : vector<1x16xf32> to vector<16xf32>
        %parallel_loop3A_1475 = arith.mulf %parallel_loop3A_1474, %parallel_loop3A_1426 : vector<16xf32>
        %parallel_loop3A_1476 = arith.index_cast %parallel_loop3A_1430 : i32 to index
        %parallel_loop3A_1477 = arith.constant 64 : index
        %parallel_loop3A_1478 = tpu.vector_load %arg10[%parallel_loop3A_1476, %parallel_loop3A_1477] {strides = array<i32>} : memref<128x128xf32, #tpu.memory_space<vmem>>, vector<1x16xf32>,
        %parallel_loop3A_1479 = vector.shape_cast %parallel_loop3A_1478 : vector<1x16xf32> to vector<16xf32>
        %parallel_loop3A_1480 = vector.shape_cast %parallel_loop3A_1475 : vector<16xf32> to vector<1x16xf32>
        tpu.vector_store %arg10[%parallel_loop3A_1476, %parallel_loop3A_1477], %parallel_loop3A_1480 {strides = array<i32>} : memref<128x128xf32, #tpu.memory_space<vmem>>, vector<1x16xf32>,
        %parallel_loop3A_1481 = arith.index_cast %parallel_loop3A_1430 : i32 to index
        %parallel_loop3A_1482 = arith.constant 80 : index
        %parallel_loop3A_1483 = tpu.vector_load %arg9[%parallel_loop3A_1481, %parallel_loop3A_1482] {strides = array<i32>} : memref<128x128xf32, #tpu.memory_space<vmem>>, vector<1x16xf32>,
        %parallel_loop3A_1484 = vector.shape_cast %parallel_loop3A_1483 : vector<1x16xf32> to vector<16xf32>
        %parallel_loop3A_1485 = arith.mulf %parallel_loop3A_1484, %parallel_loop3A_1426 : vector<16xf32>
        %parallel_loop3A_1486 = arith.index_cast %parallel_loop3A_1430 : i32 to index
        %parallel_loop3A_1487 = arith.constant 80 : index
        %parallel_loop3A_1488 = tpu.vector_load %arg10[%parallel_loop3A_1486, %parallel_loop3A_1487] {strides = array<i32>} : memref<128x128xf32, #tpu.memory_space<vmem>>, vector<1x16xf32>,
        %parallel_loop3A_1489 = vector.shape_cast %parallel_loop3A_1488 : vector<1x16xf32> to vector<16xf32>
        %parallel_loop3A_1490 = vector.shape_cast %parallel_loop3A_1485 : vector<16xf32> to vector<1x16xf32>
        tpu.vector_store %arg10[%parallel_loop3A_1486, %parallel_loop3A_1487], %parallel_loop3A_1490 {strides = array<i32>} : memref<128x128xf32, #tpu.memory_space<vmem>>, vector<1x16xf32>,
        %parallel_loop3A_1491 = arith.index_cast %parallel_loop3A_1430 : i32 to index
        %parallel_loop3A_1492 = arith.constant 96 : index
        %parallel_loop3A_1493 = tpu.vector_load %arg9[%parallel_loop3A_1491, %parallel_loop3A_1492] {strides = array<i32>} : memref<128x128xf32, #tpu.memory_space<vmem>>, vector<1x16xf32>,
        %parallel_loop3A_1494 = vector.shape_cast %parallel_loop3A_1493 : vector<1x16xf32> to vector<16xf32>
        %parallel_loop3A_1495 = arith.mulf %parallel_loop3A_1494, %parallel_loop3A_1426 : vector<16xf32>
        %parallel_loop3A_1496 = arith.index_cast %parallel_loop3A_1430 : i32 to index
        %parallel_loop3A_1497 = arith.constant 96 : index
        %parallel_loop3A_1498 = tpu.vector_load %arg10[%parallel_loop3A_1496, %parallel_loop3A_1497] {strides = array<i32>} : memref<128x128xf32, #tpu.memory_space<vmem>>, vector<1x16xf32>,
        %parallel_loop3A_1499 = vector.shape_cast %parallel_loop3A_1498 : vector<1x16xf32> to vector<16xf32>
        %parallel_loop3A_1500 = vector.shape_cast %parallel_loop3A_1495 : vector<16xf32> to vector<1x16xf32>
        tpu.vector_store %arg10[%parallel_loop3A_1496, %parallel_loop3A_1497], %parallel_loop3A_1500 {strides = array<i32>} : memref<128x128xf32, #tpu.memory_space<vmem>>, vector<1x16xf32>,
        %parallel_loop3A_1501 = arith.index_cast %parallel_loop3A_1430 : i32 to index
        %parallel_loop3A_1502 = arith.constant 112 : index
        %parallel_loop3A_1503 = tpu.vector_load %arg9[%parallel_loop3A_1501, %parallel_loop3A_1502] {strides = array<i32>} : memref<128x128xf32, #tpu.memory_space<vmem>>, vector<1x16xf32>,
        %parallel_loop3A_1504 = vector.shape_cast %parallel_loop3A_1503 : vector<1x16xf32> to vector<16xf32>
        %parallel_loop3A_1505 = arith.mulf %parallel_loop3A_1504, %parallel_loop3A_1426 : vector<16xf32>
        %parallel_loop3A_1506 = arith.index_cast %parallel_loop3A_1430 : i32 to index
        %parallel_loop3A_1507 = arith.constant 112 : index
        %parallel_loop3A_1508 = tpu.vector_load %arg10[%parallel_loop3A_1506, %parallel_loop3A_1507] {strides = array<i32>} : memref<128x128xf32, #tpu.memory_space<vmem>>, vector<1x16xf32>,
        %parallel_loop3A_1509 = vector.shape_cast %parallel_loop3A_1508 : vector<1x16xf32> to vector<16xf32>
        %parallel_loop3A_1510 = vector.shape_cast %parallel_loop3A_1505 : vector<16xf32> to vector<1x16xf32>
        tpu.vector_store %arg10[%parallel_loop3A_1506, %parallel_loop3A_1507], %parallel_loop3A_1510 {strides = array<i32>} : memref<128x128xf32, #tpu.memory_space<vmem>>, vector<1x16xf32>,
      } {sc.loop_unroll_factor = 1 : i64, sc.parallel_access}
      %run_scoped3A_98 = arith.constant 1 : i32
      "tpu.region"() ({
        %run_scoped3A_110 = tpu.sem_alloc : memref<!tpu.dma_semaphore, #tpu.memory_space<semaphore_mem>>
        %dma_start3A_111 = arith.constant 0 : i32
        %dma_start3A_112 = tpu.memref_slice %arg7[%run_scoped3A_98, %dma_start3A_111] : memref<3x128xi32, #tpu.memory_space<vmem>> -> memref<1x128xi32, #tpu.memory_space<vmem>>
        %dma_start3A_113 = tpu.memref_squeeze %dma_start3A_112 : memref<1x128xi32, #tpu.memory_space<vmem>> -> memref<128xi32, #tpu.memory_space<vmem>>
        %dma_start3A_114 = arith.constant 0 : i32
        %dma_start3A_115 = arith.constant 0 : i32
        %dma_start3A_116 = tpu.memref_slice %arg11[%dma_start3A_114, %dma_start3A_115] : memref<10000x128xf32, #tpu.memory_space<vmem_shared>> -> memref<10000x128xf32, #tpu.memory_space<vmem_shared>>
        tpu.enqueue_indirect_dma source(%arg10 : memref<128x128xf32, #tpu.memory_space<vmem>>) target(%dma_start3A_116 : memref<10000x128xf32, #tpu.memory_space<vmem_shared>>) offsets(%dma_start3A_113 : memref<128xi32, #tpu.memory_space<vmem>>) semaphore(%run_scoped3A_110 : memref<!tpu.dma_semaphore, #tpu.memory_space<semaphore_mem>>) {add = true}
        %dma_wait3A_117 = arith.constant 0 : i32
        %dma_wait3A_118 = tpu.memref_slice %arg7[%run_scoped3A_98, %dma_wait3A_117] : memref<3x128xi32, #tpu.memory_space<vmem>> -> memref<1x128xi32, #tpu.memory_space<vmem>>
        %dma_wait3A_119 = tpu.memref_squeeze %dma_wait3A_118 : memref<1x128xi32, #tpu.memory_space<vmem>> -> memref<128xi32, #tpu.memory_space<vmem>>
        %dma_wait3A_120 = arith.constant 0 : i32
        %dma_wait3A_121 = arith.constant 0 : i32
        %dma_wait3A_122 = tpu.memref_slice %arg11[%dma_wait3A_120, %dma_wait3A_121] : memref<10000x128xf32, #tpu.memory_space<vmem_shared>> -> memref<10000x128xf32, #tpu.memory_space<vmem_shared>>
        tpu.wait_indirect_dma semaphore(%run_scoped3A_110 : memref<!tpu.dma_semaphore, #tpu.memory_space<semaphore_mem>>) src(%arg10 : memref<128x128xf32, #tpu.memory_space<vmem>>) dst(%dma_wait3A_122 : memref<10000x128xf32, #tpu.memory_space<vmem_shared>>)
        tpu.yield
      }) : () -> ()
      %mul3A_99 = arith.constant 2 : i32
      %mul3A_100 = arith.muli %scan3A_41, %mul3A_99 : i32
      %add3A_101 = arith.constant 1 : i32
      %add3A_102 = arith.addi %mul3A_100, %add3A_101 : i32
      %add3A_103 = arith.constant 2 : i32
      %add3A_104 = arith.addi %add3A_102, %add3A_103 : i32
      %lt3A_105 = arith.constant 158 : i32
      %lt3A_106 = arith.cmpi slt, %add3A_104, %lt3A_105 : i32
      %convert_element_type3A_107 = arith.extui %lt3A_106 : i1 to i32
      %cond3A_108 = arith.constant 0 : i32
      %cond3A_109 = arith.cmpi ne, %convert_element_type3A_107, %cond3A_108 : i32
      scf.if %cond3A_109 {
        %add3A_110 = arith.constant 2 : i32
        %add3A_111 = arith.addi %add3A_76, %add3A_110 : i32
        %dma_start3A_112 = arith.constant 0 : i32
        %dma_start3A_113 = arith.constant 0 : i32
        %dma_start3A_114 = tpu.memref_slice %arg3[%arg0, %arg1, %add3A_111, %dma_start3A_112, %dma_start3A_113] : memref<2x16x158x3x128xi32, #tpu.memory_space<hbm>> -> memref<1x1x1x3x128xi32, #tpu.memory_space<hbm>>
        %dma_start3A_115 = tpu.memref_squeeze %dma_start3A_114 : memref<1x1x1x3x128xi32, #tpu.memory_space<hbm>> -> memref<3x128xi32, #tpu.memory_space<hbm>>
        %dma_start3A_116 = arith.constant 0 : i32
        %dma_start3A_117 = arith.constant 0 : i32
        %dma_start3A_118 = tpu.memref_slice %arg3[%arg0, %arg1, %add3A_111, %dma_start3A_116, %dma_start3A_117] : memref<2x16x158x3x128xi32, #tpu.memory_space<hbm>> -> memref<1x1x1x3x128xi32, #tpu.memory_space<hbm>>
        %dma_start3A_119 = tpu.memref_squeeze %dma_start3A_118 : memref<1x1x1x3x128xi32, #tpu.memory_space<hbm>> -> memref<3x128xi32, #tpu.memory_space<hbm>>
        tpu.enqueue_dma source(%dma_start3A_119 : memref<3x128xi32, #tpu.memory_space<hbm>>) target(%arg7 : memref<3x128xi32, #tpu.memory_space<vmem>>) target_semaphore(%arg13 : memref<!tpu.dma_semaphore, #tpu.memory_space<semaphore_mem>>)
      } else {
      }
    }
    %scan3A_37 = arith.constant 79 : i32
    %barrier3A_38 = arith.constant 0 : index
    tpu.barrier barrier_id(%barrier3A_38)
    %mul3A_39 = arith.constant 625 : i32
    %mul3A_40 = arith.muli %arg1, %mul3A_39 : i32
    "tpu.region"() ({
      %run_scoped3A = tpu.sem_alloc : memref<!tpu.dma_semaphore, #tpu.memory_space<semaphore_mem>>
      %dma_start3A_41 = arith.constant 0 : i32
      %dma_start3A_42 = arith.constant 0 : i32
      %dma_start3A_43 = tpu.memref_slice %arg5[%arg0, %arg1, %dma_start3A_41, %dma_start3A_42] : memref<2x16x625x128xf32, #tpu.memory_space<hbm>> -> memref<1x1x625x128xf32, #tpu.memory_space<hbm>>
      %dma_start3A_44 = tpu.memref_squeeze %dma_start3A_43 : memref<1x1x625x128xf32, #tpu.memory_space<hbm>> -> memref<625x128xf32, #tpu.memory_space<hbm>>
      %dma_start3A_45 = arith.constant 0 : i32
      %dma_start3A_46 = tpu.memref_slice %arg11[%mul3A_40, %dma_start3A_45] : memref<10000x128xf32, #tpu.memory_space<vmem_shared>> -> memref<625x128xf32, #tpu.memory_space<vmem_shared>>
      tpu.enqueue_dma source(%dma_start3A_46 : memref<625x128xf32, #tpu.memory_space<vmem_shared>>) target(%dma_start3A_44 : memref<625x128xf32, #tpu.memory_space<hbm>>) target_semaphore(%run_scoped3A : memref<!tpu.dma_semaphore, #tpu.memory_space<semaphore_mem>>)
      %dma_wait3A_47 = arith.constant 0 : i32
      %dma_wait3A_48 = arith.constant 0 : i32
      %dma_wait3A_49 = tpu.memref_slice %arg5[%arg0, %arg1, %dma_wait3A_47, %dma_wait3A_48] : memref<2x16x625x128xf32, #tpu.memory_space<hbm>> -> memref<1x1x625x128xf32, #tpu.memory_space<hbm>>
      %dma_wait3A_50 = tpu.memref_squeeze %dma_wait3A_49 : memref<1x1x625x128xf32, #tpu.memory_space<hbm>> -> memref<625x128xf32, #tpu.memory_space<hbm>>
      %dma_wait3A_51 = arith.constant 0 : i32
      %dma_wait3A_52 = tpu.memref_slice %arg11[%mul3A_40, %dma_wait3A_51] : memref<10000x128xf32, #tpu.memory_space<vmem_shared>> -> memref<625x128xf32, #tpu.memory_space<vmem_shared>>
      tpu.wait_dma2 semaphore(%run_scoped3A : memref<!tpu.dma_semaphore, #tpu.memory_space<semaphore_mem>>) src(%dma_wait3A_52 : memref<625x128xf32, #tpu.memory_space<vmem_shared>>) dst(%dma_wait3A_50 : memref<625x128xf32, #tpu.memory_space<hbm>>)
      tpu.yield
    }) : () -> ()
    return
  }
}

</mosaic_0001>

<sc_bundles>
// kernel: kernel.3.cloned.1.call-start
scs
__scs_entry_jumppad:
0x0: {  	(pc) =	sbr.rel $0x88, $3  }
0x1: {  	(tag) =	ssettag $0x0;
	lr =	simm.s32 $0x1  }
0x2: {  	[smem:$0x3F9B] =	sst lr;
	_ =	strace $0xD0000000  }
0x3: {  	_ = 	snop  }
0x4: {  	_ = 	snop  }
0x5: {  	_ = 	snop  }
0x6: {  	_ = 	snop  }
0x7: {  	_ = 	snop  }
__scs_overlays_trampoline_lowered:
0x8: {  	[smem:$0x3FAA] =	sst s0  }
0x9: {  	[smem:$0x3FAB] =	sst s1  }
0xa: {  	[smem:$0x3FAC] =	sst s2  }
0xb: {  	[smem:$0x3FAD] =	sst s3  }
0xc: {  	[smem:$0x3FAE] =	sst s4  }
0xd: {  	[smem:$0x3FAF] =	sst s5  }
0xe: {  	[smem:$0x3FB0] =	sst s6  }
0xf: {  	[smem:$0x3FB1] =	sst s7  }
0x10: {  	[smem:$0x3FB2] =	sst s8  }
0x11: {  	[smem:$0x3FB3] =	sst s9;
	s0 =	simm.s32 @!p0 $0x0  }
0x12: {  	s1 =	sld [smem:$0x3F99];
	s0 =	simm.s32 @p0 $0x1  }
0x13: {  	[smem:$0x3FB4] =	sst s0;
	s0 =	simm.s32 @!p1 $0x0  }
0x14: {  	s2 =	sld [smem:$0x3F98];
	s0 =	simm.s32 @p1 $0x1  }
0x15: {  	[smem:$0x3FB5] =	sst s0;
	s0 =	simm.s32 @!p2 $0x0  }
0x16: {  	s3 =	sld [smem:$0x3FDB];
	s0 =	simm.s32 @p2 $0x1  }
0x17: {  	s4 =	simm.s32 $0x1BF5;
	[smem:$0x3FB7] =	sst s0  }
0x18: {  	s0 =	sld [smem:$0x3F9A];
	_ =	swait.ge [sflag:s4], $0x0  }
0x19: {  	s7 =	sld [smem:$0x3F9B]  }
0x1a: {  	s8 =	sadd.s32 $0xFFFFE003, lr  }
0x1b: {  	s9 =	sadd.s32 $0xFFFFFEF7, lr;
	s5 =	simm.s32 $0xFFFFFFFF;
	p2 =	slt.u32 s8, $0xFFFFF086  }
0x1c: {  	p1 =	slt.u32 s9, $0xF7A;
	s5 =	simm.s32 @!p2 $0x0  }
0x1d: {  	s5 =	simm.s32 @p1 $0x1;
	p0 =	seq.s32 s7, s2  }
0x1e: {  	s7 =	smul.u32 @!p0 $0xF7A, s2;
	p2 =	seq.s32 @!p0 s5, $0x0  }
0x1f: {  	s9 =	smul.u32 $0xF7A, s1;
	s8 =	simm.s32 @!p0 $0x1BF5;
	p2 =	por !p2, p0  }
0x20: {  	[sflag:s8] =	ssyncset.s32 @!p0 $0xFFFFF086;
	s6 =	sadd.s32 @!p0 s3, s7;
	s7 =	simm.s32 @!p0 $0x108  }
0x21: {  	s3 =	sadd.s32 s3, s9;
	s6 =	sadd.s32 @!p0 $0x88, s6;
	s7 =	simm.s32 @p2 $0x1082  }
0x22: {  	[simem:s7], [sflag:s8] =	dma.local @!p0 [hbm:s6], $0xF7A  }
0x23: {  	s9 =	sor.u32 $0xD0000000, s2;
	s6 =	simm.s32 $0x108;
	_ =	swait.ge @!p0 [sflag:s8], $0x0  }
0x24: {  	s3 =	sadd.s32 $0x88, s3;
	s6 =	simm.s32 @!p1 $0x1082;
	[sflag:s4] =	ssyncset.s32 $0xFFFFF086  }
0x25: {  	[simem:s6], [sflag:s4] =	dma.local [hbm:s3], $0xF7A  }
0x26: {  	[smem:$0x3F9B] =	sst s1;
	(tag) =	ssettag s2;
	_ =	strace s9  }
0x27: {  	s1 =	sld [smem:$0x3FAB]  }
0x28: {  	s2 =	sld [smem:$0x3FAC]  }
0x29: {  	s4 =	sld [smem:$0x3FAE]  }
0x2a: {  	p0 =	seq.s32 s5, $0x0;
	s5 =	sld [smem:$0x3FAF]  }
0x2b: {  	s6 =	sld [smem:$0x3FB0]  }
0x2c: {  	s7 =	sld [smem:$0x3FB1]  }
0x2d: {  	s3 =	simm.s32 $0x108;
	s8 =	sld [smem:$0x3FB2]  }
0x2e: {  	s3 =	simm.s32 @!p0 $0x1082;
	s9 =	sld [smem:$0x3FB3]  }
0x2f: {  	lr =	sadd.s32 s0, s3;
	s0 =	sld [smem:$0x3FAA]  }
0x30: {  	s3 =	sld [smem:$0x3FAD]  }
0x31: {  	[smem:$0x3FB6] =	sst s10  }
0x32: {  	s10 =	sld [smem:$0x3FB4];
	_ =	sdelay $0x3  }
0x33: {  	p0 =	seq.s32 s10, $0x1;
	s10 =	sld [smem:$0x3FB6];
	_ =	sdelay $0x3  }
0x34: {  	[smem:$0x3FB6] =	sst s10  }
0x35: {  	s10 =	sld [smem:$0x3FB5];
	_ =	sdelay $0x3  }
0x36: {  	p1 =	seq.s32 s10, $0x1;
	s10 =	sld [smem:$0x3FB6];
	_ =	sdelay $0x3  }
0x37: {  	[smem:$0x3FB6] =	sst s10  }
0x38: {  	s10 =	sld [smem:$0x3FB7]  }
0x39: {  	_ = 	snop;
	(pc) =	sbr.ind lr, $3  }
0x3a: {  	_ = 	snop  }
0x3b: {  	_ = 	snop  }
0x3c: {  	p2 =	seq.s32 s10, $0x1;
	s10 =	sld [smem:$0x3FB6]  }
0x3d: {  	_ =	shalt  }
0x3e: {  	_ =	shalt  }
0x3f: {  	_ =	shalt  }
0x40: {  	_ =	shalt  }
0x41: {  	_ =	shalt  }
0x42: {  	_ =	shalt  }
0x43: {  	_ =	shalt  }
0x44: {  	_ =	shalt  }
0x45: {  	_ =	shalt  }
0x46: {  	_ =	shalt  }
0x47: {  	_ =	shalt  }
0x48: {  	_ =	shalt  }
0x49: {  	_ =	shalt  }
0x4a: {  	_ =	shalt  }
0x4b: {  	_ =	shalt  }
0x4c: {  	_ =	shalt  }
0x4d: {  	_ =	shalt  }
0x4e: {  	_ =	shalt  }
0x4f: {  	_ =	shalt  }
0x50: {  	_ =	shalt  }
0x51: {  	_ =	shalt  }
0x52: {  	_ =	shalt  }
0x53: {  	_ =	shalt  }
0x54: {  	_ =	shalt  }
0x55: {  	_ =	shalt  }
0x56: {  	_ =	shalt  }
0x57: {  	_ =	shalt  }
0x58: {  	_ =	shalt  }
0x59: {  	_ =	shalt  }
0x5a: {  	_ =	shalt  }
0x5b: {  	_ =	shalt  }
0x5c: {  	_ =	shalt  }
0x5d: {  	_ =	shalt  }
0x5e: {  	_ =	shalt  }
0x5f: {  	_ =	shalt  }
0x60: {  	_ =	shalt  }
0x61: {  	_ =	shalt  }
0x62: {  	_ =	shalt  }
0x63: {  	_ =	shalt  }
0x64: {  	_ =	shalt  }
0x65: {  	_ =	shalt  }
0x66: {  	_ =	shalt  }
0x67: {  	_ =	shalt  }
0x68: {  	_ =	shalt  }
0x69: {  	_ =	shalt  }
0x6a: {  	_ =	shalt  }
0x6b: {  	_ =	shalt  }
0x6c: {  	_ =	shalt  }
0x6d: {  	_ =	shalt  }
0x6e: {  	_ =	shalt  }
0x6f: {  	_ =	shalt  }
0x70: {  	_ =	shalt  }
0x71: {  	_ =	shalt  }
0x72: {  	_ =	shalt  }
0x73: {  	_ =	shalt  }
0x74: {  	_ =	shalt  }
0x75: {  	_ =	shalt  }
0x76: {  	_ =	shalt  }
0x77: {  	_ =	shalt  }
0x78: {  	_ =	shalt  }
0x79: {  	_ =	shalt  }
0x7a: {  	_ =	shalt  }
0x7b: {  	_ =	shalt  }
0x7c: {  	_ =	shalt  }
0x7d: {  	_ =	shalt  }
0x7e: {  	_ =	shalt  }
0x7f: {  	_ =	shalt  }
0x80: {  	_ =	shalt  }
0x81: {  	_ =	shalt  }
0x82: {  	_ =	shalt  }
0x83: {  	_ =	shalt  }
0x84: {  	_ =	shalt  }
0x85: {  	_ =	shalt  }
0x86: {  	_ =	shalt  }
0x87: {  	_ =	shalt  }
.Lfunc_end0:
.L_simem_size_0:
called_computation_lowered:
.L_overlay_start_0:
0x88: {  	s2 =	sld [smem:$0x3FD9]  }
0x89: {  	s3 =	sld [smem:$0x3FFE];
	_ =	sdelay $0x1  }
0x8a: {  	s1 =	srdreg.scid  }
0x8b: {  	s0 =	sand.u32 $0x1, s1  }
0x8c: {  	s14 =	sshll.u32 s0, $0xA;
	s2 =	sadd.s32 s3, s2  }
0x8d: {  	s2 =	sadd.s32 s2, s14  }
0x8e: {  	[smem:$0x3FC2] =	sst s2  }
0x8f: {  	_ = 	snop  }
0x90: {  	s2 =	sld [smem:$0x3FD0];
	_ =	sdelay $0x2  }
0x91: {  	s15 =	simm.s32 $0xA;
	s4 =	simm.s32 $0x10  }
0x92: {  	[smem:s4], [sflag:s15] =	dma.local [hbm:s2], $0x1  }
0x93: {  	_ =	swait.eq [sflag:s15], $0x1  }
0x94: {  	[sflag:s15] =	ssyncset.done $0x0  }
0x95: {  	[sflag:s15] =	ssyncadd.s32 $0xFFFFFFFF  }
0x96: {  	s16 =	sld [smem:$0x11];
	(tm) =	ssettm $0x1  }
0x97: {  	s17 =	sld [smem:$0x3FFB];
	_ =	sdelay $0x3  }
0x98: {  	_ =	strace s17  }
0x99: {  	s3 =	sld [smem:$0x3FFC];
	_ =	sdelay $0x3  }
0x9a: {  	_ =	strace s3  }
0x9b: {  	s3 =	sld [smem:$0x3FFD];
	_ =	sdelay $0x3  }
0x9c: {  	_ =	strace s3  }
0x9d: {  	_ =	strace $0x8FFFFFFF  }
0x9e: {  	s18 =	sld [smem:$0x3FDB];
	_ =	sdelay $0x1  }
0x9f: {  	s19 =	simm.s32 $_scs_section_size  }
0xa0: {  	s5 =	simm.s32 $_size__tile_overlayer_lowered;
	s6 =	simm.s32 $_tile_overlayer_lowered  }
0xa1: {  	s22 =	simm.s32 $0x1BFF;
	s21 =	sshll.u32 s6, $0x1;
	s3 =	sadd.s32 s19, s18  }
0xa2: {  	s7 =	simm.s32 $0x0;
	s20 =	sshll.u32 s5, $0x1;
	s5 =	sadd.s32 s21, s3  }
0xa3: {  	[timem:s7], [sflag:s22] =	dma.local [hbm:s5], s20  }
0xa4: {  	_ =	swait.ge [sflag:s22], s20  }
0xa5: {  	s4 =	ssub.s32 $0x0, s20;
	[sflag:s22] =	ssyncset.done $0x0  }
0xa6: {  	[sflag:s22] =	ssyncadd.s32 s4;
	_ =	sdelay $0x1  }
0xa7: {  	s23 =	simm.s32 $0x1B8B  }
0xa8: {  	_ =	swait.ge [sflag:s23], $0x1  }
0xa9: {  	[sflag:s23] =	ssyncset.done $0x0  }
0xaa: {  	s25 =	simm.s32 $0x1B8E;
	s24 =	sld [smem:$0x3FFE];
	[sflag:s23] =	ssyncadd.s32 $0xFFFFFFFF  }
0xab: {  	s26 =	simm.s32 $execute0_lowered;
	[smem:$0x3FD2] =	sst s25  }
0xac: {  	s5 =	sshll.u32 s26, $0x1;
	_ =	strace $0x80000046;
	[dreg:$0x1] =	wrdreg $0xFFFFFFFF  }
0xad: {  	s28 =	simm.s32 $_size_execute0_lowered;
	s3 =	sadd.s32 s3, s5;
	[dreg:$0x0] =	wrdreg $0x0  }
0xae: {  	s5 =	sshll.u32 s28, $0x1;
	[dreg:$0x2] =	wrdreg s3  }
0xaf: {  	[dreg:$0x3] =	wrdreg s5  }
0xb0: {  	[dreg:$0x4] =	wrdreg $0xC0  }
0xb1: {  	_ =	task [dreg:s7], $0x5FFFF  }
0xb2: {  	[dreg:$0x1] =	wrdreg $0xFFFFFFFF  }
0xb3: {  	[dreg:$0x0] =	wrdreg $0x60  }
0xb4: {  	[dreg:$0x2] =	wrdreg s24  }
0xb5: {  	[dreg:$0x3] =	wrdreg s16  }
0xb6: {  	[dreg:$0x4] =	wrdreg $0xC3000  }
0xb7: {  	[dreg:$0x5] =	wrdreg $0x9  }
0xb8: {  	_ =	task.clear_ibuf [dreg:s7], $0x6FFFF;
	_ =	strace $0x90000046  }
0xb9: {  	s29 =	simm.s32 $0x9;
	_ =	strace $0x80000048  }
0xba: {  	_ =	swait.ge [sflag:s29], $0x1  }
0xbb: {  	[sflag:s29] =	ssyncadd.s32 $0xFFFFFFFF  }
0xbc: {  	_ =	strace $0x90000048  }
0xbd: {  	_ =	sfence  }
0xbe: {  	s30 =	sld [smem:$0x0];
	_ =	sdelay $0x2  }
0xbf: {  	s31 =	sshll.u32 s1, $0xD;
	s1 =	sshrl.u32 s1, $0x2  }
0xc0: {  	s3 =	sand.u32 $0x4000, s31;
	s1 =	sadd.s32 s1, s30  }
0xc1: {  	s0 =	sor.u32 s3, s0;
	s1 =	sshll.u32 s1, $0x11  }
0xc2: {  	s0 =	sor.u32 s1, s0  }
0xc3: {  	s0 =	sadd.s32 $0x8F2B, s0  }
0xc4: {  	[sflag:s0] =	ssyncadd.remote.s32 $0x1  }
0xc5: {  	_ =	sfence.sel $0xFFFF  }
0xc6: {  	[dreg:$0x0] =	wrdreg $0xFFFFFFFF;
	(pc) =	sbr.abs _section_cstart, $3  }
0xc7: {  	[dreg:$0x1] =	wrdreg $0xFFFFFFFF  }
0xc8: {  	_ =	task.clear_ibuf [dreg:s7], $0x2FFFF;
	_ =	strace $0x9FFFFFFF  }
0xc9: {  	(tm) =	ssettm $0x7FFFFFFF  }
tec
execute0_lowered:
.L_overlay_start_1:
0x0: {  	(tag) =	ssettag $0x1  }
0x1: {  	s0 =	rddreg [dreg:$0x0]  }
0x2: {  	s1 =	rddreg [dreg:$0x1]  }
0x3: {  	s2 =	rddreg [dreg:$0x2]  }
0x4: {  	s4 =	simm.s32 $0x0;
	s3 =	srdreg.scid;
	s13 =	stileid.u32  }
0x5: {  	s15 =	simm.s32 $0x5;
	s16 =	simm.s32 $0x180;
	s17 =	simm.s32 $0x1  }
0x6: {  	s18 =	simm.s32 $0x80;
	s19 =	simm.s32 $0x300;
	s20 =	simm.s32 $0x2  }
0x7: {  	s21 =	simm.s32 $0x4300;
	s22 =	simm.s32 $0x3;
	s23 =	simm.s32 $0x8300  }
0x8: {  	s24 =	simm.s32 $0x4;
	s25 =	simm.s32 $0x200;
	s8 =	smul.u32 $0x13880, s13  }
0x9: {  	s26 =	simm.s32 $0x0;
	[smem:$0x7FF] =	sst s4;
	s29 =	smul.u32 $0xED00, s13  }
0xa: {  	s3 =	sand.u32 $0x1, s3;
	s5 =	sadd.s32 $0x3BE00, s0;
	s11 =	smul.u32 $0x4E200, s13  }
0xb: {  	s6 =	sadd.s32 $0xA00, s0;
	s31 =	sshll.u32 s13, $0x6;
	s7 =	smul.u32 $0x138800, s3  }
0xc: {  	_ =	strace $0x80000047;
	s9 =	smul.u32 $0xED000, s3;
	s3 =	ssub.s32 $0x2, s3  }
0xd: {  	s10 =	sshrl.u32 s3, $0x1;
	s30 =	sshrl.u32 s11, $0x2;
	s7 =	sadd.s32 s8, s7  }
.Ltmp0:
0xe: {  	s3 =	ssub.s32 s3, s10;
	s12 =	sadd.s32 s29, s9;
	(pc) =	sbr.rel .LBB2_1-.Ltmp0, $4  }
0xf: {  	s14 =	sadd.s32 s30, s2;
	s7 =	sshrl.u32 s7, $0x3;
	s9 =	sshrl.u32 s12, $0x3  }
0x10: {  	s10 =	sadd.s32 $0x300, s12;
	s11 =	sadd.s32 $0x480, s12;
	s13 =	smax.u32 s3, $0x1  }
0x11: {  	s14 =	sshrl.u32 s14, $0x3;
	s0 =	sadd.s32 s7, s0;
	s8 =	sadd.s32 s6, s9  }
0x12: {  	s7 =	sor.u32 $0x1C05, s31;
	s9 =	sadd.s32 $0x30, s8;
	s12 =	sadd.s32 $0x8A000, s0  }
.LBB2_8:
0x13: {  	s26 =	sadd.s32 $0x1, s26  }
0x14: {  	p0 =	sne.s32 s26, s13  }
.Ltmp1:
0x15: {  	[bflag:$0x0] =	sbarrier.arrive $0xFFFF;
	(pc) =	sbr.rel @!p0 .LBB2_9-.Ltmp1, $4  }
0x16: {  	[hbm:s12], [sflag:s7] =	dma.local [spmem:s14], $0x2710  }
0x17: {  	_ =	swait.ge [sflag:s15], $0x2710  }
0x18: {  	[sflag:s15] =	ssyncset.done $0x0  }
0x19: {  	[sflag:s15] =	ssyncadd.s32 $0xFFFFD8F0  }
.LBB2_1:
0x1a: {  	[spmem:s14], [sflag:s7] =	dma.local [hbm:s1], $0x2710  }
0x1b: {  	_ =	swait.ge [sflag:s15], $0x2710  }
0x1c: {  	[sflag:s15] =	ssyncset.done $0x0  }
0x1d: {  	[sflag:s15] =	ssyncadd.s32 $0xFFFFD8F0  }
0x1e: {  	[tilespmem:s4], [sflag:$0x1] =	stream.linear.gather [hbm4b:s8+s4], $0x180, $0x38;
	[tilespmem:$0x1FB80] =	vst v63  }
0x1f: {  	_ = 	snop  }
0x20: {  	[tilespmem:s16], [sflag:$0x2] =	stream.linear.gather [hbm4b:s9+s4], $0x180, $0x38;
	[tilespmem:$0x1FB80] =	vst v63  }
0x21: {  	[bflag:$0x0] =	sbarrier.arrive $0xFFFF  }
0x22: {  	_ =	swait.ge [sflag:s17], $0x180  }
0x23: {  	[sflag:s17] =	ssyncset.done $0x0  }
0x24: {  	s28 =	simm.s32 $0x0;
	[sflag:s17] =	ssyncadd.s32 $0xFFFFFE80  }
0x25: {  	[tilespmem:s19], [sflag:$0x3] =	stream.indirect.gather [hbm4b:s5+s18], $0x80, s4, s18, $0xb8;
	[tilespmem:$0x1FB80] =	vst v63  }
.LBB2_2:
0x26: {  	_ =	swait.ge [sflag:s20], $0x180  }
0x27: {  	[sflag:s20] =	ssyncset.done $0x0  }
0x28: {  	[sflag:s20] =	ssyncadd.s32 $0xFFFFFE80  }
0x29: {  	[tilespmem:s21], [sflag:$0x4] =	stream.indirect.gather [hbm4b:s5+s18], $0x80, s16, s18, $0xb8;
	[tilespmem:$0x1FB80] =	vst v63  }
0x2a: {  	_ =	swait.ge [sflag:s22], $0x4000  }
0x2b: {  	s0 =	simm.s32 $0x0;
	[sflag:s22] =	ssyncset.done $0x0  }
0x2c: {  	s0 =	sand.u32 $0x3FFFFFF0, s0;
	[sflag:s22] =	ssyncadd.s32 $0xFFFFC000  }
0x2d: {  	s30 =	simm.s32 $0x0;
	v3 =	vld [tilespmem:s0+$0x100]  }
0x2e: {  	v0 =	vld [tilespmem:s30+$0xAF0]  }
0x2f: {  	v2 =	vld [tilespmem:s30+$0x300]  }
0x30: {  	v4 =	vld [tilespmem:s30+$0x310]  }
0x31: {  	v5 =	vld [tilespmem:s30+$0x320]  }
0x32: {  	v6 =	vld [tilespmem:s30+$0x330]  }
0x33: {  	v7 =	vld [tilespmem:s30+$0x340]  }
0x34: {  	v8 =	vld [tilespmem:s30+$0x350]  }
0x35: {  	v9 =	vld [tilespmem:s30+$0x360]  }
0x36: {  	v11 =	vld [tilespmem:s30+$0x380]  }
0x37: {  	v12 =	vld [tilespmem:s30+$0x390]  }
0x38: {  	v16 =	vld [tilespmem:s30+$0x460];
	v1 =	vbroadcast v3, $0xF  }
0x39: {  	v29 =	vld [tilespmem:s30+$0x480];
	v10 =	vbroadcast v3, $0x0  }
0x3a: {  	v13 =	vld [tilespmem:s30+$0x3A0];
	v0 =	vmul.f32 v0, v1  }
0x3b: {  	v14 =	vld [tilespmem:s30+$0x3B0];
	v48 =	vbroadcast v3, $0x2;
	v2 =	vmul.f32 v10, v2  }
0x3c: {  	s29 =	simm.s32 $0x800;
	v15 =	vld [tilespmem:s30+$0x3C0];
	v56 =	vbroadcast v3, $0x3;
	v4 =	vmul.f32 v4, v10;
	[tilespmem:s30+$0x8AF0] =	vst v0  }
0x3d: {  	v17 =	vld [tilespmem:s29+$0xAF0];
	v16 =	vmul.f32 v16, v48;
	[tilespmem:s30+$0x8300] =	vst v2  }
0x3e: {  	v18 =	vld [tilespmem:s29+$0x300];
	v59 =	vmul.f32 v29, v56;
	[tilespmem:s30+$0x8310] =	vst v4  }
0x3f: {  	v0 =	vld [tilespmem:s30+$0x370];
	v2 =	vmul.f32 v5, v10;
	[tilespmem:s30+$0x8460] =	vst v16  }
0x40: {  	v19 =	vld [tilespmem:s29+$0x310];
	v5 =	vmul.f32 v6, v10;
	[tilespmem:s30+$0x8480] =	vst v59  }
0x41: {  	v20 =	vld [tilespmem:s29+$0x320];
	[tilespmem:s30+$0x8320] =	vst v2;
	v2 =	vmul.f32 v7, v10  }
0x42: {  	v21 =	vld [tilespmem:s29+$0x330];
	[tilespmem:s30+$0x8330] =	vst v5;
	v7 =	vmul.f32 v8, v10  }
0x43: {  	v4 =	vld [tilespmem:s30+$0x3D0];
	[tilespmem:s30+$0x8340] =	vst v2;
	v2 =	vmul.f32 v9, v10;
	v9 =	vbroadcast v3, $0x1  }
0x44: {  	v6 =	vld [tilespmem:s30+$0x3E0];
	[tilespmem:s30+$0x8350] =	vst v7;
	v0 =	vmul.f32 v0, v10  }
0x45: {  	v22 =	vld [tilespmem:s29+$0x340];
	[tilespmem:s30+$0x8360] =	vst v2;
	v2 =	vmul.f32 v11, v9  }
0x46: {  	v5 =	vld [tilespmem:s30+$0x3F0];
	v14 =	vmul.f32 v14, v9;
	[tilespmem:s30+$0x8370] =	vst v0  }
0x47: {  	v8 =	vld [tilespmem:s30+$0x400];
	v15 =	vmul.f32 v15, v9;
	[tilespmem:s30+$0x8380] =	vst v2  }
0x48: {  	v7 =	vld [tilespmem:s30+$0x410];
	v4 =	vmul.f32 v4, v9;
	[tilespmem:s30+$0x83B0] =	vst v14  }
0x49: {  	v10 =	vld [tilespmem:s30+$0x420];
	v6 =	vmul.f32 v6, v9;
	[tilespmem:s30+$0x83C0] =	vst v15  }
0x4a: {  	s3 =	simm.s32 $0x10;
	v11 =	vld [tilespmem:s30+$0x430];
	v2 =	vmul.f32 v13, v9;
	[tilespmem:s30+$0x83D0] =	vst v4  }
0x4b: {  	s0 =	sand.u32 $0x3FFFFFF0, s3;
	v0 =	vmul.f32 v12, v9;
	v12 =	vld [tilespmem:s30+$0x440];
	[tilespmem:s30+$0x83E0] =	vst v6  }
0x4c: {  	v5 =	vmul.f32 v5, v9;
	[tilespmem:s30+$0x83A0] =	vst v2;
	v2 =	vld [tilespmem:s0+$0x100]  }
0x4d: {  	v8 =	vmul.f32 v8, v48;
	v13 =	vld [tilespmem:s30+$0x450];
	[tilespmem:s30+$0x8390] =	vst v0  }
0x4e: {  	v23 =	vld [tilespmem:s29+$0x350];
	[tilespmem:s30+$0x83F0] =	vst v5;
	v7 =	vmul.f32 v7, v48  }
0x4f: {  	v24 =	vld [tilespmem:s30+$0x470];
	[tilespmem:s30+$0x8400] =	vst v8;
	v10 =	vmul.f32 v10, v48  }
0x50: {  	v46 =	vld [tilespmem:s29+$0x370];
	[tilespmem:s30+$0x8410] =	vst v7;
	v11 =	vmul.f32 v11, v48  }
0x51: {  	v26 =	vld [tilespmem:s29+$0x380];
	[tilespmem:s30+$0x8420] =	vst v10;
	v12 =	vmul.f32 v12, v48;
	v0 =	vbroadcast v2, $0xF  }
0x52: {  	v27 =	vld [tilespmem:s29+$0x390];
	[tilespmem:s30+$0x8430] =	vst v11;
	v13 =	vmul.f32 v13, v48;
	v25 =	vbroadcast v2, $0x0  }
0x53: {  	v28 =	vld [tilespmem:s29+$0x3A0];
	[tilespmem:s30+$0x8440] =	vst v12;
	v17 =	vmul.f32 v17, v0  }
0x54: {  	v47 =	vld [tilespmem:s30+$0x490];
	[tilespmem:s30+$0x8450] =	vst v13;
	v18 =	vmul.f32 v25, v18  }
0x55: {  	v14 =	vld [tilespmem:s29+$0x360];
	v19 =	vmul.f32 v19, v25;
	[tilespmem:s29+$0x8AF0] =	vst v17  }
0x56: {  	v49 =	vld [tilespmem:s30+$0x4B0];
	v20 =	vmul.f32 v20, v25;
	[tilespmem:s29+$0x8300] =	vst v18  }
0x57: {  	v50 =	vld [tilespmem:s30+$0x4C0];
	v21 =	vmul.f32 v21, v25;
	[tilespmem:s29+$0x8310] =	vst v19  }
0x58: {  	v51 =	vld [tilespmem:s30+$0x4D0];
	v22 =	vmul.f32 v22, v25;
	[tilespmem:s29+$0x8320] =	vst v20  }
0x59: {  	v15 =	vld [tilespmem:s29+$0x3B0];
	v53 =	vbroadcast v2, $0x1;
	v23 =	vmul.f32 v23, v25;
	[tilespmem:s29+$0x8330] =	vst v21  }
0x5a: {  	v4 =	vld [tilespmem:s29+$0x3C0];
	v14 =	vmul.f32 v14, v25;
	[tilespmem:s29+$0x8340] =	vst v22  }
0x5b: {  	v6 =	vld [tilespmem:s29+$0x3D0];
	v26 =	vmul.f32 v26, v53;
	[tilespmem:s29+$0x8350] =	vst v23  }
0x5c: {  	v5 =	vld [tilespmem:s29+$0x3E0];
	v27 =	vmul.f32 v27, v53;
	[tilespmem:s29+$0x8360] =	vst v14  }
0x5d: {  	v8 =	vld [tilespmem:s29+$0x3F0];
	v28 =	vmul.f32 v28, v53;
	[tilespmem:s29+$0x8380] =	vst v26  }
0x5e: {  	v7 =	vld [tilespmem:s29+$0x400];
	v15 =	vmul.f32 v15, v53;
	[tilespmem:s29+$0x8390] =	vst v27  }
0x5f: {  	v10 =	vld [tilespmem:s29+$0x410];
	v4 =	vmul.f32 v4, v53;
	[tilespmem:s29+$0x83A0] =	vst v28  }
0x60: {  	v57 =	vld [tilespmem:s29+$0x450];
	v6 =	vmul.f32 v6, v53;
	[tilespmem:s29+$0x83B0] =	vst v15  }
0x61: {  	v11 =	vld [tilespmem:s29+$0x420];
	v33 =	vbroadcast v2, $0x2;
	v5 =	vmul.f32 v5, v53;
	[tilespmem:s29+$0x83C0] =	vst v4  }
0x62: {  	v52 =	vld [tilespmem:s30+$0x4E0];
	v8 =	vmul.f32 v8, v53;
	[tilespmem:s29+$0x83D0] =	vst v6  }
0x63: {  	v54 =	vld [tilespmem:s30+$0x500];
	v7 =	vmul.f32 v7, v33;
	[tilespmem:s29+$0x83E0] =	vst v5  }
0x64: {  	v55 =	vld [tilespmem:s30+$0x510];
	v10 =	vmul.f32 v10, v33;
	[tilespmem:s29+$0x83F0] =	vst v8  }
0x65: {  	v9 =	vld [tilespmem:s30+$0x4A0];
	v16 =	vmul.f32 v57, v33;
	[tilespmem:s29+$0x8400] =	vst v7  }
0x66: {  	v58 =	vld [tilespmem:s30+$0x520];
	v11 =	vmul.f32 v11, v33;
	[tilespmem:s29+$0x8410] =	vst v10  }
0x67: {  	v60 =	vld [tilespmem:s29+$0x460];
	v17 =	vmul.f32 v46, v25;
	[tilespmem:s29+$0x8450] =	vst v16  }
0x68: {  	v61 =	vld [tilespmem:s30+$0x530];
	v19 =	vmul.f32 v24, v48;
	[tilespmem:s29+$0x8420] =	vst v11  }
0x69: {  	v62 =	vld [tilespmem:s29+$0x470];
	v15 =	vmul.f32 v47, v56;
	[tilespmem:s29+$0x8370] =	vst v17  }
0x6a: {  	v12 =	vld [tilespmem:s29+$0x430];
	v4 =	vmul.f32 v9, v56;
	[tilespmem:s30+$0x8470] =	vst v19  }
0x6b: {  	v63 =	vld [tilespmem:s30+$0x540];
	v6 =	vmul.f32 v49, v56;
	[tilespmem:s30+$0x8490] =	vst v15  }
0x6c: {  	v13 =	vld [tilespmem:s29+$0x440];
	v5 =	vmul.f32 v50, v56;
	[tilespmem:s30+$0x84A0] =	vst v4  }
0x6d: {  	v32 =	vld [tilespmem:s30+$0x560];
	v8 =	vmul.f32 v51, v56;
	[tilespmem:s30+$0x84B0] =	vst v6  }
0x6e: {  	v34 =	vld [tilespmem:s30+$0x570];
	v7 =	vmul.f32 v52, v56;
	[tilespmem:s30+$0x84C0] =	vst v5  }
0x6f: {  	v35 =	vld [tilespmem:s30+$0x580];
	v12 =	vmul.f32 v12, v33;
	[tilespmem:s30+$0x84D0] =	vst v8  }
0x70: {  	v36 =	vld [tilespmem:s30+$0x590];
	v10 =	vbroadcast v3, $0x4;
	v18 =	vmul.f32 v62, v33;
	[tilespmem:s30+$0x84E0] =	vst v7  }
0x71: {  	v37 =	vld [tilespmem:s30+$0x5A0];
	v13 =	vmul.f32 v13, v33;
	[tilespmem:s29+$0x8430] =	vst v12  }
0x72: {  	v38 =	vld [tilespmem:s30+$0x5B0];
	v11 =	vmul.f32 v54, v10;
	[tilespmem:s29+$0x8470] =	vst v18  }
0x73: {  	v45 =	vld [tilespmem:s29+$0x520];
	v12 =	vmul.f32 v55, v10;
	[tilespmem:s29+$0x8440] =	vst v13  }
0x74: {  	v14 =	vld [tilespmem:s30+$0x4F0];
	v19 =	vmul.f32 v60, v33;
	[tilespmem:s30+$0x8500] =	vst v11  }
0x75: {  	v9 =	vld [tilespmem:s29+$0x480];
	v41 =	vmul.f32 v61, v10;
	[tilespmem:s30+$0x8510] =	vst v12  }
0x76: {  	v47 =	vld [tilespmem:s29+$0x530];
	v44 =	vmul.f32 v63, v10;
	v55 =	vbroadcast v2, $0x4;
	[tilespmem:s29+$0x8460] =	vst v19  }
0x77: {  	v15 =	vld [tilespmem:s30+$0x550];
	v13 =	vmul.f32 v58, v10;
	[tilespmem:s30+$0x8530] =	vst v41  }
0x78: {  	v43 =	vbroadcast v2, $0x3;
	v4 =	vld [tilespmem:s29+$0x490];
	[tilespmem:s30+$0x8540] =	vst v44;
	v16 =	vmul.f32 v45, v55  }
0x79: {  	v39 =	vld [tilespmem:s30+$0x5C0];
	v14 =	vmul.f32 v14, v56;
	[tilespmem:s30+$0x8520] =	vst v13  }
0x7a: {  	v6 =	vld [tilespmem:s29+$0x4A0];
	v9 =	vmul.f32 v9, v43;
	[tilespmem:s29+$0x8520] =	vst v16  }
0x7b: {  	v40 =	vld [tilespmem:s30+$0x5D0];
	v18 =	vmul.f32 v47, v55;
	[tilespmem:s30+$0x84F0] =	vst v14  }
0x7c: {  	v5 =	vld [tilespmem:s29+$0x4B0];
	v15 =	vmul.f32 v15, v10;
	[tilespmem:s29+$0x8480] =	vst v9  }
0x7d: {  	v8 =	vld [tilespmem:s29+$0x4C0];
	v4 =	vmul.f32 v4, v43;
	[tilespmem:s29+$0x8530] =	vst v18  }
0x7e: {  	v7 =	vld [tilespmem:s29+$0x4D0];
	v9 =	vmul.f32 v32, v10;
	[tilespmem:s30+$0x8550] =	vst v15  }
0x7f: {  	v33 =	vld [tilespmem:s29+$0x600];
	v6 =	vmul.f32 v6, v43;
	[tilespmem:s29+$0x8490] =	vst v4  }
0x80: {  	v11 =	vld [tilespmem:s29+$0x4F0];
	v10 =	vmul.f32 v34, v10;
	[tilespmem:s30+$0x8560] =	vst v9  }
0x81: {  	v12 =	vld [tilespmem:s29+$0x500];
	v5 =	vmul.f32 v5, v43;
	[tilespmem:s29+$0x84A0] =	vst v6  }
0x82: {  	v45 =	vbroadcast v2, $0x6;
	v13 =	vld [tilespmem:s29+$0x510];
	v8 =	vmul.f32 v8, v43;
	[tilespmem:s30+$0x8570] =	vst v10  }
0x83: {  	v42 =	vld [tilespmem:s30+$0x5E0];
	v7 =	vmul.f32 v7, v43;
	[tilespmem:s29+$0x84B0] =	vst v5  }
0x84: {  	v59 =	vld [tilespmem:s30+$0x6A0];
	v18 =	vmul.f32 v33, v45;
	[tilespmem:s29+$0x84C0] =	vst v8  }
0x85: {  	v53 =	vld [tilespmem:s30+$0x650];
	[tilespmem:s29+$0x84D0] =	vst v7;
	v11 =	vmul.f32 v11, v43  }
0x86: {  	v57 =	vld [tilespmem:s30+$0x680];
	v4 =	vbroadcast v3, $0x5;
	v12 =	vmul.f32 v12, v55;
	[tilespmem:s29+$0x8600] =	vst v18  }
0x87: {  	v46 =	vld [tilespmem:s30+$0x5F0];
	v13 =	vmul.f32 v13, v55;
	[tilespmem:s29+$0x84F0] =	vst v11  }
0x88: {  	v48 =	vld [tilespmem:s30+$0x600];
	v6 =	vmul.f32 v35, v4;
	[tilespmem:s29+$0x8500] =	vst v12  }
0x89: {  	v14 =	vld [tilespmem:s29+$0x4E0];
	v5 =	vmul.f32 v36, v4;
	[tilespmem:s29+$0x8510] =	vst v13  }
0x8a: {  	v63 =	vld [tilespmem:s29+$0x5F0];
	v8 =	vmul.f32 v37, v4;
	[tilespmem:s30+$0x8580] =	vst v6  }
0x8b: {  	v49 =	vld [tilespmem:s30+$0x610];
	v7 =	vmul.f32 v38, v4;
	[tilespmem:s30+$0x8590] =	vst v5  }
0x8c: {  	v50 =	vld [tilespmem:s30+$0x620];
	v11 =	vmul.f32 v40, v4;
	[tilespmem:s30+$0x85A0] =	vst v8  }
0x8d: {  	v51 =	vld [tilespmem:s30+$0x630];
	v12 =	vmul.f32 v42, v4;
	v36 =	vbroadcast v2, $0x5;
	[tilespmem:s30+$0x85B0] =	vst v7  }
0x8e: {  	v15 =	vld [tilespmem:s29+$0x540];
	v14 =	vmul.f32 v14, v43;
	[tilespmem:s30+$0x85D0] =	vst v11  }
0x8f: {  	v52 =	vld [tilespmem:s30+$0x640];
	[tilespmem:s30+$0x85E0] =	vst v12;
	v16 =	vmul.f32 v63, v36  }
0x90: {  	v9 =	vld [tilespmem:s29+$0x550];
	v13 =	vbroadcast v3, $0x6;
	[tilespmem:s29+$0x84E0] =	vst v14;
	v14 =	vmul.f32 v39, v4  }
0x91: {  	v10 =	vld [tilespmem:s29+$0x560];
	v4 =	vmul.f32 v46, v4;
	[tilespmem:s29+$0x85F0] =	vst v16  }
0x92: {  	v54 =	vld [tilespmem:s30+$0x660];
	v60 =	vmul.f32 v48, v13;
	[tilespmem:s30+$0x85C0] =	vst v14  }
0x93: {  	v61 =	vld [tilespmem:s30+$0x6B0];
	v15 =	vmul.f32 v15, v55;
	[tilespmem:s30+$0x85F0] =	vst v4  }
0x94: {  	v58 =	vld [tilespmem:s30+$0x690];
	v62 =	vmul.f32 v49, v13;
	[tilespmem:s30+$0x8600] =	vst v60  }
0x95: {  	v6 =	vld [tilespmem:s29+$0x570];
	v9 =	vmul.f32 v9, v55;
	[tilespmem:s29+$0x8540] =	vst v15  }
0x96: {  	v5 =	vld [tilespmem:s29+$0x580];
	v10 =	vmul.f32 v10, v55;
	[tilespmem:s30+$0x8610] =	vst v62  }
0x97: {  	v8 =	vld [tilespmem:s29+$0x590];
	v15 =	vmul.f32 v50, v13;
	[tilespmem:s29+$0x8550] =	vst v9  }
0x98: {  	v7 =	vld [tilespmem:s29+$0x5A0];
	v9 =	vmul.f32 v51, v13;
	[tilespmem:s29+$0x8560] =	vst v10  }
0x99: {  	v11 =	vld [tilespmem:s29+$0x5C0];
	v10 =	vmul.f32 v52, v13;
	[tilespmem:s30+$0x8620] =	vst v15  }
0x9a: {  	v12 =	vld [tilespmem:s29+$0x5D0];
	v6 =	vmul.f32 v6, v55;
	[tilespmem:s30+$0x8630] =	vst v9  }
0x9b: {  	v41 =	vld [tilespmem:s30+$0x730];
	v5 =	vmul.f32 v5, v36;
	[tilespmem:s30+$0x8640] =	vst v10  }
0x9c: {  	v44 =	vld [tilespmem:s30+$0x760];
	v8 =	vmul.f32 v8, v36;
	[tilespmem:s29+$0x8570] =	vst v6  }
0x9d: {  	v56 =	vld [tilespmem:s30+$0x670];
	v7 =	vmul.f32 v7, v36;
	[tilespmem:s29+$0x8580] =	vst v5  }
0x9e: {  	v14 =	vld [tilespmem:s29+$0x5B0];
	v11 =	vmul.f32 v11, v36;
	[tilespmem:s29+$0x8590] =	vst v8  }
0x9f: {  	v4 =	vld [tilespmem:s29+$0x5E0];
	v12 =	vmul.f32 v12, v36;
	[tilespmem:s29+$0x85A0] =	vst v7  }
0xa0: {  	v32 =	vld [tilespmem:s30+$0x6C0];
	v6 =	vmul.f32 v53, v13;
	[tilespmem:s29+$0x85C0] =	vst v11  }
0xa1: {  	v34 =	vld [tilespmem:s30+$0x6D0];
	v5 =	vmul.f32 v54, v13;
	[tilespmem:s29+$0x85D0] =	vst v12  }
0xa2: {  	v35 =	vld [tilespmem:s30+$0x6E0];
	v13 =	vmul.f32 v56, v13;
	[tilespmem:s30+$0x8650] =	vst v6  }
0xa3: {  	v37 =	vld [tilespmem:s30+$0x6F0];
	v8 =	vbroadcast v3, $0x7;
	v14 =	vmul.f32 v14, v36;
	[tilespmem:s30+$0x8660] =	vst v5  }
0xa4: {  	v38 =	vld [tilespmem:s30+$0x700];
	v4 =	vmul.f32 v4, v36;
	[tilespmem:s30+$0x8670] =	vst v13  }
0xa5: {  	v40 =	vld [tilespmem:s30+$0x720];
	v7 =	vmul.f32 v57, v8;
	[tilespmem:s29+$0x85B0] =	vst v14  }
0xa6: {  	v42 =	vld [tilespmem:s30+$0x740];
	v11 =	vmul.f32 v59, v8;
	[tilespmem:s29+$0x85E0] =	vst v4  }
0xa7: {  	v15 =	vld [tilespmem:s29+$0x610];
	v12 =	vmul.f32 v61, v8;
	[tilespmem:s30+$0x8680] =	vst v7  }
0xa8: {  	v9 =	vld [tilespmem:s29+$0x620];
	v47 =	vmul.f32 v34, v8;
	[tilespmem:s30+$0x86A0] =	vst v11  }
0xa9: {  	v43 =	vld [tilespmem:s30+$0x750];
	v49 =	vmul.f32 v35, v8;
	[tilespmem:s30+$0x86B0] =	vst v12  }
0xaa: {  	v10 =	vld [tilespmem:s29+$0x630];
	v14 =	vmul.f32 v58, v8;
	[tilespmem:s30+$0x86D0] =	vst v47  }
0xab: {  	v50 =	vld [tilespmem:s29+$0x6C0];
	v4 =	vmul.f32 v32, v8;
	[tilespmem:s30+$0x86E0] =	vst v49  }
0xac: {  	v52 =	vld [tilespmem:s29+$0x6D0];
	v15 =	vmul.f32 v15, v45;
	[tilespmem:s30+$0x8690] =	vst v14  }
0xad: {  	v63 =	vld [tilespmem:s30+$0x830];
	v9 =	vmul.f32 v9, v45;
	[tilespmem:s30+$0x86C0] =	vst v4  }
0xae: {  	v6 =	vld [tilespmem:s29+$0x640];
	v8 =	vmul.f32 v37, v8;
	v58 =	vbroadcast v2, $0x7;
	[tilespmem:s29+$0x8610] =	vst v15  }
0xaf: {  	v39 =	vld [tilespmem:s30+$0x710];
	v10 =	vmul.f32 v10, v45;
	[tilespmem:s29+$0x8620] =	vst v9  }
0xb0: {  	v5 =	vld [tilespmem:s29+$0x650];
	v15 =	vbroadcast v3, $0x8;
	[tilespmem:s30+$0x86F0] =	vst v8;
	v16 =	vmul.f32 v50, v58  }
0xb1: {  	v13 =	vld [tilespmem:s29+$0x660];
	[tilespmem:s29+$0x8630] =	vst v10;
	v18 =	vmul.f32 v52, v58  }
0xb2: {  	v46 =	vld [tilespmem:s30+$0x770];
	v9 =	vmul.f32 v38, v15;
	[tilespmem:s29+$0x86C0] =	vst v16  }
0xb3: {  	v48 =	vld [tilespmem:s30+$0x780];
	v6 =	vmul.f32 v6, v45;
	[tilespmem:s29+$0x86D0] =	vst v18  }
0xb4: {  	v7 =	vld [tilespmem:s29+$0x670];
	v10 =	vmul.f32 v39, v15;
	[tilespmem:s30+$0x8700] =	vst v9  }
0xb5: {  	v51 =	vld [tilespmem:s30+$0x790];
	v5 =	vmul.f32 v5, v45;
	[tilespmem:s29+$0x8640] =	vst v6  }
0xb6: {  	v11 =	vld [tilespmem:s29+$0x690];
	v13 =	vmul.f32 v13, v45;
	[tilespmem:s30+$0x8710] =	vst v10  }
0xb7: {  	v12 =	vld [tilespmem:s29+$0x6A0];
	v6 =	vmul.f32 v40, v15;
	[tilespmem:s29+$0x8650] =	vst v5  }
0xb8: {  	v14 =	vld [tilespmem:s29+$0x680];
	v5 =	vmul.f32 v41, v15;
	[tilespmem:s29+$0x8660] =	vst v13  }
0xb9: {  	v4 =	vld [tilespmem:s29+$0x6B0];
	v7 =	vmul.f32 v7, v45;
	[tilespmem:s30+$0x8720] =	vst v6  }
0xba: {  	v8 =	vld [tilespmem:s29+$0x6E0];
	v13 =	vmul.f32 v42, v15;
	[tilespmem:s30+$0x8730] =	vst v5  }
0xbb: {  	v60 =	vld [tilespmem:s30+$0x800];
	v11 =	vmul.f32 v11, v58;
	[tilespmem:s29+$0x8670] =	vst v7  }
0xbc: {  	v62 =	vld [tilespmem:s30+$0x820];
	v12 =	vmul.f32 v12, v58;
	[tilespmem:s30+$0x8740] =	vst v13  }
0xbd: {  	v55 =	vld [tilespmem:s30+$0x7C0];
	v14 =	vmul.f32 v14, v58;
	[tilespmem:s29+$0x8690] =	vst v11  }
0xbe: {  	v53 =	vld [tilespmem:s30+$0x7A0];
	v4 =	vmul.f32 v4, v58;
	[tilespmem:s29+$0x86A0] =	vst v12  }
0xbf: {  	v54 =	vld [tilespmem:s30+$0x7B0];
	v8 =	vmul.f32 v8, v58;
	[tilespmem:s29+$0x8680] =	vst v14  }
0xc0: {  	v56 =	vld [tilespmem:s30+$0x7D0];
	v7 =	vmul.f32 v43, v15;
	[tilespmem:s29+$0x86B0] =	vst v4  }
0xc1: {  	v36 =	vld [tilespmem:s29+$0x790];
	v11 =	vbroadcast v3, $0x9;
	v14 =	vmul.f32 v44, v15;
	[tilespmem:s29+$0x86E0] =	vst v8  }
0xc2: {  	v57 =	vld [tilespmem:s30+$0x7E0];
	v15 =	vmul.f32 v46, v15;
	[tilespmem:s30+$0x8750] =	vst v7  }
0xc3: {  	v9 =	vld [tilespmem:s29+$0x6F0];
	v12 =	vmul.f32 v48, v11;
	[tilespmem:s30+$0x8760] =	vst v14  }
0xc4: {  	v10 =	vld [tilespmem:s29+$0x700];
	v4 =	vmul.f32 v51, v11;
	[tilespmem:s30+$0x8770] =	vst v15  }
0xc5: {  	v41 =	vld [tilespmem:s30+$0x880];
	v33 =	vmul.f32 v53, v11;
	[tilespmem:s30+$0x8780] =	vst v12  }
0xc6: {  	v59 =	vld [tilespmem:s30+$0x7F0];
	v35 =	vmul.f32 v54, v11;
	[tilespmem:s30+$0x8790] =	vst v4  }
0xc7: {  	v38 =	vbroadcast v2, $0x8;
	v39 =	vld [tilespmem:s29+$0x7A0];
	v8 =	vmul.f32 v55, v11;
	[tilespmem:s30+$0x87A0] =	vst v33  }
0xc8: {  	v61 =	vld [tilespmem:s30+$0x810];
	v52 =	vbroadcast v3, $0xB;
	v9 =	vmul.f32 v9, v58;
	[tilespmem:s30+$0x87B0] =	vst v35  }
0xc9: {  	v6 =	vld [tilespmem:s29+$0x710];
	v48 =	vbroadcast v2, $0x9;
	v10 =	vmul.f32 v10, v38;
	[tilespmem:s30+$0x87C0] =	vst v8  }
0xca: {  	v34 =	vld [tilespmem:s30+$0x850];
	v54 =	vmul.f32 v41, v52;
	[tilespmem:s29+$0x86F0] =	vst v9  }
0xcb: {  	v5 =	vld [tilespmem:s29+$0x720];
	v16 =	vmul.f32 v36, v48;
	[tilespmem:s29+$0x8700] =	vst v10  }
0xcc: {  	v32 =	vld [tilespmem:s30+$0x840];
	v17 =	vmul.f32 v39, v48;
	[tilespmem:s30+$0x8880] =	vst v54  }
0xcd: {  	v13 =	vld [tilespmem:s29+$0x730];
	v9 =	vmul.f32 v56, v11;
	[tilespmem:s29+$0x8790] =	vst v16  }
0xce: {  	v49 =	vld [tilespmem:s30+$0x8F0];
	v6 =	vmul.f32 v6, v38;
	[tilespmem:s29+$0x87A0] =	vst v17  }
0xcf: {  	v7 =	vld [tilespmem:s29+$0x740];
	v10 =	vmul.f32 v57, v11;
	[tilespmem:s30+$0x87D0] =	vst v9  }
0xd0: {  	v14 =	vld [tilespmem:s29+$0x750];
	v5 =	vmul.f32 v5, v38;
	[tilespmem:s29+$0x8710] =	vst v6  }
0xd1: {  	v15 =	vld [tilespmem:s29+$0x760];
	v11 =	vmul.f32 v59, v11;
	[tilespmem:s30+$0x87E0] =	vst v10  }
0xd2: {  	v37 =	vld [tilespmem:s30+$0x860];
	v13 =	vmul.f32 v13, v38;
	[tilespmem:s29+$0x8720] =	vst v5  }
0xd3: {  	v47 =	vld [tilespmem:s30+$0x8E0];
	v16 =	vmul.f32 v49, v52;
	[tilespmem:s30+$0x87F0] =	vst v11  }
0xd4: {  	v50 =	vld [tilespmem:s30+$0x900];
	v7 =	vmul.f32 v7, v38;
	[tilespmem:s29+$0x8730] =	vst v13  }
0xd5: {  	v12 =	vld [tilespmem:s29+$0x770];
	v6 =	vbroadcast v3, $0xA;
	v14 =	vmul.f32 v14, v38;
	[tilespmem:s30+$0x88F0] =	vst v16  }
0xd6: {  	v4 =	vld [tilespmem:s29+$0x780];
	v15 =	vmul.f32 v15, v38;
	[tilespmem:s29+$0x8740] =	vst v7  }
0xd7: {  	v8 =	vld [tilespmem:s29+$0x7B0];
	v5 =	vmul.f32 v60, v6;
	[tilespmem:s29+$0x8750] =	vst v14  }
0xd8: {  	v40 =	vld [tilespmem:s30+$0x870];
	v13 =	vmul.f32 v61, v6;
	[tilespmem:s29+$0x8760] =	vst v15  }
0xd9: {  	v42 =	vld [tilespmem:s30+$0x890];
	v7 =	vmul.f32 v62, v6;
	[tilespmem:s30+$0x8800] =	vst v5  }
0xda: {  	v45 =	vld [tilespmem:s30+$0x8C0];
	v12 =	vmul.f32 v12, v38;
	[tilespmem:s30+$0x8810] =	vst v13  }
0xdb: {  	v43 =	vld [tilespmem:s30+$0x8A0];
	v4 =	vmul.f32 v4, v48;
	[tilespmem:s30+$0x8820] =	vst v7  }
0xdc: {  	v44 =	vld [tilespmem:s30+$0x8B0];
	v8 =	vmul.f32 v8, v48;
	[tilespmem:s29+$0x8770] =	vst v12  }
0xdd: {  	v46 =	vld [tilespmem:s30+$0x8D0];
	v14 =	vmul.f32 v63, v6;
	[tilespmem:s29+$0x8780] =	vst v4  }
0xde: {  	v56 =	vld [tilespmem:s29+$0x870];
	v15 =	vmul.f32 v32, v6;
	[tilespmem:s29+$0x87B0] =	vst v8  }
0xdf: {  	v33 =	vld [tilespmem:s29+$0x8E0];
	v12 =	vmul.f32 v34, v6;
	[tilespmem:s30+$0x8830] =	vst v14  }
0xe0: {  	v9 =	vld [tilespmem:s29+$0x7C0];
	v4 =	vmul.f32 v37, v6;
	[tilespmem:s30+$0x8840] =	vst v15  }
0xe1: {  	v10 =	vld [tilespmem:s29+$0x7D0];
	v60 =	vbroadcast v2, $0xA;
	v6 =	vmul.f32 v40, v6;
	[tilespmem:s30+$0x8850] =	vst v12  }
0xe2: {  	v11 =	vld [tilespmem:s29+$0x7E0];
	v38 =	vbroadcast v2, $0xB;
	v8 =	vmul.f32 v42, v52;
	[tilespmem:s30+$0x8860] =	vst v4  }
0xe3: {  	v51 =	vld [tilespmem:s30+$0x910];
	v17 =	vmul.f32 v56, v60;
	[tilespmem:s30+$0x8870] =	vst v6  }
0xe4: {  	v53 =	vld [tilespmem:s30+$0x920];
	v16 =	vmul.f32 v33, v38;
	[tilespmem:s30+$0x8890] =	vst v8  }
0xe5: {  	v55 =	vld [tilespmem:s30+$0x930];
	v9 =	vmul.f32 v9, v48;
	[tilespmem:s29+$0x8870] =	vst v17  }
0xe6: {  	v5 =	vld [tilespmem:s29+$0x7F0];
	v10 =	vmul.f32 v10, v48;
	[tilespmem:s29+$0x88E0] =	vst v16  }
0xe7: {  	v13 =	vld [tilespmem:s29+$0x800];
	v11 =	vmul.f32 v11, v48;
	[tilespmem:s29+$0x87C0] =	vst v9  }
0xe8: {  	v7 =	vld [tilespmem:s29+$0x810];
	v9 =	vmul.f32 v43, v52;
	[tilespmem:s29+$0x87D0] =	vst v10  }
0xe9: {  	v42 =	vld [tilespmem:s29+$0x940];
	v10 =	vmul.f32 v44, v52;
	[tilespmem:s29+$0x87E0] =	vst v11  }
0xea: {  	v14 =	vld [tilespmem:s29+$0x820];
	v11 =	vmul.f32 v45, v52;
	[tilespmem:s30+$0x88A0] =	vst v9  }
0xeb: {  	v15 =	vld [tilespmem:s29+$0x830];
	v5 =	vmul.f32 v5, v48;
	[tilespmem:s30+$0x88B0] =	vst v10  }
0xec: {  	v58 =	vld [tilespmem:s30+$0x950];
	v49 =	vbroadcast v2, $0xC;
	v13 =	vmul.f32 v13, v60;
	[tilespmem:s30+$0x88C0] =	vst v11  }
0xed: {  	v41 =	vld [tilespmem:s30+$0xA00];
	v7 =	vmul.f32 v7, v60;
	[tilespmem:s29+$0x87F0] =	vst v5  }
0xee: {  	v12 =	vld [tilespmem:s29+$0x840];
	v17 =	vmul.f32 v42, v49;
	[tilespmem:s29+$0x8800] =	vst v13  }
0xef: {  	v4 =	vld [tilespmem:s29+$0x850];
	v14 =	vmul.f32 v14, v60;
	[tilespmem:s29+$0x8810] =	vst v7  }
0xf0: {  	v6 =	vld [tilespmem:s29+$0x860];
	v15 =	vmul.f32 v15, v60;
	[tilespmem:s29+$0x8940] =	vst v17  }
0xf1: {  	v8 =	vld [tilespmem:s29+$0x880];
	v5 =	vmul.f32 v46, v52;
	[tilespmem:s29+$0x8820] =	vst v14  }
0xf2: {  	v35 =	vld [tilespmem:s30+$0x9C0];
	v13 =	vmul.f32 v47, v52;
	[tilespmem:s29+$0x8830] =	vst v15  }
0xf3: {  	v36 =	vld [tilespmem:s30+$0x9D0];
	v12 =	vmul.f32 v12, v60;
	[tilespmem:s30+$0x88D0] =	vst v5  }
0xf4: {  	v39 =	vld [tilespmem:s30+$0x9F0];
	v4 =	vmul.f32 v4, v60;
	[tilespmem:s30+$0x88E0] =	vst v13  }
0xf5: {  	v57 =	vld [tilespmem:s30+$0x940];
	v7 =	vbroadcast v3, $0xC;
	v6 =	vmul.f32 v6, v60;
	[tilespmem:s29+$0x8840] =	vst v12  }
0xf6: {  	v59 =	vld [tilespmem:s30+$0x960];
	v8 =	vmul.f32 v8, v38;
	[tilespmem:s29+$0x8850] =	vst v4  }
0xf7: {  	v54 =	vld [tilespmem:s30+$0xA90];
	v14 =	vmul.f32 v50, v7;
	[tilespmem:s29+$0x8860] =	vst v6  }
0xf8: {  	v61 =	vld [tilespmem:s30+$0x970];
	v15 =	vmul.f32 v51, v7;
	[tilespmem:s29+$0x8880] =	vst v8  }
0xf9: {  	v9 =	vld [tilespmem:s29+$0x890];
	v12 =	vmul.f32 v53, v7;
	[tilespmem:s30+$0x8900] =	vst v14  }
0xfa: {  	v62 =	vld [tilespmem:s30+$0x980];
	v4 =	vmul.f32 v55, v7;
	[tilespmem:s30+$0x8910] =	vst v15  }
0xfb: {  	v10 =	vld [tilespmem:s29+$0x8A0];
	v6 =	vmul.f32 v57, v7;
	[tilespmem:s30+$0x8920] =	vst v12  }
0xfc: {  	v11 =	vld [tilespmem:s29+$0x8B0];
	v40 =	vmul.f32 v58, v7;
	[tilespmem:s30+$0x8930] =	vst v4  }
0xfd: {  	v63 =	vld [tilespmem:s30+$0x990];
	v8 =	vmul.f32 v59, v7;
	[tilespmem:s30+$0x8940] =	vst v6  }
0xfe: {  	v5 =	vld [tilespmem:s29+$0x8C0];
	v9 =	vmul.f32 v9, v38;
	[tilespmem:s30+$0x8950] =	vst v40  }
0xff: {  	v32 =	vld [tilespmem:s30+$0x9A0];
	v7 =	vmul.f32 v61, v7;
	[tilespmem:s30+$0x8960] =	vst v8  }
0x100: {  	v13 =	vld [tilespmem:s29+$0x8D0];
	v10 =	vmul.f32 v10, v38;
	[tilespmem:s29+$0x8890] =	vst v9;
	v9 =	vbroadcast v3, $0xD  }
0x101: {  	v34 =	vld [tilespmem:s30+$0x9B0];
	v11 =	vmul.f32 v11, v38;
	[tilespmem:s30+$0x8970] =	vst v7  }
0x102: {  	v44 =	vld [tilespmem:s30+$0xA20];
	[tilespmem:s29+$0x88A0] =	vst v10;
	v10 =	vmul.f32 v62, v9  }
0x103: {  	v58 =	vld [tilespmem:s29+$0xA00];
	[tilespmem:s29+$0x88B0] =	vst v11;
	v5 =	vmul.f32 v5, v38  }
0x104: {  	v37 =	vld [tilespmem:s30+$0x9E0];
	v60 =	vbroadcast v2, $0xD;
	v11 =	vmul.f32 v63, v9;
	[tilespmem:s30+$0x8980] =	vst v10  }
0x105: {  	v56 =	vld [tilespmem:s30+$0xAC0];
	v3 =	vbroadcast v3, $0xE;
	v13 =	vmul.f32 v13, v38;
	[tilespmem:s29+$0x88C0] =	vst v5  }
0x106: {  	v2 =	vbroadcast v2, $0xE;
	v14 =	vld [tilespmem:s29+$0x8F0];
	v50 =	vmul.f32 v35, v9;
	[tilespmem:s30+$0x8990] =	vst v11  }
0x107: {  	v15 =	vld [tilespmem:s29+$0x900];
	v57 =	vmul.f32 v44, v3;
	[tilespmem:s29+$0x88D0] =	vst v13  }
0x108: {  	v12 =	vld [tilespmem:s29+$0x910];
	v19 =	vmul.f32 v58, v2;
	[tilespmem:s30+$0x89C0] =	vst v50  }
0x109: {  	v4 =	vld [tilespmem:s29+$0x920];
	v5 =	vmul.f32 v32, v9;
	[tilespmem:s30+$0x8A20] =	vst v57  }
0x10a: {  	v6 =	vld [tilespmem:s29+$0x930];
	v13 =	vmul.f32 v34, v9;
	[tilespmem:s29+$0x8A00] =	vst v19  }
0x10b: {  	v8 =	vld [tilespmem:s29+$0x950];
	v14 =	vmul.f32 v14, v38;
	[tilespmem:s30+$0x89A0] =	vst v5  }
0x10c: {  	v7 =	vld [tilespmem:s29+$0x960];
	v15 =	vmul.f32 v15, v49;
	[tilespmem:s30+$0x89B0] =	vst v13  }
0x10d: {  	v43 =	vld [tilespmem:s30+$0xA10];
	v12 =	vmul.f32 v12, v49;
	[tilespmem:s29+$0x88F0] =	vst v14  }
0x10e: {  	v45 =	vld [tilespmem:s30+$0xA30];
	v4 =	vmul.f32 v4, v49;
	[tilespmem:s29+$0x8900] =	vst v15  }
0x10f: {  	v48 =	vld [tilespmem:s30+$0xA60];
	v6 =	vmul.f32 v6, v49;
	[tilespmem:s29+$0x8910] =	vst v12  }
0x110: {  	v46 =	vld [tilespmem:s30+$0xA40];
	v8 =	vmul.f32 v8, v49;
	[tilespmem:s29+$0x8920] =	vst v4  }
0x111: {  	v47 =	vld [tilespmem:s30+$0xA50];
	v7 =	vmul.f32 v7, v49;
	[tilespmem:s29+$0x8930] =	vst v6  }
0x112: {  	v52 =	vld [tilespmem:s29+$0x9B0];
	v14 =	vmul.f32 v36, v9;
	[tilespmem:s29+$0x8950] =	vst v8  }
0x113: {  	v51 =	vld [tilespmem:s30+$0xA70];
	v15 =	vmul.f32 v37, v9;
	[tilespmem:s29+$0x8960] =	vst v7  }
0x114: {  	v10 =	vld [tilespmem:s29+$0x970];
	v9 =	vmul.f32 v39, v9;
	[tilespmem:s30+$0x89D0] =	vst v14  }
0x115: {  	v11 =	vld [tilespmem:s29+$0x980];
	v4 =	vmul.f32 v41, v3;
	[tilespmem:s30+$0x89E0] =	vst v15  }
0x116: {  	v53 =	vld [tilespmem:s30+$0xA80];
	v6 =	vmul.f32 v43, v3;
	[tilespmem:s30+$0x89F0] =	vst v9  }
0x117: {  	v5 =	vld [tilespmem:s29+$0x990];
	v8 =	vmul.f32 v45, v3;
	[tilespmem:s30+$0x8A00] =	vst v4  }
0x118: {  	v55 =	vld [tilespmem:s30+$0xAB0];
	v7 =	vmul.f32 v46, v3;
	[tilespmem:s30+$0x8A10] =	vst v6  }
0x119: {  	v13 =	vld [tilespmem:s29+$0x9A0];
	[tilespmem:s30+$0x8A30] =	vst v8;
	v10 =	vmul.f32 v10, v49  }
0x11a: {  	v59 =	vld [tilespmem:s29+$0xA10];
	[tilespmem:s30+$0x8A40] =	vst v7;
	v11 =	vmul.f32 v11, v60  }
0x11b: {  	v12 =	vld [tilespmem:s29+$0x9D0];
	[tilespmem:s29+$0x8970] =	vst v10;
	v10 =	vmul.f32 v47, v3  }
0x11c: {  	v61 =	vld [tilespmem:s30+$0xAE0];
	v5 =	vmul.f32 v5, v60;
	[tilespmem:s29+$0x8980] =	vst v11  }
0x11d: {  	v62 =	vld [tilespmem:s29+$0xA60];
	v11 =	vmul.f32 v48, v3;
	[tilespmem:s30+$0x8A50] =	vst v10  }
0x11e: {  	v14 =	vld [tilespmem:s29+$0x9C0];
	v13 =	vmul.f32 v13, v60;
	[tilespmem:s29+$0x8990] =	vst v5  }
0x11f: {  	v15 =	vld [tilespmem:s30+$0xAA0];
	v3 =	vmul.f32 v51, v3;
	[tilespmem:s30+$0x8A60] =	vst v11  }
0x120: {  	v9 =	vld [tilespmem:s29+$0x9E0];
	v12 =	vmul.f32 v12, v60;
	[tilespmem:s29+$0x89A0] =	vst v13  }
0x121: {  	v4 =	vld [tilespmem:s29+$0x9F0];
	v5 =	vmul.f32 v52, v60;
	[tilespmem:s30+$0x8A70] =	vst v3  }
0x122: {  	v6 =	vld [tilespmem:s30+$0xAD0];
	v13 =	vmul.f32 v53, v1;
	[tilespmem:s29+$0x89D0] =	vst v12  }
0x123: {  	v8 =	vld [tilespmem:s29+$0xA20];
	v3 =	vmul.f32 v14, v60;
	[tilespmem:s29+$0x89B0] =	vst v5  }
0x124: {  	v7 =	vld [tilespmem:s29+$0xA30];
	v14 =	vmul.f32 v15, v1;
	[tilespmem:s30+$0x8A80] =	vst v13  }
0x125: {  	v10 =	vld [tilespmem:s29+$0xA40];
	v9 =	vmul.f32 v9, v60;
	[tilespmem:s29+$0x89C0] =	vst v3  }
0x126: {  	v11 =	vld [tilespmem:s29+$0xA50];
	v12 =	vmul.f32 v55, v1;
	[tilespmem:s30+$0x8AA0] =	vst v14  }
0x127: {  	v15 =	vmul.f32 v56, v1;
	v5 =	vmul.f32 v54, v1;
	v13 =	vld [tilespmem:s29+$0xA70];
	[tilespmem:s29+$0x89E0] =	vst v9  }
0x128: {  	v4 =	vmul.f32 v4, v60;
	v63 =	vmul.f32 v6, v1;
	v3 =	vld [tilespmem:s29+$0xA80];
	[tilespmem:s30+$0x8AB0] =	vst v12  }
0x129: {  	v1 =	vmul.f32 v61, v1;
	v14 =	vmul.f32 v59, v2;
	[tilespmem:s30+$0x8A90] =	vst v5;
	v5 =	vld [tilespmem:s29+$0xA90]  }
0x12a: {  	v6 =	vld [tilespmem:s29+$0xAA0];
	[tilespmem:s29+$0x89F0] =	vst v4;
	v4 =	vmul.f32 v8, v2;
	v12 =	vmul.f32 v7, v2  }
0x12b: {  	[tilespmem:s30+$0x8AC0] =	vst v15;
	v7 =	vld [tilespmem:s29+$0xAB0];
	v8 =	vmul.f32 v10, v2;
	v9 =	vmul.f32 v11, v2  }
0x12c: {  	s31 =	simm.s32 $0x2;
	s3 =	simm.s32 $0x20;
	s0 =	simm.s32 $0x3;
	[tilespmem:s30+$0x8AD0] =	vst v63;
	v10 =	vmul.f32 v62, v2;
	v11 =	vmul.f32 v13, v2;
	v13 =	vld [tilespmem:s29+$0xAC0]  }
.LBB2_3:
0x12d: {  	p0 =	sne.s32 s0, $0x7;
	s3 =	sand.u32 $0x3FFFFFF0, s3;
	[tilespmem:s29+$0x8A10] =	vst v14;
	v2 =	vmul.f32 v3, v0;
	v3 =	vld [tilespmem:s29+$0xAD0]  }
0x12e: {  	v14 =	vld [tilespmem:s3+$0x100];
	[tilespmem:s29+$0x8A20] =	vst v4;
	v4 =	vmul.f32 v5, v0  }
0x12f: {  	s3 =	sshll.u32 s31, $0xB;
	s31 =	smov.u32 s0;
	[tilespmem:s29+$0x8A30] =	vst v12;
	v5 =	vmul.f32 v6, v0;
	v15 =	vld [tilespmem:s29+$0xAE0]  }
0x130: {  	v6 =	vld [tilespmem:s3+$0xAF0];
	[tilespmem:s29+$0x8A40] =	vst v8;
	v16 =	vmul.f32 v7, v0  }
0x131: {  	v17 =	vld [tilespmem:s3+$0x300];
	[tilespmem:s29+$0x8A50] =	vst v9;
	v18 =	vmul.f32 v13, v0  }
0x132: {  	v19 =	vld [tilespmem:s3+$0x310];
	[tilespmem:s29+$0x8A60] =	vst v10;
	v20 =	vmul.f32 v3, v0  }
0x133: {  	v21 =	vbroadcast v14, $0x0;
	v22 =	vld [tilespmem:s3+$0x320];
	v23 =	vbroadcast v14, $0xF;
	[tilespmem:s29+$0x8A70] =	vst v11  }
0x134: {  	v25 =	vbroadcast v14, $0x1;
	v26 =	vbroadcast v14, $0x2;
	v24 =	vld [tilespmem:s3+$0x330];
	[tilespmem:s29+$0x8A80] =	vst v2  }
0x135: {  	v13 =	vbroadcast v14, $0x3;
	v27 =	vld [tilespmem:s3+$0x340];
	v2 =	vmul.f32 v6, v23;
	[tilespmem:s29+$0x8A90] =	vst v4  }
0x136: {  	v12 =	vbroadcast v14, $0x4;
	v11 =	vbroadcast v14, $0x5;
	v28 =	vld [tilespmem:s3+$0x350];
	[tilespmem:s29+$0x8AA0] =	vst v5  }
0x137: {  	v10 =	vbroadcast v14, $0x6;
	v9 =	vbroadcast v14, $0x7;
	v29 =	vld [tilespmem:s3+$0x360];
	[tilespmem:s3+$0x8AF0] =	vst v2  }
0x138: {  	v8 =	vbroadcast v14, $0x8;
	v7 =	vbroadcast v14, $0x9;
	v30 =	vld [tilespmem:s3+$0x370];
	[tilespmem:s29+$0x8AB0] =	vst v16  }
0x139: {  	v6 =	vbroadcast v14, $0xA;
	v5 =	vbroadcast v14, $0xB;
	v16 =	vld [tilespmem:s3+$0x380];
	[tilespmem:s29+$0x8AC0] =	vst v18  }
0x13a: {  	v3 =	vbroadcast v14, $0xD;
	v4 =	vbroadcast v14, $0xC;
	v18 =	vld [tilespmem:s3+$0x390];
	[tilespmem:s29+$0x8AD0] =	vst v20  }
0x13b: {  	v17 =	vmul.f32 v21, v17;
	v2 =	vbroadcast v14, $0xE;
	v20 =	vld [tilespmem:s3+$0x3A0];
	[tilespmem:s30+$0x8AE0] =	vst v1;
	s30 =	smov.u32 s29;
	s29 =	smov.u32 s3  }
0x13c: {  	v14 =	vmul.f32 v22, v21;
	v1 =	vmul.f32 v19, v21;
	v19 =	vld [tilespmem:s29+$0x3B0]  }
0x13d: {  	v22 =	vmul.f32 v27, v21;
	[tilespmem:s29+$0x8300] =	vst v17;
	v17 =	vmul.f32 v24, v21;
	v24 =	vld [tilespmem:s29+$0x3C0]  }
0x13e: {  	v27 =	vmul.f32 v28, v21;
	v28 =	vmul.f32 v29, v21;
	[tilespmem:s29+$0x8310] =	vst v1;
	v29 =	vld [tilespmem:s29+$0x3D0]  }
0x13f: {  	v16 =	vmul.f32 v16, v25;
	[tilespmem:s29+$0x8320] =	vst v14;
	v14 =	vmul.f32 v30, v21;
	v21 =	vld [tilespmem:s29+$0x3E0]  }
0x140: {  	[tilespmem:s29+$0x8330] =	vst v17;
	v17 =	vmul.f32 v18, v25;
	v18 =	vmul.f32 v20, v25;
	v20 =	vld [tilespmem:s29+$0x3F0]  }
0x141: {  	v1 =	vmul.f32 v15, v0;
	v0 =	vmov v23;
	[tilespmem:s29+$0x8340] =	vst v22;
	v19 =	vmul.f32 v19, v25;
	v22 =	vld [tilespmem:s29+$0x400]  }
0x142: {  	[tilespmem:s29+$0x8350] =	vst v27;
	v15 =	vmul.f32 v24, v25;
	v23 =	vld [tilespmem:s29+$0x410]  }
0x143: {  	[tilespmem:s29+$0x8360] =	vst v28;
	v24 =	vmul.f32 v29, v25;
	v27 =	vld [tilespmem:s29+$0x420]  }
0x144: {  	[tilespmem:s29+$0x8370] =	vst v14;
	v14 =	vmul.f32 v21, v25;
	v21 =	vld [tilespmem:s29+$0x430]  }
0x145: {  	[tilespmem:s29+$0x8380] =	vst v16;
	v16 =	vmul.f32 v20, v25;
	v20 =	vld [tilespmem:s29+$0x440]  }
0x146: {  	[tilespmem:s29+$0x8390] =	vst v17;
	v17 =	vmul.f32 v22, v26;
	v22 =	vld [tilespmem:s29+$0x450]  }
0x147: {  	[tilespmem:s29+$0x83A0] =	vst v18;
	v18 =	vmul.f32 v23, v26;
	v23 =	vld [tilespmem:s29+$0x460]  }
0x148: {  	[tilespmem:s29+$0x83B0] =	vst v19;
	v19 =	vmul.f32 v27, v26;
	v25 =	vld [tilespmem:s29+$0x470]  }
0x149: {  	[tilespmem:s29+$0x83C0] =	vst v15;
	v15 =	vmul.f32 v21, v26;
	v21 =	vld [tilespmem:s29+$0x480]  }
0x14a: {  	[tilespmem:s29+$0x83D0] =	vst v24;
	v20 =	vmul.f32 v20, v26;
	v24 =	vld [tilespmem:s29+$0x490]  }
0x14b: {  	[tilespmem:s29+$0x83E0] =	vst v14;
	v14 =	vmul.f32 v22, v26;
	v22 =	vld [tilespmem:s29+$0x4A0]  }
0x14c: {  	[tilespmem:s29+$0x83F0] =	vst v16;
	v16 =	vmul.f32 v23, v26;
	v23 =	vld [tilespmem:s29+$0x4B0]  }
0x14d: {  	[tilespmem:s29+$0x8400] =	vst v17;
	v17 =	vmul.f32 v25, v26;
	v25 =	vld [tilespmem:s29+$0x4C0]  }
0x14e: {  	[tilespmem:s29+$0x8410] =	vst v18;
	v18 =	vmul.f32 v21, v13;
	v21 =	vld [tilespmem:s29+$0x4D0]  }
0x14f: {  	[tilespmem:s29+$0x8420] =	vst v19;
	v19 =	vmul.f32 v24, v13;
	v24 =	vld [tilespmem:s29+$0x4E0]  }
0x150: {  	[tilespmem:s29+$0x8430] =	vst v15;
	v15 =	vmul.f32 v22, v13;
	v22 =	vld [tilespmem:s29+$0x4F0]  }
0x151: {  	[tilespmem:s29+$0x8440] =	vst v20;
	v20 =	vmul.f32 v23, v13;
	v23 =	vld [tilespmem:s29+$0x500]  }
0x152: {  	[tilespmem:s29+$0x8450] =	vst v14;
	v14 =	vmul.f32 v25, v13;
	v25 =	vld [tilespmem:s29+$0x510]  }
0x153: {  	[tilespmem:s29+$0x8460] =	vst v16;
	v16 =	vmul.f32 v21, v13;
	v21 =	vld [tilespmem:s29+$0x520]  }
0x154: {  	[tilespmem:s29+$0x8470] =	vst v17;
	v17 =	vmul.f32 v24, v13;
	v24 =	vld [tilespmem:s29+$0x530]  }
0x155: {  	[tilespmem:s29+$0x8480] =	vst v18;
	v13 =	vmul.f32 v22, v13;
	v18 =	vld [tilespmem:s29+$0x540]  }
0x156: {  	[tilespmem:s29+$0x8490] =	vst v19;
	v19 =	vmul.f32 v23, v12;
	v22 =	vld [tilespmem:s29+$0x550]  }
0x157: {  	[tilespmem:s29+$0x84A0] =	vst v15;
	v15 =	vmul.f32 v25, v12;
	v23 =	vld [tilespmem:s29+$0x560]  }
0x158: {  	[tilespmem:s29+$0x84B0] =	vst v20;
	v20 =	vmul.f32 v21, v12;
	v21 =	vld [tilespmem:s29+$0x570]  }
0x159: {  	[tilespmem:s29+$0x84C0] =	vst v14;
	v14 =	vmul.f32 v24, v12;
	v24 =	vld [tilespmem:s29+$0x580]  }
0x15a: {  	[tilespmem:s29+$0x84D0] =	vst v16;
	v16 =	vmul.f32 v18, v12;
	v18 =	vld [tilespmem:s29+$0x590]  }
0x15b: {  	[tilespmem:s29+$0x84E0] =	vst v17;
	v17 =	vmul.f32 v22, v12;
	v22 =	vld [tilespmem:s29+$0x5A0]  }
0x15c: {  	[tilespmem:s29+$0x84F0] =	vst v13;
	v13 =	vmul.f32 v23, v12;
	v23 =	vld [tilespmem:s29+$0x5B0]  }
0x15d: {  	[tilespmem:s29+$0x8500] =	vst v19;
	v12 =	vmul.f32 v21, v12;
	v19 =	vld [tilespmem:s29+$0x5C0]  }
0x15e: {  	[tilespmem:s29+$0x8510] =	vst v15;
	v15 =	vmul.f32 v24, v11;
	v21 =	vld [tilespmem:s29+$0x5D0]  }
0x15f: {  	[tilespmem:s29+$0x8520] =	vst v20;
	v18 =	vmul.f32 v18, v11;
	v20 =	vld [tilespmem:s29+$0x5E0]  }
0x160: {  	[tilespmem:s29+$0x8530] =	vst v14;
	v14 =	vmul.f32 v22, v11;
	v22 =	vld [tilespmem:s29+$0x5F0]  }
0x161: {  	[tilespmem:s29+$0x8540] =	vst v16;
	v16 =	vmul.f32 v23, v11;
	v23 =	vld [tilespmem:s29+$0x600]  }
0x162: {  	[tilespmem:s29+$0x8550] =	vst v17;
	v17 =	vmul.f32 v19, v11;
	v19 =	vld [tilespmem:s29+$0x610]  }
0x163: {  	[tilespmem:s29+$0x8560] =	vst v13;
	v13 =	vmul.f32 v21, v11;
	v21 =	vld [tilespmem:s29+$0x620]  }
0x164: {  	[tilespmem:s29+$0x8570] =	vst v12;
	v12 =	vmul.f32 v20, v11;
	v20 =	vld [tilespmem:s29+$0x630]  }
0x165: {  	[tilespmem:s29+$0x8580] =	vst v15;
	v11 =	vmul.f32 v22, v11;
	v15 =	vld [tilespmem:s29+$0x640]  }
0x166: {  	[tilespmem:s29+$0x8590] =	vst v18;
	v18 =	vmul.f32 v23, v10;
	v22 =	vld [tilespmem:s29+$0x650]  }
0x167: {  	[tilespmem:s29+$0x85A0] =	vst v14;
	v14 =	vmul.f32 v19, v10;
	v19 =	vld [tilespmem:s29+$0x660]  }
0x168: {  	[tilespmem:s29+$0x85B0] =	vst v16;
	v16 =	vmul.f32 v21, v10;
	v21 =	vld [tilespmem:s29+$0x670]  }
0x169: {  	[tilespmem:s29+$0x85C0] =	vst v17;
	v17 =	vmul.f32 v20, v10;
	v20 =	vld [tilespmem:s29+$0x680]  }
0x16a: {  	[tilespmem:s29+$0x85D0] =	vst v13;
	v13 =	vmul.f32 v15, v10;
	v15 =	vld [tilespmem:s29+$0x690]  }
0x16b: {  	[tilespmem:s29+$0x85E0] =	vst v12;
	v12 =	vmul.f32 v22, v10;
	v22 =	vld [tilespmem:s29+$0x6A0]  }
0x16c: {  	[tilespmem:s29+$0x85F0] =	vst v11;
	v11 =	vmul.f32 v19, v10;
	v19 =	vld [tilespmem:s29+$0x6B0]  }
0x16d: {  	[tilespmem:s29+$0x8600] =	vst v18;
	v10 =	vmul.f32 v21, v10;
	v18 =	vld [tilespmem:s29+$0x6C0]  }
0x16e: {  	[tilespmem:s29+$0x8610] =	vst v14;
	v14 =	vmul.f32 v20, v9;
	v20 =	vld [tilespmem:s29+$0x6D0]  }
0x16f: {  	[tilespmem:s29+$0x8620] =	vst v16;
	v15 =	vmul.f32 v15, v9;
	v16 =	vld [tilespmem:s29+$0x6E0]  }
0x170: {  	[tilespmem:s29+$0x8630] =	vst v17;
	v17 =	vmul.f32 v22, v9;
	v21 =	vld [tilespmem:s29+$0x6F0]  }
0x171: {  	[tilespmem:s29+$0x8640] =	vst v13;
	v13 =	vmul.f32 v19, v9;
	v19 =	vld [tilespmem:s29+$0x700]  }
0x172: {  	[tilespmem:s29+$0x8650] =	vst v12;
	v12 =	vmul.f32 v18, v9;
	v18 =	vld [tilespmem:s29+$0x710]  }
0x173: {  	[tilespmem:s29+$0x8660] =	vst v11;
	v11 =	vmul.f32 v20, v9;
	v20 =	vld [tilespmem:s29+$0x720]  }
0x174: {  	[tilespmem:s29+$0x8670] =	vst v10;
	v10 =	vmul.f32 v16, v9;
	v16 =	vld [tilespmem:s29+$0x730]  }
0x175: {  	[tilespmem:s29+$0x8680] =	vst v14;
	v9 =	vmul.f32 v21, v9;
	v14 =	vld [tilespmem:s29+$0x740]  }
0x176: {  	[tilespmem:s29+$0x8690] =	vst v15;
	v15 =	vmul.f32 v19, v8;
	v19 =	vld [tilespmem:s29+$0x750]  }
0x177: {  	[tilespmem:s29+$0x86A0] =	vst v17;
	v17 =	vmul.f32 v18, v8;
	v18 =	vld [tilespmem:s29+$0x760]  }
0x178: {  	[tilespmem:s29+$0x86B0] =	vst v13;
	v13 =	vmul.f32 v20, v8;
	v20 =	vld [tilespmem:s29+$0x770]  }
0x179: {  	[tilespmem:s29+$0x86C0] =	vst v12;
	v12 =	vmul.f32 v16, v8;
	v16 =	vld [tilespmem:s29+$0x780]  }
0x17a: {  	[tilespmem:s29+$0x86D0] =	vst v11;
	v11 =	vmul.f32 v14, v8;
	v14 =	vld [tilespmem:s29+$0x790]  }
0x17b: {  	[tilespmem:s29+$0x86E0] =	vst v10;
	v10 =	vmul.f32 v19, v8;
	v19 =	vld [tilespmem:s29+$0x7A0]  }
0x17c: {  	[tilespmem:s29+$0x86F0] =	vst v9;
	v9 =	vmul.f32 v18, v8;
	v18 =	vld [tilespmem:s29+$0x7B0]  }
0x17d: {  	[tilespmem:s29+$0x8700] =	vst v15;
	v8 =	vmul.f32 v20, v8;
	v15 =	vld [tilespmem:s29+$0x7C0]  }
0x17e: {  	[tilespmem:s29+$0x8710] =	vst v17;
	v16 =	vmul.f32 v16, v7;
	v17 =	vld [tilespmem:s29+$0x7D0]  }
0x17f: {  	[tilespmem:s29+$0x8720] =	vst v13;
	v13 =	vmul.f32 v14, v7;
	v14 =	vld [tilespmem:s29+$0x7E0]  }
0x180: {  	[tilespmem:s29+$0x8730] =	vst v12;
	v12 =	vmul.f32 v19, v7;
	v19 =	vld [tilespmem:s29+$0x7F0]  }
0x181: {  	[tilespmem:s29+$0x8740] =	vst v11;
	v11 =	vmul.f32 v18, v7;
	v18 =	vld [tilespmem:s29+$0x800]  }
0x182: {  	[tilespmem:s29+$0x8750] =	vst v10;
	v10 =	vmul.f32 v15, v7;
	v15 =	vld [tilespmem:s29+$0x810]  }
0x183: {  	[tilespmem:s29+$0x8760] =	vst v9;
	v9 =	vmul.f32 v17, v7;
	v17 =	vld [tilespmem:s29+$0x820]  }
0x184: {  	[tilespmem:s29+$0x8770] =	vst v8;
	v8 =	vmul.f32 v14, v7;
	v14 =	vld [tilespmem:s29+$0x830]  }
0x185: {  	[tilespmem:s29+$0x8780] =	vst v16;
	v7 =	vmul.f32 v19, v7;
	v16 =	vld [tilespmem:s29+$0x840]  }
0x186: {  	[tilespmem:s29+$0x8790] =	vst v13;
	v13 =	vmul.f32 v18, v6;
	v18 =	vld [tilespmem:s29+$0x850]  }
0x187: {  	[tilespmem:s29+$0x87A0] =	vst v12;
	v12 =	vmul.f32 v15, v6;
	v15 =	vld [tilespmem:s29+$0x860]  }
0x188: {  	[tilespmem:s29+$0x87B0] =	vst v11;
	v11 =	vmul.f32 v17, v6;
	v17 =	vld [tilespmem:s29+$0x870]  }
0x189: {  	[tilespmem:s29+$0x87C0] =	vst v10;
	v10 =	vmul.f32 v14, v6;
	v14 =	vld [tilespmem:s29+$0x880]  }
0x18a: {  	[tilespmem:s29+$0x87D0] =	vst v9;
	v9 =	vmul.f32 v16, v6;
	v16 =	vld [tilespmem:s29+$0x890]  }
0x18b: {  	[tilespmem:s29+$0x87E0] =	vst v8;
	v8 =	vmul.f32 v18, v6;
	v18 =	vld [tilespmem:s29+$0x8A0]  }
0x18c: {  	[tilespmem:s29+$0x87F0] =	vst v7;
	v7 =	vmul.f32 v15, v6;
	v15 =	vld [tilespmem:s29+$0x8B0]  }
0x18d: {  	[tilespmem:s29+$0x8800] =	vst v13;
	v6 =	vmul.f32 v17, v6;
	v13 =	vld [tilespmem:s29+$0x8C0]  }
0x18e: {  	[tilespmem:s29+$0x8810] =	vst v12;
	v12 =	vmul.f32 v14, v5;
	v14 =	vld [tilespmem:s29+$0x8D0]  }
0x18f: {  	[tilespmem:s29+$0x8820] =	vst v11;
	v11 =	vmul.f32 v16, v5;
	v16 =	vld [tilespmem:s29+$0x8E0]  }
0x190: {  	[tilespmem:s29+$0x8830] =	vst v10;
	v10 =	vmul.f32 v18, v5;
	v17 =	vld [tilespmem:s29+$0x8F0]  }
0x191: {  	[tilespmem:s29+$0x8840] =	vst v9;
	v9 =	vmul.f32 v15, v5;
	v15 =	vld [tilespmem:s29+$0x900]  }
0x192: {  	[tilespmem:s29+$0x8850] =	vst v8;
	v8 =	vmul.f32 v13, v5;
	v13 =	vld [tilespmem:s29+$0x910]  }
0x193: {  	[tilespmem:s29+$0x8860] =	vst v7;
	v7 =	vmul.f32 v14, v5;
	v14 =	vld [tilespmem:s29+$0x920]  }
0x194: {  	[tilespmem:s29+$0x8870] =	vst v6;
	v6 =	vmul.f32 v16, v5;
	v16 =	vld [tilespmem:s29+$0x930]  }
0x195: {  	[tilespmem:s29+$0x8880] =	vst v12;
	v5 =	vmul.f32 v17, v5;
	v12 =	vld [tilespmem:s29+$0x940]  }
0x196: {  	[tilespmem:s29+$0x8890] =	vst v11;
	v11 =	vmul.f32 v15, v4;
	v15 =	vld [tilespmem:s29+$0x950]  }
0x197: {  	[tilespmem:s29+$0x88A0] =	vst v10;
	v10 =	vmul.f32 v13, v4;
	v13 =	vld [tilespmem:s29+$0x960]  }
0x198: {  	[tilespmem:s29+$0x88B0] =	vst v9;
	v9 =	vmul.f32 v14, v4;
	v14 =	vld [tilespmem:s29+$0x970]  }
0x199: {  	[tilespmem:s29+$0x88C0] =	vst v8;
	v8 =	vmul.f32 v16, v4;
	v16 =	vld [tilespmem:s29+$0x980]  }
0x19a: {  	[tilespmem:s29+$0x88D0] =	vst v7;
	v7 =	vmul.f32 v12, v4;
	v12 =	vld [tilespmem:s29+$0x990]  }
0x19b: {  	[tilespmem:s29+$0x88E0] =	vst v6;
	v6 =	vmul.f32 v15, v4;
	v15 =	vld [tilespmem:s29+$0x9A0]  }
0x19c: {  	[tilespmem:s29+$0x88F0] =	vst v5;
	v5 =	vmul.f32 v13, v4;
	v13 =	vld [tilespmem:s29+$0x9B0]  }
0x19d: {  	[tilespmem:s29+$0x8900] =	vst v11;
	v4 =	vmul.f32 v14, v4;
	v11 =	vld [tilespmem:s29+$0x9C0]  }
0x19e: {  	[tilespmem:s29+$0x8910] =	vst v10;
	v10 =	vmul.f32 v16, v3;
	v14 =	vld [tilespmem:s29+$0x9D0]  }
0x19f: {  	[tilespmem:s29+$0x8920] =	vst v9;
	v9 =	vmul.f32 v12, v3;
	v12 =	vld [tilespmem:s29+$0x9E0]  }
0x1a0: {  	[tilespmem:s29+$0x8930] =	vst v8;
	v8 =	vmul.f32 v15, v3;
	v15 =	vld [tilespmem:s29+$0x9F0]  }
0x1a1: {  	[tilespmem:s29+$0x8940] =	vst v7;
	v7 =	vmul.f32 v13, v3;
	v13 =	vld [tilespmem:s29+$0xA00]  }
0x1a2: {  	[tilespmem:s29+$0x8950] =	vst v6;
	v6 =	vmul.f32 v11, v3;
	v11 =	vld [tilespmem:s29+$0xA10]  }
0x1a3: {  	[tilespmem:s29+$0x8960] =	vst v5;
	v5 =	vmul.f32 v14, v3;
	v16 =	vld [tilespmem:s29+$0xA20]  }
0x1a4: {  	[tilespmem:s29+$0x8970] =	vst v4;
	v17 =	vmul.f32 v12, v3;
	v12 =	vld [tilespmem:s29+$0xA30]  }
0x1a5: {  	[tilespmem:s29+$0x8980] =	vst v10;
	v10 =	vmul.f32 v15, v3;
	v15 =	vld [tilespmem:s29+$0xA40]  }
0x1a6: {  	[tilespmem:s29+$0x8990] =	vst v9;
	v13 =	vmul.f32 v13, v2;
	v9 =	vld [tilespmem:s29+$0xA50]  }
0x1a7: {  	[tilespmem:s29+$0x89A0] =	vst v8;
	v14 =	vmul.f32 v11, v2;
	v11 =	vld [tilespmem:s29+$0xA60]  }
0x1a8: {  	[tilespmem:s29+$0x89B0] =	vst v7;
	v4 =	vmul.f32 v16, v2;
	v16 =	vld [tilespmem:s29+$0xA70]  }
.Ltmp2:
0x1a9: {  	[tilespmem:s29+$0x89C0] =	vst v6;
	v12 =	vmul.f32 v12, v2;
	v3 =	vld [tilespmem:s29+$0xA80];
	(pc) =	sbr.rel @p0 .LBB2_3-.Ltmp2, $4  }
0x1aa: {  	[tilespmem:s29+$0x89D0] =	vst v5;
	v8 =	vmul.f32 v15, v2;
	v5 =	vld [tilespmem:s29+$0xA90]  }
0x1ab: {  	[tilespmem:s29+$0x89E0] =	vst v17;
	v9 =	vmul.f32 v9, v2;
	v6 =	vld [tilespmem:s29+$0xAA0]  }
0x1ac: {  	[tilespmem:s29+$0x89F0] =	vst v10;
	v10 =	vmul.f32 v11, v2;
	v7 =	vld [tilespmem:s29+$0xAB0]  }
0x1ad: {  	s0 =	sadd.s32 $0x1, s0;
	s3 =	sshll.u32 s31, $0x4;
	[tilespmem:s29+$0x8A00] =	vst v13;
	v11 =	vmul.f32 v16, v2;
	v13 =	vld [tilespmem:s29+$0xAC0]  }
0x1ae: {  	[tilespmem:s29+$0x8A10] =	vst v14  }
0x1af: {  	[tilespmem:s29+$0x8A20] =	vst v4  }
0x1b0: {  	[tilespmem:s29+$0x8A30] =	vst v12  }
0x1b1: {  	s0 =	sand.u32 $0x3FFFFFF0, s3;
	[tilespmem:s29+$0x8A40] =	vst v8  }
0x1b2: {  	[tilespmem:s29+$0x8A50] =	vst v9;
	v4 =	vld [tilespmem:s0+$0x100]  }
0x1b3: {  	v14 =	vld [tilespmem:s29+$0xAD0];
	s3 =	sshll.u32 s31, $0xB;
	v8 =	vmul.f32 v3, v0;
	[tilespmem:s29+$0x8A60] =	vst v10  }
0x1b4: {  	v12 =	vld [tilespmem:s3+$0xAF0];
	v5 =	vmul.f32 v5, v0;
	[tilespmem:s29+$0x8A70] =	vst v11  }
0x1b5: {  	v6 =	vmul.f32 v6, v0;
	[tilespmem:s29+$0x8A80] =	vst v8;
	v8 =	vld [tilespmem:s3+$0x300]  }
0x1b6: {  	[tilespmem:s29+$0x8A90] =	vst v5;
	v5 =	vmul.f32 v7, v0;
	v7 =	vld [tilespmem:s3+$0x310]  }
0x1b7: {  	v10 =	vld [tilespmem:s3+$0x320];
	[tilespmem:s29+$0x8AA0] =	vst v6;
	v6 =	vmul.f32 v13, v0;
	v3 =	vbroadcast v4, $0xF  }
0x1b8: {  	[tilespmem:s29+$0x8AB0] =	vst v5;
	v5 =	vld [tilespmem:s3+$0x340];
	v11 =	vbroadcast v4, $0x0  }
0x1b9: {  	[tilespmem:s29+$0x8AC0] =	vst v6;
	v6 =	vld [tilespmem:s3+$0x350];
	v9 =	vmul.f32 v12, v3  }
0x1ba: {  	[tilespmem:s30+$0x8AE0] =	vst v1;
	v12 =	vld [tilespmem:s3+$0x330];
	v8 =	vmul.f32 v11, v8  }
0x1bb: {  	v1 =	vmul.f32 v7, v11;
	v7 =	vld [tilespmem:s3+$0x370];
	[tilespmem:s3+$0x8AF0] =	vst v9;
	v9 =	vmul.f32 v14, v0  }
0x1bc: {  	v10 =	vmul.f32 v10, v11;
	[tilespmem:s3+$0x8300] =	vst v8;
	v8 =	vld [tilespmem:s3+$0x380]  }
0x1bd: {  	[tilespmem:s29+$0x8AD0] =	vst v9;
	v9 =	vld [tilespmem:s3+$0x360]  }
0x1be: {  	v5 =	vmul.f32 v5, v11;
	[tilespmem:s3+$0x8320] =	vst v10;
	v10 =	vld [tilespmem:s3+$0x3A0]  }
0x1bf: {  	[tilespmem:s3+$0x8310] =	vst v1;
	v1 =	vld [tilespmem:s3+$0x390];
	v12 =	vmul.f32 v12, v11  }
0x1c0: {  	v13 =	vld [tilespmem:s3+$0x3B0];
	v6 =	vmul.f32 v6, v11;
	[tilespmem:s3+$0x8340] =	vst v5  }
0x1c1: {  	v5 =	vld [tilespmem:s3+$0x3C0];
	v7 =	vmul.f32 v7, v11;
	[tilespmem:s3+$0x8330] =	vst v12;
	v12 =	vbroadcast v4, $0x1  }
0x1c2: {  	[tilespmem:s3+$0x8350] =	vst v6;
	v6 =	vld [tilespmem:s3+$0x3D0];
	v9 =	vmul.f32 v9, v11  }
0x1c3: {  	[tilespmem:s3+$0x8370] =	vst v7;
	v8 =	vmul.f32 v8, v12;
	v7 =	vmul.f32 v10, v12;
	v10 =	vld [tilespmem:s3+$0x3F0]  }
0x1c4: {  	v1 =	vmul.f32 v1, v12;
	v11 =	vld [tilespmem:s3+$0x400];
	[tilespmem:s3+$0x8360] =	vst v9  }
0x1c5: {  	v9 =	vld [tilespmem:s3+$0x3E0];
	[tilespmem:s3+$0x8380] =	vst v8  }
0x1c6: {  	v8 =	vmul.f32 v13, v12;
	[tilespmem:s3+$0x8390] =	vst v1;
	v1 =	vmul.f32 v5, v12;
	v5 =	vld [tilespmem:s3+$0x410]  }
0x1c7: {  	[tilespmem:s3+$0x83A0] =	vst v7;
	v7 =	vld [tilespmem:s3+$0x420]  }
0x1c8: {  	v6 =	vmul.f32 v6, v12;
	[tilespmem:s3+$0x83B0] =	vst v8;
	v8 =	vbroadcast v4, $0x2  }
0x1c9: {  	v13 =	vld [tilespmem:s3+$0x430];
	[tilespmem:s3+$0x83C0] =	vst v1;
	v1 =	vmul.f32 v10, v12  }
0x1ca: {  	[tilespmem:s3+$0x83D0] =	vst v6;
	v10 =	vld [tilespmem:s3+$0x440];
	v6 =	vmul.f32 v11, v8  }
0x1cb: {  	v11 =	vld [tilespmem:s3+$0x450];
	v9 =	vmul.f32 v9, v12;
	[tilespmem:s3+$0x83F0] =	vst v1  }
0x1cc: {  	v5 =	vmul.f32 v5, v8;
	v1 =	vmul.f32 v7, v8;
	v7 =	vld [tilespmem:s3+$0x470];
	[tilespmem:s3+$0x8400] =	vst v6  }
0x1cd: {  	v12 =	vld [tilespmem:s3+$0x480];
	[tilespmem:s3+$0x83E0] =	vst v9  }
0x1ce: {  	v6 =	vmul.f32 v13, v8;
	v9 =	vld [tilespmem:s3+$0x460];
	[tilespmem:s3+$0x8410] =	vst v5  }
0x1cf: {  	v13 =	vld [tilespmem:s3+$0x4B0];
	[tilespmem:s3+$0x8420] =	vst v1;
	v5 =	vmul.f32 v10, v8  }
0x1d0: {  	v10 =	vld [tilespmem:s3+$0x490];
	[tilespmem:s3+$0x8430] =	vst v6;
	v6 =	vbroadcast v4, $0x3;
	v1 =	vmul.f32 v11, v8  }
0x1d1: {  	v11 =	vld [tilespmem:s3+$0x4A0];
	[tilespmem:s3+$0x8440] =	vst v5  }
0x1d2: {  	v5 =	vmul.f32 v7, v8;
	v7 =	vld [tilespmem:s3+$0x4C0];
	[tilespmem:s3+$0x8450] =	vst v1;
	v1 =	vmul.f32 v12, v6  }
0x1d3: {  	v12 =	vld [tilespmem:s3+$0x500];
	v9 =	vmul.f32 v9, v8  }
0x1d4: {  	v8 =	vld [tilespmem:s3+$0x4D0];
	[tilespmem:s3+$0x8480] =	vst v1  }
0x1d5: {  	v1 =	vmul.f32 v13, v6;
	[tilespmem:s3+$0x8460] =	vst v9;
	v9 =	vmul.f32 v10, v6;
	v10 =	vld [tilespmem:s3+$0x4E0]  }
0x1d6: {  	[tilespmem:s3+$0x8470] =	vst v5;
	v5 =	vmul.f32 v11, v6;
	v11 =	vld [tilespmem:s3+$0x4F0]  }
0x1d7: {  	v13 =	vld [tilespmem:s3+$0x530];
	[tilespmem:s3+$0x84B0] =	vst v1  }
0x1d8: {  	v7 =	vmul.f32 v7, v6;
	[tilespmem:s3+$0x8490] =	vst v9;
	v9 =	vld [tilespmem:s3+$0x510]  }
0x1d9: {  	[tilespmem:s3+$0x84A0] =	vst v5;
	v5 =	vmul.f32 v8, v6;
	v8 =	vld [tilespmem:s3+$0x520]  }
0x1da: {  	v1 =	vbroadcast v4, $0x4;
	[tilespmem:s3+$0x84C0] =	vst v7;
	v7 =	vld [tilespmem:s3+$0x540];
	v10 =	vmul.f32 v10, v6  }
0x1db: {  	v6 =	vmul.f32 v11, v6;
	[tilespmem:s3+$0x84D0] =	vst v5;
	v11 =	vld [tilespmem:s3+$0x550]  }
0x1dc: {  	v5 =	vmul.f32 v12, v1;
	v12 =	vld [tilespmem:s3+$0x580];
	[tilespmem:s3+$0x84E0] =	vst v10  }
0x1dd: {  	v9 =	vmul.f32 v9, v1;
	v10 =	vld [tilespmem:s3+$0x560];
	[tilespmem:s3+$0x84F0] =	vst v6  }
0x1de: {  	[tilespmem:s3+$0x8500] =	vst v5;
	v5 =	vmul.f32 v13, v1;
	v13 =	vld [tilespmem:s3+$0x5B0]  }
0x1df: {  	v6 =	vmul.f32 v8, v1;
	v8 =	vld [tilespmem:s3+$0x570];
	[tilespmem:s3+$0x8510] =	vst v9  }
0x1e0: {  	v7 =	vmul.f32 v7, v1;
	v9 =	vld [tilespmem:s3+$0x590];
	[tilespmem:s3+$0x8530] =	vst v5  }
0x1e1: {  	v5 =	vbroadcast v4, $0x5;
	[tilespmem:s3+$0x8520] =	vst v6;
	v6 =	vmul.f32 v11, v1;
	v11 =	vld [tilespmem:s3+$0x5A0]  }
0x1e2: {  	[tilespmem:s3+$0x8540] =	vst v7;
	v7 =	vld [tilespmem:s3+$0x5C0];
	v10 =	vmul.f32 v10, v1  }
0x1e3: {  	[tilespmem:s3+$0x8550] =	vst v6;
	v6 =	vmul.f32 v12, v5;
	v12 =	vld [tilespmem:s3+$0x600]  }
0x1e4: {  	v1 =	vmul.f32 v8, v1;
	v8 =	vld [tilespmem:s3+$0x5D0];
	[tilespmem:s3+$0x8560] =	vst v10  }
0x1e5: {  	v9 =	vmul.f32 v9, v5;
	v10 =	vld [tilespmem:s3+$0x5E0];
	[tilespmem:s3+$0x8580] =	vst v6  }
0x1e6: {  	[tilespmem:s3+$0x8570] =	vst v1;
	v1 =	vmul.f32 v11, v5;
	v11 =	vld [tilespmem:s3+$0x5F0]  }
0x1e7: {  	v6 =	vmul.f32 v13, v5;
	v13 =	vld [tilespmem:s3+$0x630];
	v7 =	vmul.f32 v7, v5;
	[tilespmem:s3+$0x8590] =	vst v9  }
0x1e8: {  	v9 =	vld [tilespmem:s3+$0x610];
	[tilespmem:s3+$0x85A0] =	vst v1  }
0x1e9: {  	[tilespmem:s3+$0x85C0] =	vst v7;
	v7 =	vld [tilespmem:s3+$0x640];
	v1 =	vmul.f32 v8, v5  }
0x1ea: {  	[tilespmem:s3+$0x85B0] =	vst v6;
	v6 =	vbroadcast v4, $0x6;
	v8 =	vld [tilespmem:s3+$0x620];
	v10 =	vmul.f32 v10, v5  }
0x1eb: {  	v5 =	vmul.f32 v11, v5;
	[tilespmem:s3+$0x85D0] =	vst v1  }
0x1ec: {  	v1 =	vmul.f32 v12, v6;
	v11 =	vld [tilespmem:s3+$0x650];
	[tilespmem:s3+$0x85E0] =	vst v10  }
0x1ed: {  	v12 =	vld [tilespmem:s3+$0x680];
	v9 =	vmul.f32 v9, v6;
	[tilespmem:s3+$0x85F0] =	vst v5  }
0x1ee: {  	v10 =	vld [tilespmem:s3+$0x660];
	[tilespmem:s3+$0x8600] =	vst v1;
	v1 =	vmul.f32 v13, v6  }
0x1ef: {  	v7 =	vmul.f32 v7, v6;
	v5 =	vmul.f32 v8, v6;
	v8 =	vld [tilespmem:s3+$0x670];
	[tilespmem:s3+$0x8610] =	vst v9  }
0x1f0: {  	v9 =	vld [tilespmem:s3+$0x690];
	[tilespmem:s3+$0x8630] =	vst v1  }
0x1f1: {  	[tilespmem:s3+$0x8640] =	vst v7;
	v7 =	vld [tilespmem:s3+$0x6C0]  }
0x1f2: {  	v1 =	vbroadcast v4, $0x7;
	[tilespmem:s3+$0x8620] =	vst v5;
	v5 =	vmul.f32 v11, v6;
	v11 =	vld [tilespmem:s3+$0x6A0]  }
0x1f3: {  	v10 =	vmul.f32 v10, v6  }
0x1f4: {  	v13 =	vld [tilespmem:s3+$0x6B0];
	[tilespmem:s3+$0x8650] =	vst v5;
	v5 =	vmul.f32 v12, v1  }
0x1f5: {  	v6 =	vmul.f32 v8, v6;
	v8 =	vld [tilespmem:s3+$0x6D0];
	[tilespmem:s3+$0x8660] =	vst v10  }
0x1f6: {  	v9 =	vmul.f32 v9, v1;
	v10 =	vld [tilespmem:s3+$0x6E0];
	[tilespmem:s3+$0x8680] =	vst v5  }
0x1f7: {  	v7 =	vmul.f32 v7, v1;
	[tilespmem:s3+$0x8670] =	vst v6;
	v6 =	vmul.f32 v11, v1;
	v11 =	vld [tilespmem:s3+$0x6F0]  }
0x1f8: {  	v12 =	vld [tilespmem:s3+$0x700];
	[tilespmem:s3+$0x8690] =	vst v9  }
0x1f9: {  	v5 =	vmul.f32 v13, v1;
	v9 =	vld [tilespmem:s3+$0x710];
	[tilespmem:s3+$0x86C0] =	vst v7  }
0x1fa: {  	v7 =	vld [tilespmem:s3+$0x740];
	[tilespmem:s3+$0x86A0] =	vst v6;
	v6 =	vmul.f32 v8, v1  }
0x1fb: {  	[tilespmem:s3+$0x86B0] =	vst v5;
	v5 =	vbroadcast v4, $0x8;
	v8 =	vld [tilespmem:s3+$0x720];
	v10 =	vmul.f32 v10, v1  }
0x1fc: {  	v13 =	vld [tilespmem:s3+$0x730];
	v1 =	vmul.f32 v11, v1;
	[tilespmem:s3+$0x86D0] =	vst v6  }
0x1fd: {  	v6 =	vmul.f32 v12, v5;
	v11 =	vld [tilespmem:s3+$0x750];
	[tilespmem:s3+$0x86E0] =	vst v10  }
0x1fe: {  	v9 =	vmul.f32 v9, v5;
	v10 =	vld [tilespmem:s3+$0x760];
	[tilespmem:s3+$0x86F0] =	vst v1  }
0x1ff: {  	v12 =	vld [tilespmem:s3+$0x780];
	v7 =	vmul.f32 v7, v5;
	[tilespmem:s3+$0x8700] =	vst v6  }
0x200: {  	[tilespmem:s3+$0x8710] =	vst v9;
	v9 =	vld [tilespmem:s3+$0x790];
	v1 =	vmul.f32 v8, v5  }
0x201: {  	v6 =	vmul.f32 v13, v5;
	v13 =	vld [tilespmem:s3+$0x7B0];
	[tilespmem:s3+$0x8740] =	vst v7  }
0x202: {  	v8 =	vld [tilespmem:s3+$0x770];
	[tilespmem:s3+$0x8720] =	vst v1;
	v1 =	vmul.f32 v11, v5  }
0x203: {  	v7 =	vld [tilespmem:s3+$0x7C0];
	[tilespmem:s3+$0x8730] =	vst v6;
	v6 =	vbroadcast v4, $0x9;
	v10 =	vmul.f32 v10, v5  }
0x204: {  	v11 =	vld [tilespmem:s3+$0x7A0];
	[tilespmem:s3+$0x8750] =	vst v1  }
0x205: {  	v1 =	vmul.f32 v12, v6;
	[tilespmem:s3+$0x8760] =	vst v10;
	v10 =	vld [tilespmem:s3+$0x7E0]  }
0x206: {  	v9 =	vmul.f32 v9, v6;
	v12 =	vld [tilespmem:s3+$0x800]  }
0x207: {  	v5 =	vmul.f32 v8, v5;
	v8 =	vld [tilespmem:s3+$0x7D0];
	[tilespmem:s3+$0x8780] =	vst v1  }
0x208: {  	v7 =	vmul.f32 v7, v6;
	[tilespmem:s3+$0x8790] =	vst v9;
	v9 =	vld [tilespmem:s3+$0x810]  }
0x209: {  	v1 =	vmul.f32 v13, v6;
	[tilespmem:s3+$0x8770] =	vst v5;
	v5 =	vmul.f32 v11, v6;
	v11 =	vld [tilespmem:s3+$0x7F0]  }
0x20a: {  	[tilespmem:s3+$0x87C0] =	vst v7;
	v7 =	vld [tilespmem:s3+$0x840]  }
0x20b: {  	v13 =	vld [tilespmem:s3+$0x830];
	[tilespmem:s3+$0x87B0] =	vst v1;
	v1 =	vbroadcast v4, $0xA;
	v10 =	vmul.f32 v10, v6  }
0x20c: {  	[tilespmem:s3+$0x87A0] =	vst v5;
	v5 =	vmul.f32 v8, v6;
	v8 =	vld [tilespmem:s3+$0x820]  }
0x20d: {  	[tilespmem:s3+$0x87E0] =	vst v10;
	v9 =	vmul.f32 v9, v1;
	v10 =	vld [tilespmem:s3+$0x860]  }
0x20e: {  	v6 =	vmul.f32 v11, v6;
	[tilespmem:s3+$0x87D0] =	vst v5;
	v5 =	vmul.f32 v12, v1;
	v11 =	vld [tilespmem:s3+$0x850]  }
0x20f: {  	v12 =	vld [tilespmem:s3+$0x880];
	v7 =	vmul.f32 v7, v1;
	[tilespmem:s3+$0x8810] =	vst v9  }
0x210: {  	v9 =	vld [tilespmem:s3+$0x890];
	[tilespmem:s3+$0x8800] =	vst v5  }
0x211: {  	v5 =	vmul.f32 v13, v1;
	[tilespmem:s3+$0x8840] =	vst v7;
	v7 =	vld [tilespmem:s3+$0x8C0]  }
0x212: {  	[tilespmem:s3+$0x87F0] =	vst v6;
	v6 =	vmul.f32 v8, v1;
	v8 =	vld [tilespmem:s3+$0x870]  }
0x213: {  	v2 =	vld [tilespmem:s29+$0xAE0];
	[tilespmem:s3+$0x8830] =	vst v5;
	v5 =	vbroadcast v4, $0xB;
	v10 =	vmul.f32 v10, v1  }
0x214: {  	v13 =	vld [tilespmem:s3+$0x8B0];
	[tilespmem:s3+$0x8820] =	vst v6;
	v6 =	vmul.f32 v11, v1  }
0x215: {  	v11 =	vld [tilespmem:s3+$0x8A0];
	[tilespmem:s3+$0x8860] =	vst v10;
	v9 =	vmul.f32 v9, v5  }
0x216: {  	v10 =	vld [tilespmem:s3+$0x8E0];
	[tilespmem:s3+$0x8850] =	vst v6;
	v6 =	vmul.f32 v12, v5  }
0x217: {  	v7 =	vmul.f32 v7, v5;
	v1 =	vmul.f32 v8, v1;
	v8 =	vld [tilespmem:s3+$0x8D0];
	[tilespmem:s3+$0x8890] =	vst v9  }
0x218: {  	v9 =	vld [tilespmem:s3+$0x910];
	[tilespmem:s3+$0x8880] =	vst v6  }
0x219: {  	v0 =	vmul.f32 v2, v0;
	[tilespmem:s3+$0x88C0] =	vst v7;
	v7 =	vld [tilespmem:s3+$0x940]  }
0x21a: {  	v6 =	vmul.f32 v13, v5;
	[tilespmem:s3+$0x8870] =	vst v1;
	v1 =	vmul.f32 v11, v5;
	v11 =	vld [tilespmem:s3+$0x8F0]  }
0x21b: {  	[tilespmem:s29+$0x8AE0] =	vst v0;
	v12 =	vld [tilespmem:s3+$0x900]  }
0x21c: {  	v13 =	vld [tilespmem:s3+$0x930];
	[tilespmem:s3+$0x88B0] =	vst v6;
	v6 =	vbroadcast v4, $0xC;
	v10 =	vmul.f32 v10, v5  }
0x21d: {  	[tilespmem:s3+$0x88A0] =	vst v1;
	v1 =	vmul.f32 v8, v5;
	v8 =	vld [tilespmem:s3+$0x920]  }
0x21e: {  	[tilespmem:s3+$0x88E0] =	vst v10;
	v9 =	vmul.f32 v9, v6;
	v10 =	vld [tilespmem:s3+$0x960]  }
0x21f: {  	v7 =	vmul.f32 v7, v6;
	v5 =	vmul.f32 v11, v5;
	[tilespmem:s3+$0x88D0] =	vst v1;
	v11 =	vld [tilespmem:s3+$0x950]  }
0x220: {  	v1 =	vmul.f32 v12, v6;
	v12 =	vld [tilespmem:s3+$0x980];
	[tilespmem:s3+$0x8910] =	vst v9  }
0x221: {  	v9 =	vld [tilespmem:s3+$0x990];
	[tilespmem:s3+$0x8940] =	vst v7  }
0x222: {  	v7 =	vld [tilespmem:s3+$0x9C0];
	[tilespmem:s3+$0x8900] =	vst v1;
	v1 =	vmul.f32 v13, v6  }
0x223: {  	[tilespmem:s3+$0x88F0] =	vst v5;
	v5 =	vmul.f32 v8, v6;
	v8 =	vld [tilespmem:s3+$0x970]  }
0x224: {  	v13 =	vld [tilespmem:s3+$0x9B0];
	v10 =	vmul.f32 v10, v6;
	[tilespmem:s3+$0x8930] =	vst v1;
	v1 =	vbroadcast v4, $0xD  }
0x225: {  	[tilespmem:s3+$0x8920] =	vst v5;
	v5 =	vmul.f32 v11, v6;
	v11 =	vld [tilespmem:s3+$0x9A0]  }
0x226: {  	[tilespmem:s3+$0x8960] =	vst v10;
	v10 =	vld [tilespmem:s3+$0x9E0];
	v9 =	vmul.f32 v9, v1  }
0x227: {  	[tilespmem:s3+$0x8950] =	vst v5;
	v5 =	vmul.f32 v12, v1;
	v12 =	vld [tilespmem:s3+$0xA00]  }
0x228: {  	v6 =	vmul.f32 v8, v6;
	v8 =	vld [tilespmem:s3+$0x9D0];
	[tilespmem:s3+$0x8990] =	vst v9  }
0x229: {  	v7 =	vmul.f32 v7, v1;
	v9 =	vld [tilespmem:s3+$0xA10];
	[tilespmem:s3+$0x8980] =	vst v5  }
0x22a: {  	v5 =	vmul.f32 v13, v1;
	[tilespmem:s3+$0x8970] =	vst v6;
	v6 =	vmul.f32 v11, v1;
	v11 =	vld [tilespmem:s3+$0x9F0]  }
0x22b: {  	[tilespmem:s3+$0x89C0] =	vst v7;
	v7 =	vld [tilespmem:s3+$0xA40]  }
0x22c: {  	v4 =	vbroadcast v4, $0xE;
	[tilespmem:s3+$0x89B0] =	vst v5;
	v5 =	vmul.f32 v10, v1;
	v10 =	vld [tilespmem:s3+$0xA30]  }
0x22d: {  	[tilespmem:s3+$0x89A0] =	vst v6;
	v6 =	vmul.f32 v8, v1;
	v8 =	vld [tilespmem:s3+$0xA20]  }
0x22e: {  	[tilespmem:s3+$0x89E0] =	vst v5;
	v5 =	vmul.f32 v9, v4;
	v9 =	vld [tilespmem:s3+$0xA60]  }
0x22f: {  	v1 =	vmul.f32 v11, v1;
	[tilespmem:s3+$0x89D0] =	vst v6;
	v6 =	vmul.f32 v12, v4;
	v11 =	vld [tilespmem:s3+$0xA50]  }
0x230: {  	[tilespmem:s3+$0x8A10] =	vst v5;
	v5 =	vmul.f32 v7, v4;
	v7 =	vld [tilespmem:s3+$0xA90]  }
0x231: {  	[tilespmem:s3+$0x8A00] =	vst v6;
	v6 =	vmul.f32 v10, v4;
	v10 =	vld [tilespmem:s3+$0xA80]  }
0x232: {  	[tilespmem:s3+$0x8A40] =	vst v5;
	v5 =	vld [tilespmem:s3+$0xAC0]  }
0x233: {  	[tilespmem:s3+$0x89F0] =	vst v1;
	v1 =	vmul.f32 v8, v4;
	v8 =	vld [tilespmem:s3+$0xA70]  }
0x234: {  	[tilespmem:s3+$0x8A30] =	vst v6;
	v6 =	vmul.f32 v9, v4  }
0x235: {  	v9 =	vld [tilespmem:s3+$0xAB0];
	[tilespmem:s3+$0x8A20] =	vst v1;
	v1 =	vmul.f32 v11, v4  }
0x236: {  	v11 =	vld [tilespmem:s3+$0xAA0];
	[tilespmem:s3+$0x8A60] =	vst v6;
	v6 =	vmul.f32 v7, v3  }
0x237: {  	v7 =	vld [tilespmem:s3+$0xAE0];
	[tilespmem:s3+$0x8A50] =	vst v1;
	v1 =	vmul.f32 v10, v3  }
0x238: {  	v5 =	vmul.f32 v5, v3;
	v4 =	vmul.f32 v8, v4;
	v8 =	vld [tilespmem:s3+$0xAD0];
	[tilespmem:s3+$0x8A90] =	vst v6  }
0x239: {  	[tilespmem:s3+$0x8A80] =	vst v1  }
0x23a: {  	v1 =	vmul.f32 v9, v3;
	[tilespmem:s3+$0x8AC0] =	vst v5  }
0x23b: {  	[tilespmem:s3+$0x8A70] =	vst v4;
	v4 =	vmul.f32 v11, v3  }
0x23c: {  	[tilespmem:s3+$0x8AB0] =	vst v1;
	v1 =	vmul.f32 v7, v3  }
0x23d: {  	[tilespmem:s3+$0x8AA0] =	vst v4;
	v4 =	vmul.f32 v8, v3  }
0x23e: {  	p0 =	seq.s32 s28, $0x4E;
	[tilespmem:s3+$0x8AE0] =	vst v1  }
0x23f: {  	s0 =	smul.u32 @!p0 $0x300, s28;
	[tilespmem:s3+$0x8AD0] =	vst v4  }
0x240: {  	[spmem:s2] =	stream.indirect.scatter.add.f32 [tilespmem:s23], [sflag:$0x5], $0x80, s18, s18, $0xb8;
	[tilespmem:$0x1FB80] =	vst v63  }
0x241: {  	s0 =	sadd.s32 @!p0 s0, s10;
	_ =	swait.ge [sflag:s15], $0x4000  }
0x242: {  	s0 =	sshrl.u32 @!p0 s0, $0x3;
	[sflag:s15] =	ssyncset.done $0x0  }
0x243: {  	s0 =	sadd.s32 @!p0 s6, s0;
	s3 =	simm.s32 @!p0 $0x0;
	[sflag:s15] =	ssyncadd.s32 $0xFFFFC000  }
0x244: {  	[tilespmem:s3], [sflag:$0x1] =	stream.linear.gather @!p0 [hbm4b:s0+s3], $0x180, $0x38;
	[tilespmem:$0x1FB80] =	vst v63  }
0x245: {  	s0 =	simm.s32 @!p0 $0x1  }
0x246: {  	_ =	swait.ge @!p0 [sflag:s0], $0x180  }
0x247: {  	[sflag:s0] =	ssyncset.done @!p0 $0x0  }
0x248: {  	s29 =	simm.s32 @!p0 $0x300;
	[sflag:s0] =	ssyncadd.s32 @!p0 $0xFFFFFE80;
	s0 =	simm.s32 @!p0 $0x80  }
0x249: {  	[tilespmem:s29], [sflag:$0x3] =	stream.indirect.gather @!p0 [hbm4b:s5+s0], $0x80, s3, s0, $0xb8;
	[tilespmem:$0x1FB80] =	vst v63  }
0x24a: {  	_ =	swait.ge [sflag:s24], $0x4000  }
0x24b: {  	s3 =	simm.s32 $0x0;
	[sflag:s24] =	ssyncset.done $0x0  }
0x24c: {  	s0 =	sand.u32 $0x3FFFFFF0, s3;
	[sflag:s24] =	ssyncadd.s32 $0xFFFFC000  }
0x24d: {  	s30 =	simm.s32 $0x0;
	v3 =	vld [tilespmem:s0+$0x280]  }
0x24e: {  	v0 =	vld [tilespmem:s30+$0x4AF0]  }
0x24f: {  	v2 =	vld [tilespmem:s30+$0x4300]  }
0x250: {  	v4 =	vld [tilespmem:s30+$0x4310]  }
0x251: {  	v5 =	vld [tilespmem:s30+$0x4320]  }
0x252: {  	v6 =	vld [tilespmem:s30+$0x4330]  }
0x253: {  	v7 =	vld [tilespmem:s30+$0x4340]  }
0x254: {  	v8 =	vld [tilespmem:s30+$0x4350]  }
0x255: {  	v9 =	vld [tilespmem:s30+$0x4360]  }
0x256: {  	v11 =	vld [tilespmem:s30+$0x4380]  }
0x257: {  	v12 =	vld [tilespmem:s30+$0x4390]  }
0x258: {  	v16 =	vld [tilespmem:s30+$0x4460];
	v1 =	vbroadcast v3, $0xF  }
0x259: {  	v29 =	vld [tilespmem:s30+$0x4480];
	v10 =	vbroadcast v3, $0x0  }
0x25a: {  	v13 =	vld [tilespmem:s30+$0x43A0];
	v0 =	vmul.f32 v0, v1  }
0x25b: {  	v14 =	vld [tilespmem:s30+$0x43B0];
	v48 =	vbroadcast v3, $0x2;
	v2 =	vmul.f32 v10, v2  }
0x25c: {  	s29 =	simm.s32 $0x800;
	v15 =	vld [tilespmem:s30+$0x43C0];
	v56 =	vbroadcast v3, $0x3;
	v4 =	vmul.f32 v4, v10;
	[tilespmem:s30+$0x8AF0] =	vst v0  }
0x25d: {  	v17 =	vld [tilespmem:s29+$0x4AF0];
	v16 =	vmul.f32 v16, v48;
	[tilespmem:s30+$0x8300] =	vst v2  }
0x25e: {  	v18 =	vld [tilespmem:s29+$0x4300];
	v59 =	vmul.f32 v29, v56;
	[tilespmem:s30+$0x8310] =	vst v4  }
0x25f: {  	v0 =	vld [tilespmem:s30+$0x4370];
	v2 =	vmul.f32 v5, v10;
	[tilespmem:s30+$0x8460] =	vst v16  }
0x260: {  	v19 =	vld [tilespmem:s29+$0x4310];
	v5 =	vmul.f32 v6, v10;
	[tilespmem:s30+$0x8480] =	vst v59  }
0x261: {  	v20 =	vld [tilespmem:s29+$0x4320];
	[tilespmem:s30+$0x8320] =	vst v2;
	v2 =	vmul.f32 v7, v10  }
0x262: {  	v21 =	vld [tilespmem:s29+$0x4330];
	[tilespmem:s30+$0x8330] =	vst v5;
	v7 =	vmul.f32 v8, v10  }
0x263: {  	v4 =	vld [tilespmem:s30+$0x43D0];
	[tilespmem:s30+$0x8340] =	vst v2;
	v2 =	vmul.f32 v9, v10;
	v9 =	vbroadcast v3, $0x1  }
0x264: {  	v6 =	vld [tilespmem:s30+$0x43E0];
	[tilespmem:s30+$0x8350] =	vst v7;
	v0 =	vmul.f32 v0, v10  }
0x265: {  	v22 =	vld [tilespmem:s29+$0x4340];
	[tilespmem:s30+$0x8360] =	vst v2;
	v2 =	vmul.f32 v11, v9  }
0x266: {  	v5 =	vld [tilespmem:s30+$0x43F0];
	v14 =	vmul.f32 v14, v9;
	[tilespmem:s30+$0x8370] =	vst v0  }
0x267: {  	v8 =	vld [tilespmem:s30+$0x4400];
	v15 =	vmul.f32 v15, v9;
	[tilespmem:s30+$0x8380] =	vst v2  }
0x268: {  	v7 =	vld [tilespmem:s30+$0x4410];
	v4 =	vmul.f32 v4, v9;
	[tilespmem:s30+$0x83B0] =	vst v14  }
0x269: {  	v10 =	vld [tilespmem:s30+$0x4420];
	v6 =	vmul.f32 v6, v9;
	[tilespmem:s30+$0x83C0] =	vst v15  }
0x26a: {  	s3 =	simm.s32 $0x10;
	v11 =	vld [tilespmem:s30+$0x4430];
	v2 =	vmul.f32 v13, v9;
	[tilespmem:s30+$0x83D0] =	vst v4  }
0x26b: {  	s0 =	sand.u32 $0x3FFFFFF0, s3;
	v0 =	vmul.f32 v12, v9;
	v12 =	vld [tilespmem:s30+$0x4440];
	[tilespmem:s30+$0x83E0] =	vst v6  }
0x26c: {  	v5 =	vmul.f32 v5, v9;
	[tilespmem:s30+$0x83A0] =	vst v2;
	v2 =	vld [tilespmem:s0+$0x280]  }
0x26d: {  	v8 =	vmul.f32 v8, v48;
	v13 =	vld [tilespmem:s30+$0x4450];
	[tilespmem:s30+$0x8390] =	vst v0  }
0x26e: {  	v23 =	vld [tilespmem:s29+$0x4350];
	[tilespmem:s30+$0x83F0] =	vst v5;
	v7 =	vmul.f32 v7, v48  }
0x26f: {  	v24 =	vld [tilespmem:s30+$0x4470];
	[tilespmem:s30+$0x8400] =	vst v8;
	v10 =	vmul.f32 v10, v48  }
0x270: {  	v46 =	vld [tilespmem:s29+$0x4370];
	[tilespmem:s30+$0x8410] =	vst v7;
	v11 =	vmul.f32 v11, v48  }
0x271: {  	v26 =	vld [tilespmem:s29+$0x4380];
	[tilespmem:s30+$0x8420] =	vst v10;
	v12 =	vmul.f32 v12, v48;
	v0 =	vbroadcast v2, $0xF  }
0x272: {  	v27 =	vld [tilespmem:s29+$0x4390];
	[tilespmem:s30+$0x8430] =	vst v11;
	v13 =	vmul.f32 v13, v48;
	v25 =	vbroadcast v2, $0x0  }
0x273: {  	v28 =	vld [tilespmem:s29+$0x43A0];
	[tilespmem:s30+$0x8440] =	vst v12;
	v17 =	vmul.f32 v17, v0  }
0x274: {  	v47 =	vld [tilespmem:s30+$0x4490];
	[tilespmem:s30+$0x8450] =	vst v13;
	v18 =	vmul.f32 v25, v18  }
0x275: {  	v14 =	vld [tilespmem:s29+$0x4360];
	v19 =	vmul.f32 v19, v25;
	[tilespmem:s29+$0x8AF0] =	vst v17  }
0x276: {  	v49 =	vld [tilespmem:s30+$0x44B0];
	v20 =	vmul.f32 v20, v25;
	[tilespmem:s29+$0x8300] =	vst v18  }
0x277: {  	v50 =	vld [tilespmem:s30+$0x44C0];
	v21 =	vmul.f32 v21, v25;
	[tilespmem:s29+$0x8310] =	vst v19  }
0x278: {  	v51 =	vld [tilespmem:s30+$0x44D0];
	v22 =	vmul.f32 v22, v25;
	[tilespmem:s29+$0x8320] =	vst v20  }
0x279: {  	v15 =	vld [tilespmem:s29+$0x43B0];
	v53 =	vbroadcast v2, $0x1;
	v23 =	vmul.f32 v23, v25;
	[tilespmem:s29+$0x8330] =	vst v21  }
0x27a: {  	v4 =	vld [tilespmem:s29+$0x43C0];
	v14 =	vmul.f32 v14, v25;
	[tilespmem:s29+$0x8340] =	vst v22  }
0x27b: {  	v6 =	vld [tilespmem:s29+$0x43D0];
	v26 =	vmul.f32 v26, v53;
	[tilespmem:s29+$0x8350] =	vst v23  }
0x27c: {  	v5 =	vld [tilespmem:s29+$0x43E0];
	v27 =	vmul.f32 v27, v53;
	[tilespmem:s29+$0x8360] =	vst v14  }
0x27d: {  	v8 =	vld [tilespmem:s29+$0x43F0];
	v28 =	vmul.f32 v28, v53;
	[tilespmem:s29+$0x8380] =	vst v26  }
0x27e: {  	v7 =	vld [tilespmem:s29+$0x4400];
	v15 =	vmul.f32 v15, v53;
	[tilespmem:s29+$0x8390] =	vst v27  }
0x27f: {  	v10 =	vld [tilespmem:s29+$0x4410];
	v4 =	vmul.f32 v4, v53;
	[tilespmem:s29+$0x83A0] =	vst v28  }
0x280: {  	v57 =	vld [tilespmem:s29+$0x4450];
	v6 =	vmul.f32 v6, v53;
	[tilespmem:s29+$0x83B0] =	vst v15  }
0x281: {  	v11 =	vld [tilespmem:s29+$0x4420];
	v33 =	vbroadcast v2, $0x2;
	v5 =	vmul.f32 v5, v53;
	[tilespmem:s29+$0x83C0] =	vst v4  }
0x282: {  	v52 =	vld [tilespmem:s30+$0x44E0];
	v8 =	vmul.f32 v8, v53;
	[tilespmem:s29+$0x83D0] =	vst v6  }
0x283: {  	v54 =	vld [tilespmem:s30+$0x4500];
	v7 =	vmul.f32 v7, v33;
	[tilespmem:s29+$0x83E0] =	vst v5  }
0x284: {  	v55 =	vld [tilespmem:s30+$0x4510];
	v10 =	vmul.f32 v10, v33;
	[tilespmem:s29+$0x83F0] =	vst v8  }
0x285: {  	v9 =	vld [tilespmem:s30+$0x44A0];
	v16 =	vmul.f32 v57, v33;
	[tilespmem:s29+$0x8400] =	vst v7  }
0x286: {  	v58 =	vld [tilespmem:s30+$0x4520];
	v11 =	vmul.f32 v11, v33;
	[tilespmem:s29+$0x8410] =	vst v10  }
0x287: {  	v60 =	vld [tilespmem:s29+$0x4460];
	v17 =	vmul.f32 v46, v25;
	[tilespmem:s29+$0x8450] =	vst v16  }
0x288: {  	v61 =	vld [tilespmem:s30+$0x4530];
	v19 =	vmul.f32 v24, v48;
	[tilespmem:s29+$0x8420] =	vst v11  }
0x289: {  	v62 =	vld [tilespmem:s29+$0x4470];
	v15 =	vmul.f32 v47, v56;
	[tilespmem:s29+$0x8370] =	vst v17  }
0x28a: {  	v12 =	vld [tilespmem:s29+$0x4430];
	v4 =	vmul.f32 v9, v56;
	[tilespmem:s30+$0x8470] =	vst v19  }
0x28b: {  	v63 =	vld [tilespmem:s30+$0x4540];
	v6 =	vmul.f32 v49, v56;
	[tilespmem:s30+$0x8490] =	vst v15  }
0x28c: {  	v13 =	vld [tilespmem:s29+$0x4440];
	v5 =	vmul.f32 v50, v56;
	[tilespmem:s30+$0x84A0] =	vst v4  }
0x28d: {  	v32 =	vld [tilespmem:s30+$0x4560];
	v8 =	vmul.f32 v51, v56;
	[tilespmem:s30+$0x84B0] =	vst v6  }
0x28e: {  	v34 =	vld [tilespmem:s30+$0x4570];
	v7 =	vmul.f32 v52, v56;
	[tilespmem:s30+$0x84C0] =	vst v5  }
0x28f: {  	v35 =	vld [tilespmem:s30+$0x4580];
	v12 =	vmul.f32 v12, v33;
	[tilespmem:s30+$0x84D0] =	vst v8  }
0x290: {  	v36 =	vld [tilespmem:s30+$0x4590];
	v10 =	vbroadcast v3, $0x4;
	v18 =	vmul.f32 v62, v33;
	[tilespmem:s30+$0x84E0] =	vst v7  }
0x291: {  	v37 =	vld [tilespmem:s30+$0x45A0];
	v13 =	vmul.f32 v13, v33;
	[tilespmem:s29+$0x8430] =	vst v12  }
0x292: {  	v38 =	vld [tilespmem:s30+$0x45B0];
	v11 =	vmul.f32 v54, v10;
	[tilespmem:s29+$0x8470] =	vst v18  }
0x293: {  	v45 =	vld [tilespmem:s29+$0x4520];
	v12 =	vmul.f32 v55, v10;
	[tilespmem:s29+$0x8440] =	vst v13  }
0x294: {  	v14 =	vld [tilespmem:s30+$0x44F0];
	v19 =	vmul.f32 v60, v33;
	[tilespmem:s30+$0x8500] =	vst v11  }
0x295: {  	v9 =	vld [tilespmem:s29+$0x4480];
	v41 =	vmul.f32 v61, v10;
	[tilespmem:s30+$0x8510] =	vst v12  }
0x296: {  	v47 =	vld [tilespmem:s29+$0x4530];
	v44 =	vmul.f32 v63, v10;
	v55 =	vbroadcast v2, $0x4;
	[tilespmem:s29+$0x8460] =	vst v19  }
0x297: {  	v15 =	vld [tilespmem:s30+$0x4550];
	v13 =	vmul.f32 v58, v10;
	[tilespmem:s30+$0x8530] =	vst v41  }
0x298: {  	v43 =	vbroadcast v2, $0x3;
	v4 =	vld [tilespmem:s29+$0x4490];
	[tilespmem:s30+$0x8540] =	vst v44;
	v16 =	vmul.f32 v45, v55  }
0x299: {  	v39 =	vld [tilespmem:s30+$0x45C0];
	v14 =	vmul.f32 v14, v56;
	[tilespmem:s30+$0x8520] =	vst v13  }
0x29a: {  	v6 =	vld [tilespmem:s29+$0x44A0];
	v9 =	vmul.f32 v9, v43;
	[tilespmem:s29+$0x8520] =	vst v16  }
0x29b: {  	v40 =	vld [tilespmem:s30+$0x45D0];
	v18 =	vmul.f32 v47, v55;
	[tilespmem:s30+$0x84F0] =	vst v14  }
0x29c: {  	v5 =	vld [tilespmem:s29+$0x44B0];
	v15 =	vmul.f32 v15, v10;
	[tilespmem:s29+$0x8480] =	vst v9  }
0x29d: {  	v8 =	vld [tilespmem:s29+$0x44C0];
	v4 =	vmul.f32 v4, v43;
	[tilespmem:s29+$0x8530] =	vst v18  }
0x29e: {  	v7 =	vld [tilespmem:s29+$0x44D0];
	v9 =	vmul.f32 v32, v10;
	[tilespmem:s30+$0x8550] =	vst v15  }
0x29f: {  	v33 =	vld [tilespmem:s29+$0x4600];
	v6 =	vmul.f32 v6, v43;
	[tilespmem:s29+$0x8490] =	vst v4  }
0x2a0: {  	v11 =	vld [tilespmem:s29+$0x44F0];
	v10 =	vmul.f32 v34, v10;
	[tilespmem:s30+$0x8560] =	vst v9  }
0x2a1: {  	v12 =	vld [tilespmem:s29+$0x4500];
	v5 =	vmul.f32 v5, v43;
	[tilespmem:s29+$0x84A0] =	vst v6  }
0x2a2: {  	v45 =	vbroadcast v2, $0x6;
	v13 =	vld [tilespmem:s29+$0x4510];
	v8 =	vmul.f32 v8, v43;
	[tilespmem:s30+$0x8570] =	vst v10  }
0x2a3: {  	v42 =	vld [tilespmem:s30+$0x45E0];
	v7 =	vmul.f32 v7, v43;
	[tilespmem:s29+$0x84B0] =	vst v5  }
0x2a4: {  	v59 =	vld [tilespmem:s30+$0x46A0];
	v18 =	vmul.f32 v33, v45;
	[tilespmem:s29+$0x84C0] =	vst v8  }
0x2a5: {  	v53 =	vld [tilespmem:s30+$0x4650];
	[tilespmem:s29+$0x84D0] =	vst v7;
	v11 =	vmul.f32 v11, v43  }
0x2a6: {  	v57 =	vld [tilespmem:s30+$0x4680];
	v4 =	vbroadcast v3, $0x5;
	v12 =	vmul.f32 v12, v55;
	[tilespmem:s29+$0x8600] =	vst v18  }
0x2a7: {  	v46 =	vld [tilespmem:s30+$0x45F0];
	v13 =	vmul.f32 v13, v55;
	[tilespmem:s29+$0x84F0] =	vst v11  }
0x2a8: {  	v48 =	vld [tilespmem:s30+$0x4600];
	v6 =	vmul.f32 v35, v4;
	[tilespmem:s29+$0x8500] =	vst v12  }
0x2a9: {  	v14 =	vld [tilespmem:s29+$0x44E0];
	v5 =	vmul.f32 v36, v4;
	[tilespmem:s29+$0x8510] =	vst v13  }
0x2aa: {  	v63 =	vld [tilespmem:s29+$0x45F0];
	v8 =	vmul.f32 v37, v4;
	[tilespmem:s30+$0x8580] =	vst v6  }
0x2ab: {  	v49 =	vld [tilespmem:s30+$0x4610];
	v7 =	vmul.f32 v38, v4;
	[tilespmem:s30+$0x8590] =	vst v5  }
0x2ac: {  	v50 =	vld [tilespmem:s30+$0x4620];
	v11 =	vmul.f32 v40, v4;
	[tilespmem:s30+$0x85A0] =	vst v8  }
0x2ad: {  	v51 =	vld [tilespmem:s30+$0x4630];
	v12 =	vmul.f32 v42, v4;
	v36 =	vbroadcast v2, $0x5;
	[tilespmem:s30+$0x85B0] =	vst v7  }
0x2ae: {  	v15 =	vld [tilespmem:s29+$0x4540];
	v14 =	vmul.f32 v14, v43;
	[tilespmem:s30+$0x85D0] =	vst v11  }
0x2af: {  	v52 =	vld [tilespmem:s30+$0x4640];
	[tilespmem:s30+$0x85E0] =	vst v12;
	v16 =	vmul.f32 v63, v36  }
0x2b0: {  	v9 =	vld [tilespmem:s29+$0x4550];
	v13 =	vbroadcast v3, $0x6;
	[tilespmem:s29+$0x84E0] =	vst v14;
	v14 =	vmul.f32 v39, v4  }
0x2b1: {  	v10 =	vld [tilespmem:s29+$0x4560];
	v4 =	vmul.f32 v46, v4;
	[tilespmem:s29+$0x85F0] =	vst v16  }
0x2b2: {  	v54 =	vld [tilespmem:s30+$0x4660];
	v60 =	vmul.f32 v48, v13;
	[tilespmem:s30+$0x85C0] =	vst v14  }
0x2b3: {  	v61 =	vld [tilespmem:s30+$0x46B0];
	v15 =	vmul.f32 v15, v55;
	[tilespmem:s30+$0x85F0] =	vst v4  }
0x2b4: {  	v58 =	vld [tilespmem:s30+$0x4690];
	v62 =	vmul.f32 v49, v13;
	[tilespmem:s30+$0x8600] =	vst v60  }
0x2b5: {  	v6 =	vld [tilespmem:s29+$0x4570];
	v9 =	vmul.f32 v9, v55;
	[tilespmem:s29+$0x8540] =	vst v15  }
0x2b6: {  	v5 =	vld [tilespmem:s29+$0x4580];
	v10 =	vmul.f32 v10, v55;
	[tilespmem:s30+$0x8610] =	vst v62  }
0x2b7: {  	v8 =	vld [tilespmem:s29+$0x4590];
	v15 =	vmul.f32 v50, v13;
	[tilespmem:s29+$0x8550] =	vst v9  }
0x2b8: {  	v7 =	vld [tilespmem:s29+$0x45A0];
	v9 =	vmul.f32 v51, v13;
	[tilespmem:s29+$0x8560] =	vst v10  }
0x2b9: {  	v11 =	vld [tilespmem:s29+$0x45C0];
	v10 =	vmul.f32 v52, v13;
	[tilespmem:s30+$0x8620] =	vst v15  }
0x2ba: {  	v12 =	vld [tilespmem:s29+$0x45D0];
	v6 =	vmul.f32 v6, v55;
	[tilespmem:s30+$0x8630] =	vst v9  }
0x2bb: {  	v41 =	vld [tilespmem:s30+$0x4730];
	v5 =	vmul.f32 v5, v36;
	[tilespmem:s30+$0x8640] =	vst v10  }
0x2bc: {  	v44 =	vld [tilespmem:s30+$0x4760];
	v8 =	vmul.f32 v8, v36;
	[tilespmem:s29+$0x8570] =	vst v6  }
0x2bd: {  	v56 =	vld [tilespmem:s30+$0x4670];
	v7 =	vmul.f32 v7, v36;
	[tilespmem:s29+$0x8580] =	vst v5  }
0x2be: {  	v14 =	vld [tilespmem:s29+$0x45B0];
	v11 =	vmul.f32 v11, v36;
	[tilespmem:s29+$0x8590] =	vst v8  }
0x2bf: {  	v4 =	vld [tilespmem:s29+$0x45E0];
	v12 =	vmul.f32 v12, v36;
	[tilespmem:s29+$0x85A0] =	vst v7  }
0x2c0: {  	v32 =	vld [tilespmem:s30+$0x46C0];
	v6 =	vmul.f32 v53, v13;
	[tilespmem:s29+$0x85C0] =	vst v11  }
0x2c1: {  	v34 =	vld [tilespmem:s30+$0x46D0];
	v5 =	vmul.f32 v54, v13;
	[tilespmem:s29+$0x85D0] =	vst v12  }
0x2c2: {  	v35 =	vld [tilespmem:s30+$0x46E0];
	v13 =	vmul.f32 v56, v13;
	[tilespmem:s30+$0x8650] =	vst v6  }
0x2c3: {  	v37 =	vld [tilespmem:s30+$0x46F0];
	v8 =	vbroadcast v3, $0x7;
	v14 =	vmul.f32 v14, v36;
	[tilespmem:s30+$0x8660] =	vst v5  }
0x2c4: {  	v38 =	vld [tilespmem:s30+$0x4700];
	v4 =	vmul.f32 v4, v36;
	[tilespmem:s30+$0x8670] =	vst v13  }
0x2c5: {  	v40 =	vld [tilespmem:s30+$0x4720];
	v7 =	vmul.f32 v57, v8;
	[tilespmem:s29+$0x85B0] =	vst v14  }
0x2c6: {  	v42 =	vld [tilespmem:s30+$0x4740];
	v11 =	vmul.f32 v59, v8;
	[tilespmem:s29+$0x85E0] =	vst v4  }
0x2c7: {  	v15 =	vld [tilespmem:s29+$0x4610];
	v12 =	vmul.f32 v61, v8;
	[tilespmem:s30+$0x8680] =	vst v7  }
0x2c8: {  	v9 =	vld [tilespmem:s29+$0x4620];
	v47 =	vmul.f32 v34, v8;
	[tilespmem:s30+$0x86A0] =	vst v11  }
0x2c9: {  	v43 =	vld [tilespmem:s30+$0x4750];
	v49 =	vmul.f32 v35, v8;
	[tilespmem:s30+$0x86B0] =	vst v12  }
0x2ca: {  	v10 =	vld [tilespmem:s29+$0x4630];
	v14 =	vmul.f32 v58, v8;
	[tilespmem:s30+$0x86D0] =	vst v47  }
0x2cb: {  	v50 =	vld [tilespmem:s29+$0x46C0];
	v4 =	vmul.f32 v32, v8;
	[tilespmem:s30+$0x86E0] =	vst v49  }
0x2cc: {  	v52 =	vld [tilespmem:s29+$0x46D0];
	v15 =	vmul.f32 v15, v45;
	[tilespmem:s30+$0x8690] =	vst v14  }
0x2cd: {  	v63 =	vld [tilespmem:s30+$0x4830];
	v9 =	vmul.f32 v9, v45;
	[tilespmem:s30+$0x86C0] =	vst v4  }
0x2ce: {  	v6 =	vld [tilespmem:s29+$0x4640];
	v8 =	vmul.f32 v37, v8;
	v58 =	vbroadcast v2, $0x7;
	[tilespmem:s29+$0x8610] =	vst v15  }
0x2cf: {  	v39 =	vld [tilespmem:s30+$0x4710];
	v10 =	vmul.f32 v10, v45;
	[tilespmem:s29+$0x8620] =	vst v9  }
0x2d0: {  	v5 =	vld [tilespmem:s29+$0x4650];
	v15 =	vbroadcast v3, $0x8;
	[tilespmem:s30+$0x86F0] =	vst v8;
	v16 =	vmul.f32 v50, v58  }
0x2d1: {  	v13 =	vld [tilespmem:s29+$0x4660];
	[tilespmem:s29+$0x8630] =	vst v10;
	v18 =	vmul.f32 v52, v58  }
0x2d2: {  	v46 =	vld [tilespmem:s30+$0x4770];
	v9 =	vmul.f32 v38, v15;
	[tilespmem:s29+$0x86C0] =	vst v16  }
0x2d3: {  	v48 =	vld [tilespmem:s30+$0x4780];
	v6 =	vmul.f32 v6, v45;
	[tilespmem:s29+$0x86D0] =	vst v18  }
0x2d4: {  	v7 =	vld [tilespmem:s29+$0x4670];
	v10 =	vmul.f32 v39, v15;
	[tilespmem:s30+$0x8700] =	vst v9  }
0x2d5: {  	v51 =	vld [tilespmem:s30+$0x4790];
	v5 =	vmul.f32 v5, v45;
	[tilespmem:s29+$0x8640] =	vst v6  }
0x2d6: {  	v11 =	vld [tilespmem:s29+$0x4690];
	v13 =	vmul.f32 v13, v45;
	[tilespmem:s30+$0x8710] =	vst v10  }
0x2d7: {  	v12 =	vld [tilespmem:s29+$0x46A0];
	v6 =	vmul.f32 v40, v15;
	[tilespmem:s29+$0x8650] =	vst v5  }
0x2d8: {  	v14 =	vld [tilespmem:s29+$0x4680];
	v5 =	vmul.f32 v41, v15;
	[tilespmem:s29+$0x8660] =	vst v13  }
0x2d9: {  	v4 =	vld [tilespmem:s29+$0x46B0];
	v7 =	vmul.f32 v7, v45;
	[tilespmem:s30+$0x8720] =	vst v6  }
0x2da: {  	v8 =	vld [tilespmem:s29+$0x46E0];
	v13 =	vmul.f32 v42, v15;
	[tilespmem:s30+$0x8730] =	vst v5  }
0x2db: {  	v60 =	vld [tilespmem:s30+$0x4800];
	v11 =	vmul.f32 v11, v58;
	[tilespmem:s29+$0x8670] =	vst v7  }
0x2dc: {  	v62 =	vld [tilespmem:s30+$0x4820];
	v12 =	vmul.f32 v12, v58;
	[tilespmem:s30+$0x8740] =	vst v13  }
0x2dd: {  	v55 =	vld [tilespmem:s30+$0x47C0];
	v14 =	vmul.f32 v14, v58;
	[tilespmem:s29+$0x8690] =	vst v11  }
0x2de: {  	v53 =	vld [tilespmem:s30+$0x47A0];
	v4 =	vmul.f32 v4, v58;
	[tilespmem:s29+$0x86A0] =	vst v12  }
0x2df: {  	v54 =	vld [tilespmem:s30+$0x47B0];
	v8 =	vmul.f32 v8, v58;
	[tilespmem:s29+$0x8680] =	vst v14  }
0x2e0: {  	v56 =	vld [tilespmem:s30+$0x47D0];
	v7 =	vmul.f32 v43, v15;
	[tilespmem:s29+$0x86B0] =	vst v4  }
0x2e1: {  	v36 =	vld [tilespmem:s29+$0x4790];
	v11 =	vbroadcast v3, $0x9;
	v14 =	vmul.f32 v44, v15;
	[tilespmem:s29+$0x86E0] =	vst v8  }
0x2e2: {  	v57 =	vld [tilespmem:s30+$0x47E0];
	v15 =	vmul.f32 v46, v15;
	[tilespmem:s30+$0x8750] =	vst v7  }
0x2e3: {  	v9 =	vld [tilespmem:s29+$0x46F0];
	v12 =	vmul.f32 v48, v11;
	[tilespmem:s30+$0x8760] =	vst v14  }
0x2e4: {  	v10 =	vld [tilespmem:s29+$0x4700];
	v4 =	vmul.f32 v51, v11;
	[tilespmem:s30+$0x8770] =	vst v15  }
0x2e5: {  	v41 =	vld [tilespmem:s30+$0x4880];
	v33 =	vmul.f32 v53, v11;
	[tilespmem:s30+$0x8780] =	vst v12  }
0x2e6: {  	v59 =	vld [tilespmem:s30+$0x47F0];
	v35 =	vmul.f32 v54, v11;
	[tilespmem:s30+$0x8790] =	vst v4  }
0x2e7: {  	v38 =	vbroadcast v2, $0x8;
	v39 =	vld [tilespmem:s29+$0x47A0];
	v8 =	vmul.f32 v55, v11;
	[tilespmem:s30+$0x87A0] =	vst v33  }
0x2e8: {  	v61 =	vld [tilespmem:s30+$0x4810];
	v52 =	vbroadcast v3, $0xB;
	v9 =	vmul.f32 v9, v58;
	[tilespmem:s30+$0x87B0] =	vst v35  }
0x2e9: {  	v6 =	vld [tilespmem:s29+$0x4710];
	v48 =	vbroadcast v2, $0x9;
	v10 =	vmul.f32 v10, v38;
	[tilespmem:s30+$0x87C0] =	vst v8  }
0x2ea: {  	v34 =	vld [tilespmem:s30+$0x4850];
	v54 =	vmul.f32 v41, v52;
	[tilespmem:s29+$0x86F0] =	vst v9  }
0x2eb: {  	v5 =	vld [tilespmem:s29+$0x4720];
	v16 =	vmul.f32 v36, v48;
	[tilespmem:s29+$0x8700] =	vst v10  }
0x2ec: {  	v32 =	vld [tilespmem:s30+$0x4840];
	v17 =	vmul.f32 v39, v48;
	[tilespmem:s30+$0x8880] =	vst v54  }
0x2ed: {  	v13 =	vld [tilespmem:s29+$0x4730];
	v9 =	vmul.f32 v56, v11;
	[tilespmem:s29+$0x8790] =	vst v16  }
0x2ee: {  	v49 =	vld [tilespmem:s30+$0x48F0];
	v6 =	vmul.f32 v6, v38;
	[tilespmem:s29+$0x87A0] =	vst v17  }
0x2ef: {  	v7 =	vld [tilespmem:s29+$0x4740];
	v10 =	vmul.f32 v57, v11;
	[tilespmem:s30+$0x87D0] =	vst v9  }
0x2f0: {  	v14 =	vld [tilespmem:s29+$0x4750];
	v5 =	vmul.f32 v5, v38;
	[tilespmem:s29+$0x8710] =	vst v6  }
0x2f1: {  	v15 =	vld [tilespmem:s29+$0x4760];
	v11 =	vmul.f32 v59, v11;
	[tilespmem:s30+$0x87E0] =	vst v10  }
0x2f2: {  	v37 =	vld [tilespmem:s30+$0x4860];
	v13 =	vmul.f32 v13, v38;
	[tilespmem:s29+$0x8720] =	vst v5  }
0x2f3: {  	v47 =	vld [tilespmem:s30+$0x48E0];
	v16 =	vmul.f32 v49, v52;
	[tilespmem:s30+$0x87F0] =	vst v11  }
0x2f4: {  	v50 =	vld [tilespmem:s30+$0x4900];
	v7 =	vmul.f32 v7, v38;
	[tilespmem:s29+$0x8730] =	vst v13  }
0x2f5: {  	v12 =	vld [tilespmem:s29+$0x4770];
	v6 =	vbroadcast v3, $0xA;
	v14 =	vmul.f32 v14, v38;
	[tilespmem:s30+$0x88F0] =	vst v16  }
0x2f6: {  	v4 =	vld [tilespmem:s29+$0x4780];
	v15 =	vmul.f32 v15, v38;
	[tilespmem:s29+$0x8740] =	vst v7  }
0x2f7: {  	v8 =	vld [tilespmem:s29+$0x47B0];
	v5 =	vmul.f32 v60, v6;
	[tilespmem:s29+$0x8750] =	vst v14  }
0x2f8: {  	v40 =	vld [tilespmem:s30+$0x4870];
	v13 =	vmul.f32 v61, v6;
	[tilespmem:s29+$0x8760] =	vst v15  }
0x2f9: {  	v42 =	vld [tilespmem:s30+$0x4890];
	v7 =	vmul.f32 v62, v6;
	[tilespmem:s30+$0x8800] =	vst v5  }
0x2fa: {  	v45 =	vld [tilespmem:s30+$0x48C0];
	v12 =	vmul.f32 v12, v38;
	[tilespmem:s30+$0x8810] =	vst v13  }
0x2fb: {  	v43 =	vld [tilespmem:s30+$0x48A0];
	v4 =	vmul.f32 v4, v48;
	[tilespmem:s30+$0x8820] =	vst v7  }
0x2fc: {  	v44 =	vld [tilespmem:s30+$0x48B0];
	v8 =	vmul.f32 v8, v48;
	[tilespmem:s29+$0x8770] =	vst v12  }
0x2fd: {  	v46 =	vld [tilespmem:s30+$0x48D0];
	v14 =	vmul.f32 v63, v6;
	[tilespmem:s29+$0x8780] =	vst v4  }
0x2fe: {  	v56 =	vld [tilespmem:s29+$0x4870];
	v15 =	vmul.f32 v32, v6;
	[tilespmem:s29+$0x87B0] =	vst v8  }
0x2ff: {  	v33 =	vld [tilespmem:s29+$0x48E0];
	v12 =	vmul.f32 v34, v6;
	[tilespmem:s30+$0x8830] =	vst v14  }
0x300: {  	v9 =	vld [tilespmem:s29+$0x47C0];
	v4 =	vmul.f32 v37, v6;
	[tilespmem:s30+$0x8840] =	vst v15  }
0x301: {  	v10 =	vld [tilespmem:s29+$0x47D0];
	v60 =	vbroadcast v2, $0xA;
	v6 =	vmul.f32 v40, v6;
	[tilespmem:s30+$0x8850] =	vst v12  }
0x302: {  	v11 =	vld [tilespmem:s29+$0x47E0];
	v38 =	vbroadcast v2, $0xB;
	v8 =	vmul.f32 v42, v52;
	[tilespmem:s30+$0x8860] =	vst v4  }
0x303: {  	v51 =	vld [tilespmem:s30+$0x4910];
	v17 =	vmul.f32 v56, v60;
	[tilespmem:s30+$0x8870] =	vst v6  }
0x304: {  	v53 =	vld [tilespmem:s30+$0x4920];
	v16 =	vmul.f32 v33, v38;
	[tilespmem:s30+$0x8890] =	vst v8  }
0x305: {  	v55 =	vld [tilespmem:s30+$0x4930];
	v9 =	vmul.f32 v9, v48;
	[tilespmem:s29+$0x8870] =	vst v17  }
0x306: {  	v5 =	vld [tilespmem:s29+$0x47F0];
	v10 =	vmul.f32 v10, v48;
	[tilespmem:s29+$0x88E0] =	vst v16  }
0x307: {  	v13 =	vld [tilespmem:s29+$0x4800];
	v11 =	vmul.f32 v11, v48;
	[tilespmem:s29+$0x87C0] =	vst v9  }
0x308: {  	v7 =	vld [tilespmem:s29+$0x4810];
	v9 =	vmul.f32 v43, v52;
	[tilespmem:s29+$0x87D0] =	vst v10  }
0x309: {  	v42 =	vld [tilespmem:s29+$0x4940];
	v10 =	vmul.f32 v44, v52;
	[tilespmem:s29+$0x87E0] =	vst v11  }
0x30a: {  	v14 =	vld [tilespmem:s29+$0x4820];
	v11 =	vmul.f32 v45, v52;
	[tilespmem:s30+$0x88A0] =	vst v9  }
0x30b: {  	v15 =	vld [tilespmem:s29+$0x4830];
	v5 =	vmul.f32 v5, v48;
	[tilespmem:s30+$0x88B0] =	vst v10  }
0x30c: {  	v58 =	vld [tilespmem:s30+$0x4950];
	v49 =	vbroadcast v2, $0xC;
	v13 =	vmul.f32 v13, v60;
	[tilespmem:s30+$0x88C0] =	vst v11  }
0x30d: {  	v41 =	vld [tilespmem:s30+$0x4A00];
	v7 =	vmul.f32 v7, v60;
	[tilespmem:s29+$0x87F0] =	vst v5  }
0x30e: {  	v12 =	vld [tilespmem:s29+$0x4840];
	v17 =	vmul.f32 v42, v49;
	[tilespmem:s29+$0x8800] =	vst v13  }
0x30f: {  	v4 =	vld [tilespmem:s29+$0x4850];
	v14 =	vmul.f32 v14, v60;
	[tilespmem:s29+$0x8810] =	vst v7  }
0x310: {  	v6 =	vld [tilespmem:s29+$0x4860];
	v15 =	vmul.f32 v15, v60;
	[tilespmem:s29+$0x8940] =	vst v17  }
0x311: {  	v8 =	vld [tilespmem:s29+$0x4880];
	v5 =	vmul.f32 v46, v52;
	[tilespmem:s29+$0x8820] =	vst v14  }
0x312: {  	v35 =	vld [tilespmem:s30+$0x49C0];
	v13 =	vmul.f32 v47, v52;
	[tilespmem:s29+$0x8830] =	vst v15  }
0x313: {  	v36 =	vld [tilespmem:s30+$0x49D0];
	v12 =	vmul.f32 v12, v60;
	[tilespmem:s30+$0x88D0] =	vst v5  }
0x314: {  	v39 =	vld [tilespmem:s30+$0x49F0];
	v4 =	vmul.f32 v4, v60;
	[tilespmem:s30+$0x88E0] =	vst v13  }
0x315: {  	v57 =	vld [tilespmem:s30+$0x4940];
	v7 =	vbroadcast v3, $0xC;
	v6 =	vmul.f32 v6, v60;
	[tilespmem:s29+$0x8840] =	vst v12  }
0x316: {  	v59 =	vld [tilespmem:s30+$0x4960];
	v8 =	vmul.f32 v8, v38;
	[tilespmem:s29+$0x8850] =	vst v4  }
0x317: {  	v54 =	vld [tilespmem:s30+$0x4A90];
	v14 =	vmul.f32 v50, v7;
	[tilespmem:s29+$0x8860] =	vst v6  }
0x318: {  	v61 =	vld [tilespmem:s30+$0x4970];
	v15 =	vmul.f32 v51, v7;
	[tilespmem:s29+$0x8880] =	vst v8  }
0x319: {  	v9 =	vld [tilespmem:s29+$0x4890];
	v12 =	vmul.f32 v53, v7;
	[tilespmem:s30+$0x8900] =	vst v14  }
0x31a: {  	v62 =	vld [tilespmem:s30+$0x4980];
	v4 =	vmul.f32 v55, v7;
	[tilespmem:s30+$0x8910] =	vst v15  }
0x31b: {  	v10 =	vld [tilespmem:s29+$0x48A0];
	v6 =	vmul.f32 v57, v7;
	[tilespmem:s30+$0x8920] =	vst v12  }
0x31c: {  	v11 =	vld [tilespmem:s29+$0x48B0];
	v40 =	vmul.f32 v58, v7;
	[tilespmem:s30+$0x8930] =	vst v4  }
0x31d: {  	v63 =	vld [tilespmem:s30+$0x4990];
	v8 =	vmul.f32 v59, v7;
	[tilespmem:s30+$0x8940] =	vst v6  }
0x31e: {  	v5 =	vld [tilespmem:s29+$0x48C0];
	v9 =	vmul.f32 v9, v38;
	[tilespmem:s30+$0x8950] =	vst v40  }
0x31f: {  	v32 =	vld [tilespmem:s30+$0x49A0];
	v7 =	vmul.f32 v61, v7;
	[tilespmem:s30+$0x8960] =	vst v8  }
0x320: {  	v13 =	vld [tilespmem:s29+$0x48D0];
	v10 =	vmul.f32 v10, v38;
	[tilespmem:s29+$0x8890] =	vst v9;
	v9 =	vbroadcast v3, $0xD  }
0x321: {  	v34 =	vld [tilespmem:s30+$0x49B0];
	v11 =	vmul.f32 v11, v38;
	[tilespmem:s30+$0x8970] =	vst v7  }
0x322: {  	v44 =	vld [tilespmem:s30+$0x4A20];
	[tilespmem:s29+$0x88A0] =	vst v10;
	v10 =	vmul.f32 v62, v9  }
0x323: {  	v58 =	vld [tilespmem:s29+$0x4A00];
	[tilespmem:s29+$0x88B0] =	vst v11;
	v5 =	vmul.f32 v5, v38  }
0x324: {  	v37 =	vld [tilespmem:s30+$0x49E0];
	v60 =	vbroadcast v2, $0xD;
	v11 =	vmul.f32 v63, v9;
	[tilespmem:s30+$0x8980] =	vst v10  }
0x325: {  	v56 =	vld [tilespmem:s30+$0x4AC0];
	v3 =	vbroadcast v3, $0xE;
	v13 =	vmul.f32 v13, v38;
	[tilespmem:s29+$0x88C0] =	vst v5  }
0x326: {  	v2 =	vbroadcast v2, $0xE;
	v14 =	vld [tilespmem:s29+$0x48F0];
	v50 =	vmul.f32 v35, v9;
	[tilespmem:s30+$0x8990] =	vst v11  }
0x327: {  	v15 =	vld [tilespmem:s29+$0x4900];
	v57 =	vmul.f32 v44, v3;
	[tilespmem:s29+$0x88D0] =	vst v13  }
0x328: {  	v12 =	vld [tilespmem:s29+$0x4910];
	v19 =	vmul.f32 v58, v2;
	[tilespmem:s30+$0x89C0] =	vst v50  }
0x329: {  	v4 =	vld [tilespmem:s29+$0x4920];
	v5 =	vmul.f32 v32, v9;
	[tilespmem:s30+$0x8A20] =	vst v57  }
0x32a: {  	v6 =	vld [tilespmem:s29+$0x4930];
	v13 =	vmul.f32 v34, v9;
	[tilespmem:s29+$0x8A00] =	vst v19  }
0x32b: {  	v8 =	vld [tilespmem:s29+$0x4950];
	v14 =	vmul.f32 v14, v38;
	[tilespmem:s30+$0x89A0] =	vst v5  }
0x32c: {  	v7 =	vld [tilespmem:s29+$0x4960];
	v15 =	vmul.f32 v15, v49;
	[tilespmem:s30+$0x89B0] =	vst v13  }
0x32d: {  	v43 =	vld [tilespmem:s30+$0x4A10];
	v12 =	vmul.f32 v12, v49;
	[tilespmem:s29+$0x88F0] =	vst v14  }
0x32e: {  	v45 =	vld [tilespmem:s30+$0x4A30];
	v4 =	vmul.f32 v4, v49;
	[tilespmem:s29+$0x8900] =	vst v15  }
0x32f: {  	v48 =	vld [tilespmem:s30+$0x4A60];
	v6 =	vmul.f32 v6, v49;
	[tilespmem:s29+$0x8910] =	vst v12  }
0x330: {  	v46 =	vld [tilespmem:s30+$0x4A40];
	v8 =	vmul.f32 v8, v49;
	[tilespmem:s29+$0x8920] =	vst v4  }
0x331: {  	v47 =	vld [tilespmem:s30+$0x4A50];
	v7 =	vmul.f32 v7, v49;
	[tilespmem:s29+$0x8930] =	vst v6  }
0x332: {  	v52 =	vld [tilespmem:s29+$0x49B0];
	v14 =	vmul.f32 v36, v9;
	[tilespmem:s29+$0x8950] =	vst v8  }
0x333: {  	v51 =	vld [tilespmem:s30+$0x4A70];
	v15 =	vmul.f32 v37, v9;
	[tilespmem:s29+$0x8960] =	vst v7  }
0x334: {  	v10 =	vld [tilespmem:s29+$0x4970];
	v9 =	vmul.f32 v39, v9;
	[tilespmem:s30+$0x89D0] =	vst v14  }
0x335: {  	v11 =	vld [tilespmem:s29+$0x4980];
	v4 =	vmul.f32 v41, v3;
	[tilespmem:s30+$0x89E0] =	vst v15  }
0x336: {  	v53 =	vld [tilespmem:s30+$0x4A80];
	v6 =	vmul.f32 v43, v3;
	[tilespmem:s30+$0x89F0] =	vst v9  }
0x337: {  	v5 =	vld [tilespmem:s29+$0x4990];
	v8 =	vmul.f32 v45, v3;
	[tilespmem:s30+$0x8A00] =	vst v4  }
0x338: {  	v55 =	vld [tilespmem:s30+$0x4AB0];
	v7 =	vmul.f32 v46, v3;
	[tilespmem:s30+$0x8A10] =	vst v6  }
0x339: {  	v13 =	vld [tilespmem:s29+$0x49A0];
	[tilespmem:s30+$0x8A30] =	vst v8;
	v10 =	vmul.f32 v10, v49  }
0x33a: {  	v59 =	vld [tilespmem:s29+$0x4A10];
	[tilespmem:s30+$0x8A40] =	vst v7;
	v11 =	vmul.f32 v11, v60  }
0x33b: {  	v12 =	vld [tilespmem:s29+$0x49D0];
	[tilespmem:s29+$0x8970] =	vst v10;
	v10 =	vmul.f32 v47, v3  }
0x33c: {  	v61 =	vld [tilespmem:s30+$0x4AE0];
	v5 =	vmul.f32 v5, v60;
	[tilespmem:s29+$0x8980] =	vst v11  }
0x33d: {  	v62 =	vld [tilespmem:s29+$0x4A60];
	v11 =	vmul.f32 v48, v3;
	[tilespmem:s30+$0x8A50] =	vst v10  }
0x33e: {  	v14 =	vld [tilespmem:s29+$0x49C0];
	v13 =	vmul.f32 v13, v60;
	[tilespmem:s29+$0x8990] =	vst v5  }
0x33f: {  	v15 =	vld [tilespmem:s30+$0x4AA0];
	v3 =	vmul.f32 v51, v3;
	[tilespmem:s30+$0x8A60] =	vst v11  }
0x340: {  	v9 =	vld [tilespmem:s29+$0x49E0];
	v12 =	vmul.f32 v12, v60;
	[tilespmem:s29+$0x89A0] =	vst v13  }
0x341: {  	v4 =	vld [tilespmem:s29+$0x49F0];
	v5 =	vmul.f32 v52, v60;
	[tilespmem:s30+$0x8A70] =	vst v3  }
0x342: {  	v6 =	vld [tilespmem:s30+$0x4AD0];
	v13 =	vmul.f32 v53, v1;
	[tilespmem:s29+$0x89D0] =	vst v12  }
0x343: {  	v8 =	vld [tilespmem:s29+$0x4A20];
	v3 =	vmul.f32 v14, v60;
	[tilespmem:s29+$0x89B0] =	vst v5  }
0x344: {  	v7 =	vld [tilespmem:s29+$0x4A30];
	v14 =	vmul.f32 v15, v1;
	[tilespmem:s30+$0x8A80] =	vst v13  }
0x345: {  	v10 =	vld [tilespmem:s29+$0x4A40];
	v9 =	vmul.f32 v9, v60;
	[tilespmem:s29+$0x89C0] =	vst v3  }
0x346: {  	v11 =	vld [tilespmem:s29+$0x4A50];
	v12 =	vmul.f32 v55, v1;
	[tilespmem:s30+$0x8AA0] =	vst v14  }
0x347: {  	v15 =	vmul.f32 v56, v1;
	v5 =	vmul.f32 v54, v1;
	v13 =	vld [tilespmem:s29+$0x4A70];
	[tilespmem:s29+$0x89E0] =	vst v9  }
0x348: {  	v4 =	vmul.f32 v4, v60;
	v63 =	vmul.f32 v6, v1;
	v3 =	vld [tilespmem:s29+$0x4A80];
	[tilespmem:s30+$0x8AB0] =	vst v12  }
0x349: {  	v1 =	vmul.f32 v61, v1;
	v14 =	vmul.f32 v59, v2;
	[tilespmem:s30+$0x8A90] =	vst v5;
	v5 =	vld [tilespmem:s29+$0x4A90]  }
0x34a: {  	v6 =	vld [tilespmem:s29+$0x4AA0];
	[tilespmem:s29+$0x89F0] =	vst v4;
	v4 =	vmul.f32 v8, v2;
	v12 =	vmul.f32 v7, v2  }
0x34b: {  	[tilespmem:s30+$0x8AC0] =	vst v15;
	v7 =	vld [tilespmem:s29+$0x4AB0];
	v8 =	vmul.f32 v10, v2;
	v9 =	vmul.f32 v11, v2  }
0x34c: {  	s31 =	simm.s32 $0x2;
	s3 =	simm.s32 $0x20;
	s0 =	simm.s32 $0x3;
	[tilespmem:s30+$0x8AD0] =	vst v63;
	v10 =	vmul.f32 v62, v2;
	v11 =	vmul.f32 v13, v2;
	v13 =	vld [tilespmem:s29+$0x4AC0]  }
.LBB2_5:
0x34d: {  	p1 =	sne.s32 s0, $0x7;
	s3 =	sand.u32 $0x3FFFFFF0, s3;
	[tilespmem:s29+$0x8A10] =	vst v14;
	v2 =	vmul.f32 v3, v0;
	v3 =	vld [tilespmem:s29+$0x4AD0]  }
0x34e: {  	v14 =	vld [tilespmem:s3+$0x280];
	[tilespmem:s29+$0x8A20] =	vst v4;
	v4 =	vmul.f32 v5, v0  }
0x34f: {  	s3 =	sshll.u32 s31, $0xB;
	s31 =	smov.u32 s0;
	[tilespmem:s29+$0x8A30] =	vst v12;
	v5 =	vmul.f32 v6, v0;
	v15 =	vld [tilespmem:s29+$0x4AE0]  }
0x350: {  	v6 =	vld [tilespmem:s3+$0x4AF0];
	[tilespmem:s29+$0x8A40] =	vst v8;
	v16 =	vmul.f32 v7, v0  }
0x351: {  	v17 =	vld [tilespmem:s3+$0x4300];
	[tilespmem:s29+$0x8A50] =	vst v9;
	v18 =	vmul.f32 v13, v0  }
0x352: {  	v19 =	vld [tilespmem:s3+$0x4310];
	[tilespmem:s29+$0x8A60] =	vst v10;
	v20 =	vmul.f32 v3, v0  }
0x353: {  	v21 =	vbroadcast v14, $0x0;
	v22 =	vld [tilespmem:s3+$0x4320];
	v23 =	vbroadcast v14, $0xF;
	[tilespmem:s29+$0x8A70] =	vst v11  }
0x354: {  	v25 =	vbroadcast v14, $0x1;
	v26 =	vbroadcast v14, $0x2;
	v24 =	vld [tilespmem:s3+$0x4330];
	[tilespmem:s29+$0x8A80] =	vst v2  }
0x355: {  	v13 =	vbroadcast v14, $0x3;
	v27 =	vld [tilespmem:s3+$0x4340];
	v2 =	vmul.f32 v6, v23;
	[tilespmem:s29+$0x8A90] =	vst v4  }
0x356: {  	v12 =	vbroadcast v14, $0x4;
	v11 =	vbroadcast v14, $0x5;
	v28 =	vld [tilespmem:s3+$0x4350];
	[tilespmem:s29+$0x8AA0] =	vst v5  }
0x357: {  	v10 =	vbroadcast v14, $0x6;
	v9 =	vbroadcast v14, $0x7;
	v29 =	vld [tilespmem:s3+$0x4360];
	[tilespmem:s3+$0x8AF0] =	vst v2  }
0x358: {  	v8 =	vbroadcast v14, $0x8;
	v7 =	vbroadcast v14, $0x9;
	v30 =	vld [tilespmem:s3+$0x4370];
	[tilespmem:s29+$0x8AB0] =	vst v16  }
0x359: {  	v6 =	vbroadcast v14, $0xA;
	v5 =	vbroadcast v14, $0xB;
	v16 =	vld [tilespmem:s3+$0x4380];
	[tilespmem:s29+$0x8AC0] =	vst v18  }
0x35a: {  	v3 =	vbroadcast v14, $0xD;
	v4 =	vbroadcast v14, $0xC;
	v18 =	vld [tilespmem:s3+$0x4390];
	[tilespmem:s29+$0x8AD0] =	vst v20  }
0x35b: {  	v17 =	vmul.f32 v21, v17;
	v2 =	vbroadcast v14, $0xE;
	v20 =	vld [tilespmem:s3+$0x43A0];
	[tilespmem:s30+$0x8AE0] =	vst v1;
	s30 =	smov.u32 s29;
	s29 =	smov.u32 s3  }
0x35c: {  	v14 =	vmul.f32 v22, v21;
	v1 =	vmul.f32 v19, v21;
	v19 =	vld [tilespmem:s29+$0x43B0]  }
0x35d: {  	v22 =	vmul.f32 v27, v21;
	[tilespmem:s29+$0x8300] =	vst v17;
	v17 =	vmul.f32 v24, v21;
	v24 =	vld [tilespmem:s29+$0x43C0]  }
0x35e: {  	v27 =	vmul.f32 v28, v21;
	v28 =	vmul.f32 v29, v21;
	[tilespmem:s29+$0x8310] =	vst v1;
	v29 =	vld [tilespmem:s29+$0x43D0]  }
0x35f: {  	v16 =	vmul.f32 v16, v25;
	[tilespmem:s29+$0x8320] =	vst v14;
	v14 =	vmul.f32 v30, v21;
	v21 =	vld [tilespmem:s29+$0x43E0]  }
0x360: {  	[tilespmem:s29+$0x8330] =	vst v17;
	v17 =	vmul.f32 v18, v25;
	v18 =	vmul.f32 v20, v25;
	v20 =	vld [tilespmem:s29+$0x43F0]  }
0x361: {  	v1 =	vmul.f32 v15, v0;
	v0 =	vmov v23;
	[tilespmem:s29+$0x8340] =	vst v22;
	v19 =	vmul.f32 v19, v25;
	v22 =	vld [tilespmem:s29+$0x4400]  }
0x362: {  	[tilespmem:s29+$0x8350] =	vst v27;
	v15 =	vmul.f32 v24, v25;
	v23 =	vld [tilespmem:s29+$0x4410]  }
0x363: {  	[tilespmem:s29+$0x8360] =	vst v28;
	v24 =	vmul.f32 v29, v25;
	v27 =	vld [tilespmem:s29+$0x4420]  }
0x364: {  	[tilespmem:s29+$0x8370] =	vst v14;
	v14 =	vmul.f32 v21, v25;
	v21 =	vld [tilespmem:s29+$0x4430]  }
0x365: {  	[tilespmem:s29+$0x8380] =	vst v16;
	v16 =	vmul.f32 v20, v25;
	v20 =	vld [tilespmem:s29+$0x4440]  }
0x366: {  	[tilespmem:s29+$0x8390] =	vst v17;
	v17 =	vmul.f32 v22, v26;
	v22 =	vld [tilespmem:s29+$0x4450]  }
0x367: {  	[tilespmem:s29+$0x83A0] =	vst v18;
	v18 =	vmul.f32 v23, v26;
	v23 =	vld [tilespmem:s29+$0x4460]  }
0x368: {  	[tilespmem:s29+$0x83B0] =	vst v19;
	v19 =	vmul.f32 v27, v26;
	v25 =	vld [tilespmem:s29+$0x4470]  }
0x369: {  	[tilespmem:s29+$0x83C0] =	vst v15;
	v15 =	vmul.f32 v21, v26;
	v21 =	vld [tilespmem:s29+$0x4480]  }
0x36a: {  	[tilespmem:s29+$0x83D0] =	vst v24;
	v20 =	vmul.f32 v20, v26;
	v24 =	vld [tilespmem:s29+$0x4490]  }
0x36b: {  	[tilespmem:s29+$0x83E0] =	vst v14;
	v14 =	vmul.f32 v22, v26;
	v22 =	vld [tilespmem:s29+$0x44A0]  }
0x36c: {  	[tilespmem:s29+$0x83F0] =	vst v16;
	v16 =	vmul.f32 v23, v26;
	v23 =	vld [tilespmem:s29+$0x44B0]  }
0x36d: {  	[tilespmem:s29+$0x8400] =	vst v17;
	v17 =	vmul.f32 v25, v26;
	v25 =	vld [tilespmem:s29+$0x44C0]  }
0x36e: {  	[tilespmem:s29+$0x8410] =	vst v18;
	v18 =	vmul.f32 v21, v13;
	v21 =	vld [tilespmem:s29+$0x44D0]  }
0x36f: {  	[tilespmem:s29+$0x8420] =	vst v19;
	v19 =	vmul.f32 v24, v13;
	v24 =	vld [tilespmem:s29+$0x44E0]  }
0x370: {  	[tilespmem:s29+$0x8430] =	vst v15;
	v15 =	vmul.f32 v22, v13;
	v22 =	vld [tilespmem:s29+$0x44F0]  }
0x371: {  	[tilespmem:s29+$0x8440] =	vst v20;
	v20 =	vmul.f32 v23, v13;
	v23 =	vld [tilespmem:s29+$0x4500]  }
0x372: {  	[tilespmem:s29+$0x8450] =	vst v14;
	v14 =	vmul.f32 v25, v13;
	v25 =	vld [tilespmem:s29+$0x4510]  }
0x373: {  	[tilespmem:s29+$0x8460] =	vst v16;
	v16 =	vmul.f32 v21, v13;
	v21 =	vld [tilespmem:s29+$0x4520]  }
0x374: {  	[tilespmem:s29+$0x8470] =	vst v17;
	v17 =	vmul.f32 v24, v13;
	v24 =	vld [tilespmem:s29+$0x4530]  }
0x375: {  	[tilespmem:s29+$0x8480] =	vst v18;
	v13 =	vmul.f32 v22, v13;
	v18 =	vld [tilespmem:s29+$0x4540]  }
0x376: {  	[tilespmem:s29+$0x8490] =	vst v19;
	v19 =	vmul.f32 v23, v12;
	v22 =	vld [tilespmem:s29+$0x4550]  }
0x377: {  	[tilespmem:s29+$0x84A0] =	vst v15;
	v15 =	vmul.f32 v25, v12;
	v23 =	vld [tilespmem:s29+$0x4560]  }
0x378: {  	[tilespmem:s29+$0x84B0] =	vst v20;
	v20 =	vmul.f32 v21, v12;
	v21 =	vld [tilespmem:s29+$0x4570]  }
0x379: {  	[tilespmem:s29+$0x84C0] =	vst v14;
	v14 =	vmul.f32 v24, v12;
	v24 =	vld [tilespmem:s29+$0x4580]  }
0x37a: {  	[tilespmem:s29+$0x84D0] =	vst v16;
	v16 =	vmul.f32 v18, v12;
	v18 =	vld [tilespmem:s29+$0x4590]  }
0x37b: {  	[tilespmem:s29+$0x84E0] =	vst v17;
	v17 =	vmul.f32 v22, v12;
	v22 =	vld [tilespmem:s29+$0x45A0]  }
0x37c: {  	[tilespmem:s29+$0x84F0] =	vst v13;
	v13 =	vmul.f32 v23, v12;
	v23 =	vld [tilespmem:s29+$0x45B0]  }
0x37d: {  	[tilespmem:s29+$0x8500] =	vst v19;
	v12 =	vmul.f32 v21, v12;
	v19 =	vld [tilespmem:s29+$0x45C0]  }
0x37e: {  	[tilespmem:s29+$0x8510] =	vst v15;
	v15 =	vmul.f32 v24, v11;
	v21 =	vld [tilespmem:s29+$0x45D0]  }
0x37f: {  	[tilespmem:s29+$0x8520] =	vst v20;
	v18 =	vmul.f32 v18, v11;
	v20 =	vld [tilespmem:s29+$0x45E0]  }
0x380: {  	[tilespmem:s29+$0x8530] =	vst v14;
	v14 =	vmul.f32 v22, v11;
	v22 =	vld [tilespmem:s29+$0x45F0]  }
0x381: {  	[tilespmem:s29+$0x8540] =	vst v16;
	v16 =	vmul.f32 v23, v11;
	v23 =	vld [tilespmem:s29+$0x4600]  }
0x382: {  	[tilespmem:s29+$0x8550] =	vst v17;
	v17 =	vmul.f32 v19, v11;
	v19 =	vld [tilespmem:s29+$0x4610]  }
0x383: {  	[tilespmem:s29+$0x8560] =	vst v13;
	v13 =	vmul.f32 v21, v11;
	v21 =	vld [tilespmem:s29+$0x4620]  }
0x384: {  	[tilespmem:s29+$0x8570] =	vst v12;
	v12 =	vmul.f32 v20, v11;
	v20 =	vld [tilespmem:s29+$0x4630]  }
0x385: {  	[tilespmem:s29+$0x8580] =	vst v15;
	v11 =	vmul.f32 v22, v11;
	v15 =	vld [tilespmem:s29+$0x4640]  }
0x386: {  	[tilespmem:s29+$0x8590] =	vst v18;
	v18 =	vmul.f32 v23, v10;
	v22 =	vld [tilespmem:s29+$0x4650]  }
0x387: {  	[tilespmem:s29+$0x85A0] =	vst v14;
	v14 =	vmul.f32 v19, v10;
	v19 =	vld [tilespmem:s29+$0x4660]  }
0x388: {  	[tilespmem:s29+$0x85B0] =	vst v16;
	v16 =	vmul.f32 v21, v10;
	v21 =	vld [tilespmem:s29+$0x4670]  }
0x389: {  	[tilespmem:s29+$0x85C0] =	vst v17;
	v17 =	vmul.f32 v20, v10;
	v20 =	vld [tilespmem:s29+$0x4680]  }
0x38a: {  	[tilespmem:s29+$0x85D0] =	vst v13;
	v13 =	vmul.f32 v15, v10;
	v15 =	vld [tilespmem:s29+$0x4690]  }
0x38b: {  	[tilespmem:s29+$0x85E0] =	vst v12;
	v12 =	vmul.f32 v22, v10;
	v22 =	vld [tilespmem:s29+$0x46A0]  }
0x38c: {  	[tilespmem:s29+$0x85F0] =	vst v11;
	v11 =	vmul.f32 v19, v10;
	v19 =	vld [tilespmem:s29+$0x46B0]  }
0x38d: {  	[tilespmem:s29+$0x8600] =	vst v18;
	v10 =	vmul.f32 v21, v10;
	v18 =	vld [tilespmem:s29+$0x46C0]  }
0x38e: {  	[tilespmem:s29+$0x8610] =	vst v14;
	v14 =	vmul.f32 v20, v9;
	v20 =	vld [tilespmem:s29+$0x46D0]  }
0x38f: {  	[tilespmem:s29+$0x8620] =	vst v16;
	v15 =	vmul.f32 v15, v9;
	v16 =	vld [tilespmem:s29+$0x46E0]  }
0x390: {  	[tilespmem:s29+$0x8630] =	vst v17;
	v17 =	vmul.f32 v22, v9;
	v21 =	vld [tilespmem:s29+$0x46F0]  }
0x391: {  	[tilespmem:s29+$0x8640] =	vst v13;
	v13 =	vmul.f32 v19, v9;
	v19 =	vld [tilespmem:s29+$0x4700]  }
0x392: {  	[tilespmem:s29+$0x8650] =	vst v12;
	v12 =	vmul.f32 v18, v9;
	v18 =	vld [tilespmem:s29+$0x4710]  }
0x393: {  	[tilespmem:s29+$0x8660] =	vst v11;
	v11 =	vmul.f32 v20, v9;
	v20 =	vld [tilespmem:s29+$0x4720]  }
0x394: {  	[tilespmem:s29+$0x8670] =	vst v10;
	v10 =	vmul.f32 v16, v9;
	v16 =	vld [tilespmem:s29+$0x4730]  }
0x395: {  	[tilespmem:s29+$0x8680] =	vst v14;
	v9 =	vmul.f32 v21, v9;
	v14 =	vld [tilespmem:s29+$0x4740]  }
0x396: {  	[tilespmem:s29+$0x8690] =	vst v15;
	v15 =	vmul.f32 v19, v8;
	v19 =	vld [tilespmem:s29+$0x4750]  }
0x397: {  	[tilespmem:s29+$0x86A0] =	vst v17;
	v17 =	vmul.f32 v18, v8;
	v18 =	vld [tilespmem:s29+$0x4760]  }
0x398: {  	[tilespmem:s29+$0x86B0] =	vst v13;
	v13 =	vmul.f32 v20, v8;
	v20 =	vld [tilespmem:s29+$0x4770]  }
0x399: {  	[tilespmem:s29+$0x86C0] =	vst v12;
	v12 =	vmul.f32 v16, v8;
	v16 =	vld [tilespmem:s29+$0x4780]  }
0x39a: {  	[tilespmem:s29+$0x86D0] =	vst v11;
	v11 =	vmul.f32 v14, v8;
	v14 =	vld [tilespmem:s29+$0x4790]  }
0x39b: {  	[tilespmem:s29+$0x86E0] =	vst v10;
	v10 =	vmul.f32 v19, v8;
	v19 =	vld [tilespmem:s29+$0x47A0]  }
0x39c: {  	[tilespmem:s29+$0x86F0] =	vst v9;
	v9 =	vmul.f32 v18, v8;
	v18 =	vld [tilespmem:s29+$0x47B0]  }
0x39d: {  	[tilespmem:s29+$0x8700] =	vst v15;
	v8 =	vmul.f32 v20, v8;
	v15 =	vld [tilespmem:s29+$0x47C0]  }
0x39e: {  	[tilespmem:s29+$0x8710] =	vst v17;
	v16 =	vmul.f32 v16, v7;
	v17 =	vld [tilespmem:s29+$0x47D0]  }
0x39f: {  	[tilespmem:s29+$0x8720] =	vst v13;
	v13 =	vmul.f32 v14, v7;
	v14 =	vld [tilespmem:s29+$0x47E0]  }
0x3a0: {  	[tilespmem:s29+$0x8730] =	vst v12;
	v12 =	vmul.f32 v19, v7;
	v19 =	vld [tilespmem:s29+$0x47F0]  }
0x3a1: {  	[tilespmem:s29+$0x8740] =	vst v11;
	v11 =	vmul.f32 v18, v7;
	v18 =	vld [tilespmem:s29+$0x4800]  }
0x3a2: {  	[tilespmem:s29+$0x8750] =	vst v10;
	v10 =	vmul.f32 v15, v7;
	v15 =	vld [tilespmem:s29+$0x4810]  }
0x3a3: {  	[tilespmem:s29+$0x8760] =	vst v9;
	v9 =	vmul.f32 v17, v7;
	v17 =	vld [tilespmem:s29+$0x4820]  }
0x3a4: {  	[tilespmem:s29+$0x8770] =	vst v8;
	v8 =	vmul.f32 v14, v7;
	v14 =	vld [tilespmem:s29+$0x4830]  }
0x3a5: {  	[tilespmem:s29+$0x8780] =	vst v16;
	v7 =	vmul.f32 v19, v7;
	v16 =	vld [tilespmem:s29+$0x4840]  }
0x3a6: {  	[tilespmem:s29+$0x8790] =	vst v13;
	v13 =	vmul.f32 v18, v6;
	v18 =	vld [tilespmem:s29+$0x4850]  }
0x3a7: {  	[tilespmem:s29+$0x87A0] =	vst v12;
	v12 =	vmul.f32 v15, v6;
	v15 =	vld [tilespmem:s29+$0x4860]  }
0x3a8: {  	[tilespmem:s29+$0x87B0] =	vst v11;
	v11 =	vmul.f32 v17, v6;
	v17 =	vld [tilespmem:s29+$0x4870]  }
0x3a9: {  	[tilespmem:s29+$0x87C0] =	vst v10;
	v10 =	vmul.f32 v14, v6;
	v14 =	vld [tilespmem:s29+$0x4880]  }
0x3aa: {  	[tilespmem:s29+$0x87D0] =	vst v9;
	v9 =	vmul.f32 v16, v6;
	v16 =	vld [tilespmem:s29+$0x4890]  }
0x3ab: {  	[tilespmem:s29+$0x87E0] =	vst v8;
	v8 =	vmul.f32 v18, v6;
	v18 =	vld [tilespmem:s29+$0x48A0]  }
0x3ac: {  	[tilespmem:s29+$0x87F0] =	vst v7;
	v7 =	vmul.f32 v15, v6;
	v15 =	vld [tilespmem:s29+$0x48B0]  }
0x3ad: {  	[tilespmem:s29+$0x8800] =	vst v13;
	v6 =	vmul.f32 v17, v6;
	v13 =	vld [tilespmem:s29+$0x48C0]  }
0x3ae: {  	[tilespmem:s29+$0x8810] =	vst v12;
	v12 =	vmul.f32 v14, v5;
	v14 =	vld [tilespmem:s29+$0x48D0]  }
0x3af: {  	[tilespmem:s29+$0x8820] =	vst v11;
	v11 =	vmul.f32 v16, v5;
	v16 =	vld [tilespmem:s29+$0x48E0]  }
0x3b0: {  	[tilespmem:s29+$0x8830] =	vst v10;
	v10 =	vmul.f32 v18, v5;
	v17 =	vld [tilespmem:s29+$0x48F0]  }
0x3b1: {  	[tilespmem:s29+$0x8840] =	vst v9;
	v9 =	vmul.f32 v15, v5;
	v15 =	vld [tilespmem:s29+$0x4900]  }
0x3b2: {  	[tilespmem:s29+$0x8850] =	vst v8;
	v8 =	vmul.f32 v13, v5;
	v13 =	vld [tilespmem:s29+$0x4910]  }
0x3b3: {  	[tilespmem:s29+$0x8860] =	vst v7;
	v7 =	vmul.f32 v14, v5;
	v14 =	vld [tilespmem:s29+$0x4920]  }
0x3b4: {  	[tilespmem:s29+$0x8870] =	vst v6;
	v6 =	vmul.f32 v16, v5;
	v16 =	vld [tilespmem:s29+$0x4930]  }
0x3b5: {  	[tilespmem:s29+$0x8880] =	vst v12;
	v5 =	vmul.f32 v17, v5;
	v12 =	vld [tilespmem:s29+$0x4940]  }
0x3b6: {  	[tilespmem:s29+$0x8890] =	vst v11;
	v11 =	vmul.f32 v15, v4;
	v15 =	vld [tilespmem:s29+$0x4950]  }
0x3b7: {  	[tilespmem:s29+$0x88A0] =	vst v10;
	v10 =	vmul.f32 v13, v4;
	v13 =	vld [tilespmem:s29+$0x4960]  }
0x3b8: {  	[tilespmem:s29+$0x88B0] =	vst v9;
	v9 =	vmul.f32 v14, v4;
	v14 =	vld [tilespmem:s29+$0x4970]  }
0x3b9: {  	[tilespmem:s29+$0x88C0] =	vst v8;
	v8 =	vmul.f32 v16, v4;
	v16 =	vld [tilespmem:s29+$0x4980]  }
0x3ba: {  	[tilespmem:s29+$0x88D0] =	vst v7;
	v7 =	vmul.f32 v12, v4;
	v12 =	vld [tilespmem:s29+$0x4990]  }
0x3bb: {  	[tilespmem:s29+$0x88E0] =	vst v6;
	v6 =	vmul.f32 v15, v4;
	v15 =	vld [tilespmem:s29+$0x49A0]  }
0x3bc: {  	[tilespmem:s29+$0x88F0] =	vst v5;
	v5 =	vmul.f32 v13, v4;
	v13 =	vld [tilespmem:s29+$0x49B0]  }
0x3bd: {  	[tilespmem:s29+$0x8900] =	vst v11;
	v4 =	vmul.f32 v14, v4;
	v11 =	vld [tilespmem:s29+$0x49C0]  }
0x3be: {  	[tilespmem:s29+$0x8910] =	vst v10;
	v10 =	vmul.f32 v16, v3;
	v14 =	vld [tilespmem:s29+$0x49D0]  }
0x3bf: {  	[tilespmem:s29+$0x8920] =	vst v9;
	v9 =	vmul.f32 v12, v3;
	v12 =	vld [tilespmem:s29+$0x49E0]  }
0x3c0: {  	[tilespmem:s29+$0x8930] =	vst v8;
	v8 =	vmul.f32 v15, v3;
	v15 =	vld [tilespmem:s29+$0x49F0]  }
0x3c1: {  	[tilespmem:s29+$0x8940] =	vst v7;
	v7 =	vmul.f32 v13, v3;
	v13 =	vld [tilespmem:s29+$0x4A00]  }
0x3c2: {  	[tilespmem:s29+$0x8950] =	vst v6;
	v6 =	vmul.f32 v11, v3;
	v11 =	vld [tilespmem:s29+$0x4A10]  }
0x3c3: {  	[tilespmem:s29+$0x8960] =	vst v5;
	v5 =	vmul.f32 v14, v3;
	v16 =	vld [tilespmem:s29+$0x4A20]  }
0x3c4: {  	[tilespmem:s29+$0x8970] =	vst v4;
	v17 =	vmul.f32 v12, v3;
	v12 =	vld [tilespmem:s29+$0x4A30]  }
0x3c5: {  	[tilespmem:s29+$0x8980] =	vst v10;
	v10 =	vmul.f32 v15, v3;
	v15 =	vld [tilespmem:s29+$0x4A40]  }
0x3c6: {  	[tilespmem:s29+$0x8990] =	vst v9;
	v13 =	vmul.f32 v13, v2;
	v9 =	vld [tilespmem:s29+$0x4A50]  }
0x3c7: {  	[tilespmem:s29+$0x89A0] =	vst v8;
	v14 =	vmul.f32 v11, v2;
	v11 =	vld [tilespmem:s29+$0x4A60]  }
0x3c8: {  	[tilespmem:s29+$0x89B0] =	vst v7;
	v4 =	vmul.f32 v16, v2;
	v16 =	vld [tilespmem:s29+$0x4A70]  }
.Ltmp3:
0x3c9: {  	[tilespmem:s29+$0x89C0] =	vst v6;
	v12 =	vmul.f32 v12, v2;
	v3 =	vld [tilespmem:s29+$0x4A80];
	(pc) =	sbr.rel @p1 .LBB2_5-.Ltmp3, $4  }
0x3ca: {  	[tilespmem:s29+$0x89D0] =	vst v5;
	v8 =	vmul.f32 v15, v2;
	v5 =	vld [tilespmem:s29+$0x4A90]  }
0x3cb: {  	[tilespmem:s29+$0x89E0] =	vst v17;
	v9 =	vmul.f32 v9, v2;
	v6 =	vld [tilespmem:s29+$0x4AA0]  }
0x3cc: {  	[tilespmem:s29+$0x89F0] =	vst v10;
	v10 =	vmul.f32 v11, v2;
	v7 =	vld [tilespmem:s29+$0x4AB0]  }
0x3cd: {  	s0 =	sadd.s32 $0x1, s0;
	s3 =	sshll.u32 s31, $0x4;
	[tilespmem:s29+$0x8A00] =	vst v13;
	v11 =	vmul.f32 v16, v2;
	v13 =	vld [tilespmem:s29+$0x4AC0]  }
0x3ce: {  	[tilespmem:s29+$0x8A10] =	vst v14  }
0x3cf: {  	[tilespmem:s29+$0x8A20] =	vst v4  }
0x3d0: {  	[tilespmem:s29+$0x8A30] =	vst v12  }
0x3d1: {  	[tilespmem:s29+$0x8A40] =	vst v8  }
0x3d2: {  	s0 =	sand.u32 $0x3FFFFFF0, s3;
	[tilespmem:s29+$0x8A50] =	vst v9  }
0x3d3: {  	[tilespmem:s29+$0x8A60] =	vst v10;
	v4 =	vld [tilespmem:s0+$0x280]  }
0x3d4: {  	v37 =	vld [tilespmem:s29+$0x4AD0];
	s31 =	sshll.u32 s31, $0xB;
	v39 =	vmul.f32 v3, v0;
	[tilespmem:s30+$0x8AE0] =	vst v1  }
0x3d5: {  	v38 =	vld [tilespmem:s31+$0x4AF0];
	v5 =	vmul.f32 v5, v0;
	[tilespmem:s29+$0x8A70] =	vst v11  }
0x3d6: {  	v40 =	vld [tilespmem:s31+$0x4300];
	v6 =	vmul.f32 v6, v0;
	[tilespmem:s29+$0x8A80] =	vst v39  }
0x3d7: {  	v43 =	vld [tilespmem:s31+$0x4310];
	[tilespmem:s29+$0x8A90] =	vst v5;
	v42 =	vmul.f32 v7, v0  }
0x3d8: {  	v45 =	vld [tilespmem:s31+$0x4320];
	[tilespmem:s29+$0x8AA0] =	vst v6;
	v44 =	vmul.f32 v13, v0;
	v3 =	vbroadcast v4, $0xF  }
0x3d9: {  	v48 =	vld [tilespmem:s31+$0x4330];
	v46 =	vmul.f32 v37, v0;
	[tilespmem:s29+$0x8AB0] =	vst v42;
	v47 =	vbroadcast v4, $0x0  }
0x3da: {  	v49 =	vld [tilespmem:s31+$0x4340];
	[tilespmem:s29+$0x8AC0] =	vst v44;
	v41 =	vmul.f32 v38, v3  }
0x3db: {  	v50 =	vld [tilespmem:s31+$0x4350];
	[tilespmem:s29+$0x8AD0] =	vst v46;
	v8 =	vmul.f32 v47, v40  }
0x3dc: {  	v51 =	vld [tilespmem:s31+$0x4360];
	v52 =	vmul.f32 v43, v47;
	[tilespmem:s31+$0x8AF0] =	vst v41  }
0x3dd: {  	v53 =	vld [tilespmem:s31+$0x4370];
	v10 =	vmul.f32 v45, v47;
	[tilespmem:s31+$0x8300] =	vst v8  }
0x3de: {  	v55 =	vld [tilespmem:s31+$0x4390];
	v12 =	vmul.f32 v48, v47;
	[tilespmem:s31+$0x8310] =	vst v52  }
0x3df: {  	v56 =	vld [tilespmem:s31+$0x43A0];
	v5 =	vmul.f32 v49, v47;
	[tilespmem:s31+$0x8320] =	vst v10  }
0x3e0: {  	v58 =	vld [tilespmem:s31+$0x43B0];
	v6 =	vmul.f32 v50, v47;
	[tilespmem:s31+$0x8330] =	vst v12  }
0x3e1: {  	v59 =	vld [tilespmem:s31+$0x43C0];
	v57 =	vbroadcast v4, $0x1;
	v9 =	vmul.f32 v51, v47;
	[tilespmem:s31+$0x8340] =	vst v5  }
0x3e2: {  	v63 =	vld [tilespmem:s31+$0x43F0];
	v7 =	vmul.f32 v53, v47;
	[tilespmem:s31+$0x8350] =	vst v6  }
0x3e3: {  	v17 =	vld [tilespmem:s31+$0x4400];
	v1 =	vmul.f32 v55, v57;
	[tilespmem:s31+$0x8360] =	vst v9  }
0x3e4: {  	v20 =	vld [tilespmem:s31+$0x4420];
	v62 =	vmul.f32 v56, v57;
	[tilespmem:s31+$0x8370] =	vst v7  }
0x3e5: {  	v22 =	vld [tilespmem:s31+$0x4430];
	v16 =	vmul.f32 v58, v57;
	[tilespmem:s31+$0x8390] =	vst v1  }
0x3e6: {  	v24 =	vld [tilespmem:s31+$0x4440];
	v21 =	vbroadcast v4, $0x2;
	v18 =	vmul.f32 v59, v57;
	[tilespmem:s31+$0x83A0] =	vst v62  }
0x3e7: {  	v26 =	vld [tilespmem:s31+$0x4450];
	v23 =	vmul.f32 v63, v57;
	[tilespmem:s31+$0x83B0] =	vst v16  }
0x3e8: {  	v29 =	vld [tilespmem:s31+$0x4470];
	v25 =	vmul.f32 v17, v21;
	[tilespmem:s31+$0x83C0] =	vst v18  }
0x3e9: {  	v31 =	vld [tilespmem:s31+$0x4480];
	v28 =	vmul.f32 v20, v21;
	[tilespmem:s31+$0x83F0] =	vst v23  }
0x3ea: {  	v33 =	vld [tilespmem:s31+$0x4490];
	v30 =	vmul.f32 v22, v21;
	[tilespmem:s31+$0x8400] =	vst v25  }
0x3eb: {  	v35 =	vld [tilespmem:s31+$0x44A0];
	v32 =	vmul.f32 v24, v21;
	[tilespmem:s31+$0x8420] =	vst v28  }
0x3ec: {  	v54 =	vld [tilespmem:s31+$0x4380];
	v36 =	vbroadcast v4, $0x3;
	v34 =	vmul.f32 v26, v21;
	[tilespmem:s31+$0x8430] =	vst v30  }
0x3ed: {  	v60 =	vld [tilespmem:s31+$0x43D0];
	v38 =	vmul.f32 v29, v21;
	[tilespmem:s31+$0x8440] =	vst v32  }
0x3ee: {  	v61 =	vld [tilespmem:s31+$0x43E0];
	v40 =	vmul.f32 v31, v36;
	[tilespmem:s31+$0x8450] =	vst v34  }
0x3ef: {  	v19 =	vld [tilespmem:s31+$0x4410];
	v42 =	vmul.f32 v33, v36;
	[tilespmem:s31+$0x8470] =	vst v38  }
0x3f0: {  	v37 =	vld [tilespmem:s31+$0x44B0];
	v44 =	vmul.f32 v35, v36;
	[tilespmem:s31+$0x8480] =	vst v40  }
0x3f1: {  	v39 =	vld [tilespmem:s31+$0x44C0];
	v8 =	vmul.f32 v54, v57;
	[tilespmem:s31+$0x8490] =	vst v42  }
0x3f2: {  	v27 =	vld [tilespmem:s31+$0x4460];
	v6 =	vmul.f32 v60, v57;
	[tilespmem:s31+$0x84A0] =	vst v44  }
0x3f3: {  	v43 =	vld [tilespmem:s31+$0x44E0];
	v9 =	vmul.f32 v61, v57;
	[tilespmem:s31+$0x8380] =	vst v8  }
0x3f4: {  	v45 =	vld [tilespmem:s31+$0x44F0];
	v5 =	vmul.f32 v19, v21;
	[tilespmem:s31+$0x83D0] =	vst v6  }
0x3f5: {  	v47 =	vld [tilespmem:s31+$0x4500];
	v46 =	vmul.f32 v37, v36;
	[tilespmem:s31+$0x83E0] =	vst v9  }
0x3f6: {  	v50 =	vld [tilespmem:s31+$0x4520];
	v7 =	vmul.f32 v39, v36;
	[tilespmem:s31+$0x8410] =	vst v5  }
0x3f7: {  	v53 =	vld [tilespmem:s31+$0x4540];
	v9 =	vmul.f32 v27, v21;
	[tilespmem:s31+$0x84B0] =	vst v46  }
0x3f8: {  	v51 =	vbroadcast v4, $0x4;
	v55 =	vld [tilespmem:s31+$0x4550];
	[tilespmem:s31+$0x84C0] =	vst v7;
	v10 =	vmul.f32 v43, v36  }
0x3f9: {  	v58 =	vld [tilespmem:s31+$0x4570];
	v6 =	vmul.f32 v45, v36;
	[tilespmem:s31+$0x8460] =	vst v9  }
0x3fa: {  	v63 =	vld [tilespmem:s31+$0x45A0];
	v54 =	vmul.f32 v47, v51;
	[tilespmem:s31+$0x84E0] =	vst v10  }
0x3fb: {  	v17 =	vld [tilespmem:s31+$0x45B0];
	v57 =	vmul.f32 v50, v51;
	[tilespmem:s31+$0x84F0] =	vst v6  }
0x3fc: {  	v20 =	vld [tilespmem:s31+$0x45D0];
	v7 =	vmul.f32 v53, v51;
	[tilespmem:s31+$0x8500] =	vst v54  }
0x3fd: {  	v33 =	vld [tilespmem:s31+$0x4650];
	v16 =	vbroadcast v4, $0x5;
	v62 =	vmul.f32 v55, v51;
	[tilespmem:s31+$0x8520] =	vst v57  }
0x3fe: {  	v48 =	vld [tilespmem:s31+$0x4510];
	v1 =	vmul.f32 v58, v51;
	[tilespmem:s31+$0x8540] =	vst v7  }
0x3ff: {  	v41 =	vld [tilespmem:s31+$0x44D0];
	v22 =	vmul.f32 v63, v16;
	[tilespmem:s31+$0x8550] =	vst v62  }
0x400: {  	v29 =	vbroadcast v4, $0x6;
	v52 =	vld [tilespmem:s31+$0x4530];
	v24 =	vmul.f32 v17, v16;
	[tilespmem:s31+$0x8570] =	vst v1  }
0x401: {  	v56 =	vld [tilespmem:s31+$0x4560];
	v27 =	vmul.f32 v20, v16;
	[tilespmem:s31+$0x85A0] =	vst v22  }
0x402: {  	v60 =	vld [tilespmem:s31+$0x4580];
	v40 =	vmul.f32 v33, v29;
	[tilespmem:s31+$0x85B0] =	vst v24  }
0x403: {  	v18 =	vld [tilespmem:s31+$0x45C0];
	v9 =	vmul.f32 v48, v51;
	[tilespmem:s31+$0x85D0] =	vst v27  }
0x404: {  	v23 =	vld [tilespmem:s31+$0x45F0];
	v49 =	vmul.f32 v41, v36;
	[tilespmem:s31+$0x8650] =	vst v40  }
0x405: {  	v25 =	vld [tilespmem:s31+$0x4600];
	v59 =	vmul.f32 v52, v51;
	[tilespmem:s31+$0x8510] =	vst v9  }
0x406: {  	v28 =	vld [tilespmem:s31+$0x4620];
	v10 =	vmul.f32 v56, v51;
	[tilespmem:s31+$0x84D0] =	vst v49  }
0x407: {  	v30 =	vld [tilespmem:s31+$0x4630];
	v19 =	vmul.f32 v60, v16;
	[tilespmem:s31+$0x8530] =	vst v59  }
0x408: {  	v38 =	vld [tilespmem:s31+$0x4680];
	v7 =	vmul.f32 v18, v16;
	[tilespmem:s31+$0x8560] =	vst v10  }
0x409: {  	v61 =	vld [tilespmem:s31+$0x4590];
	v5 =	vmul.f32 v23, v16;
	[tilespmem:s31+$0x8580] =	vst v19  }
0x40a: {  	v21 =	vld [tilespmem:s31+$0x45E0];
	v32 =	vmul.f32 v25, v29;
	[tilespmem:s31+$0x85C0] =	vst v7  }
0x40b: {  	v31 =	vld [tilespmem:s31+$0x4640];
	v42 =	vbroadcast v4, $0x7;
	v35 =	vmul.f32 v28, v29;
	[tilespmem:s31+$0x85F0] =	vst v5  }
0x40c: {  	v46 =	vld [tilespmem:s31+$0x46D0];
	v37 =	vmul.f32 v30, v29;
	[tilespmem:s31+$0x8600] =	vst v32  }
0x40d: {  	v26 =	vld [tilespmem:s31+$0x4610];
	v45 =	vmul.f32 v38, v42;
	[tilespmem:s31+$0x8620] =	vst v35  }
0x40e: {  	v43 =	vld [tilespmem:s31+$0x46B0];
	v9 =	vmul.f32 v61, v16;
	[tilespmem:s31+$0x8630] =	vst v37  }
0x40f: {  	v34 =	vld [tilespmem:s31+$0x4660];
	v10 =	vmul.f32 v21, v16;
	[tilespmem:s31+$0x8680] =	vst v45  }
0x410: {  	v44 =	vld [tilespmem:s31+$0x46C0];
	v7 =	vmul.f32 v31, v29;
	[tilespmem:s31+$0x8590] =	vst v9  }
0x411: {  	v36 =	vld [tilespmem:s31+$0x4670];
	v53 =	vmul.f32 v46, v42;
	[tilespmem:s31+$0x85E0] =	vst v10  }
0x412: {  	v39 =	vld [tilespmem:s31+$0x4690];
	v9 =	vmul.f32 v26, v29;
	[tilespmem:s31+$0x8640] =	vst v7  }
0x413: {  	v41 =	vld [tilespmem:s31+$0x46A0];
	v50 =	vmul.f32 v43, v42;
	[tilespmem:s31+$0x86D0] =	vst v53  }
0x414: {  	v51 =	vld [tilespmem:s31+$0x4700];
	v10 =	vmul.f32 v34, v29;
	[tilespmem:s31+$0x8610] =	vst v9  }
0x415: {  	v54 =	vld [tilespmem:s31+$0x4720];
	v7 =	vmul.f32 v44, v42;
	[tilespmem:s31+$0x86B0] =	vst v50  }
0x416: {  	v56 =	vld [tilespmem:s31+$0x4730];
	v6 =	vmul.f32 v36, v29;
	[tilespmem:s31+$0x8660] =	vst v10  }
0x417: {  	v55 =	vbroadcast v4, $0x8;
	v62 =	vld [tilespmem:s31+$0x4770];
	v9 =	vmul.f32 v39, v42;
	[tilespmem:s31+$0x86C0] =	vst v7  }
0x418: {  	v24 =	vld [tilespmem:s31+$0x47D0];
	v48 =	vmul.f32 v41, v42;
	[tilespmem:s31+$0x8670] =	vst v6  }
0x419: {  	v47 =	vld [tilespmem:s31+$0x46E0];
	v58 =	vmul.f32 v51, v55;
	[tilespmem:s31+$0x8690] =	vst v9  }
0x41a: {  	v57 =	vld [tilespmem:s31+$0x4740];
	v61 =	vmul.f32 v54, v55;
	[tilespmem:s31+$0x86A0] =	vst v48  }
0x41b: {  	v20 =	vbroadcast v4, $0x9;
	v49 =	vld [tilespmem:s31+$0x46F0];
	v63 =	vmul.f32 v56, v55;
	[tilespmem:s31+$0x8700] =	vst v58  }
0x41c: {  	v52 =	vld [tilespmem:s31+$0x4710];
	v5 =	vmul.f32 v62, v55;
	[tilespmem:s31+$0x8720] =	vst v61  }
0x41d: {  	v59 =	vld [tilespmem:s31+$0x4750];
	v31 =	vmul.f32 v24, v20;
	[tilespmem:s31+$0x8730] =	vst v63  }
0x41e: {  	v16 =	vld [tilespmem:s31+$0x4780];
	v10 =	vmul.f32 v47, v42;
	[tilespmem:s31+$0x8770] =	vst v5  }
0x41f: {  	v19 =	vld [tilespmem:s31+$0x47A0];
	v7 =	vmul.f32 v57, v55;
	[tilespmem:s31+$0x87D0] =	vst v31  }
0x420: {  	v21 =	vld [tilespmem:s31+$0x47B0];
	v1 =	vmul.f32 v49, v42;
	[tilespmem:s31+$0x86E0] =	vst v10  }
0x421: {  	v27 =	vld [tilespmem:s31+$0x47F0];
	v9 =	vmul.f32 v52, v55;
	[tilespmem:s31+$0x8740] =	vst v7  }
0x422: {  	v32 =	vld [tilespmem:s31+$0x4820];
	v18 =	vmul.f32 v59, v55;
	[tilespmem:s31+$0x86F0] =	vst v1  }
0x423: {  	v37 =	vld [tilespmem:s31+$0x4850];
	v23 =	vmul.f32 v16, v20;
	[tilespmem:s31+$0x8710] =	vst v9  }
0x424: {  	v45 =	vld [tilespmem:s31+$0x48A0];
	v26 =	vmul.f32 v19, v20;
	[tilespmem:s31+$0x8750] =	vst v18  }
0x425: {  	v33 =	vbroadcast v4, $0xA;
	v60 =	vld [tilespmem:s31+$0x4760];
	v28 =	vmul.f32 v21, v20;
	[tilespmem:s31+$0x8780] =	vst v23  }
0x426: {  	v22 =	vld [tilespmem:s31+$0x47C0];
	v6 =	vmul.f32 v27, v20;
	[tilespmem:s31+$0x87A0] =	vst v26  }
0x427: {  	v17 =	vld [tilespmem:s31+$0x4790];
	v46 =	vbroadcast v4, $0xB;
	v39 =	vmul.f32 v32, v33;
	[tilespmem:s31+$0x87B0] =	vst v28  }
0x428: {  	v34 =	vld [tilespmem:s31+$0x4830];
	v44 =	vmul.f32 v37, v33;
	[tilespmem:s31+$0x87F0] =	vst v6  }
0x429: {  	v40 =	vld [tilespmem:s31+$0x4870];
	v52 =	vmul.f32 v45, v46;
	[tilespmem:s31+$0x8820] =	vst v39  }
0x42a: {  	v53 =	vld [tilespmem:s31+$0x48F0];
	v10 =	vmul.f32 v60, v55;
	[tilespmem:s31+$0x8850] =	vst v44  }
0x42b: {  	v25 =	vld [tilespmem:s31+$0x47E0];
	v7 =	vmul.f32 v22, v20;
	[tilespmem:s31+$0x88A0] =	vst v52  }
0x42c: {  	v29 =	vld [tilespmem:s31+$0x4800];
	v9 =	vmul.f32 v17, v20;
	[tilespmem:s31+$0x8760] =	vst v10  }
0x42d: {  	v35 =	vld [tilespmem:s31+$0x4840];
	v41 =	vmul.f32 v34, v33;
	[tilespmem:s31+$0x87C0] =	vst v7  }
0x42e: {  	v50 =	vld [tilespmem:s31+$0x48D0];
	v1 =	vmul.f32 v40, v33;
	[tilespmem:s31+$0x8790] =	vst v9  }
0x42f: {  	v30 =	vld [tilespmem:s31+$0x4810];
	v5 =	vmul.f32 v53, v46;
	[tilespmem:s31+$0x8830] =	vst v41  }
0x430: {  	v47 =	vld [tilespmem:s31+$0x48B0];
	v10 =	vmul.f32 v25, v20;
	[tilespmem:s31+$0x8870] =	vst v1  }
0x431: {  	v38 =	vld [tilespmem:s31+$0x4860];
	v36 =	vmul.f32 v29, v33;
	[tilespmem:s31+$0x88F0] =	vst v5  }
0x432: {  	v42 =	vld [tilespmem:s31+$0x4880];
	v7 =	vmul.f32 v35, v33;
	[tilespmem:s31+$0x87E0] =	vst v10  }
0x433: {  	v48 =	vld [tilespmem:s31+$0x48C0];
	v57 =	vmul.f32 v50, v46;
	[tilespmem:s31+$0x8800] =	vst v36  }
0x434: {  	v58 =	vld [tilespmem:s31+$0x4920];
	v9 =	vmul.f32 v30, v33;
	[tilespmem:s31+$0x8840] =	vst v7  }
0x435: {  	v63 =	vld [tilespmem:s31+$0x4950];
	v54 =	vmul.f32 v47, v46;
	[tilespmem:s31+$0x88D0] =	vst v57  }
0x436: {  	v31 =	vld [tilespmem:s31+$0x49F0];
	v10 =	vmul.f32 v38, v33;
	[tilespmem:s31+$0x8810] =	vst v9  }
0x437: {  	v43 =	vld [tilespmem:s31+$0x4890];
	v59 =	vbroadcast v4, $0xC;
	v49 =	vmul.f32 v42, v46;
	[tilespmem:s31+$0x88B0] =	vst v54  }
0x438: {  	v55 =	vld [tilespmem:s31+$0x4900];
	v7 =	vmul.f32 v48, v46;
	[tilespmem:s31+$0x8860] =	vst v10  }
0x439: {  	v24 =	vbroadcast v4, $0xD;
	v60 =	vld [tilespmem:s31+$0x4930];
	v17 =	vmul.f32 v58, v59;
	[tilespmem:s31+$0x8880] =	vst v49  }
0x43a: {  	v51 =	vld [tilespmem:s31+$0x48E0];
	v22 =	vmul.f32 v63, v59;
	[tilespmem:s31+$0x88C0] =	vst v7  }
0x43b: {  	v61 =	vld [tilespmem:s31+$0x4940];
	v1 =	vmul.f32 v31, v24;
	[tilespmem:s31+$0x8920] =	vst v17  }
0x43c: {  	v18 =	vld [tilespmem:s31+$0x4970];
	v9 =	vmul.f32 v43, v46;
	[tilespmem:s31+$0x8950] =	vst v22  }
0x43d: {  	v23 =	vld [tilespmem:s31+$0x49A0];
	v62 =	vmul.f32 v55, v59;
	[tilespmem:s31+$0x89F0] =	vst v1  }
0x43e: {  	v28 =	vld [tilespmem:s31+$0x49D0];
	v19 =	vmul.f32 v60, v59;
	[tilespmem:s31+$0x8890] =	vst v9  }
0x43f: {  	v34 =	vld [tilespmem:s31+$0x4A10];
	v10 =	vmul.f32 v51, v46;
	[tilespmem:s31+$0x8900] =	vst v62  }
0x440: {  	v39 =	vld [tilespmem:s31+$0x4A40];
	v7 =	vmul.f32 v61, v59;
	[tilespmem:s31+$0x8930] =	vst v19  }
0x441: {  	v53 =	vld [tilespmem:s31+$0x4AB0];
	v6 =	vmul.f32 v18, v59;
	[tilespmem:s31+$0x88E0] =	vst v10  }
0x442: {  	v56 =	vld [tilespmem:s31+$0x4910];
	v4 =	vbroadcast v4, $0xE;
	v30 =	vmul.f32 v23, v24;
	[tilespmem:s31+$0x8940] =	vst v7  }
0x443: {  	v20 =	vld [tilespmem:s31+$0x4980];
	v35 =	vmul.f32 v28, v24;
	[tilespmem:s31+$0x8970] =	vst v6  }
0x444: {  	v25 =	vld [tilespmem:s31+$0x49B0];
	v42 =	vmul.f32 v34, v4;
	[tilespmem:s31+$0x89A0] =	vst v30  }
0x445: {  	v29 =	vld [tilespmem:s31+$0x49E0];
	v48 =	vmul.f32 v39, v4;
	[tilespmem:s31+$0x89D0] =	vst v35  }
0x446: {  	v2 =	vld [tilespmem:s29+$0x4AE0];
	v60 =	vmul.f32 v53, v3;
	[tilespmem:s31+$0x8A10] =	vst v42  }
0x447: {  	v16 =	vld [tilespmem:s31+$0x4960];
	v9 =	vmul.f32 v56, v59;
	[tilespmem:s31+$0x8A40] =	vst v48  }
0x448: {  	v26 =	vld [tilespmem:s31+$0x49C0];
	v27 =	vmul.f32 v20, v24;
	[tilespmem:s31+$0x8AB0] =	vst v60  }
0x449: {  	v41 =	vld [tilespmem:s31+$0x4A50];
	v32 =	vmul.f32 v25, v24;
	[tilespmem:s31+$0x8910] =	vst v9  }
0x44a: {  	v47 =	vld [tilespmem:s31+$0x4A80];
	v37 =	vmul.f32 v29, v24;
	[tilespmem:s31+$0x8980] =	vst v27  }
0x44b: {  	v21 =	vld [tilespmem:s31+$0x4990];
	v62 =	vmul.f32 v2, v0;
	[tilespmem:s31+$0x89B0] =	vst v32  }
0x44c: {  	v33 =	vld [tilespmem:s31+$0x4A00];
	v10 =	vmul.f32 v16, v59;
	[tilespmem:s31+$0x89E0] =	vst v37  }
0x44d: {  	v36 =	vld [tilespmem:s31+$0x4A20];
	v7 =	vmul.f32 v26, v24;
	[tilespmem:s29+$0x8AE0] =	vst v62  }
0x44e: {  	v38 =	vld [tilespmem:s31+$0x4A30];
	v50 =	vmul.f32 v41, v4;
	[tilespmem:s31+$0x8960] =	vst v10  }
0x44f: {  	v43 =	vld [tilespmem:s31+$0x4A60];
	v55 =	vmul.f32 v47, v3;
	[tilespmem:s31+$0x89C0] =	vst v7  }
0x450: {  	v45 =	vld [tilespmem:s31+$0x4A70];
	v9 =	vmul.f32 v21, v24;
	[tilespmem:s31+$0x8A50] =	vst v50  }
0x451: {  	v54 =	vld [tilespmem:s31+$0x4AC0];
	v40 =	vmul.f32 v33, v4;
	[tilespmem:s31+$0x8A80] =	vst v55  }
0x452: {  	v49 =	vld [tilespmem:s31+$0x4A90];
	v44 =	vmul.f32 v36, v4;
	[tilespmem:s31+$0x8990] =	vst v9  }
0x453: {  	v51 =	vld [tilespmem:s31+$0x4AA0];
	v46 =	vmul.f32 v38, v4;
	[tilespmem:s31+$0x8A00] =	vst v40  }
0x454: {  	v56 =	vld [tilespmem:s31+$0x4AD0];
	v52 =	vmul.f32 v43, v4;
	[tilespmem:s31+$0x8A20] =	vst v44  }
0x455: {  	v59 =	vld [tilespmem:s31+$0x4AE0];
	v4 =	vmul.f32 v45, v4;
	[tilespmem:s31+$0x8A30] =	vst v46  }
0x456: {  	v5 =	vmul.f32 v54, v3;
	[tilespmem:s31+$0x8A60] =	vst v52  }
0x457: {  	v57 =	vmul.f32 v49, v3;
	[tilespmem:s31+$0x8A70] =	vst v4  }
0x458: {  	v58 =	vmul.f32 v51, v3;
	[tilespmem:s31+$0x8AC0] =	vst v5  }
0x459: {  	v61 =	vmul.f32 v56, v3;
	[tilespmem:s31+$0x8A90] =	vst v57  }
0x45a: {  	[tilespmem:s31+$0x8AA0] =	vst v58;
	v63 =	vmul.f32 v59, v3  }
0x45b: {  	[tilespmem:s31+$0x8AD0] =	vst v61  }
.Ltmp4:
0x45c: {  	[tilespmem:s31+$0x8AE0] =	vst v63;
	(pc) =	sbr.rel @p0 .LBB2_8-.Ltmp4, $4  }
0x45d: {  	[spmem:s2] =	stream.indirect.scatter.add.f32 [tilespmem:s23], [sflag:$0x5], $0x80, s25, s18, $0xb8;
	[tilespmem:$0x1FB80] =	vst v63  }
0x45e: {  	_ =	swait.ge [sflag:s15], $0x4000  }
0x45f: {  	[sflag:s15] =	ssyncset.done $0x0  }
0x460: {  	[sflag:s15] =	ssyncadd.s32 $0xFFFFC000  }
0x461: {  	s0 =	smul.u32 $0x300, s28  }
.Ltmp5:
0x462: {  	_ = 	snop;
	(pc) =	sbr.rel .LBB2_2-.Ltmp5, $4  }
0x463: {  	s0 =	sadd.s32 s0, s11  }
0x464: {  	s0 =	sshrl.u32 s0, $0x3  }
0x465: {  	s28 =	sadd.s32 $0x1, s28;
	s0 =	sadd.s32 s6, s0  }
0x466: {  	[tilespmem:s16], [sflag:$0x2] =	stream.linear.gather [hbm4b:s0+s4], $0x180, $0x38;
	[tilespmem:$0x1FB80] =	vst v63  }
.LBB2_9:
0x467: {  	_ =	sfence.sel $0x180000  }
0x468: {  	[bflag:$0x0] =	sbarrier.arrive $0xFFFF  }
0x469: {  	_ =	strace $0x90000047  }
0x46a: {  	s0 =	stileid.u32;
	[bflag:$0x2] =	sbarrier.arrive $0xFFFF  }
0x46b: {  	p0 =	sne.s32 s0, $0x0;
	s0 =	rddreg [dreg:$0x3]  }
0x46c: {  	s0 =	sadd.s32 @!p0 $0x100000, s0  }
0x46d: {  	[sflag:s0] =	ssyncadd.tile.s32 @!p0 $0x1;
	_ =	shalt  }
.Lfunc_end2:
_tile_overlayer_lowered:
.L_overlay_start_2:
0x46e: {  	(tag) =	ssettag $0x2  }
0x46f: {  	s0 =	rddreg [dreg:$0x0];
	s2 =	stileid.u32  }
0x470: {  	s1 =	rddreg [dreg:$0x1];
	p0 =	sne.s32 s2, $0x0  }
0x471: {  	s3 =	rddreg [dreg:$0x2];
	[bflag:$0x3] =	sbarrier.arrive $0xFFFF;
	s2 =	simm.s32 @!p0 $0x1C05  }
0x472: {  	[timem:s3], [sflag:s2] =	dma.local @!p0 [hbm:s0], s1  }
0x473: {  	s0 =	simm.s32 @!p0 $0x5  }
0x474: {  	_ =	swait.ge @!p0 [sflag:s0], s1  }
0x475: {  	s1 =	ssub.s32 @!p0 $0x0, s1;
	[sflag:s0] =	ssyncset.done @!p0 $0x0  }
0x476: {  	[sflag:s0] =	ssyncadd.s32 @!p0 s1  }
0x477: {  	[bflag:$0x3] =	sbarrier.arrive $0xFFFF  }
0x478: {  	_ =	shalt  }

</sc_bundles>
